<compile_context>
chip_gen: v7x
topology: tpu7x:2x2x1
jax: 0.10.2.dev20260603
libtpu: 0.0.44.dev20260713+nightly
codegen_flags: <defaults>
</compile_context>

<pallas_src>
import jax
import jax.numpy as jnp
from jax import lax
from jax.experimental import pallas as pl
from jax.experimental.pallas import tpu as pltpu
from jax.experimental.pallas import tpu_sc as plsc

_B, _P, _M = 2, 512, 4
_C = 128
_UP_R = 12
_PRED_R = 16
_CTX_RADIUS = 0.02
_PRED_RADIUS = 0.05
_K = 8
_N_CTX = _P * _UP_R
_N_ALL = _N_CTX + _M * _PRED_R
_N_ALLP = 6272

_bf = jnp.bfloat16


def _mm(a, b):
    return jnp.dot(a.astype(_bf), b.astype(_bf),
                   preferred_element_type=jnp.float32)


def _proj_body(tok_ref, w_ref, b_ref, out_ref):
    out_ref[...] = _mm(tok_ref[...], w_ref[...]) + b_ref[...]


def _feat_proj(ctx_tokens, fp_W, fp_b):
    d_in = ctx_tokens.shape[-1]
    return pl.pallas_call(
        _proj_body,
        grid=(_B,),
        in_specs=[
            pl.BlockSpec((None, _P, d_in), lambda b: (b, 0, 0)),
            pl.BlockSpec((d_in, _C), lambda b: (0, 0)),
            pl.BlockSpec((1, _C), lambda b: (0, 0)),
        ],
        out_specs=pl.BlockSpec((None, _P, _C), lambda b: (b, 0, 0)),
        out_shape=jax.ShapeDtypeStruct((_B, _P, _C), jnp.float32),
    )(ctx_tokens, fp_W, fp_b.reshape(1, _C))


def _knn_body(xyz_ref, xyzt_ref, idx_ref):
    tr = xyz_ref.shape[0]
    npts = xyzt_ref.shape[1]
    r = pl.program_id(1)
    xr = xyz_ref[...]
    xt = xyzt_ref[...]
    sr = jnp.sum(xr * xr, axis=1, keepdims=True)
    sc = jnp.sum(xt * xt, axis=0, keepdims=True)
    cross = _mm(xr, xt)
    d = (sr + sc) - 2.0 * cross
    colio = lax.broadcasted_iota(jnp.int32, (tr, npts), 1)
    rowg = r * tr + lax.broadcasted_iota(jnp.int32, (tr, 1), 0)
    d = jnp.where(colio == rowg, 1e9, d)
    cols = []
    for _ in range(_K):
        mn = jnp.min(d, axis=1, keepdims=True)
        cand = jnp.where(d == mn, colio, npts)
        j = jnp.min(cand, axis=1, keepdims=True)
        cols.append(j)
        d = jnp.where(colio == j, 1e9, d)
    idx_ref[...] = jnp.concatenate(cols, axis=1)


def _knn(xyz, xyzt, npts):
    tr = 192 if npts % 192 == 0 else 224
    return pl.pallas_call(
        _knn_body,
        grid=(xyz.shape[0], npts // tr),
        in_specs=[
            pl.BlockSpec((None, tr, 3), lambda b, r: (b, r, 0)),
            pl.BlockSpec((None, 3, npts), lambda b, r: (b, 0, 0)),
        ],
        out_specs=pl.BlockSpec((None, tr, _K), lambda b, r: (b, r, 0)),
        out_shape=jax.ShapeDtypeStruct((xyz.shape[0], npts, _K), jnp.int32),
    )(xyz, xyzt)


def _gather_feat(feat_tab, idx_flat):
    e_total = idx_flat.shape[0]
    width = feat_tab.shape[1]
    nw = 32
    ew = e_total // nw
    ch = 128 if ew % 256 == 0 else 112
    nch2 = ew // (2 * ch)
    mesh = plsc.VectorSubcoreMesh(core_axis_name="c", subcore_axis_name="s")

    def body(feat_hbm, idx_hbm, out_hbm, idxc0, idxc1, rows_v0, rows_v1,
             sem0, sem1):
        wid = lax.axis_index("s") * 2 + lax.axis_index("c")
        base = pl.multiple_of(wid * ew, 8)

        def step(ci, carry):
            off0 = pl.multiple_of(ci * 2 * ch, 8)
            off1 = pl.multiple_of(ci * 2 * ch + ch, 8)
            pltpu.sync_copy(idx_hbm.at[pl.ds(base + off0, ch)], idxc0)
            pltpu.sync_copy(idx_hbm.at[pl.ds(base + off1, ch)], idxc1)
            cp0 = pltpu.async_copy(feat_hbm.at[idxc0], rows_v0, sem0)
            cp1 = pltpu.async_copy(feat_hbm.at[idxc1], rows_v1, sem1)
            cp0.wait()
            pltpu.sync_copy(rows_v0, out_hbm.at[pl.ds(base + off0, ch)])
            cp1.wait()
            pltpu.sync_copy(rows_v1, out_hbm.at[pl.ds(base + off1, ch)])
            return carry

        lax.fori_loop(0, nch2, step, 0)

    gk = pl.kernel(
        body,
        out_type=jax.ShapeDtypeStruct((e_total, width), jnp.float32),
        mesh=mesh,
        scratch_types=[
            pltpu.VMEM((ch,), jnp.int32),
            pltpu.VMEM((ch,), jnp.int32),
            pltpu.VMEM((ch, width), jnp.float32),
            pltpu.VMEM((ch, width), jnp.float32),
            pltpu.SemaphoreType.DMA,
            pltpu.SemaphoreType.DMA,
        ],
    )
    return gk(feat_tab, idx_flat)


def _edge_body(feat_ref, xyz_ref, g_ref, w1tf_ref, w1tx_ref,
               w1bf_ref, w1bx_ref, b1_ref, w2_ref, b2_ref, cw1_ref, cb1_ref,
               cw2_ref, cb2_ref, feato_ref, xyzo_ref):
    feat = feat_ref[...]
    xyz = xyz_ref[...]
    t_xi = (_mm(feat, w1tf_ref[...]) + _mm(xyz, w1tx_ref[...])
            + b1_ref[...])
    w1bf = w1bf_ref[...]
    w1bx = w1bx_ref[...]
    w2 = w2_ref[...]
    m = jnp.full((feat.shape[0], _C), -1e30, jnp.float32)
    for k in range(_K):
        gk = g_ref[k]
        df = gk[:, :_C] - feat
        dx = gk[:, _C:_C + 3] - xyz
        h = jnp.maximum(t_xi + _mm(df, w1bf) + _mm(dx, w1bx), 0.0)
        s = _mm(h, w2)
        m = jnp.maximum(m, s)
    feat_o = m + b2_ref[...]
    feato_ref[...] = feat_o
    y = jnp.maximum(_mm(feat_o, cw1_ref[...]) + cb1_ref[...], 0.0)
    xyzo_ref[...] = xyz + _mm(y, cw2_ref[...]) + cb2_ref[...]


def _edge_mlp(feat, xyz, g, w1tf, w1tx, w1bf, w1bx, b1, w2, b2,
              cw1, cb1, cw2, cb2, npts, tre):
    return pl.pallas_call(
        _edge_body,
        grid=(feat.shape[0], npts // tre),
        in_specs=[
            pl.BlockSpec((None, tre, _C), lambda b, t: (b, t, 0)),
            pl.BlockSpec((None, tre, 3), lambda b, t: (b, t, 0)),
            pl.BlockSpec((None, _K, tre, 256), lambda b, t: (b, 0, t, 0)),
            pl.BlockSpec((_C, _C), lambda b, t: (0, 0)),
            pl.BlockSpec((3, _C), lambda b, t: (0, 0)),
            pl.BlockSpec((_C, _C), lambda b, t: (0, 0)),
            pl.BlockSpec((3, _C), lambda b, t: (0, 0)),
            pl.BlockSpec((1, _C), lambda b, t: (0, 0)),
            pl.BlockSpec((_C, _C), lambda b, t: (0, 0)),
            pl.BlockSpec((1, _C), lambda b, t: (0, 0)),
            pl.BlockSpec((_C, _C), lambda b, t: (0, 0)),
            pl.BlockSpec((1, _C), lambda b, t: (0, 0)),
            pl.BlockSpec((_C, 3), lambda b, t: (0, 0)),
            pl.BlockSpec((1, 3), lambda b, t: (0, 0)),
        ],
        out_specs=[
            pl.BlockSpec((None, tre, _C), lambda b, t: (b, t, 0)),
            pl.BlockSpec((None, tre, 3), lambda b, t: (b, t, 0)),
        ],
        out_shape=[
            jax.ShapeDtypeStruct((feat.shape[0], npts, _C), jnp.float32),
            jax.ShapeDtypeStruct((feat.shape[0], npts, 3), jnp.float32),
        ],
    )(feat, xyz, g, w1tf, w1tx, w1bf, w1bx, b1.reshape(1, _C), w2,
      b2.reshape(1, _C), cw1, cb1.reshape(1, _C), cw2, cb2.reshape(1, 3))


def _edgeconv_big(xyz, feat, npts, w1tf, w1tx, w1bf, w1bx, b1, w2, b2,
                  cw1, cb1, cw2, cb2):
    tre = 512 if npts % 512 == 0 else 448
    xyzt = jnp.transpose(xyz, (0, 2, 1))
    nfp = jnp.concatenate(
        [feat, xyz, jnp.zeros((_B, npts, 125), jnp.float32)], axis=-1)
    idxs = [_knn(xyz[b:b + 1], xyzt[b:b + 1], npts) for b in range(_B)]
    feat_os, xyz_os = [], []
    for b in range(_B):
        idx_flat = jnp.transpose(idxs[b][0], (1, 0)).reshape(_K * npts)
        g = _gather_feat(nfp[b], idx_flat).reshape(1, _K, npts, 256)
        f_o, x_o = _edge_mlp(feat[b:b + 1], xyz[b:b + 1], g, w1tf, w1tx,
                             w1bf, w1bx, b1, w2, b2, cw1, cb1, cw2, cb2,
                             npts, tre)
        feat_os.append(f_o)
        xyz_os.append(x_o)
    return (jnp.concatenate(feat_os, axis=0),
            jnp.concatenate(xyz_os, axis=0))


def _pred_body(xyz_ref, xyzt_ref, feat_ref, w1tf_ref, w1tx_ref, w1bx_ref,
               b1_ref, w2_ref, b2_ref, pw1_ref, pb1_ref, pw2_ref,
               pb2_ref, feato_ref, xyzo_ref):
    x = xyz_ref[...]
    xt = xyzt_ref[...]
    f = feat_ref[...]
    t1 = (_mm(f, w1tf_ref[...]) + _mm(x, w1tx_ref[...])
          + b1_ref[...])
    sqr = jnp.sum(x * x, axis=1, keepdims=True)
    sqc = jnp.sum(xt * xt, axis=0, keepdims=True)
    d = (sqr + sqc) - 2.0 * _mm(x, xt)
    colio = lax.broadcasted_iota(jnp.int32, (_PRED_R, _PRED_R), 1)
    rowio = lax.broadcasted_iota(jnp.int32, (_PRED_R, _PRED_R), 0)
    d = jnp.where(colio == rowio, 1e9, d)
    sel_mask = colio < 0
    for _ in range(_K):
        mn = jnp.min(d, axis=1, keepdims=True)
        cand = jnp.where(d == mn, colio, _PRED_R)
        j = jnp.min(cand, axis=1, keepdims=True)
        sel = colio == j
        sel_mask = jnp.logical_or(sel_mask, sel)
        d = jnp.where(sel, 1e9, d)
    w1bx = w1bx_ref[...]
    w2 = w2_ref[...]
    out = jnp.full((_PRED_R, _C), -1e30, jnp.float32)
    for j in range(_PRED_R):
        dx = x[j:j + 1, :] - x
        h = jnp.maximum(t1 + _mm(dx, w1bx), 0.0)
        s = _mm(h, w2)
        ok = sel_mask[:, j:j + 1]
        out = jnp.where(ok, jnp.maximum(out, s), out)
    feat_o = out + b2_ref[...]
    feato_ref[...] = feat_o
    y = jnp.maximum(_mm(feat_o, pw1_ref[...]) + pb1_ref[...], 0.0)
    xyzo_ref[...] = x + _mm(y, pw2_ref[...]) + pb2_ref[...]


def _pred_blocks(xyz_p, feat_p, w1tf, w1tx, w1bx, b1, w2, b2,
                 pw1, pb1, pw2, pb2):
    g = _B * _M
    xyz_g = xyz_p.reshape(g, _PRED_R, 3)
    xyzt_g = jnp.transpose(xyz_g, (0, 2, 1))
    feat_g = feat_p.reshape(g, 1, _C)
    wspec = lambda shp: pl.BlockSpec(shp, lambda i: tuple(0 for _ in shp))
    feat_o, xyz_o = pl.pallas_call(
        _pred_body,
        grid=(g,),
        in_specs=[
            pl.BlockSpec((None, _PRED_R, 3), lambda i: (i, 0, 0)),
            pl.BlockSpec((None, 3, _PRED_R), lambda i: (i, 0, 0)),
            pl.BlockSpec((None, 1, _C), lambda i: (i, 0, 0)),
            wspec((_C, _C)), wspec((3, _C)), wspec((3, _C)),
            wspec((1, _C)), wspec((_C, _C)), wspec((1, _C)),
            wspec((_C, _C)), wspec((1, _C)), wspec((_C, 3)), wspec((1, 3)),
        ],
        out_specs=[
            pl.BlockSpec((None, _PRED_R, _C), lambda i: (i, 0, 0)),
            pl.BlockSpec((None, _PRED_R, 3), lambda i: (i, 0, 0)),
        ],
        out_shape=[
            jax.ShapeDtypeStruct((g, _PRED_R, _C), jnp.float32),
            jax.ShapeDtypeStruct((g, _PRED_R, 3), jnp.float32),
        ],
    )(xyz_g, xyzt_g, feat_g, w1tf, w1tx, w1bx, b1.reshape(1, _C), w2,
      b2.reshape(1, _C), pw1, pb1.reshape(1, _C), pw2, pb2.reshape(1, 3))
    return feat_o.reshape(_B, _M, _PRED_R, _C), xyz_o.reshape(_B, _M, _PRED_R, 3)


def kernel(ctx_xyz, ctx_tokens, pred_tokens, fp_W, fp_b, ec_W1, ec_b1, ec_W2,
           ec_b2, co_W1, co_b1, co_W2, co_b2, po_W1, po_b1, po_W2, po_b2,
           fo_W1, fo_b1, fo_W2, fo_b2):
    nkey = jax.random.key(42)
    noise = jax.random.normal(jax.random.fold_in(nkey, 0),
                              (_B, _P, _UP_R, 3), dtype=jnp.float32)
    noise = noise / (jnp.linalg.norm(noise, axis=-1, keepdims=True) + 1e-6)
    noise = noise * _CTX_RADIUS
    xyz_ctx = (ctx_xyz[:, :, None, :] + noise).reshape(_B, _N_CTX, 3)

    ctx_feat = _feat_proj(ctx_tokens, fp_W, fp_b)
    feat_ctx = jnp.broadcast_to(
        ctx_feat[:, :, None, :], (_B, _P, _UP_R, _C)
    ).reshape(_B, _N_CTX, _C)

    in_dim = _C + 3
    w1tf = ec_W1[:_C]
    w1tx = ec_W1[_C:in_dim]
    w1bf = ec_W1[in_dim:in_dim + _C]
    w1bx = ec_W1[in_dim + _C:]

    feat1, xyz1 = _edgeconv_big(xyz_ctx, feat_ctx, _N_CTX, w1tf, w1tx, w1bf,
                                w1bx, ec_b1, ec_W2, ec_b2, co_W1, co_b1,
                                co_W2, co_b2)

    anchor = jnp.mean(ctx_xyz, axis=1)
    pns = []
    for m in range(_M):
        pn = jax.random.normal(jax.random.fold_in(nkey, 100 + m),
                               (_B, _PRED_R, 3), dtype=jnp.float32)
        pn = pn / (jnp.linalg.norm(pn, axis=-1, keepdims=True) + 1e-6)
        pns.append(pn * _PRED_RADIUS)
    xyz_p = anchor[:, None, None, :] + jnp.stack(pns, axis=1)
    feat_p, xyz_p_new = _pred_blocks(xyz_p, pred_tokens, w1tf, w1tx, w1bx,
                                     ec_b1, ec_W2, ec_b2, po_W1, po_b1,
                                     po_W2, po_b2)

    pad = _N_ALLP - _N_ALL
    sent = (1e4 + 10.0 * jnp.arange(pad, dtype=jnp.float32))
    sent = jnp.broadcast_to(sent[None, :, None], (_B, pad, 3))
    xyz_all = jnp.concatenate(
        [xyz1, xyz_p_new.reshape(_B, _M * _PRED_R, 3), sent], axis=1)
    feat_all = jnp.concatenate(
        [feat1, feat_p.reshape(_B, _M * _PRED_R, _C),
         jnp.zeros((_B, pad, _C), jnp.float32)], axis=1)

    _, xyz2 = _edgeconv_big(xyz_all, feat_all, _N_ALLP, w1tf, w1tx, w1bf,
                            w1bx, ec_b1, ec_W2, ec_b2, fo_W1, fo_b1, fo_W2,
                            fo_b2)
    return xyz2[:, :_N_ALL]

# --- scband reference (transcript-rebuilt; emitter-appended) ---
"""Pipeline reference for scband-jepapoint-decoder-43542378447074 (READ-ONLY COPY).

The authoritative reference and input builder live on the scoring server;
editing this copy changes nothing except your own understanding.
"""

import jax, jax.numpy as jnp
import numpy as np

B, P, M = 2, 512, 4
C = 128
UP_R = 12
PRED_R = 16
CTX_RADIUS = 0.02
PRED_RADIUS = 0.05
K = 8


def setup_inputs(seed: int = 0) -> dict:
    key = jax.random.key(seed)
    ks = jax.random.split(key, 16)
    s = 0.05
    inp = {}
    inp["ctx_xyz"] = jax.random.uniform(ks[0], (B, P, 3), dtype=jnp.float32)
    inp["ctx_tokens"] = jax.random.normal(ks[1], (B, P, 1024), dtype=jnp.float32)
    inp["pred_tokens"] = jax.random.normal(ks[2], (B, M, C), dtype=jnp.float32)
    inp["fp_W"] = jax.random.normal(ks[3], (1024, C), dtype=jnp.float32) * 0.02
    inp["fp_b"] = jnp.zeros((C,), dtype=jnp.float32)
    in_dim = C + 3
    inp["ec_W1"] = jax.random.normal(ks[4], (2 * in_dim, C), dtype=jnp.float32) * s
    inp["ec_b1"] = jnp.zeros((C,), dtype=jnp.float32)
    inp["ec_W2"] = jax.random.normal(ks[5], (C, C), dtype=jnp.float32) * s
    inp["ec_b2"] = jnp.zeros((C,), dtype=jnp.float32)
    inp["co_W1"] = jax.random.normal(ks[6], (C, C), dtype=jnp.float32) * s
    inp["co_b1"] = jnp.zeros((C,), dtype=jnp.float32)
    inp["co_W2"] = jax.random.normal(ks[7], (C, 3), dtype=jnp.float32) * s
    inp["co_b2"] = jnp.zeros((3,), dtype=jnp.float32)
    inp["po_W1"] = jax.random.normal(ks[8], (C, C), dtype=jnp.float32) * s
    inp["po_b1"] = jnp.zeros((C,), dtype=jnp.float32)
    inp["po_W2"] = jax.random.normal(ks[9], (C, 3), dtype=jnp.float32) * s
    inp["po_b2"] = jnp.zeros((3,), dtype=jnp.float32)
    inp["fo_W1"] = jax.random.normal(ks[10], (C, C), dtype=jnp.float32) * s
    inp["fo_b1"] = jnp.zeros((C,), dtype=jnp.float32)
    inp["fo_W2"] = jax.random.normal(ks[11], (C, 3), dtype=jnp.float32) * s
    inp["fo_b2"] = jnp.zeros((3,), dtype=jnp.float32)
    return inp


def _mlp2(x, W1, b1, W2, b2):
    return jax.nn.relu(x @ W1 + b1) @ W2 + b2


def _knn_idx(xyz, k):
    n = xyz.shape[0]
    kk = min(k, n - 1)
    d2 = jnp.sum(xyz * xyz, axis=-1)
    d = d2[:, None] + d2[None, :] - 2.0 * (xyz @ xyz.T)
    d = d + jnp.eye(n, dtype=d.dtype) * 1e9
    _, idx = jax.lax.top_k(-d, kk)
    return jax.lax.stop_gradient(idx)


def _edgeconv_batched(xyz, feat, ec_W1, ec_b1, ec_W2, ec_b2):
    outs = []
    for b in range(xyz.shape[0]):
        nf = jnp.concatenate([feat[b], xyz[b]], axis=-1)
        idx = _knn_idx(xyz[b], K)
        xi = nf[:, None, :]
        xj = nf[idx]
        msg = jnp.concatenate([jnp.broadcast_to(xi, xj.shape), xj - xi], axis=-1)
        h = _mlp2(msg, ec_W1, ec_b1, ec_W2, ec_b2)
        outs.append(jnp.max(h, axis=1))
    return jnp.stack(outs, axis=0)


def reference(ctx_xyz, ctx_tokens, pred_tokens, fp_W, fp_b, ec_W1, ec_b1, ec_W2, ec_b2, co_W1, co_b1, co_W2, co_b2, po_W1, po_b1, po_W2, po_b2, fo_W1, fo_b1, fo_W2, fo_b2):
    nkey = jax.random.key(42)
    ctx_feat = ctx_tokens @ fp_W + fp_b
    noise = jax.random.normal(jax.random.fold_in(nkey, 0), (B, P, UP_R, 3), dtype=jnp.float32)
    noise = noise / (jnp.linalg.norm(noise, axis=-1, keepdims=True) + 1e-6) * CTX_RADIUS
    xyz_ctx = (ctx_xyz[:, :, None, :] + noise).reshape(B, P * UP_R, 3)
    feat_ctx = jnp.broadcast_to(ctx_feat[:, :, None, :], (B, P, UP_R, C)).reshape(B, P * UP_R, C)
    feat_ctx = _edgeconv_batched(xyz_ctx, feat_ctx, ec_W1, ec_b1, ec_W2, ec_b2)
    xyz_ctx = xyz_ctx + _mlp2(feat_ctx, co_W1, co_b1, co_W2, co_b2)
    anchor = jnp.mean(ctx_xyz, axis=1)
    pred_xyz_list, pred_feat_list = [], []
    for m in range(M):
        token = pred_tokens[:, m]
        pn = jax.random.normal(jax.random.fold_in(nkey, 100 + m), (B, PRED_R, 3), dtype=jnp.float32)
        pn = pn / (jnp.linalg.norm(pn, axis=-1, keepdims=True) + 1e-6) * PRED_RADIUS
        xyz_p = anchor[:, None, :] + pn
        feat_p = jnp.broadcast_to(token[:, None, :], (B, PRED_R, C))
        feat_p = _edgeconv_batched(xyz_p, feat_p, ec_W1, ec_b1, ec_W2, ec_b2)
        xyz_p = xyz_p + _mlp2(feat_p, po_W1, po_b1, po_W2, po_b2)
        pred_xyz_list.append(xyz_p)
        pred_feat_list.append(feat_p)
    xyz_all = jnp.concatenate([xyz_ctx] + pred_xyz_list, axis=1)
    feat_all = jnp.concatenate([feat_ctx] + pred_feat_list, axis=1)
    feat_all = _edgeconv_batched(xyz_all, feat_all, ec_W1, ec_b1, ec_W2, ec_b2)
    xyz_all = xyz_all + _mlp2(feat_all, fo_W1, fo_b1, fo_W2, fo_b2)
    return xyz_all

if __name__ == "__main__":
    import jax
    _d = setup_inputs()
    print(jax.jit(kernel)(*tuple(_d.values())))

</pallas_src>

<mosaic_0001>
#map = affine_map<(d0, d1) -> (0, 0)>
#map1 = affine_map<(d0, d1) -> (0)>
module attributes {stable_mosaic.version = 14 : i64} {
  func.func @body(%arg0: i32, %arg1: i32, %arg2: memref<6144x256xf32, #tpu.memory_space<hbm>>, %arg3: memref<49152xi32, #tpu.memory_space<hbm>>, %arg4: memref<49152x256xf32, #tpu.memory_space<hbm>>, %arg5: memref<128xi32, #tpu.memory_space<vmem>>, %arg6: memref<128xi32, #tpu.memory_space<vmem>>, %arg7: memref<128x256xf32, #tpu.memory_space<vmem>>, %arg8: memref<128x256xf32, #tpu.memory_space<vmem>>, %arg9: memref<!tpu.dma_semaphore, #tpu.memory_space<semaphore_mem>>, %arg10: memref<!tpu.dma_semaphore, #tpu.memory_space<semaphore_mem>>) attributes {dimension_semantics = [#tpu.dimension_semantics<core_parallel>, #tpu.dimension_semantics<subcore_parallel>], iteration_bounds = array<i64: 2, 16>, scalar_prefetch = 0 : i64, scratch_operands = 6 : i64, tpu.core_type = #tpu.core_type<sc_vector_subcore>, window_params = [{transform_indices = #map}, {transform_indices = #map1}, {transform_indices = #map}]} {
    %mul3A = arith.constant 2 : i32
    %mul3A_0 = arith.muli %arg1, %mul3A : i32
    %add3A = arith.addi %mul3A_0, %arg0 : i32
    %mul3A_1 = arith.constant 1536 : i32
    %mul3A_2 = arith.muli %add3A, %mul3A_1 : i32
    %multiple_of3A = tpu.assume_multiple %mul3A_2, 8 : i32
    %scan3A = arith.constant 0 : i32
    %scan3A_3 = arith.constant 0 : i32
    %scan3A_4 = arith.constant 6 : i32
    %scan3A_5 = arith.addi %scan3A_3, %scan3A_4 : i32
    %scan3A_6 = arith.constant 1 : i32
    scf.for %scan3A_8 = %scan3A_3 to %scan3A_5 step %scan3A_6  : i32 {
      %mul3A_9 = arith.constant 2 : i32
      %mul3A_10 = arith.muli %scan3A_8, %mul3A_9 : i32
      %mul3A_11 = arith.constant 128 : i32
      %mul3A_12 = arith.muli %mul3A_10, %mul3A_11 : i32
      %multiple_of3A_13 = tpu.assume_multiple %mul3A_12, 8 : i32
      %mul3A_14 = arith.constant 2 : i32
      %mul3A_15 = arith.muli %scan3A_8, %mul3A_14 : i32
      %mul3A_16 = arith.constant 128 : i32
      %mul3A_17 = arith.muli %mul3A_15, %mul3A_16 : i32
      %add3A_18 = arith.constant 128 : i32
      %add3A_19 = arith.addi %mul3A_17, %add3A_18 : i32
      %multiple_of3A_20 = tpu.assume_multiple %add3A_19, 8 : i32
      %add3A_21 = arith.addi %multiple_of3A, %multiple_of3A_13 : i32
      "tpu.region"() ({
        %run_scoped3A = tpu.sem_alloc : memref<!tpu.dma_semaphore, #tpu.memory_space<semaphore_mem>>
        %dma_start3A_35 = tpu.memref_slice %arg3[%add3A_21] : memref<49152xi32, #tpu.memory_space<hbm>> -> memref<128xi32, #tpu.memory_space<hbm>>
        %dma_start3A_36 = tpu.memref_slice %arg3[%add3A_21] : memref<49152xi32, #tpu.memory_space<hbm>> -> memref<128xi32, #tpu.memory_space<hbm>>
        tpu.enqueue_dma source(%dma_start3A_36 : memref<128xi32, #tpu.memory_space<hbm>>) target(%arg5 : memref<128xi32, #tpu.memory_space<vmem>>) target_semaphore(%run_scoped3A : memref<!tpu.dma_semaphore, #tpu.memory_space<semaphore_mem>>)
        %dma_wait3A_37 = tpu.memref_slice %arg3[%add3A_21] : memref<49152xi32, #tpu.memory_space<hbm>> -> memref<128xi32, #tpu.memory_space<hbm>>
        %dma_wait3A_38 = tpu.memref_slice %arg3[%add3A_21] : memref<49152xi32, #tpu.memory_space<hbm>> -> memref<128xi32, #tpu.memory_space<hbm>>
        tpu.wait_dma2 semaphore(%run_scoped3A : memref<!tpu.dma_semaphore, #tpu.memory_space<semaphore_mem>>) src(%dma_wait3A_38 : memref<128xi32, #tpu.memory_space<hbm>>) dst(%arg5 : memref<128xi32, #tpu.memory_space<vmem>>)
        tpu.yield
      }) : () -> ()
      %add3A_22 = arith.addi %multiple_of3A, %multiple_of3A_20 : i32
      "tpu.region"() ({
        %run_scoped3A = tpu.sem_alloc : memref<!tpu.dma_semaphore, #tpu.memory_space<semaphore_mem>>
        %dma_start3A_35 = tpu.memref_slice %arg3[%add3A_22] : memref<49152xi32, #tpu.memory_space<hbm>> -> memref<128xi32, #tpu.memory_space<hbm>>
        %dma_start3A_36 = tpu.memref_slice %arg3[%add3A_22] : memref<49152xi32, #tpu.memory_space<hbm>> -> memref<128xi32, #tpu.memory_space<hbm>>
        tpu.enqueue_dma source(%dma_start3A_36 : memref<128xi32, #tpu.memory_space<hbm>>) target(%arg6 : memref<128xi32, #tpu.memory_space<vmem>>) target_semaphore(%run_scoped3A : memref<!tpu.dma_semaphore, #tpu.memory_space<semaphore_mem>>)
        %dma_wait3A_37 = tpu.memref_slice %arg3[%add3A_22] : memref<49152xi32, #tpu.memory_space<hbm>> -> memref<128xi32, #tpu.memory_space<hbm>>
        %dma_wait3A_38 = tpu.memref_slice %arg3[%add3A_22] : memref<49152xi32, #tpu.memory_space<hbm>> -> memref<128xi32, #tpu.memory_space<hbm>>
        tpu.wait_dma2 semaphore(%run_scoped3A : memref<!tpu.dma_semaphore, #tpu.memory_space<semaphore_mem>>) src(%dma_wait3A_38 : memref<128xi32, #tpu.memory_space<hbm>>) dst(%arg6 : memref<128xi32, #tpu.memory_space<vmem>>)
        tpu.yield
      }) : () -> ()
      %dma_start3A = arith.constant 0 : i32
      %dma_start3A_23 = arith.constant 0 : i32
      %dma_start3A_24 = tpu.memref_slice %arg2[%dma_start3A, %dma_start3A_23] : memref<6144x256xf32, #tpu.memory_space<hbm>> -> memref<6144x256xf32, #tpu.memory_space<hbm>>
      tpu.enqueue_indirect_dma source(%dma_start3A_24 : memref<6144x256xf32, #tpu.memory_space<hbm>>) target(%arg7 : memref<128x256xf32, #tpu.memory_space<vmem>>) offsets(%arg5 : memref<128xi32, #tpu.memory_space<vmem>>) semaphore(%arg9 : memref<!tpu.dma_semaphore, #tpu.memory_space<semaphore_mem>>)
      %dma_start3A_25 = arith.constant 0 : i32
      %dma_start3A_26 = arith.constant 0 : i32
      %dma_start3A_27 = tpu.memref_slice %arg2[%dma_start3A_25, %dma_start3A_26] : memref<6144x256xf32, #tpu.memory_space<hbm>> -> memref<6144x256xf32, #tpu.memory_space<hbm>>
      tpu.enqueue_indirect_dma source(%dma_start3A_27 : memref<6144x256xf32, #tpu.memory_space<hbm>>) target(%arg8 : memref<128x256xf32, #tpu.memory_space<vmem>>) offsets(%arg6 : memref<128xi32, #tpu.memory_space<vmem>>) semaphore(%arg10 : memref<!tpu.dma_semaphore, #tpu.memory_space<semaphore_mem>>)
      %dma_wait3A = arith.constant 0 : i32
      %dma_wait3A_28 = arith.constant 0 : i32
      %dma_wait3A_29 = tpu.memref_slice %arg2[%dma_wait3A, %dma_wait3A_28] : memref<6144x256xf32, #tpu.memory_space<hbm>> -> memref<6144x256xf32, #tpu.memory_space<hbm>>
      tpu.wait_indirect_dma semaphore(%arg9 : memref<!tpu.dma_semaphore, #tpu.memory_space<semaphore_mem>>) src(%dma_wait3A_29 : memref<6144x256xf32, #tpu.memory_space<hbm>>) dst(%arg7 : memref<128x256xf32, #tpu.memory_space<vmem>>)
      %add3A_30 = arith.addi %multiple_of3A, %multiple_of3A_13 : i32
      "tpu.region"() ({
        %run_scoped3A = tpu.sem_alloc : memref<!tpu.dma_semaphore, #tpu.memory_space<semaphore_mem>>
        %dma_start3A_35 = arith.constant 0 : i32
        %dma_start3A_36 = tpu.memref_slice %arg4[%add3A_30, %dma_start3A_35] : memref<49152x256xf32, #tpu.memory_space<hbm>> -> memref<128x256xf32, #tpu.memory_space<hbm>>
        %dma_start3A_37 = arith.constant 0 : i32
        %dma_start3A_38 = tpu.memref_slice %arg4[%add3A_30, %dma_start3A_37] : memref<49152x256xf32, #tpu.memory_space<hbm>> -> memref<128x256xf32, #tpu.memory_space<hbm>>
        tpu.enqueue_dma source(%arg7 : memref<128x256xf32, #tpu.memory_space<vmem>>) target(%dma_start3A_38 : memref<128x256xf32, #tpu.memory_space<hbm>>) target_semaphore(%run_scoped3A : memref<!tpu.dma_semaphore, #tpu.memory_space<semaphore_mem>>)
        %dma_wait3A_39 = arith.constant 0 : i32
        %dma_wait3A_40 = tpu.memref_slice %arg4[%add3A_30, %dma_wait3A_39] : memref<49152x256xf32, #tpu.memory_space<hbm>> -> memref<128x256xf32, #tpu.memory_space<hbm>>
        %dma_wait3A_41 = arith.constant 0 : i32
        %dma_wait3A_42 = tpu.memref_slice %arg4[%add3A_30, %dma_wait3A_41] : memref<49152x256xf32, #tpu.memory_space<hbm>> -> memref<128x256xf32, #tpu.memory_space<hbm>>
        tpu.wait_dma2 semaphore(%run_scoped3A : memref<!tpu.dma_semaphore, #tpu.memory_space<semaphore_mem>>) src(%arg7 : memref<128x256xf32, #tpu.memory_space<vmem>>) dst(%dma_wait3A_42 : memref<128x256xf32, #tpu.memory_space<hbm>>)
        tpu.yield
      }) : () -> ()
      %dma_wait3A_31 = arith.constant 0 : i32
      %dma_wait3A_32 = arith.constant 0 : i32
      %dma_wait3A_33 = tpu.memref_slice %arg2[%dma_wait3A_31, %dma_wait3A_32] : memref<6144x256xf32, #tpu.memory_space<hbm>> -> memref<6144x256xf32, #tpu.memory_space<hbm>>
      tpu.wait_indirect_dma semaphore(%arg10 : memref<!tpu.dma_semaphore, #tpu.memory_space<semaphore_mem>>) src(%dma_wait3A_33 : memref<6144x256xf32, #tpu.memory_space<hbm>>) dst(%arg8 : memref<128x256xf32, #tpu.memory_space<vmem>>)
      %add3A_34 = arith.addi %multiple_of3A, %multiple_of3A_20 : i32
      "tpu.region"() ({
        %run_scoped3A = tpu.sem_alloc : memref<!tpu.dma_semaphore, #tpu.memory_space<semaphore_mem>>
        %dma_start3A_35 = arith.constant 0 : i32
        %dma_start3A_36 = tpu.memref_slice %arg4[%add3A_34, %dma_start3A_35] : memref<49152x256xf32, #tpu.memory_space<hbm>> -> memref<128x256xf32, #tpu.memory_space<hbm>>
        %dma_start3A_37 = arith.constant 0 : i32
        %dma_start3A_38 = tpu.memref_slice %arg4[%add3A_34, %dma_start3A_37] : memref<49152x256xf32, #tpu.memory_space<hbm>> -> memref<128x256xf32, #tpu.memory_space<hbm>>
        tpu.enqueue_dma source(%arg8 : memref<128x256xf32, #tpu.memory_space<vmem>>) target(%dma_start3A_38 : memref<128x256xf32, #tpu.memory_space<hbm>>) target_semaphore(%run_scoped3A : memref<!tpu.dma_semaphore, #tpu.memory_space<semaphore_mem>>)
        %dma_wait3A_39 = arith.constant 0 : i32
        %dma_wait3A_40 = tpu.memref_slice %arg4[%add3A_34, %dma_wait3A_39] : memref<49152x256xf32, #tpu.memory_space<hbm>> -> memref<128x256xf32, #tpu.memory_space<hbm>>
        %dma_wait3A_41 = arith.constant 0 : i32
        %dma_wait3A_42 = tpu.memref_slice %arg4[%add3A_34, %dma_wait3A_41] : memref<49152x256xf32, #tpu.memory_space<hbm>> -> memref<128x256xf32, #tpu.memory_space<hbm>>
        tpu.wait_dma2 semaphore(%run_scoped3A : memref<!tpu.dma_semaphore, #tpu.memory_space<semaphore_mem>>) src(%arg8 : memref<128x256xf32, #tpu.memory_space<vmem>>) dst(%dma_wait3A_42 : memref<128x256xf32, #tpu.memory_space<hbm>>)
        tpu.yield
      }) : () -> ()
    }
    %scan3A_7 = arith.constant 6 : i32
    return
  }
}

#map = affine_map<(d0, d1) -> (0, 0)>
#map1 = affine_map<(d0, d1) -> (0)>
module attributes {stable_mosaic.version = 14 : i64} {
  func.func @body(%arg0: i32, %arg1: i32, %arg2: memref<6144x256xf32, #tpu.memory_space<hbm>>, %arg3: memref<49152xi32, #tpu.memory_space<hbm>>, %arg4: memref<49152x256xf32, #tpu.memory_space<hbm>>, %arg5: memref<128xi32, #tpu.memory_space<vmem>>, %arg6: memref<128xi32, #tpu.memory_space<vmem>>, %arg7: memref<128x256xf32, #tpu.memory_space<vmem>>, %arg8: memref<128x256xf32, #tpu.memory_space<vmem>>, %arg9: memref<!tpu.dma_semaphore, #tpu.memory_space<semaphore_mem>>, %arg10: memref<!tpu.dma_semaphore, #tpu.memory_space<semaphore_mem>>) attributes {dimension_semantics = [#tpu.dimension_semantics<core_parallel>, #tpu.dimension_semantics<subcore_parallel>], iteration_bounds = array<i64: 2, 16>, scalar_prefetch = 0 : i64, scratch_operands = 6 : i64, tpu.core_type = #tpu.core_type<sc_vector_subcore>, window_params = [{transform_indices = #map}, {transform_indices = #map1}, {transform_indices = #map}]} {
    %mul3A = arith.constant 2 : i32
    %mul3A_0 = arith.muli %arg1, %mul3A : i32
    %add3A = arith.addi %mul3A_0, %arg0 : i32
    %mul3A_1 = arith.constant 1536 : i32
    %mul3A_2 = arith.muli %add3A, %mul3A_1 : i32
    %multiple_of3A = tpu.assume_multiple %mul3A_2, 8 : i32
    %scan3A = arith.constant 0 : i32
    %scan3A_3 = arith.constant 0 : i32
    %scan3A_4 = arith.constant 6 : i32
    %scan3A_5 = arith.addi %scan3A_3, %scan3A_4 : i32
    %scan3A_6 = arith.constant 1 : i32
    scf.for %scan3A_8 = %scan3A_3 to %scan3A_5 step %scan3A_6  : i32 {
      %mul3A_9 = arith.constant 2 : i32
      %mul3A_10 = arith.muli %scan3A_8, %mul3A_9 : i32
      %mul3A_11 = arith.constant 128 : i32
      %mul3A_12 = arith.muli %mul3A_10, %mul3A_11 : i32
      %multiple_of3A_13 = tpu.assume_multiple %mul3A_12, 8 : i32
      %mul3A_14 = arith.constant 2 : i32
      %mul3A_15 = arith.muli %scan3A_8, %mul3A_14 : i32
      %mul3A_16 = arith.constant 128 : i32
      %mul3A_17 = arith.muli %mul3A_15, %mul3A_16 : i32
      %add3A_18 = arith.constant 128 : i32
      %add3A_19 = arith.addi %mul3A_17, %add3A_18 : i32
      %multiple_of3A_20 = tpu.assume_multiple %add3A_19, 8 : i32
      %add3A_21 = arith.addi %multiple_of3A, %multiple_of3A_13 : i32
      "tpu.region"() ({
        %run_scoped3A = tpu.sem_alloc : memref<!tpu.dma_semaphore, #tpu.memory_space<semaphore_mem>>
        %dma_start3A_35 = tpu.memref_slice %arg3[%add3A_21] : memref<49152xi32, #tpu.memory_space<hbm>> -> memref<128xi32, #tpu.memory_space<hbm>>
        %dma_start3A_36 = tpu.memref_slice %arg3[%add3A_21] : memref<49152xi32, #tpu.memory_space<hbm>> -> memref<128xi32, #tpu.memory_space<hbm>>
        tpu.enqueue_dma source(%dma_start3A_36 : memref<128xi32, #tpu.memory_space<hbm>>) target(%arg5 : memref<128xi32, #tpu.memory_space<vmem>>) target_semaphore(%run_scoped3A : memref<!tpu.dma_semaphore, #tpu.memory_space<semaphore_mem>>)
        %dma_wait3A_37 = tpu.memref_slice %arg3[%add3A_21] : memref<49152xi32, #tpu.memory_space<hbm>> -> memref<128xi32, #tpu.memory_space<hbm>>
        %dma_wait3A_38 = tpu.memref_slice %arg3[%add3A_21] : memref<49152xi32, #tpu.memory_space<hbm>> -> memref<128xi32, #tpu.memory_space<hbm>>
        tpu.wait_dma2 semaphore(%run_scoped3A : memref<!tpu.dma_semaphore, #tpu.memory_space<semaphore_mem>>) src(%dma_wait3A_38 : memref<128xi32, #tpu.memory_space<hbm>>) dst(%arg5 : memref<128xi32, #tpu.memory_space<vmem>>)
        tpu.yield
      }) : () -> ()
      %add3A_22 = arith.addi %multiple_of3A, %multiple_of3A_20 : i32
      "tpu.region"() ({
        %run_scoped3A = tpu.sem_alloc : memref<!tpu.dma_semaphore, #tpu.memory_space<semaphore_mem>>
        %dma_start3A_35 = tpu.memref_slice %arg3[%add3A_22] : memref<49152xi32, #tpu.memory_space<hbm>> -> memref<128xi32, #tpu.memory_space<hbm>>
        %dma_start3A_36 = tpu.memref_slice %arg3[%add3A_22] : memref<49152xi32, #tpu.memory_space<hbm>> -> memref<128xi32, #tpu.memory_space<hbm>>
        tpu.enqueue_dma source(%dma_start3A_36 : memref<128xi32, #tpu.memory_space<hbm>>) target(%arg6 : memref<128xi32, #tpu.memory_space<vmem>>) target_semaphore(%run_scoped3A : memref<!tpu.dma_semaphore, #tpu.memory_space<semaphore_mem>>)
        %dma_wait3A_37 = tpu.memref_slice %arg3[%add3A_22] : memref<49152xi32, #tpu.memory_space<hbm>> -> memref<128xi32, #tpu.memory_space<hbm>>
        %dma_wait3A_38 = tpu.memref_slice %arg3[%add3A_22] : memref<49152xi32, #tpu.memory_space<hbm>> -> memref<128xi32, #tpu.memory_space<hbm>>
        tpu.wait_dma2 semaphore(%run_scoped3A : memref<!tpu.dma_semaphore, #tpu.memory_space<semaphore_mem>>) src(%dma_wait3A_38 : memref<128xi32, #tpu.memory_space<hbm>>) dst(%arg6 : memref<128xi32, #tpu.memory_space<vmem>>)
        tpu.yield
      }) : () -> ()
      %dma_start3A = arith.constant 0 : i32
      %dma_start3A_23 = arith.constant 0 : i32
      %dma_start3A_24 = tpu.memref_slice %arg2[%dma_start3A, %dma_start3A_23] : memref<6144x256xf32, #tpu.memory_space<hbm>> -> memref<6144x256xf32, #tpu.memory_space<hbm>>
      tpu.enqueue_indirect_dma source(%dma_start3A_24 : memref<6144x256xf32, #tpu.memory_space<hbm>>) target(%arg7 : memref<128x256xf32, #tpu.memory_space<vmem>>) offsets(%arg5 : memref<128xi32, #tpu.memory_space<vmem>>) semaphore(%arg9 : memref<!tpu.dma_semaphore, #tpu.memory_space<semaphore_mem>>)
      %dma_start3A_25 = arith.constant 0 : i32
      %dma_start3A_26 = arith.constant 0 : i32
      %dma_start3A_27 = tpu.memref_slice %arg2[%dma_start3A_25, %dma_start3A_26] : memref<6144x256xf32, #tpu.memory_space<hbm>> -> memref<6144x256xf32, #tpu.memory_space<hbm>>
      tpu.enqueue_indirect_dma source(%dma_start3A_27 : memref<6144x256xf32, #tpu.memory_space<hbm>>) target(%arg8 : memref<128x256xf32, #tpu.memory_space<vmem>>) offsets(%arg6 : memref<128xi32, #tpu.memory_space<vmem>>) semaphore(%arg10 : memref<!tpu.dma_semaphore, #tpu.memory_space<semaphore_mem>>)
      %dma_wait3A = arith.constant 0 : i32
      %dma_wait3A_28 = arith.constant 0 : i32
      %dma_wait3A_29 = tpu.memref_slice %arg2[%dma_wait3A, %dma_wait3A_28] : memref<6144x256xf32, #tpu.memory_space<hbm>> -> memref<6144x256xf32, #tpu.memory_space<hbm>>
      tpu.wait_indirect_dma semaphore(%arg9 : memref<!tpu.dma_semaphore, #tpu.memory_space<semaphore_mem>>) src(%dma_wait3A_29 : memref<6144x256xf32, #tpu.memory_space<hbm>>) dst(%arg7 : memref<128x256xf32, #tpu.memory_space<vmem>>)
      %add3A_30 = arith.addi %multiple_of3A, %multiple_of3A_13 : i32
      "tpu.region"() ({
        %run_scoped3A = tpu.sem_alloc : memref<!tpu.dma_semaphore, #tpu.memory_space<semaphore_mem>>
        %dma_start3A_35 = arith.constant 0 : i32
        %dma_start3A_36 = tpu.memref_slice %arg4[%add3A_30, %dma_start3A_35] : memref<49152x256xf32, #tpu.memory_space<hbm>> -> memref<128x256xf32, #tpu.memory_space<hbm>>
        %dma_start3A_37 = arith.constant 0 : i32
        %dma_start3A_38 = tpu.memref_slice %arg4[%add3A_30, %dma_start3A_37] : memref<49152x256xf32, #tpu.memory_space<hbm>> -> memref<128x256xf32, #tpu.memory_space<hbm>>
        tpu.enqueue_dma source(%arg7 : memref<128x256xf32, #tpu.memory_space<vmem>>) target(%dma_start3A_38 : memref<128x256xf32, #tpu.memory_space<hbm>>) target_semaphore(%run_scoped3A : memref<!tpu.dma_semaphore, #tpu.memory_space<semaphore_mem>>)
        %dma_wait3A_39 = arith.constant 0 : i32
        %dma_wait3A_40 = tpu.memref_slice %arg4[%add3A_30, %dma_wait3A_39] : memref<49152x256xf32, #tpu.memory_space<hbm>> -> memref<128x256xf32, #tpu.memory_space<hbm>>
        %dma_wait3A_41 = arith.constant 0 : i32
        %dma_wait3A_42 = tpu.memref_slice %arg4[%add3A_30, %dma_wait3A_41] : memref<49152x256xf32, #tpu.memory_space<hbm>> -> memref<128x256xf32, #tpu.memory_space<hbm>>
        tpu.wait_dma2 semaphore(%run_scoped3A : memref<!tpu.dma_semaphore, #tpu.memory_space<semaphore_mem>>) src(%arg7 : memref<128x256xf32, #tpu.memory_space<vmem>>) dst(%dma_wait3A_42 : memref<128x256xf32, #tpu.memory_space<hbm>>)
        tpu.yield
      }) : () -> ()
      %dma_wait3A_31 = arith.constant 0 : i32
      %dma_wait3A_32 = arith.constant 0 : i32
      %dma_wait3A_33 = tpu.memref_slice %arg2[%dma_wait3A_31, %dma_wait3A_32] : memref<6144x256xf32, #tpu.memory_space<hbm>> -> memref<6144x256xf32, #tpu.memory_space<hbm>>
      tpu.wait_indirect_dma semaphore(%arg10 : memref<!tpu.dma_semaphore, #tpu.memory_space<semaphore_mem>>) src(%dma_wait3A_33 : memref<6144x256xf32, #tpu.memory_space<hbm>>) dst(%arg8 : memref<128x256xf32, #tpu.memory_space<vmem>>)
      %add3A_34 = arith.addi %multiple_of3A, %multiple_of3A_20 : i32
      "tpu.region"() ({
        %run_scoped3A = tpu.sem_alloc : memref<!tpu.dma_semaphore, #tpu.memory_space<semaphore_mem>>
        %dma_start3A_35 = arith.constant 0 : i32
        %dma_start3A_36 = tpu.memref_slice %arg4[%add3A_34, %dma_start3A_35] : memref<49152x256xf32, #tpu.memory_space<hbm>> -> memref<128x256xf32, #tpu.memory_space<hbm>>
        %dma_start3A_37 = arith.constant 0 : i32
        %dma_start3A_38 = tpu.memref_slice %arg4[%add3A_34, %dma_start3A_37] : memref<49152x256xf32, #tpu.memory_space<hbm>> -> memref<128x256xf32, #tpu.memory_space<hbm>>
        tpu.enqueue_dma source(%arg8 : memref<128x256xf32, #tpu.memory_space<vmem>>) target(%dma_start3A_38 : memref<128x256xf32, #tpu.memory_space<hbm>>) target_semaphore(%run_scoped3A : memref<!tpu.dma_semaphore, #tpu.memory_space<semaphore_mem>>)
        %dma_wait3A_39 = arith.constant 0 : i32
        %dma_wait3A_40 = tpu.memref_slice %arg4[%add3A_34, %dma_wait3A_39] : memref<49152x256xf32, #tpu.memory_space<hbm>> -> memref<128x256xf32, #tpu.memory_space<hbm>>
        %dma_wait3A_41 = arith.constant 0 : i32
        %dma_wait3A_42 = tpu.memref_slice %arg4[%add3A_34, %dma_wait3A_41] : memref<49152x256xf32, #tpu.memory_space<hbm>> -> memref<128x256xf32, #tpu.memory_space<hbm>>
        tpu.wait_dma2 semaphore(%run_scoped3A : memref<!tpu.dma_semaphore, #tpu.memory_space<semaphore_mem>>) src(%arg8 : memref<128x256xf32, #tpu.memory_space<vmem>>) dst(%dma_wait3A_42 : memref<128x256xf32, #tpu.memory_space<hbm>>)
        tpu.yield
      }) : () -> ()
    }
    %scan3A_7 = arith.constant 6 : i32
    return
  }
}

#map = affine_map<(d0, d1) -> (0, 0)>
#map1 = affine_map<(d0, d1) -> (0)>
module attributes {stable_mosaic.version = 14 : i64} {
  func.func @body(%arg0: i32, %arg1: i32, %arg2: memref<6272x256xf32, #tpu.memory_space<hbm>>, %arg3: memref<50176xi32, #tpu.memory_space<hbm>>, %arg4: memref<50176x256xf32, #tpu.memory_space<hbm>>, %arg5: memref<112xi32, #tpu.memory_space<vmem>>, %arg6: memref<112xi32, #tpu.memory_space<vmem>>, %arg7: memref<112x256xf32, #tpu.memory_space<vmem>>, %arg8: memref<112x256xf32, #tpu.memory_space<vmem>>, %arg9: memref<!tpu.dma_semaphore, #tpu.memory_space<semaphore_mem>>, %arg10: memref<!tpu.dma_semaphore, #tpu.memory_space<semaphore_mem>>) attributes {dimension_semantics = [#tpu.dimension_semantics<core_parallel>, #tpu.dimension_semantics<subcore_parallel>], iteration_bounds = array<i64: 2, 16>, scalar_prefetch = 0 : i64, scratch_operands = 6 : i64, tpu.core_type = #tpu.core_type<sc_vector_subcore>, window_params = [{transform_indices = #map}, {transform_indices = #map1}, {transform_indices = #map}]} {
    %mul3A = arith.constant 2 : i32
    %mul3A_0 = arith.muli %arg1, %mul3A : i32
    %add3A = arith.addi %mul3A_0, %arg0 : i32
    %mul3A_1 = arith.constant 1568 : i32
    %mul3A_2 = arith.muli %add3A, %mul3A_1 : i32
    %multiple_of3A = tpu.assume_multiple %mul3A_2, 8 : i32
    %scan3A = arith.constant 0 : i32
    %scan3A_3 = arith.constant 0 : i32
    %scan3A_4 = arith.constant 7 : i32
    %scan3A_5 = arith.addi %scan3A_3, %scan3A_4 : i32
    %scan3A_6 = arith.constant 1 : i32
    scf.for %scan3A_8 = %scan3A_3 to %scan3A_5 step %scan3A_6  : i32 {
      %mul3A_9 = arith.constant 2 : i32
      %mul3A_10 = arith.muli %scan3A_8, %mul3A_9 : i32
      %mul3A_11 = arith.constant 112 : i32
      %mul3A_12 = arith.muli %mul3A_10, %mul3A_11 : i32
      %multiple_of3A_13 = tpu.assume_multiple %mul3A_12, 8 : i32
      %mul3A_14 = arith.constant 2 : i32
      %mul3A_15 = arith.muli %scan3A_8, %mul3A_14 : i32
      %mul3A_16 = arith.constant 112 : i32
      %mul3A_17 = arith.muli %mul3A_15, %mul3A_16 : i32
      %add3A_18 = arith.constant 112 : i32
      %add3A_19 = arith.addi %mul3A_17, %add3A_18 : i32
      %multiple_of3A_20 = tpu.assume_multiple %add3A_19, 8 : i32
      %add3A_21 = arith.addi %multiple_of3A, %multiple_of3A_13 : i32
      "tpu.region"() ({
        %run_scoped3A = tpu.sem_alloc : memref<!tpu.dma_semaphore, #tpu.memory_space<semaphore_mem>>
        %dma_start3A_35 = tpu.memref_slice %arg3[%add3A_21] : memref<50176xi32, #tpu.memory_space<hbm>> -> memref<112xi32, #tpu.memory_space<hbm>>
        %dma_start3A_36 = tpu.memref_slice %arg3[%add3A_21] : memref<50176xi32, #tpu.memory_space<hbm>> -> memref<112xi32, #tpu.memory_space<hbm>>
        tpu.enqueue_dma source(%dma_start3A_36 : memref<112xi32, #tpu.memory_space<hbm>>) target(%arg5 : memref<112xi32, #tpu.memory_space<vmem>>) target_semaphore(%run_scoped3A : memref<!tpu.dma_semaphore, #tpu.memory_space<semaphore_mem>>)
        %dma_wait3A_37 = tpu.memref_slice %arg3[%add3A_21] : memref<50176xi32, #tpu.memory_space<hbm>> -> memref<112xi32, #tpu.memory_space<hbm>>
        %dma_wait3A_38 = tpu.memref_slice %arg3[%add3A_21] : memref<50176xi32, #tpu.memory_space<hbm>> -> memref<112xi32, #tpu.memory_space<hbm>>
        tpu.wait_dma2 semaphore(%run_scoped3A : memref<!tpu.dma_semaphore, #tpu.memory_space<semaphore_mem>>) src(%dma_wait3A_38 : memref<112xi32, #tpu.memory_space<hbm>>) dst(%arg5 : memref<112xi32, #tpu.memory_space<vmem>>)
        tpu.yield
      }) : () -> ()
      %add3A_22 = arith.addi %multiple_of3A, %multiple_of3A_20 : i32
      "tpu.region"() ({
        %run_scoped3A = tpu.sem_alloc : memref<!tpu.dma_semaphore, #tpu.memory_space<semaphore_mem>>
        %dma_start3A_35 = tpu.memref_slice %arg3[%add3A_22] : memref<50176xi32, #tpu.memory_space<hbm>> -> memref<112xi32, #tpu.memory_space<hbm>>
        %dma_start3A_36 = tpu.memref_slice %arg3[%add3A_22] : memref<50176xi32, #tpu.memory_space<hbm>> -> memref<112xi32, #tpu.memory_space<hbm>>
        tpu.enqueue_dma source(%dma_start3A_36 : memref<112xi32, #tpu.memory_space<hbm>>) target(%arg6 : memref<112xi32, #tpu.memory_space<vmem>>) target_semaphore(%run_scoped3A : memref<!tpu.dma_semaphore, #tpu.memory_space<semaphore_mem>>)
        %dma_wait3A_37 = tpu.memref_slice %arg3[%add3A_22] : memref<50176xi32, #tpu.memory_space<hbm>> -> memref<112xi32, #tpu.memory_space<hbm>>
        %dma_wait3A_38 = tpu.memref_slice %arg3[%add3A_22] : memref<50176xi32, #tpu.memory_space<hbm>> -> memref<112xi32, #tpu.memory_space<hbm>>
        tpu.wait_dma2 semaphore(%run_scoped3A : memref<!tpu.dma_semaphore, #tpu.memory_space<semaphore_mem>>) src(%dma_wait3A_38 : memref<112xi32, #tpu.memory_space<hbm>>) dst(%arg6 : memref<112xi32, #tpu.memory_space<vmem>>)
        tpu.yield
      }) : () -> ()
      %dma_start3A = arith.constant 0 : i32
      %dma_start3A_23 = arith.constant 0 : i32
      %dma_start3A_24 = tpu.memref_slice %arg2[%dma_start3A, %dma_start3A_23] : memref<6272x256xf32, #tpu.memory_space<hbm>> -> memref<6272x256xf32, #tpu.memory_space<hbm>>
      tpu.enqueue_indirect_dma source(%dma_start3A_24 : memref<6272x256xf32, #tpu.memory_space<hbm>>) target(%arg7 : memref<112x256xf32, #tpu.memory_space<vmem>>) offsets(%arg5 : memref<112xi32, #tpu.memory_space<vmem>>) semaphore(%arg9 : memref<!tpu.dma_semaphore, #tpu.memory_space<semaphore_mem>>)
      %dma_start3A_25 = arith.constant 0 : i32
      %dma_start3A_26 = arith.constant 0 : i32
      %dma_start3A_27 = tpu.memref_slice %arg2[%dma_start3A_25, %dma_start3A_26] : memref<6272x256xf32, #tpu.memory_space<hbm>> -> memref<6272x256xf32, #tpu.memory_space<hbm>>
      tpu.enqueue_indirect_dma source(%dma_start3A_27 : memref<6272x256xf32, #tpu.memory_space<hbm>>) target(%arg8 : memref<112x256xf32, #tpu.memory_space<vmem>>) offsets(%arg6 : memref<112xi32, #tpu.memory_space<vmem>>) semaphore(%arg10 : memref<!tpu.dma_semaphore, #tpu.memory_space<semaphore_mem>>)
      %dma_wait3A = arith.constant 0 : i32
      %dma_wait3A_28 = arith.constant 0 : i32
      %dma_wait3A_29 = tpu.memref_slice %arg2[%dma_wait3A, %dma_wait3A_28] : memref<6272x256xf32, #tpu.memory_space<hbm>> -> memref<6272x256xf32, #tpu.memory_space<hbm>>
      tpu.wait_indirect_dma semaphore(%arg9 : memref<!tpu.dma_semaphore, #tpu.memory_space<semaphore_mem>>) src(%dma_wait3A_29 : memref<6272x256xf32, #tpu.memory_space<hbm>>) dst(%arg7 : memref<112x256xf32, #tpu.memory_space<vmem>>)
      %add3A_30 = arith.addi %multiple_of3A, %multiple_of3A_13 : i32
      "tpu.region"() ({
        %run_scoped3A = tpu.sem_alloc : memref<!tpu.dma_semaphore, #tpu.memory_space<semaphore_mem>>
        %dma_start3A_35 = arith.constant 0 : i32
        %dma_start3A_36 = tpu.memref_slice %arg4[%add3A_30, %dma_start3A_35] : memref<50176x256xf32, #tpu.memory_space<hbm>> -> memref<112x256xf32, #tpu.memory_space<hbm>>
        %dma_start3A_37 = arith.constant 0 : i32
        %dma_start3A_38 = tpu.memref_slice %arg4[%add3A_30, %dma_start3A_37] : memref<50176x256xf32, #tpu.memory_space<hbm>> -> memref<112x256xf32, #tpu.memory_space<hbm>>
        tpu.enqueue_dma source(%arg7 : memref<112x256xf32, #tpu.memory_space<vmem>>) target(%dma_start3A_38 : memref<112x256xf32, #tpu.memory_space<hbm>>) target_semaphore(%run_scoped3A : memref<!tpu.dma_semaphore, #tpu.memory_space<semaphore_mem>>)
        %dma_wait3A_39 = arith.constant 0 : i32
        %dma_wait3A_40 = tpu.memref_slice %arg4[%add3A_30, %dma_wait3A_39] : memref<50176x256xf32, #tpu.memory_space<hbm>> -> memref<112x256xf32, #tpu.memory_space<hbm>>
        %dma_wait3A_41 = arith.constant 0 : i32
        %dma_wait3A_42 = tpu.memref_slice %arg4[%add3A_30, %dma_wait3A_41] : memref<50176x256xf32, #tpu.memory_space<hbm>> -> memref<112x256xf32, #tpu.memory_space<hbm>>
        tpu.wait_dma2 semaphore(%run_scoped3A : memref<!tpu.dma_semaphore, #tpu.memory_space<semaphore_mem>>) src(%arg7 : memref<112x256xf32, #tpu.memory_space<vmem>>) dst(%dma_wait3A_42 : memref<112x256xf32, #tpu.memory_space<hbm>>)
        tpu.yield
      }) : () -> ()
      %dma_wait3A_31 = arith.constant 0 : i32
      %dma_wait3A_32 = arith.constant 0 : i32
      %dma_wait3A_33 = tpu.memref_slice %arg2[%dma_wait3A_31, %dma_wait3A_32] : memref<6272x256xf32, #tpu.memory_space<hbm>> -> memref<6272x256xf32, #tpu.memory_space<hbm>>
      tpu.wait_indirect_dma semaphore(%arg10 : memref<!tpu.dma_semaphore, #tpu.memory_space<semaphore_mem>>) src(%dma_wait3A_33 : memref<6272x256xf32, #tpu.memory_space<hbm>>) dst(%arg8 : memref<112x256xf32, #tpu.memory_space<vmem>>)
      %add3A_34 = arith.addi %multiple_of3A, %multiple_of3A_20 : i32
      "tpu.region"() ({
        %run_scoped3A = tpu.sem_alloc : memref<!tpu.dma_semaphore, #tpu.memory_space<semaphore_mem>>
        %dma_start3A_35 = arith.constant 0 : i32
        %dma_start3A_36 = tpu.memref_slice %arg4[%add3A_34, %dma_start3A_35] : memref<50176x256xf32, #tpu.memory_space<hbm>> -> memref<112x256xf32, #tpu.memory_space<hbm>>
        %dma_start3A_37 = arith.constant 0 : i32
        %dma_start3A_38 = tpu.memref_slice %arg4[%add3A_34, %dma_start3A_37] : memref<50176x256xf32, #tpu.memory_space<hbm>> -> memref<112x256xf32, #tpu.memory_space<hbm>>
        tpu.enqueue_dma source(%arg8 : memref<112x256xf32, #tpu.memory_space<vmem>>) target(%dma_start3A_38 : memref<112x256xf32, #tpu.memory_space<hbm>>) target_semaphore(%run_scoped3A : memref<!tpu.dma_semaphore, #tpu.memory_space<semaphore_mem>>)
        %dma_wait3A_39 = arith.constant 0 : i32
        %dma_wait3A_40 = tpu.memref_slice %arg4[%add3A_34, %dma_wait3A_39] : memref<50176x256xf32, #tpu.memory_space<hbm>> -> memref<112x256xf32, #tpu.memory_space<hbm>>
        %dma_wait3A_41 = arith.constant 0 : i32
        %dma_wait3A_42 = tpu.memref_slice %arg4[%add3A_34, %dma_wait3A_41] : memref<50176x256xf32, #tpu.memory_space<hbm>> -> memref<112x256xf32, #tpu.memory_space<hbm>>
        tpu.wait_dma2 semaphore(%run_scoped3A : memref<!tpu.dma_semaphore, #tpu.memory_space<semaphore_mem>>) src(%arg8 : memref<112x256xf32, #tpu.memory_space<vmem>>) dst(%dma_wait3A_42 : memref<112x256xf32, #tpu.memory_space<hbm>>)
        tpu.yield
      }) : () -> ()
    }
    %scan3A_7 = arith.constant 7 : i32
    return
  }
}

#map = affine_map<(d0, d1) -> (0, 0)>
#map1 = affine_map<(d0, d1) -> (0)>
module attributes {stable_mosaic.version = 14 : i64} {
  func.func @body(%arg0: i32, %arg1: i32, %arg2: memref<6272x256xf32, #tpu.memory_space<hbm>>, %arg3: memref<50176xi32, #tpu.memory_space<hbm>>, %arg4: memref<50176x256xf32, #tpu.memory_space<hbm>>, %arg5: memref<112xi32, #tpu.memory_space<vmem>>, %arg6: memref<112xi32, #tpu.memory_space<vmem>>, %arg7: memref<112x256xf32, #tpu.memory_space<vmem>>, %arg8: memref<112x256xf32, #tpu.memory_space<vmem>>, %arg9: memref<!tpu.dma_semaphore, #tpu.memory_space<semaphore_mem>>, %arg10: memref<!tpu.dma_semaphore, #tpu.memory_space<semaphore_mem>>) attributes {dimension_semantics = [#tpu.dimension_semantics<core_parallel>, #tpu.dimension_semantics<subcore_parallel>], iteration_bounds = array<i64: 2, 16>, scalar_prefetch = 0 : i64, scratch_operands = 6 : i64, tpu.core_type = #tpu.core_type<sc_vector_subcore>, window_params = [{transform_indices = #map}, {transform_indices = #map1}, {transform_indices = #map}]} {
    %mul3A = arith.constant 2 : i32
    %mul3A_0 = arith.muli %arg1, %mul3A : i32
    %add3A = arith.addi %mul3A_0, %arg0 : i32
    %mul3A_1 = arith.constant 1568 : i32
    %mul3A_2 = arith.muli %add3A, %mul3A_1 : i32
    %multiple_of3A = tpu.assume_multiple %mul3A_2, 8 : i32
    %scan3A = arith.constant 0 : i32
    %scan3A_3 = arith.constant 0 : i32
    %scan3A_4 = arith.constant 7 : i32
    %scan3A_5 = arith.addi %scan3A_3, %scan3A_4 : i32
    %scan3A_6 = arith.constant 1 : i32
    scf.for %scan3A_8 = %scan3A_3 to %scan3A_5 step %scan3A_6  : i32 {
      %mul3A_9 = arith.constant 2 : i32
      %mul3A_10 = arith.muli %scan3A_8, %mul3A_9 : i32
      %mul3A_11 = arith.constant 112 : i32
      %mul3A_12 = arith.muli %mul3A_10, %mul3A_11 : i32
      %multiple_of3A_13 = tpu.assume_multiple %mul3A_12, 8 : i32
      %mul3A_14 = arith.constant 2 : i32
      %mul3A_15 = arith.muli %scan3A_8, %mul3A_14 : i32
      %mul3A_16 = arith.constant 112 : i32
      %mul3A_17 = arith.muli %mul3A_15, %mul3A_16 : i32
      %add3A_18 = arith.constant 112 : i32
      %add3A_19 = arith.addi %mul3A_17, %add3A_18 : i32
      %multiple_of3A_20 = tpu.assume_multiple %add3A_19, 8 : i32
      %add3A_21 = arith.addi %multiple_of3A, %multiple_of3A_13 : i32
      "tpu.region"() ({
        %run_scoped3A = tpu.sem_alloc : memref<!tpu.dma_semaphore, #tpu.memory_space<semaphore_mem>>
        %dma_start3A_35 = tpu.memref_slice %arg3[%add3A_21] : memref<50176xi32, #tpu.memory_space<hbm>> -> memref<112xi32, #tpu.memory_space<hbm>>
        %dma_start3A_36 = tpu.memref_slice %arg3[%add3A_21] : memref<50176xi32, #tpu.memory_space<hbm>> -> memref<112xi32, #tpu.memory_space<hbm>>
        tpu.enqueue_dma source(%dma_start3A_36 : memref<112xi32, #tpu.memory_space<hbm>>) target(%arg5 : memref<112xi32, #tpu.memory_space<vmem>>) target_semaphore(%run_scoped3A : memref<!tpu.dma_semaphore, #tpu.memory_space<semaphore_mem>>)
        %dma_wait3A_37 = tpu.memref_slice %arg3[%add3A_21] : memref<50176xi32, #tpu.memory_space<hbm>> -> memref<112xi32, #tpu.memory_space<hbm>>
        %dma_wait3A_38 = tpu.memref_slice %arg3[%add3A_21] : memref<50176xi32, #tpu.memory_space<hbm>> -> memref<112xi32, #tpu.memory_space<hbm>>
        tpu.wait_dma2 semaphore(%run_scoped3A : memref<!tpu.dma_semaphore, #tpu.memory_space<semaphore_mem>>) src(%dma_wait3A_38 : memref<112xi32, #tpu.memory_space<hbm>>) dst(%arg5 : memref<112xi32, #tpu.memory_space<vmem>>)
        tpu.yield
      }) : () -> ()
      %add3A_22 = arith.addi %multiple_of3A, %multiple_of3A_20 : i32
      "tpu.region"() ({
        %run_scoped3A = tpu.sem_alloc : memref<!tpu.dma_semaphore, #tpu.memory_space<semaphore_mem>>
        %dma_start3A_35 = tpu.memref_slice %arg3[%add3A_22] : memref<50176xi32, #tpu.memory_space<hbm>> -> memref<112xi32, #tpu.memory_space<hbm>>
        %dma_start3A_36 = tpu.memref_slice %arg3[%add3A_22] : memref<50176xi32, #tpu.memory_space<hbm>> -> memref<112xi32, #tpu.memory_space<hbm>>
        tpu.enqueue_dma source(%dma_start3A_36 : memref<112xi32, #tpu.memory_space<hbm>>) target(%arg6 : memref<112xi32, #tpu.memory_space<vmem>>) target_semaphore(%run_scoped3A : memref<!tpu.dma_semaphore, #tpu.memory_space<semaphore_mem>>)
        %dma_wait3A_37 = tpu.memref_slice %arg3[%add3A_22] : memref<50176xi32, #tpu.memory_space<hbm>> -> memref<112xi32, #tpu.memory_space<hbm>>
        %dma_wait3A_38 = tpu.memref_slice %arg3[%add3A_22] : memref<50176xi32, #tpu.memory_space<hbm>> -> memref<112xi32, #tpu.memory_space<hbm>>
        tpu.wait_dma2 semaphore(%run_scoped3A : memref<!tpu.dma_semaphore, #tpu.memory_space<semaphore_mem>>) src(%dma_wait3A_38 : memref<112xi32, #tpu.memory_space<hbm>>) dst(%arg6 : memref<112xi32, #tpu.memory_space<vmem>>)
        tpu.yield
      }) : () -> ()
      %dma_start3A = arith.constant 0 : i32
      %dma_start3A_23 = arith.constant 0 : i32
      %dma_start3A_24 = tpu.memref_slice %arg2[%dma_start3A, %dma_start3A_23] : memref<6272x256xf32, #tpu.memory_space<hbm>> -> memref<6272x256xf32, #tpu.memory_space<hbm>>
      tpu.enqueue_indirect_dma source(%dma_start3A_24 : memref<6272x256xf32, #tpu.memory_space<hbm>>) target(%arg7 : memref<112x256xf32, #tpu.memory_space<vmem>>) offsets(%arg5 : memref<112xi32, #tpu.memory_space<vmem>>) semaphore(%arg9 : memref<!tpu.dma_semaphore, #tpu.memory_space<semaphore_mem>>)
      %dma_start3A_25 = arith.constant 0 : i32
      %dma_start3A_26 = arith.constant 0 : i32
      %dma_start3A_27 = tpu.memref_slice %arg2[%dma_start3A_25, %dma_start3A_26] : memref<6272x256xf32, #tpu.memory_space<hbm>> -> memref<6272x256xf32, #tpu.memory_space<hbm>>
      tpu.enqueue_indirect_dma source(%dma_start3A_27 : memref<6272x256xf32, #tpu.memory_space<hbm>>) target(%arg8 : memref<112x256xf32, #tpu.memory_space<vmem>>) offsets(%arg6 : memref<112xi32, #tpu.memory_space<vmem>>) semaphore(%arg10 : memref<!tpu.dma_semaphore, #tpu.memory_space<semaphore_mem>>)
      %dma_wait3A = arith.constant 0 : i32
      %dma_wait3A_28 = arith.constant 0 : i32
      %dma_wait3A_29 = tpu.memref_slice %arg2[%dma_wait3A, %dma_wait3A_28] : memref<6272x256xf32, #tpu.memory_space<hbm>> -> memref<6272x256xf32, #tpu.memory_space<hbm>>
      tpu.wait_indirect_dma semaphore(%arg9 : memref<!tpu.dma_semaphore, #tpu.memory_space<semaphore_mem>>) src(%dma_wait3A_29 : memref<6272x256xf32, #tpu.memory_space<hbm>>) dst(%arg7 : memref<112x256xf32, #tpu.memory_space<vmem>>)
      %add3A_30 = arith.addi %multiple_of3A, %multiple_of3A_13 : i32
      "tpu.region"() ({
        %run_scoped3A = tpu.sem_alloc : memref<!tpu.dma_semaphore, #tpu.memory_space<semaphore_mem>>
        %dma_start3A_35 = arith.constant 0 : i32
        %dma_start3A_36 = tpu.memref_slice %arg4[%add3A_30, %dma_start3A_35] : memref<50176x256xf32, #tpu.memory_space<hbm>> -> memref<112x256xf32, #tpu.memory_space<hbm>>
        %dma_start3A_37 = arith.constant 0 : i32
        %dma_start3A_38 = tpu.memref_slice %arg4[%add3A_30, %dma_start3A_37] : memref<50176x256xf32, #tpu.memory_space<hbm>> -> memref<112x256xf32, #tpu.memory_space<hbm>>
        tpu.enqueue_dma source(%arg7 : memref<112x256xf32, #tpu.memory_space<vmem>>) target(%dma_start3A_38 : memref<112x256xf32, #tpu.memory_space<hbm>>) target_semaphore(%run_scoped3A : memref<!tpu.dma_semaphore, #tpu.memory_space<semaphore_mem>>)
        %dma_wait3A_39 = arith.constant 0 : i32
        %dma_wait3A_40 = tpu.memref_slice %arg4[%add3A_30, %dma_wait3A_39] : memref<50176x256xf32, #tpu.memory_space<hbm>> -> memref<112x256xf32, #tpu.memory_space<hbm>>
        %dma_wait3A_41 = arith.constant 0 : i32
        %dma_wait3A_42 = tpu.memref_slice %arg4[%add3A_30, %dma_wait3A_41] : memref<50176x256xf32, #tpu.memory_space<hbm>> -> memref<112x256xf32, #tpu.memory_space<hbm>>
        tpu.wait_dma2 semaphore(%run_scoped3A : memref<!tpu.dma_semaphore, #tpu.memory_space<semaphore_mem>>) src(%arg7 : memref<112x256xf32, #tpu.memory_space<vmem>>) dst(%dma_wait3A_42 : memref<112x256xf32, #tpu.memory_space<hbm>>)
        tpu.yield
      }) : () -> ()
      %dma_wait3A_31 = arith.constant 0 : i32
      %dma_wait3A_32 = arith.constant 0 : i32
      %dma_wait3A_33 = tpu.memref_slice %arg2[%dma_wait3A_31, %dma_wait3A_32] : memref<6272x256xf32, #tpu.memory_space<hbm>> -> memref<6272x256xf32, #tpu.memory_space<hbm>>
      tpu.wait_indirect_dma semaphore(%arg10 : memref<!tpu.dma_semaphore, #tpu.memory_space<semaphore_mem>>) src(%dma_wait3A_33 : memref<6272x256xf32, #tpu.memory_space<hbm>>) dst(%arg8 : memref<112x256xf32, #tpu.memory_space<vmem>>)
      %add3A_34 = arith.addi %multiple_of3A, %multiple_of3A_20 : i32
      "tpu.region"() ({
        %run_scoped3A = tpu.sem_alloc : memref<!tpu.dma_semaphore, #tpu.memory_space<semaphore_mem>>
        %dma_start3A_35 = arith.constant 0 : i32
        %dma_start3A_36 = tpu.memref_slice %arg4[%add3A_34, %dma_start3A_35] : memref<50176x256xf32, #tpu.memory_space<hbm>> -> memref<112x256xf32, #tpu.memory_space<hbm>>
        %dma_start3A_37 = arith.constant 0 : i32
        %dma_start3A_38 = tpu.memref_slice %arg4[%add3A_34, %dma_start3A_37] : memref<50176x256xf32, #tpu.memory_space<hbm>> -> memref<112x256xf32, #tpu.memory_space<hbm>>
        tpu.enqueue_dma source(%arg8 : memref<112x256xf32, #tpu.memory_space<vmem>>) target(%dma_start3A_38 : memref<112x256xf32, #tpu.memory_space<hbm>>) target_semaphore(%run_scoped3A : memref<!tpu.dma_semaphore, #tpu.memory_space<semaphore_mem>>)
        %dma_wait3A_39 = arith.constant 0 : i32
        %dma_wait3A_40 = tpu.memref_slice %arg4[%add3A_34, %dma_wait3A_39] : memref<50176x256xf32, #tpu.memory_space<hbm>> -> memref<112x256xf32, #tpu.memory_space<hbm>>
        %dma_wait3A_41 = arith.constant 0 : i32
        %dma_wait3A_42 = tpu.memref_slice %arg4[%add3A_34, %dma_wait3A_41] : memref<50176x256xf32, #tpu.memory_space<hbm>> -> memref<112x256xf32, #tpu.memory_space<hbm>>
        tpu.wait_dma2 semaphore(%run_scoped3A : memref<!tpu.dma_semaphore, #tpu.memory_space<semaphore_mem>>) src(%arg8 : memref<112x256xf32, #tpu.memory_space<vmem>>) dst(%dma_wait3A_42 : memref<112x256xf32, #tpu.memory_space<hbm>>)
        tpu.yield
      }) : () -> ()
    }
    %scan3A_7 = arith.constant 7 : i32
    return
  }
}

module attributes {stable_mosaic.version = 14 : i64} {
  func.func @_proj_body(%arg0: i32, %arg1: memref<1x512x1024xf32, #tpu.memory_space<vmem>>, %arg2: memref<1024x128xf32, #tpu.memory_space<vmem>>, %arg3: memref<1x128xf32, #tpu.memory_space<vmem>>, %arg4: memref<1x512x128xf32, #tpu.memory_space<vmem>>) attributes {dimension_semantics = [#tpu.dimension_semantics<arbitrary>], iteration_bounds = array<i64: 2>, scalar_prefetch = 0 : i64, scratch_operands = 0 : i64, tpu.core_type = #tpu.core_type<tc>, window_params = [{transform_indices = @transform_0, window_bounds = array<i64: 1, 512, 1024>}, {pipeline_mode = #tpu.pipeline_mode<synchronous>, transform_indices = @transform_1, window_bounds = array<i64: 1024, 128>}, {pipeline_mode = #tpu.pipeline_mode<synchronous>, transform_indices = @transform_2, window_bounds = array<i64: 1, 128>}, {transform_indices = @transform_3, window_bounds = array<i64: 1, 512, 128>}]} {
    %get3A = arith.constant 0 : index
    %get3A_0 = arith.constant 0 : index
    %get3A_1 = arith.constant 0 : index
    %get3A_2 = vector.load %arg1[%get3A, %get3A_0, %get3A_1] : memref<1x512x1024xf32, #tpu.memory_space<vmem>>, vector<1x512x1024xf32>
    %get3A_3 = vector.shape_cast %get3A_2 : vector<1x512x1024xf32> to vector<512x1024xf32>
    %get3A_4 = arith.constant 0 : index
    %get3A_5 = arith.constant 0 : index
    %get3A_6 = vector.load %arg2[%get3A_4, %get3A_5] : memref<1024x128xf32, #tpu.memory_space<vmem>>, vector<1024x128xf32>
    %convert_element_type3A = arith.truncf %get3A_3 : vector<512x1024xf32> to vector<512x1024xbf16>
    %convert_element_type3A_7 = arith.truncf %get3A_6 : vector<1024x128xf32> to vector<1024x128xbf16>
    %dot_general3A = arith.constant dense<0.000000e+00> : vector<512x128xf32>
    %dot_general3A_8 = tpu.matmul %convert_element_type3A, %convert_element_type3A_7, %dot_general3A {dimension_numbers = #tpu.dot_dimension_numbers<[1], [0], [0], [1], [0, 0, 1, 1], [], []>, transpose_lhs_hint = false} : vector<512x1024xbf16>, vector<1024x128xbf16>, vector<512x128xf32> -> vector<512x128xf32>
    %get3A_9 = arith.constant 0 : index
    %get3A_10 = arith.constant 0 : index
    %get3A_11 = vector.load %arg3[%get3A_9, %get3A_10] : memref<1x128xf32, #tpu.memory_space<vmem>>, vector<1x128xf32>
    %add3A = vector.broadcast %get3A_11 : vector<1x128xf32> to vector<512x128xf32>
    %add3A_12 = arith.addf %dot_general3A_8, %add3A : vector<512x128xf32>
    %swap3A = arith.constant 0 : index
    %swap3A_13 = arith.constant 0 : index
    %swap3A_14 = arith.constant 0 : index
    %swap3A_15 = vector.load %arg4[%swap3A, %swap3A_13, %swap3A_14] : memref<1x512x128xf32, #tpu.memory_space<vmem>>, vector<1x512x128xf32>
    %swap3A_16 = vector.shape_cast %swap3A_15 : vector<1x512x128xf32> to vector<512x128xf32>
    %swap3A_17 = vector.shape_cast %add3A_12 : vector<512x128xf32> to vector<1x512x128xf32>
    tpu.vector_store %arg4[%swap3A, %swap3A_13, %swap3A_14], %swap3A_17 {strides = array<i32>} : memref<1x512x128xf32, #tpu.memory_space<vmem>>, vector<1x512x128xf32>,
    return
  }
  func.func @transform_0(%arg0: i32) -> (i32, i32, i32) {
    %c0_i32 = arith.constant 0 : i32
    %c0_i32_0 = arith.constant 0 : i32
    %c0_i32_1 = arith.constant 0 : i32
    return %arg0, %c0_i32, %c0_i32_0 : i32, i32, i32
  }
  func.func @transform_1(%arg0: i32) -> (i32, i32) {
    %c0_i32 = arith.constant 0 : i32
    %c0_i32_0 = arith.constant 0 : i32
    %c0_i32_1 = arith.constant 0 : i32
    return %c0_i32, %c0_i32_0 : i32, i32
  }
  func.func @transform_2(%arg0: i32) -> (i32, i32) {
    %c0_i32 = arith.constant 0 : i32
    %c0_i32_0 = arith.constant 0 : i32
    %c0_i32_1 = arith.constant 0 : i32
    return %c0_i32, %c0_i32_0 : i32, i32
  }
  func.func @transform_3(%arg0: i32) -> (i32, i32, i32) {
    %c0_i32 = arith.constant 0 : i32
    %c0_i32_0 = arith.constant 0 : i32
    %c0_i32_1 = arith.constant 0 : i32
    return %arg0, %c0_i32, %c0_i32_0 : i32, i32, i32
  }
}

module attributes {stable_mosaic.version = 14 : i64} {
  func.func @_knn_body(%arg0: i32, %arg1: i32, %arg2: memref<1x192x3xf32, #tpu.memory_space<vmem>>, %arg3: memref<1x3x6144xf32, #tpu.memory_space<vmem>>, %arg4: memref<1x192x8xi32, #tpu.memory_space<vmem>>) attributes {dimension_semantics = [#tpu.dimension_semantics<arbitrary>, #tpu.dimension_semantics<arbitrary>], iteration_bounds = array<i64: 1, 32>, scalar_prefetch = 0 : i64, scratch_operands = 0 : i64, tpu.core_type = #tpu.core_type<tc>, window_params = [{transform_indices = @transform_0, window_bounds = array<i64: 1, 192, 3>}, {transform_indices = @transform_1, window_bounds = array<i64: 1, 3, 6144>}, {transform_indices = @transform_2, window_bounds = array<i64: 1, 192, 8>}]} {
    %get3A = arith.constant 0 : index
    %get3A_0 = arith.constant 0 : index
    %get3A_1 = arith.constant 0 : index
    %get3A_2 = vector.load %arg2[%get3A, %get3A_0, %get3A_1] : memref<1x192x3xf32, #tpu.memory_space<vmem>>, vector<1x192x3xf32>
    %get3A_3 = vector.shape_cast %get3A_2 : vector<1x192x3xf32> to vector<192x3xf32>
    %get3A_4 = arith.constant 0 : index
    %get3A_5 = arith.constant 0 : index
    %get3A_6 = arith.constant 0 : index
    %get3A_7 = vector.load %arg3[%get3A_4, %get3A_5, %get3A_6] : memref<1x3x6144xf32, #tpu.memory_space<vmem>>, vector<1x3x6144xf32>
    %get3A_8 = vector.shape_cast %get3A_7 : vector<1x3x6144xf32> to vector<3x6144xf32>
    %mul3A = arith.mulf %get3A_3, %get3A_3 : vector<192x3xf32>
    %reduce_sum3A = arith.constant dense<0.000000e+00> : vector<192xf32>
    %reduce_sum3A_9 = vector.multi_reduction <add>, %mul3A, %reduce_sum3A [1] : vector<192x3xf32> to vector<192xf32>
    %broadcast_in_dim3A = vector.shape_cast %reduce_sum3A_9 : vector<192xf32> to vector<192x1xf32>
    %mul3A_10 = arith.mulf %get3A_8, %get3A_8 : vector<3x6144xf32>
    %reduce_sum3A_11 = arith.constant dense<0.000000e+00> : vector<6144xf32>
    %reduce_sum3A_12 = vector.multi_reduction <add>, %mul3A_10, %reduce_sum3A_11 [0] : vector<3x6144xf32> to vector<6144xf32>
    %broadcast_in_dim3A_13 = vector.shape_cast %reduce_sum3A_12 : vector<6144xf32> to vector<1x6144xf32>
    %convert_element_type3A = arith.truncf %get3A_3 : vector<192x3xf32> to vector<192x3xbf16>
    %convert_element_type3A_14 = arith.truncf %get3A_8 : vector<3x6144xf32> to vector<3x6144xbf16>
    %dot_general3A = arith.constant dense<0.000000e+00> : vector<192x6144xf32>
    %dot_general3A_15 = tpu.matmul %convert_element_type3A, %convert_element_type3A_14, %dot_general3A {dimension_numbers = #tpu.dot_dimension_numbers<[1], [0], [0], [1], [0, 0, 1, 1], [], []>, transpose_lhs_hint = false} : vector<192x3xbf16>, vector<3x6144xbf16>, vector<192x6144xf32> -> vector<192x6144xf32>
    %add3A = vector.broadcast %broadcast_in_dim3A : vector<192x1xf32> to vector<192x6144xf32>
    %add3A_16 = vector.broadcast %broadcast_in_dim3A_13 : vector<1x6144xf32> to vector<192x6144xf32>
    %add3A_17 = arith.addf %add3A, %add3A_16 : vector<192x6144xf32>
    %mul3A_18 = arith.constant 2.000000e+00 : f32
    %mul3A_19 = vector.broadcast %mul3A_18 : f32 to vector<192x6144xf32>
    %mul3A_20 = arith.mulf %mul3A_19, %dot_general3A_15 : vector<192x6144xf32>
    %sub3A = arith.subf %add3A_17, %mul3A_20 : vector<192x6144xf32>
    %iota3A = tpu.iota {dimensions = array<i32: 1>} : vector<192x6144xi32>
    %mul3A_21 = arith.constant 192 : i32
    %mul3A_22 = arith.muli %arg1, %mul3A_21 : i32
    %iota3A_23 = tpu.iota {dimensions = array<i32: 0>} : vector<192x1xi32>
    %add3A_24 = vector.broadcast %mul3A_22 : i32 to vector<192x1xi32>
    %add3A_25 = arith.addi %add3A_24, %iota3A_23 : vector<192x1xi32>
    %eq3A = vector.broadcast %add3A_25 : vector<192x1xi32> to vector<192x6144xi32>
    %eq3A_26 = arith.cmpi eq, %iota3A, %eq3A : vector<192x6144xi32>
    %jit3A = arith.constant 1.000000e+09 : f32
    %broadcast_in_dim3A_27 = vector.broadcast %jit3A : f32 to vector<192x6144xf32>
    %select_n3A = arith.select %eq3A_26, %broadcast_in_dim3A_27, %sub3A : vector<192x6144xi1>, vector<192x6144xf32>
    %reduce_min3A = arith.constant dense<0x7F800000> : vector<192xf32>
    %reduce_min3A_28 = vector.multi_reduction <minimumf>, %select_n3A, %reduce_min3A [1] : vector<192x6144xf32> to vector<192xf32>
    %broadcast_in_dim3A_29 = vector.shape_cast %reduce_min3A_28 : vector<192xf32> to vector<192x1xf32>
    %eq3A_30 = vector.broadcast %broadcast_in_dim3A_29 : vector<192x1xf32> to vector<192x6144xf32>
    %eq3A_31 = arith.cmpf oeq, %select_n3A, %eq3A_30 : vector<192x6144xf32>
    %jit3A_32 = arith.constant 6144 : i32
    %broadcast_in_dim3A_33 = vector.broadcast %jit3A_32 : i32 to vector<192x6144xi32>
    %select_n3A_34 = arith.select %eq3A_31, %iota3A, %broadcast_in_dim3A_33 : vector<192x6144xi1>, vector<192x6144xi32>
    %reduce_min3A_35 = arith.constant dense<2147483647> : vector<192xi32>
    %reduce_min3A_36 = vector.multi_reduction <minsi>, %select_n3A_34, %reduce_min3A_35 [1] : vector<192x6144xi32> to vector<192xi32>
    %broadcast_in_dim3A_37 = vector.shape_cast %reduce_min3A_36 : vector<192xi32> to vector<192x1xi32>
    %eq3A_38 = vector.broadcast %broadcast_in_dim3A_37 : vector<192x1xi32> to vector<192x6144xi32>
    %eq3A_39 = arith.cmpi eq, %iota3A, %eq3A_38 : vector<192x6144xi32>
    %jit3A_40 = arith.constant 1.000000e+09 : f32
    %broadcast_in_dim3A_41 = vector.broadcast %jit3A_40 : f32 to vector<192x6144xf32>
    %select_n3A_42 = arith.select %eq3A_39, %broadcast_in_dim3A_41, %select_n3A : vector<192x6144xi1>, vector<192x6144xf32>
    %reduce_min3A_43 = arith.constant dense<0x7F800000> : vector<192xf32>
    %reduce_min3A_44 = vector.multi_reduction <minimumf>, %select_n3A_42, %reduce_min3A_43 [1] : vector<192x6144xf32> to vector<192xf32>
    %broadcast_in_dim3A_45 = vector.shape_cast %reduce_min3A_44 : vector<192xf32> to vector<192x1xf32>
    %eq3A_46 = vector.broadcast %broadcast_in_dim3A_45 : vector<192x1xf32> to vector<192x6144xf32>
    %eq3A_47 = arith.cmpf oeq, %select_n3A_42, %eq3A_46 : vector<192x6144xf32>
    %jit3A_48 = arith.constant 6144 : i32
    %broadcast_in_dim3A_49 = vector.broadcast %jit3A_48 : i32 to vector<192x6144xi32>
    %select_n3A_50 = arith.select %eq3A_47, %iota3A, %broadcast_in_dim3A_49 : vector<192x6144xi1>, vector<192x6144xi32>
    %reduce_min3A_51 = arith.constant dense<2147483647> : vector<192xi32>
    %reduce_min3A_52 = vector.multi_reduction <minsi>, %select_n3A_50, %reduce_min3A_51 [1] : vector<192x6144xi32> to vector<192xi32>
    %broadcast_in_dim3A_53 = vector.shape_cast %reduce_min3A_52 : vector<192xi32> to vector<192x1xi32>
    %eq3A_54 = vector.broadcast %broadcast_in_dim3A_53 : vector<192x1xi32> to vector<192x6144xi32>
    %eq3A_55 = arith.cmpi eq, %iota3A, %eq3A_54 : vector<192x6144xi32>
    %jit3A_56 = arith.constant 1.000000e+09 : f32
    %broadcast_in_dim3A_57 = vector.broadcast %jit3A_56 : f32 to vector<192x6144xf32>
    %select_n3A_58 = arith.select %eq3A_55, %broadcast_in_dim3A_57, %select_n3A_42 : vector<192x6144xi1>, vector<192x6144xf32>
    %reduce_min3A_59 = arith.constant dense<0x7F800000> : vector<192xf32>
    %reduce_min3A_60 = vector.multi_reduction <minimumf>, %select_n3A_58, %reduce_min3A_59 [1] : vector<192x6144xf32> to vector<192xf32>
    %broadcast_in_dim3A_61 = vector.shape_cast %reduce_min3A_60 : vector<192xf32> to vector<192x1xf32>
    %eq3A_62 = vector.broadcast %broadcast_in_dim3A_61 : vector<192x1xf32> to vector<192x6144xf32>
    %eq3A_63 = arith.cmpf oeq, %select_n3A_58, %eq3A_62 : vector<192x6144xf32>
    %jit3A_64 = arith.constant 6144 : i32
    %broadcast_in_dim3A_65 = vector.broadcast %jit3A_64 : i32 to vector<192x6144xi32>
    %select_n3A_66 = arith.select %eq3A_63, %iota3A, %broadcast_in_dim3A_65 : vector<192x6144xi1>, vector<192x6144xi32>
    %reduce_min3A_67 = arith.constant dense<2147483647> : vector<192xi32>
    %reduce_min3A_68 = vector.multi_reduction <minsi>, %select_n3A_66, %reduce_min3A_67 [1] : vector<192x6144xi32> to vector<192xi32>
    %broadcast_in_dim3A_69 = vector.shape_cast %reduce_min3A_68 : vector<192xi32> to vector<192x1xi32>
    %eq3A_70 = vector.broadcast %broadcast_in_dim3A_69 : vector<192x1xi32> to vector<192x6144xi32>
    %eq3A_71 = arith.cmpi eq, %iota3A, %eq3A_70 : vector<192x6144xi32>
    %jit3A_72 = arith.constant 1.000000e+09 : f32
    %broadcast_in_dim3A_73 = vector.broadcast %jit3A_72 : f32 to vector<192x6144xf32>
    %select_n3A_74 = arith.select %eq3A_71, %broadcast_in_dim3A_73, %select_n3A_58 : vector<192x6144xi1>, vector<192x6144xf32>
    %reduce_min3A_75 = arith.constant dense<0x7F800000> : vector<192xf32>
    %reduce_min3A_76 = vector.multi_reduction <minimumf>, %select_n3A_74, %reduce_min3A_75 [1] : vector<192x6144xf32> to vector<192xf32>
    %broadcast_in_dim3A_77 = vector.shape_cast %reduce_min3A_76 : vector<192xf32> to vector<192x1xf32>
    %eq3A_78 = vector.broadcast %broadcast_in_dim3A_77 : vector<192x1xf32> to vector<192x6144xf32>
    %eq3A_79 = arith.cmpf oeq, %select_n3A_74, %eq3A_78 : vector<192x6144xf32>
    %jit3A_80 = arith.constant 6144 : i32
    %broadcast_in_dim3A_81 = vector.broadcast %jit3A_80 : i32 to vector<192x6144xi32>
    %select_n3A_82 = arith.select %eq3A_79, %iota3A, %broadcast_in_dim3A_81 : vector<192x6144xi1>, vector<192x6144xi32>
    %reduce_min3A_83 = arith.constant dense<2147483647> : vector<192xi32>
    %reduce_min3A_84 = vector.multi_reduction <minsi>, %select_n3A_82, %reduce_min3A_83 [1] : vector<192x6144xi32> to vector<192xi32>
    %broadcast_in_dim3A_85 = vector.shape_cast %reduce_min3A_84 : vector<192xi32> to vector<192x1xi32>
    %eq3A_86 = vector.broadcast %broadcast_in_dim3A_85 : vector<192x1xi32> to vector<192x6144xi32>
    %eq3A_87 = arith.cmpi eq, %iota3A, %eq3A_86 : vector<192x6144xi32>
    %jit3A_88 = arith.constant 1.000000e+09 : f32
    %broadcast_in_dim3A_89 = vector.broadcast %jit3A_88 : f32 to vector<192x6144xf32>
    %select_n3A_90 = arith.select %eq3A_87, %broadcast_in_dim3A_89, %select_n3A_74 : vector<192x6144xi1>, vector<192x6144xf32>
    %reduce_min3A_91 = arith.constant dense<0x7F800000> : vector<192xf32>
    %reduce_min3A_92 = vector.multi_reduction <minimumf>, %select_n3A_90, %reduce_min3A_91 [1] : vector<192x6144xf32> to vector<192xf32>
    %broadcast_in_dim3A_93 = vector.shape_cast %reduce_min3A_92 : vector<192xf32> to vector<192x1xf32>
    %eq3A_94 = vector.broadcast %broadcast_in_dim3A_93 : vector<192x1xf32> to vector<192x6144xf32>
    %eq3A_95 = arith.cmpf oeq, %select_n3A_90, %eq3A_94 : vector<192x6144xf32>
    %jit3A_96 = arith.constant 6144 : i32
    %broadcast_in_dim3A_97 = vector.broadcast %jit3A_96 : i32 to vector<192x6144xi32>
    %select_n3A_98 = arith.select %eq3A_95, %iota3A, %broadcast_in_dim3A_97 : vector<192x6144xi1>, vector<192x6144xi32>
    %reduce_min3A_99 = arith.constant dense<2147483647> : vector<192xi32>
    %reduce_min3A_100 = vector.multi_reduction <minsi>, %select_n3A_98, %reduce_min3A_99 [1] : vector<192x6144xi32> to vector<192xi32>
    %broadcast_in_dim3A_101 = vector.shape_cast %reduce_min3A_100 : vector<192xi32> to vector<192x1xi32>
    %eq3A_102 = vector.broadcast %broadcast_in_dim3A_101 : vector<192x1xi32> to vector<192x6144xi32>
    %eq3A_103 = arith.cmpi eq, %iota3A, %eq3A_102 : vector<192x6144xi32>
    %jit3A_104 = arith.constant 1.000000e+09 : f32
    %broadcast_in_dim3A_105 = vector.broadcast %jit3A_104 : f32 to vector<192x6144xf32>
    %select_n3A_106 = arith.select %eq3A_103, %broadcast_in_dim3A_105, %select_n3A_90 : vector<192x6144xi1>, vector<192x6144xf32>
    %reduce_min3A_107 = arith.constant dense<0x7F800000> : vector<192xf32>
    %reduce_min3A_108 = vector.multi_reduction <minimumf>, %select_n3A_106, %reduce_min3A_107 [1] : vector<192x6144xf32> to vector<192xf32>
    %broadcast_in_dim3A_109 = vector.shape_cast %reduce_min3A_108 : vector<192xf32> to vector<192x1xf32>
    %eq3A_110 = vector.broadcast %broadcast_in_dim3A_109 : vector<192x1xf32> to vector<192x6144xf32>
    %eq3A_111 = arith.cmpf oeq, %select_n3A_106, %eq3A_110 : vector<192x6144xf32>
    %jit3A_112 = arith.constant 6144 : i32
    %broadcast_in_dim3A_113 = vector.broadcast %jit3A_112 : i32 to vector<192x6144xi32>
    %select_n3A_114 = arith.select %eq3A_111, %iota3A, %broadcast_in_dim3A_113 : vector<192x6144xi1>, vector<192x6144xi32>
    %reduce_min3A_115 = arith.constant dense<2147483647> : vector<192xi32>
    %reduce_min3A_116 = vector.multi_reduction <minsi>, %select_n3A_114, %reduce_min3A_115 [1] : vector<192x6144xi32> to vector<192xi32>
    %broadcast_in_dim3A_117 = vector.shape_cast %reduce_min3A_116 : vector<192xi32> to vector<192x1xi32>
    %eq3A_118 = vector.broadcast %broadcast_in_dim3A_117 : vector<192x1xi32> to vector<192x6144xi32>
    %eq3A_119 = arith.cmpi eq, %iota3A, %eq3A_118 : vector<192x6144xi32>
    %jit3A_120 = arith.constant 1.000000e+09 : f32
    %broadcast_in_dim3A_121 = vector.broadcast %jit3A_120 : f32 to vector<192x6144xf32>
    %select_n3A_122 = arith.select %eq3A_119, %broadcast_in_dim3A_121, %select_n3A_106 : vector<192x6144xi1>, vector<192x6144xf32>
    %reduce_min3A_123 = arith.constant dense<0x7F800000> : vector<192xf32>
    %reduce_min3A_124 = vector.multi_reduction <minimumf>, %select_n3A_122, %reduce_min3A_123 [1] : vector<192x6144xf32> to vector<192xf32>
    %broadcast_in_dim3A_125 = vector.shape_cast %reduce_min3A_124 : vector<192xf32> to vector<192x1xf32>
    %eq3A_126 = vector.broadcast %broadcast_in_dim3A_125 : vector<192x1xf32> to vector<192x6144xf32>
    %eq3A_127 = arith.cmpf oeq, %select_n3A_122, %eq3A_126 : vector<192x6144xf32>
    %jit3A_128 = arith.constant 6144 : i32
    %broadcast_in_dim3A_129 = vector.broadcast %jit3A_128 : i32 to vector<192x6144xi32>
    %select_n3A_130 = arith.select %eq3A_127, %iota3A, %broadcast_in_dim3A_129 : vector<192x6144xi1>, vector<192x6144xi32>
    %reduce_min3A_131 = arith.constant dense<2147483647> : vector<192xi32>
    %reduce_min3A_132 = vector.multi_reduction <minsi>, %select_n3A_130, %reduce_min3A_131 [1] : vector<192x6144xi32> to vector<192xi32>
    %broadcast_in_dim3A_133 = vector.shape_cast %reduce_min3A_132 : vector<192xi32> to vector<192x1xi32>
    %eq3A_134 = vector.broadcast %broadcast_in_dim3A_133 : vector<192x1xi32> to vector<192x6144xi32>
    %eq3A_135 = arith.cmpi eq, %iota3A, %eq3A_134 : vector<192x6144xi32>
    %jit3A_136 = arith.constant 1.000000e+09 : f32
    %broadcast_in_dim3A_137 = vector.broadcast %jit3A_136 : f32 to vector<192x6144xf32>
    %select_n3A_138 = arith.select %eq3A_135, %broadcast_in_dim3A_137, %select_n3A_122 : vector<192x6144xi1>, vector<192x6144xf32>
    %reduce_min3A_139 = arith.constant dense<0x7F800000> : vector<192xf32>
    %reduce_min3A_140 = vector.multi_reduction <minimumf>, %select_n3A_138, %reduce_min3A_139 [1] : vector<192x6144xf32> to vector<192xf32>
    %broadcast_in_dim3A_141 = vector.shape_cast %reduce_min3A_140 : vector<192xf32> to vector<192x1xf32>
    %eq3A_142 = vector.broadcast %broadcast_in_dim3A_141 : vector<192x1xf32> to vector<192x6144xf32>
    %eq3A_143 = arith.cmpf oeq, %select_n3A_138, %eq3A_142 : vector<192x6144xf32>
    %jit3A_144 = arith.constant 6144 : i32
    %broadcast_in_dim3A_145 = vector.broadcast %jit3A_144 : i32 to vector<192x6144xi32>
    %select_n3A_146 = arith.select %eq3A_143, %iota3A, %broadcast_in_dim3A_145 : vector<192x6144xi1>, vector<192x6144xi32>
    %reduce_min3A_147 = arith.constant dense<2147483647> : vector<192xi32>
    %reduce_min3A_148 = vector.multi_reduction <minsi>, %select_n3A_146, %reduce_min3A_147 [1] : vector<192x6144xi32> to vector<192xi32>
    %broadcast_in_dim3A_149 = vector.shape_cast %reduce_min3A_148 : vector<192xi32> to vector<192x1xi32>
    %concatenate3A = tpu.concatenate %broadcast_in_dim3A_37, %broadcast_in_dim3A_53, %broadcast_in_dim3A_69, %broadcast_in_dim3A_85, %broadcast_in_dim3A_101, %broadcast_in_dim3A_117, %broadcast_in_dim3A_133, %broadcast_in_dim3A_149 in 1 : vector<192x1xi32>, vector<192x1xi32>, vector<192x1xi32>, vector<192x1xi32>, vector<192x1xi32>, vector<192x1xi32>, vector<192x1xi32>, vector<192x1xi32> -> vector<192x8xi32>
    %swap3A = arith.constant 0 : index
    %swap3A_150 = arith.constant 0 : index
    %swap3A_151 = arith.constant 0 : index
    %swap3A_152 = vector.load %arg4[%swap3A, %swap3A_150, %swap3A_151] : memref<1x192x8xi32, #tpu.memory_space<vmem>>, vector<1x192x8xi32>
    %swap3A_153 = vector.shape_cast %swap3A_152 : vector<1x192x8xi32> to vector<192x8xi32>
    %swap3A_154 = vector.shape_cast %concatenate3A : vector<192x8xi32> to vector<1x192x8xi32>
    tpu.vector_store %arg4[%swap3A, %swap3A_150, %swap3A_151], %swap3A_154 {strides = array<i32>} : memref<1x192x8xi32, #tpu.memory_space<vmem>>, vector<1x192x8xi32>,
    return
  }
  func.func @transform_0(%arg0: i32, %arg1: i32) -> (i32, i32, i32) {
    %c0_i32 = arith.constant 0 : i32
    %c0_i32_0 = arith.constant 0 : i32
    return %arg0, %arg1, %c0_i32 : i32, i32, i32
  }
  func.func @transform_1(%arg0: i32, %arg1: i32) -> (i32, i32, i32) {
    %c0_i32 = arith.constant 0 : i32
    %c0_i32_0 = arith.constant 0 : i32
    %c0_i32_1 = arith.constant 0 : i32
    return %arg0, %c0_i32, %c0_i32_0 : i32, i32, i32
  }
  func.func @transform_2(%arg0: i32, %arg1: i32) -> (i32, i32, i32) {
    %c0_i32 = arith.constant 0 : i32
    %c0_i32_0 = arith.constant 0 : i32
    return %arg0, %arg1, %c0_i32 : i32, i32, i32
  }
}

module attributes {stable_mosaic.version = 14 : i64} {
  func.func @_pred_body(%arg0: i32, %arg1: memref<1x16x3xf32, #tpu.memory_space<vmem>>, %arg2: memref<1x3x16xf32, #tpu.memory_space<vmem>>, %arg3: memref<1x1x128xf32, #tpu.memory_space<vmem>>, %arg4: memref<128x128xf32, #tpu.memory_space<vmem>>, %arg5: memref<3x128xf32, #tpu.memory_space<vmem>>, %arg6: memref<3x128xf32, #tpu.memory_space<vmem>>, %arg7: memref<1x128xf32, #tpu.memory_space<vmem>>, %arg8: memref<128x128xf32, #tpu.memory_space<vmem>>, %arg9: memref<1x128xf32, #tpu.memory_space<vmem>>, %arg10: memref<128x128xf32, #tpu.memory_space<vmem>>, %arg11: memref<1x128xf32, #tpu.memory_space<vmem>>, %arg12: memref<128x3xf32, #tpu.memory_space<vmem>>, %arg13: memref<1x3xf32, #tpu.memory_space<vmem>>, %arg14: memref<1x16x128xf32, #tpu.memory_space<vmem>>, %arg15: memref<1x16x3xf32, #tpu.memory_space<vmem>>) attributes {dimension_semantics = [#tpu.dimension_semantics<arbitrary>], iteration_bounds = array<i64: 8>, scalar_prefetch = 0 : i64, scratch_operands = 0 : i64, tpu.core_type = #tpu.core_type<tc>, window_params = [{transform_indices = @transform_0, window_bounds = array<i64: 1, 16, 3>}, {transform_indices = @transform_1, window_bounds = array<i64: 1, 3, 16>}, {transform_indices = @transform_2, window_bounds = array<i64: 1, 1, 128>}, {pipeline_mode = #tpu.pipeline_mode<synchronous>, transform_indices = @transform_3, window_bounds = array<i64: 128, 128>}, {pipeline_mode = #tpu.pipeline_mode<synchronous>, transform_indices = @transform_4, window_bounds = array<i64: 3, 128>}, {pipeline_mode = #tpu.pipeline_mode<synchronous>, transform_indices = @transform_5, window_bounds = array<i64: 3, 128>}, {pipeline_mode = #tpu.pipeline_mode<synchronous>, transform_indices = @transform_6, window_bounds = array<i64: 1, 128>}, {pipeline_mode = #tpu.pipeline_mode<synchronous>, transform_indices = @transform_7, window_bounds = array<i64: 128, 128>}, {pipeline_mode = #tpu.pipeline_mode<synchronous>, transform_indices = @transform_8, window_bounds = array<i64: 1, 128>}, {pipeline_mode = #tpu.pipeline_mode<synchronous>, transform_indices = @transform_9, window_bounds = array<i64: 128, 128>}, {pipeline_mode = #tpu.pipeline_mode<synchronous>, transform_indices = @transform_10, window_bounds = array<i64: 1, 128>}, {pipeline_mode = #tpu.pipeline_mode<synchronous>, transform_indices = @transform_11, window_bounds = array<i64: 128, 3>}, {pipeline_mode = #tpu.pipeline_mode<synchronous>, transform_indices = @transform_12, window_bounds = array<i64: 1, 3>}, {transform_indices = @transform_13, window_bounds = array<i64: 1, 16, 128>}, {transform_indices = @transform_14, window_bounds = array<i64: 1, 16, 3>}]} {
    %get3A = arith.constant 0 : index
    %get3A_0 = arith.constant 0 : index
    %get3A_1 = arith.constant 0 : index
    %get3A_2 = vector.load %arg1[%get3A, %get3A_0, %get3A_1] : memref<1x16x3xf32, #tpu.memory_space<vmem>>, vector<1x16x3xf32>
    %get3A_3 = vector.shape_cast %get3A_2 : vector<1x16x3xf32> to vector<16x3xf32>
    %get3A_4 = arith.constant 0 : index
    %get3A_5 = arith.constant 0 : index
    %get3A_6 = arith.constant 0 : index
    %get3A_7 = vector.load %arg2[%get3A_4, %get3A_5, %get3A_6] : memref<1x3x16xf32, #tpu.memory_space<vmem>>, vector<1x3x16xf32>
    %get3A_8 = vector.shape_cast %get3A_7 : vector<1x3x16xf32> to vector<3x16xf32>
    %get3A_9 = arith.constant 0 : index
    %get3A_10 = arith.constant 0 : index
    %get3A_11 = arith.constant 0 : index
    %get3A_12 = vector.load %arg3[%get3A_9, %get3A_10, %get3A_11] : memref<1x1x128xf32, #tpu.memory_space<vmem>>, vector<1x1x128xf32>
    %get3A_13 = vector.shape_cast %get3A_12 : vector<1x1x128xf32> to vector<1x128xf32>
    %get3A_14 = arith.constant 0 : index
    %get3A_15 = arith.constant 0 : index
    %get3A_16 = vector.load %arg4[%get3A_14, %get3A_15] : memref<128x128xf32, #tpu.memory_space<vmem>>, vector<128x128xf32>
    %convert_element_type3A = arith.truncf %get3A_13 : vector<1x128xf32> to vector<1x128xbf16>
    %convert_element_type3A_17 = arith.truncf %get3A_16 : vector<128x128xf32> to vector<128x128xbf16>
    %dot_general3A = arith.constant dense<0.000000e+00> : vector<1x128xf32>
    %dot_general3A_18 = tpu.matmul %convert_element_type3A, %convert_element_type3A_17, %dot_general3A {dimension_numbers = #tpu.dot_dimension_numbers<[1], [0], [0], [1], [0, 0, 1, 1], [], []>, transpose_lhs_hint = false} : vector<1x128xbf16>, vector<128x128xbf16>, vector<1x128xf32> -> vector<1x128xf32>
    %get3A_19 = arith.constant 0 : index
    %get3A_20 = arith.constant 0 : index
    %get3A_21 = vector.load %arg5[%get3A_19, %get3A_20] : memref<3x128xf32, #tpu.memory_space<vmem>>, vector<3x128xf32>
    %convert_element_type3A_22 = arith.truncf %get3A_3 : vector<16x3xf32> to vector<16x3xbf16>
    %convert_element_type3A_23 = arith.truncf %get3A_21 : vector<3x128xf32> to vector<3x128xbf16>
    %dot_general3A_24 = arith.constant dense<0.000000e+00> : vector<16x128xf32>
    %dot_general3A_25 = tpu.matmul %convert_element_type3A_22, %convert_element_type3A_23, %dot_general3A_24 {dimension_numbers = #tpu.dot_dimension_numbers<[1], [0], [0], [1], [0, 0, 1, 1], [], []>, transpose_lhs_hint = false} : vector<16x3xbf16>, vector<3x128xbf16>, vector<16x128xf32> -> vector<16x128xf32>
    %add3A = vector.broadcast %dot_general3A_18 : vector<1x128xf32> to vector<16x128xf32>
    %add3A_26 = arith.addf %add3A, %dot_general3A_25 : vector<16x128xf32>
    %get3A_27 = arith.constant 0 : index
    %get3A_28 = arith.constant 0 : index
    %get3A_29 = vector.load %arg7[%get3A_27, %get3A_28] : memref<1x128xf32, #tpu.memory_space<vmem>>, vector<1x128xf32>
    %add3A_30 = vector.broadcast %get3A_29 : vector<1x128xf32> to vector<16x128xf32>
    %add3A_31 = arith.addf %add3A_26, %add3A_30 : vector<16x128xf32>
    %mul3A = arith.mulf %get3A_3, %get3A_3 : vector<16x3xf32>
    %reduce_sum3A = arith.constant dense<0.000000e+00> : vector<16xf32>
    %reduce_sum3A_32 = vector.multi_reduction <add>, %mul3A, %reduce_sum3A [1] : vector<16x3xf32> to vector<16xf32>
    %broadcast_in_dim3A = vector.shape_cast %reduce_sum3A_32 : vector<16xf32> to vector<16x1xf32>
    %mul3A_33 = arith.mulf %get3A_8, %get3A_8 : vector<3x16xf32>
    %reduce_sum3A_34 = arith.constant dense<0.000000e+00> : vector<16xf32>
    %reduce_sum3A_35 = vector.multi_reduction <add>, %mul3A_33, %reduce_sum3A_34 [0] : vector<3x16xf32> to vector<16xf32>
    %broadcast_in_dim3A_36 = vector.shape_cast %reduce_sum3A_35 : vector<16xf32> to vector<1x16xf32>
    %add3A_37 = vector.broadcast %broadcast_in_dim3A : vector<16x1xf32> to vector<16x16xf32>
    %add3A_38 = vector.broadcast %broadcast_in_dim3A_36 : vector<1x16xf32> to vector<16x16xf32>
    %add3A_39 = arith.addf %add3A_37, %add3A_38 : vector<16x16xf32>
    %convert_element_type3A_40 = arith.truncf %get3A_3 : vector<16x3xf32> to vector<16x3xbf16>
    %convert_element_type3A_41 = arith.truncf %get3A_8 : vector<3x16xf32> to vector<3x16xbf16>
    %dot_general3A_42 = arith.constant dense<0.000000e+00> : vector<16x16xf32>
    %dot_general3A_43 = tpu.matmul %convert_element_type3A_40, %convert_element_type3A_41, %dot_general3A_42 {dimension_numbers = #tpu.dot_dimension_numbers<[1], [0], [0], [1], [0, 0, 1, 1], [], []>, transpose_lhs_hint = false} : vector<16x3xbf16>, vector<3x16xbf16>, vector<16x16xf32> -> vector<16x16xf32>
    %mul3A_44 = arith.constant 2.000000e+00 : f32
    %mul3A_45 = vector.broadcast %mul3A_44 : f32 to vector<16x16xf32>
    %mul3A_46 = arith.mulf %mul3A_45, %dot_general3A_43 : vector<16x16xf32>
    %sub3A = arith.subf %add3A_39, %mul3A_46 : vector<16x16xf32>
    %iota3A = tpu.iota {dimensions = array<i32: 1>} : vector<16x16xi32>
    %iota3A_47 = tpu.iota {dimensions = array<i32: 0>} : vector<16x16xi32>
    %eq3A = arith.cmpi eq, %iota3A, %iota3A_47 : vector<16x16xi32>
    %jit3A = arith.constant 1.000000e+09 : f32
    %broadcast_in_dim3A_48 = vector.broadcast %jit3A : f32 to vector<16x16xf32>
    %select_n3A = arith.select %eq3A, %broadcast_in_dim3A_48, %sub3A : vector<16x16xi1>, vector<16x16xf32>
    %lt3A = arith.constant 0 : i32
    %lt3A_49 = vector.broadcast %lt3A : i32 to vector<16x16xi32>
    %lt3A_50 = arith.cmpi slt, %iota3A, %lt3A_49 : vector<16x16xi32>
    %reduce_min3A = arith.constant dense<0x7F800000> : vector<16xf32>
    %reduce_min3A_51 = vector.multi_reduction <minimumf>, %select_n3A, %reduce_min3A [1] : vector<16x16xf32> to vector<16xf32>
    %broadcast_in_dim3A_52 = vector.shape_cast %reduce_min3A_51 : vector<16xf32> to vector<16x1xf32>
    %eq3A_53 = vector.broadcast %broadcast_in_dim3A_52 : vector<16x1xf32> to vector<16x16xf32>
    %eq3A_54 = arith.cmpf oeq, %select_n3A, %eq3A_53 : vector<16x16xf32>
    %jit3A_55 = arith.constant 16 : i32
    %broadcast_in_dim3A_56 = vector.broadcast %jit3A_55 : i32 to vector<16x16xi32>
    %select_n3A_57 = arith.select %eq3A_54, %iota3A, %broadcast_in_dim3A_56 : vector<16x16xi1>, vector<16x16xi32>
    %reduce_min3A_58 = arith.constant dense<2147483647> : vector<16xi32>
    %reduce_min3A_59 = vector.multi_reduction <minsi>, %select_n3A_57, %reduce_min3A_58 [1] : vector<16x16xi32> to vector<16xi32>
    %broadcast_in_dim3A_60 = vector.shape_cast %reduce_min3A_59 : vector<16xi32> to vector<16x1xi32>
    %eq3A_61 = vector.broadcast %broadcast_in_dim3A_60 : vector<16x1xi32> to vector<16x16xi32>
    %eq3A_62 = arith.cmpi eq, %iota3A, %eq3A_61 : vector<16x16xi32>
    %or3A = arith.ori %lt3A_50, %eq3A_62 : vector<16x16xi1>
    %jit3A_63 = arith.constant 1.000000e+09 : f32
    %broadcast_in_dim3A_64 = vector.broadcast %jit3A_63 : f32 to vector<16x16xf32>
    %select_n3A_65 = arith.select %eq3A_62, %broadcast_in_dim3A_64, %select_n3A : vector<16x16xi1>, vector<16x16xf32>
    %reduce_min3A_66 = arith.constant dense<0x7F800000> : vector<16xf32>
    %reduce_min3A_67 = vector.multi_reduction <minimumf>, %select_n3A_65, %reduce_min3A_66 [1] : vector<16x16xf32> to vector<16xf32>
    %broadcast_in_dim3A_68 = vector.shape_cast %reduce_min3A_67 : vector<16xf32> to vector<16x1xf32>
    %eq3A_69 = vector.broadcast %broadcast_in_dim3A_68 : vector<16x1xf32> to vector<16x16xf32>
    %eq3A_70 = arith.cmpf oeq, %select_n3A_65, %eq3A_69 : vector<16x16xf32>
    %jit3A_71 = arith.constant 16 : i32
    %broadcast_in_dim3A_72 = vector.broadcast %jit3A_71 : i32 to vector<16x16xi32>
    %select_n3A_73 = arith.select %eq3A_70, %iota3A, %broadcast_in_dim3A_72 : vector<16x16xi1>, vector<16x16xi32>
    %reduce_min3A_74 = arith.constant dense<2147483647> : vector<16xi32>
    %reduce_min3A_75 = vector.multi_reduction <minsi>, %select_n3A_73, %reduce_min3A_74 [1] : vector<16x16xi32> to vector<16xi32>
    %broadcast_in_dim3A_76 = vector.shape_cast %reduce_min3A_75 : vector<16xi32> to vector<16x1xi32>
    %eq3A_77 = vector.broadcast %broadcast_in_dim3A_76 : vector<16x1xi32> to vector<16x16xi32>
    %eq3A_78 = arith.cmpi eq, %iota3A, %eq3A_77 : vector<16x16xi32>
    %or3A_79 = arith.ori %or3A, %eq3A_78 : vector<16x16xi1>
    %jit3A_80 = arith.constant 1.000000e+09 : f32
    %broadcast_in_dim3A_81 = vector.broadcast %jit3A_80 : f32 to vector<16x16xf32>
    %select_n3A_82 = arith.select %eq3A_78, %broadcast_in_dim3A_81, %select_n3A_65 : vector<16x16xi1>, vector<16x16xf32>
    %reduce_min3A_83 = arith.constant dense<0x7F800000> : vector<16xf32>
    %reduce_min3A_84 = vector.multi_reduction <minimumf>, %select_n3A_82, %reduce_min3A_83 [1] : vector<16x16xf32> to vector<16xf32>
    %broadcast_in_dim3A_85 = vector.shape_cast %reduce_min3A_84 : vector<16xf32> to vector<16x1xf32>
    %eq3A_86 = vector.broadcast %broadcast_in_dim3A_85 : vector<16x1xf32> to vector<16x16xf32>
    %eq3A_87 = arith.cmpf oeq, %select_n3A_82, %eq3A_86 : vector<16x16xf32>
    %jit3A_88 = arith.constant 16 : i32
    %broadcast_in_dim3A_89 = vector.broadcast %jit3A_88 : i32 to vector<16x16xi32>
    %select_n3A_90 = arith.select %eq3A_87, %iota3A, %broadcast_in_dim3A_89 : vector<16x16xi1>, vector<16x16xi32>
    %reduce_min3A_91 = arith.constant dense<2147483647> : vector<16xi32>
    %reduce_min3A_92 = vector.multi_reduction <minsi>, %select_n3A_90, %reduce_min3A_91 [1] : vector<16x16xi32> to vector<16xi32>
    %broadcast_in_dim3A_93 = vector.shape_cast %reduce_min3A_92 : vector<16xi32> to vector<16x1xi32>
    %eq3A_94 = vector.broadcast %broadcast_in_dim3A_93 : vector<16x1xi32> to vector<16x16xi32>
    %eq3A_95 = arith.cmpi eq, %iota3A, %eq3A_94 : vector<16x16xi32>
    %or3A_96 = arith.ori %or3A_79, %eq3A_95 : vector<16x16xi1>
    %jit3A_97 = arith.constant 1.000000e+09 : f32
    %broadcast_in_dim3A_98 = vector.broadcast %jit3A_97 : f32 to vector<16x16xf32>
    %select_n3A_99 = arith.select %eq3A_95, %broadcast_in_dim3A_98, %select_n3A_82 : vector<16x16xi1>, vector<16x16xf32>
    %reduce_min3A_100 = arith.constant dense<0x7F800000> : vector<16xf32>
    %reduce_min3A_101 = vector.multi_reduction <minimumf>, %select_n3A_99, %reduce_min3A_100 [1] : vector<16x16xf32> to vector<16xf32>
    %broadcast_in_dim3A_102 = vector.shape_cast %reduce_min3A_101 : vector<16xf32> to vector<16x1xf32>
    %eq3A_103 = vector.broadcast %broadcast_in_dim3A_102 : vector<16x1xf32> to vector<16x16xf32>
    %eq3A_104 = arith.cmpf oeq, %select_n3A_99, %eq3A_103 : vector<16x16xf32>
    %jit3A_105 = arith.constant 16 : i32
    %broadcast_in_dim3A_106 = vector.broadcast %jit3A_105 : i32 to vector<16x16xi32>
    %select_n3A_107 = arith.select %eq3A_104, %iota3A, %broadcast_in_dim3A_106 : vector<16x16xi1>, vector<16x16xi32>
    %reduce_min3A_108 = arith.constant dense<2147483647> : vector<16xi32>
    %reduce_min3A_109 = vector.multi_reduction <minsi>, %select_n3A_107, %reduce_min3A_108 [1] : vector<16x16xi32> to vector<16xi32>
    %broadcast_in_dim3A_110 = vector.shape_cast %reduce_min3A_109 : vector<16xi32> to vector<16x1xi32>
    %eq3A_111 = vector.broadcast %broadcast_in_dim3A_110 : vector<16x1xi32> to vector<16x16xi32>
    %eq3A_112 = arith.cmpi eq, %iota3A, %eq3A_111 : vector<16x16xi32>
    %or3A_113 = arith.ori %or3A_96, %eq3A_112 : vector<16x16xi1>
    %jit3A_114 = arith.constant 1.000000e+09 : f32
    %broadcast_in_dim3A_115 = vector.broadcast %jit3A_114 : f32 to vector<16x16xf32>
    %select_n3A_116 = arith.select %eq3A_112, %broadcast_in_dim3A_115, %select_n3A_99 : vector<16x16xi1>, vector<16x16xf32>
    %reduce_min3A_117 = arith.constant dense<0x7F800000> : vector<16xf32>
    %reduce_min3A_118 = vector.multi_reduction <minimumf>, %select_n3A_116, %reduce_min3A_117 [1] : vector<16x16xf32> to vector<16xf32>
    %broadcast_in_dim3A_119 = vector.shape_cast %reduce_min3A_118 : vector<16xf32> to vector<16x1xf32>
    %eq3A_120 = vector.broadcast %broadcast_in_dim3A_119 : vector<16x1xf32> to vector<16x16xf32>
    %eq3A_121 = arith.cmpf oeq, %select_n3A_116, %eq3A_120 : vector<16x16xf32>
    %jit3A_122 = arith.constant 16 : i32
    %broadcast_in_dim3A_123 = vector.broadcast %jit3A_122 : i32 to vector<16x16xi32>
    %select_n3A_124 = arith.select %eq3A_121, %iota3A, %broadcast_in_dim3A_123 : vector<16x16xi1>, vector<16x16xi32>
    %reduce_min3A_125 = arith.constant dense<2147483647> : vector<16xi32>
    %reduce_min3A_126 = vector.multi_reduction <minsi>, %select_n3A_124, %reduce_min3A_125 [1] : vector<16x16xi32> to vector<16xi32>
    %broadcast_in_dim3A_127 = vector.shape_cast %reduce_min3A_126 : vector<16xi32> to vector<16x1xi32>
    %eq3A_128 = vector.broadcast %broadcast_in_dim3A_127 : vector<16x1xi32> to vector<16x16xi32>
    %eq3A_129 = arith.cmpi eq, %iota3A, %eq3A_128 : vector<16x16xi32>
    %or3A_130 = arith.ori %or3A_113, %eq3A_129 : vector<16x16xi1>
    %jit3A_131 = arith.constant 1.000000e+09 : f32
    %broadcast_in_dim3A_132 = vector.broadcast %jit3A_131 : f32 to vector<16x16xf32>
    %select_n3A_133 = arith.select %eq3A_129, %broadcast_in_dim3A_132, %select_n3A_116 : vector<16x16xi1>, vector<16x16xf32>
    %reduce_min3A_134 = arith.constant dense<0x7F800000> : vector<16xf32>
    %reduce_min3A_135 = vector.multi_reduction <minimumf>, %select_n3A_133, %reduce_min3A_134 [1] : vector<16x16xf32> to vector<16xf32>
    %broadcast_in_dim3A_136 = vector.shape_cast %reduce_min3A_135 : vector<16xf32> to vector<16x1xf32>
    %eq3A_137 = vector.broadcast %broadcast_in_dim3A_136 : vector<16x1xf32> to vector<16x16xf32>
    %eq3A_138 = arith.cmpf oeq, %select_n3A_133, %eq3A_137 : vector<16x16xf32>
    %jit3A_139 = arith.constant 16 : i32
    %broadcast_in_dim3A_140 = vector.broadcast %jit3A_139 : i32 to vector<16x16xi32>
    %select_n3A_141 = arith.select %eq3A_138, %iota3A, %broadcast_in_dim3A_140 : vector<16x16xi1>, vector<16x16xi32>
    %reduce_min3A_142 = arith.constant dense<2147483647> : vector<16xi32>
    %reduce_min3A_143 = vector.multi_reduction <minsi>, %select_n3A_141, %reduce_min3A_142 [1] : vector<16x16xi32> to vector<16xi32>
    %broadcast_in_dim3A_144 = vector.shape_cast %reduce_min3A_143 : vector<16xi32> to vector<16x1xi32>
    %eq3A_145 = vector.broadcast %broadcast_in_dim3A_144 : vector<16x1xi32> to vector<16x16xi32>
    %eq3A_146 = arith.cmpi eq, %iota3A, %eq3A_145 : vector<16x16xi32>
    %or3A_147 = arith.ori %or3A_130, %eq3A_146 : vector<16x16xi1>
    %jit3A_148 = arith.constant 1.000000e+09 : f32
    %broadcast_in_dim3A_149 = vector.broadcast %jit3A_148 : f32 to vector<16x16xf32>
    %select_n3A_150 = arith.select %eq3A_146, %broadcast_in_dim3A_149, %select_n3A_133 : vector<16x16xi1>, vector<16x16xf32>
    %reduce_min3A_151 = arith.constant dense<0x7F800000> : vector<16xf32>
    %reduce_min3A_152 = vector.multi_reduction <minimumf>, %select_n3A_150, %reduce_min3A_151 [1] : vector<16x16xf32> to vector<16xf32>
    %broadcast_in_dim3A_153 = vector.shape_cast %reduce_min3A_152 : vector<16xf32> to vector<16x1xf32>
    %eq3A_154 = vector.broadcast %broadcast_in_dim3A_153 : vector<16x1xf32> to vector<16x16xf32>
    %eq3A_155 = arith.cmpf oeq, %select_n3A_150, %eq3A_154 : vector<16x16xf32>
    %jit3A_156 = arith.constant 16 : i32
    %broadcast_in_dim3A_157 = vector.broadcast %jit3A_156 : i32 to vector<16x16xi32>
    %select_n3A_158 = arith.select %eq3A_155, %iota3A, %broadcast_in_dim3A_157 : vector<16x16xi1>, vector<16x16xi32>
    %reduce_min3A_159 = arith.constant dense<2147483647> : vector<16xi32>
    %reduce_min3A_160 = vector.multi_reduction <minsi>, %select_n3A_158, %reduce_min3A_159 [1] : vector<16x16xi32> to vector<16xi32>
    %broadcast_in_dim3A_161 = vector.shape_cast %reduce_min3A_160 : vector<16xi32> to vector<16x1xi32>
    %eq3A_162 = vector.broadcast %broadcast_in_dim3A_161 : vector<16x1xi32> to vector<16x16xi32>
    %eq3A_163 = arith.cmpi eq, %iota3A, %eq3A_162 : vector<16x16xi32>
    %or3A_164 = arith.ori %or3A_147, %eq3A_163 : vector<16x16xi1>
    %jit3A_165 = arith.constant 1.000000e+09 : f32
    %broadcast_in_dim3A_166 = vector.broadcast %jit3A_165 : f32 to vector<16x16xf32>
    %select_n3A_167 = arith.select %eq3A_163, %broadcast_in_dim3A_166, %select_n3A_150 : vector<16x16xi1>, vector<16x16xf32>
    %reduce_min3A_168 = arith.constant dense<0x7F800000> : vector<16xf32>
    %reduce_min3A_169 = vector.multi_reduction <minimumf>, %select_n3A_167, %reduce_min3A_168 [1] : vector<16x16xf32> to vector<16xf32>
    %broadcast_in_dim3A_170 = vector.shape_cast %reduce_min3A_169 : vector<16xf32> to vector<16x1xf32>
    %eq3A_171 = vector.broadcast %broadcast_in_dim3A_170 : vector<16x1xf32> to vector<16x16xf32>
    %eq3A_172 = arith.cmpf oeq, %select_n3A_167, %eq3A_171 : vector<16x16xf32>
    %jit3A_173 = arith.constant 16 : i32
    %broadcast_in_dim3A_174 = vector.broadcast %jit3A_173 : i32 to vector<16x16xi32>
    %select_n3A_175 = arith.select %eq3A_172, %iota3A, %broadcast_in_dim3A_174 : vector<16x16xi1>, vector<16x16xi32>
    %reduce_min3A_176 = arith.constant dense<2147483647> : vector<16xi32>
    %reduce_min3A_177 = vector.multi_reduction <minsi>, %select_n3A_175, %reduce_min3A_176 [1] : vector<16x16xi32> to vector<16xi32>
    %broadcast_in_dim3A_178 = vector.shape_cast %reduce_min3A_177 : vector<16xi32> to vector<16x1xi32>
    %eq3A_179 = vector.broadcast %broadcast_in_dim3A_178 : vector<16x1xi32> to vector<16x16xi32>
    %eq3A_180 = arith.cmpi eq, %iota3A, %eq3A_179 : vector<16x16xi32>
    %or3A_181 = arith.ori %or3A_164, %eq3A_180 : vector<16x16xi1>
    %get3A_182 = arith.constant 0 : index
    %get3A_183 = arith.constant 0 : index
    %get3A_184 = vector.load %arg6[%get3A_182, %get3A_183] : memref<3x128xf32, #tpu.memory_space<vmem>>, vector<3x128xf32>
    %get3A_185 = arith.constant 0 : index
    %get3A_186 = arith.constant 0 : index
    %get3A_187 = vector.load %arg8[%get3A_185, %get3A_186] : memref<128x128xf32, #tpu.memory_space<vmem>>, vector<128x128xf32>
    %broadcast_in_dim3A_188 = arith.constant -1.000000e+30 : f32
    %broadcast_in_dim3A_189 = vector.broadcast %broadcast_in_dim3A_188 : f32 to vector<16x128xf32>
    %slice3A = vector.extract_strided_slice %get3A_3 {offsets = [0, 0], sizes = [1, 3], strides = [1, 1]} : vector<16x3xf32> to vector<1x3xf32>
    %sub3A_190 = vector.broadcast %slice3A : vector<1x3xf32> to vector<16x3xf32>
    %sub3A_191 = arith.subf %sub3A_190, %get3A_3 : vector<16x3xf32>
    %convert_element_type3A_192 = arith.truncf %sub3A_191 : vector<16x3xf32> to vector<16x3xbf16>
    %convert_element_type3A_193 = arith.truncf %get3A_184 : vector<3x128xf32> to vector<3x128xbf16>
    %dot_general3A_194 = arith.constant dense<0.000000e+00> : vector<16x128xf32>
    %dot_general3A_195 = tpu.matmul %convert_element_type3A_192, %convert_element_type3A_193, %dot_general3A_194 {dimension_numbers = #tpu.dot_dimension_numbers<[1], [0], [0], [1], [0, 0, 1, 1], [], []>, transpose_lhs_hint = false} : vector<16x3xbf16>, vector<3x128xbf16>, vector<16x128xf32> -> vector<16x128xf32>
    %add3A_196 = arith.addf %add3A_31, %dot_general3A_195 : vector<16x128xf32>
    %max3A = arith.constant 0.000000e+00 : f32
    %max3A_197 = vector.broadcast %max3A : f32 to vector<16x128xf32>
    %max3A_198 = arith.maximumf %add3A_196, %max3A_197 : vector<16x128xf32>
    %convert_element_type3A_199 = arith.truncf %max3A_198 : vector<16x128xf32> to vector<16x128xbf16>
    %convert_element_type3A_200 = arith.truncf %get3A_187 : vector<128x128xf32> to vector<128x128xbf16>
    %dot_general3A_201 = arith.constant dense<0.000000e+00> : vector<16x128xf32>
    %dot_general3A_202 = tpu.matmul %convert_element_type3A_199, %convert_element_type3A_200, %dot_general3A_201 {dimension_numbers = #tpu.dot_dimension_numbers<[1], [0], [0], [1], [0, 0, 1, 1], [], []>, transpose_lhs_hint = false} : vector<16x128xbf16>, vector<128x128xbf16>, vector<16x128xf32> -> vector<16x128xf32>
    %slice3A_203 = vector.extract_strided_slice %or3A_181 {offsets = [0, 0], sizes = [16, 1], strides = [1, 1]} : vector<16x16xi1> to vector<16x1xi1>
    %max3A_204 = arith.maximumf %broadcast_in_dim3A_189, %dot_general3A_202 : vector<16x128xf32>
    %broadcast_in_dim3A_205 = vector.shape_cast %slice3A_203 : vector<16x1xi1> to vector<16x1xi1>
    %broadcast_in_dim3A_206 = vector.broadcast %broadcast_in_dim3A_205 : vector<16x1xi1> to vector<16x128xi1>
    %select_n3A_207 = arith.select %broadcast_in_dim3A_206, %max3A_204, %broadcast_in_dim3A_189 : vector<16x128xi1>, vector<16x128xf32>
    %slice3A_208 = vector.extract_strided_slice %get3A_3 {offsets = [1, 0], sizes = [1, 3], strides = [1, 1]} : vector<16x3xf32> to vector<1x3xf32>
    %sub3A_209 = vector.broadcast %slice3A_208 : vector<1x3xf32> to vector<16x3xf32>
    %sub3A_210 = arith.subf %sub3A_209, %get3A_3 : vector<16x3xf32>
    %convert_element_type3A_211 = arith.truncf %sub3A_210 : vector<16x3xf32> to vector<16x3xbf16>
    %convert_element_type3A_212 = arith.truncf %get3A_184 : vector<3x128xf32> to vector<3x128xbf16>
    %dot_general3A_213 = arith.constant dense<0.000000e+00> : vector<16x128xf32>
    %dot_general3A_214 = tpu.matmul %convert_element_type3A_211, %convert_element_type3A_212, %dot_general3A_213 {dimension_numbers = #tpu.dot_dimension_numbers<[1], [0], [0], [1], [0, 0, 1, 1], [], []>, transpose_lhs_hint = false} : vector<16x3xbf16>, vector<3x128xbf16>, vector<16x128xf32> -> vector<16x128xf32>
    %add3A_215 = arith.addf %add3A_31, %dot_general3A_214 : vector<16x128xf32>
    %max3A_216 = arith.constant 0.000000e+00 : f32
    %max3A_217 = vector.broadcast %max3A_216 : f32 to vector<16x128xf32>
    %max3A_218 = arith.maximumf %add3A_215, %max3A_217 : vector<16x128xf32>
    %convert_element_type3A_219 = arith.truncf %max3A_218 : vector<16x128xf32> to vector<16x128xbf16>
    %convert_element_type3A_220 = arith.truncf %get3A_187 : vector<128x128xf32> to vector<128x128xbf16>
    %dot_general3A_221 = arith.constant dense<0.000000e+00> : vector<16x128xf32>
    %dot_general3A_222 = tpu.matmul %convert_element_type3A_219, %convert_element_type3A_220, %dot_general3A_221 {dimension_numbers = #tpu.dot_dimension_numbers<[1], [0], [0], [1], [0, 0, 1, 1], [], []>, transpose_lhs_hint = false} : vector<16x128xbf16>, vector<128x128xbf16>, vector<16x128xf32> -> vector<16x128xf32>
    %slice3A_223 = vector.extract_strided_slice %or3A_181 {offsets = [0, 1], sizes = [16, 1], strides = [1, 1]} : vector<16x16xi1> to vector<16x1xi1>
    %max3A_224 = arith.maximumf %select_n3A_207, %dot_general3A_222 : vector<16x128xf32>
    %broadcast_in_dim3A_225 = vector.shape_cast %slice3A_223 : vector<16x1xi1> to vector<16x1xi1>
    %broadcast_in_dim3A_226 = vector.broadcast %broadcast_in_dim3A_225 : vector<16x1xi1> to vector<16x128xi1>
    %select_n3A_227 = arith.select %broadcast_in_dim3A_226, %max3A_224, %select_n3A_207 : vector<16x128xi1>, vector<16x128xf32>
    %slice3A_228 = vector.extract_strided_slice %get3A_3 {offsets = [2, 0], sizes = [1, 3], strides = [1, 1]} : vector<16x3xf32> to vector<1x3xf32>
    %sub3A_229 = vector.broadcast %slice3A_228 : vector<1x3xf32> to vector<16x3xf32>
    %sub3A_230 = arith.subf %sub3A_229, %get3A_3 : vector<16x3xf32>
    %convert_element_type3A_231 = arith.truncf %sub3A_230 : vector<16x3xf32> to vector<16x3xbf16>
    %convert_element_type3A_232 = arith.truncf %get3A_184 : vector<3x128xf32> to vector<3x128xbf16>
    %dot_general3A_233 = arith.constant dense<0.000000e+00> : vector<16x128xf32>
    %dot_general3A_234 = tpu.matmul %convert_element_type3A_231, %convert_element_type3A_232, %dot_general3A_233 {dimension_numbers = #tpu.dot_dimension_numbers<[1], [0], [0], [1], [0, 0, 1, 1], [], []>, transpose_lhs_hint = false} : vector<16x3xbf16>, vector<3x128xbf16>, vector<16x128xf32> -> vector<16x128xf32>
    %add3A_235 = arith.addf %add3A_31, %dot_general3A_234 : vector<16x128xf32>
    %max3A_236 = arith.constant 0.000000e+00 : f32
    %max3A_237 = vector.broadcast %max3A_236 : f32 to vector<16x128xf32>
    %max3A_238 = arith.maximumf %add3A_235, %max3A_237 : vector<16x128xf32>
    %convert_element_type3A_239 = arith.truncf %max3A_238 : vector<16x128xf32> to vector<16x128xbf16>
    %convert_element_type3A_240 = arith.truncf %get3A_187 : vector<128x128xf32> to vector<128x128xbf16>
    %dot_general3A_241 = arith.constant dense<0.000000e+00> : vector<16x128xf32>
    %dot_general3A_242 = tpu.matmul %convert_element_type3A_239, %convert_element_type3A_240, %dot_general3A_241 {dimension_numbers = #tpu.dot_dimension_numbers<[1], [0], [0], [1], [0, 0, 1, 1], [], []>, transpose_lhs_hint = false} : vector<16x128xbf16>, vector<128x128xbf16>, vector<16x128xf32> -> vector<16x128xf32>
    %slice3A_243 = vector.extract_strided_slice %or3A_181 {offsets = [0, 2], sizes = [16, 1], strides = [1, 1]} : vector<16x16xi1> to vector<16x1xi1>
    %max3A_244 = arith.maximumf %select_n3A_227, %dot_general3A_242 : vector<16x128xf32>
    %broadcast_in_dim3A_245 = vector.shape_cast %slice3A_243 : vector<16x1xi1> to vector<16x1xi1>
    %broadcast_in_dim3A_246 = vector.broadcast %broadcast_in_dim3A_245 : vector<16x1xi1> to vector<16x128xi1>
    %select_n3A_247 = arith.select %broadcast_in_dim3A_246, %max3A_244, %select_n3A_227 : vector<16x128xi1>, vector<16x128xf32>
    %slice3A_248 = vector.extract_strided_slice %get3A_3 {offsets = [3, 0], sizes = [1, 3], strides = [1, 1]} : vector<16x3xf32> to vector<1x3xf32>
    %sub3A_249 = vector.broadcast %slice3A_248 : vector<1x3xf32> to vector<16x3xf32>
    %sub3A_250 = arith.subf %sub3A_249, %get3A_3 : vector<16x3xf32>
    %convert_element_type3A_251 = arith.truncf %sub3A_250 : vector<16x3xf32> to vector<16x3xbf16>
    %convert_element_type3A_252 = arith.truncf %get3A_184 : vector<3x128xf32> to vector<3x128xbf16>
    %dot_general3A_253 = arith.constant dense<0.000000e+00> : vector<16x128xf32>
    %dot_general3A_254 = tpu.matmul %convert_element_type3A_251, %convert_element_type3A_252, %dot_general3A_253 {dimension_numbers = #tpu.dot_dimension_numbers<[1], [0], [0], [1], [0, 0, 1, 1], [], []>, transpose_lhs_hint = false} : vector<16x3xbf16>, vector<3x128xbf16>, vector<16x128xf32> -> vector<16x128xf32>
    %add3A_255 = arith.addf %add3A_31, %dot_general3A_254 : vector<16x128xf32>
    %max3A_256 = arith.constant 0.000000e+00 : f32
    %max3A_257 = vector.broadcast %max3A_256 : f32 to vector<16x128xf32>
    %max3A_258 = arith.maximumf %add3A_255, %max3A_257 : vector<16x128xf32>
    %convert_element_type3A_259 = arith.truncf %max3A_258 : vector<16x128xf32> to vector<16x128xbf16>
    %convert_element_type3A_260 = arith.truncf %get3A_187 : vector<128x128xf32> to vector<128x128xbf16>
    %dot_general3A_261 = arith.constant dense<0.000000e+00> : vector<16x128xf32>
    %dot_general3A_262 = tpu.matmul %convert_element_type3A_259, %convert_element_type3A_260, %dot_general3A_261 {dimension_numbers = #tpu.dot_dimension_numbers<[1], [0], [0], [1], [0, 0, 1, 1], [], []>, transpose_lhs_hint = false} : vector<16x128xbf16>, vector<128x128xbf16>, vector<16x128xf32> -> vector<16x128xf32>
    %slice3A_263 = vector.extract_strided_slice %or3A_181 {offsets = [0, 3], sizes = [16, 1], strides = [1, 1]} : vector<16x16xi1> to vector<16x1xi1>
    %max3A_264 = arith.maximumf %select_n3A_247, %dot_general3A_262 : vector<16x128xf32>
    %broadcast_in_dim3A_265 = vector.shape_cast %slice3A_263 : vector<16x1xi1> to vector<16x1xi1>
    %broadcast_in_dim3A_266 = vector.broadcast %broadcast_in_dim3A_265 : vector<16x1xi1> to vector<16x128xi1>
    %select_n3A_267 = arith.select %broadcast_in_dim3A_266, %max3A_264, %select_n3A_247 : vector<16x128xi1>, vector<16x128xf32>
    %slice3A_268 = vector.extract_strided_slice %get3A_3 {offsets = [4, 0], sizes = [1, 3], strides = [1, 1]} : vector<16x3xf32> to vector<1x3xf32>
    %sub3A_269 = vector.broadcast %slice3A_268 : vector<1x3xf32> to vector<16x3xf32>
    %sub3A_270 = arith.subf %sub3A_269, %get3A_3 : vector<16x3xf32>
    %convert_element_type3A_271 = arith.truncf %sub3A_270 : vector<16x3xf32> to vector<16x3xbf16>
    %convert_element_type3A_272 = arith.truncf %get3A_184 : vector<3x128xf32> to vector<3x128xbf16>
    %dot_general3A_273 = arith.constant dense<0.000000e+00> : vector<16x128xf32>
    %dot_general3A_274 = tpu.matmul %convert_element_type3A_271, %convert_element_type3A_272, %dot_general3A_273 {dimension_numbers = #tpu.dot_dimension_numbers<[1], [0], [0], [1], [0, 0, 1, 1], [], []>, transpose_lhs_hint = false} : vector<16x3xbf16>, vector<3x128xbf16>, vector<16x128xf32> -> vector<16x128xf32>
    %add3A_275 = arith.addf %add3A_31, %dot_general3A_274 : vector<16x128xf32>
    %max3A_276 = arith.constant 0.000000e+00 : f32
    %max3A_277 = vector.broadcast %max3A_276 : f32 to vector<16x128xf32>
    %max3A_278 = arith.maximumf %add3A_275, %max3A_277 : vector<16x128xf32>
    %convert_element_type3A_279 = arith.truncf %max3A_278 : vector<16x128xf32> to vector<16x128xbf16>
    %convert_element_type3A_280 = arith.truncf %get3A_187 : vector<128x128xf32> to vector<128x128xbf16>
    %dot_general3A_281 = arith.constant dense<0.000000e+00> : vector<16x128xf32>
    %dot_general3A_282 = tpu.matmul %convert_element_type3A_279, %convert_element_type3A_280, %dot_general3A_281 {dimension_numbers = #tpu.dot_dimension_numbers<[1], [0], [0], [1], [0, 0, 1, 1], [], []>, transpose_lhs_hint = false} : vector<16x128xbf16>, vector<128x128xbf16>, vector<16x128xf32> -> vector<16x128xf32>
    %slice3A_283 = vector.extract_strided_slice %or3A_181 {offsets = [0, 4], sizes = [16, 1], strides = [1, 1]} : vector<16x16xi1> to vector<16x1xi1>
    %max3A_284 = arith.maximumf %select_n3A_267, %dot_general3A_282 : vector<16x128xf32>
    %broadcast_in_dim3A_285 = vector.shape_cast %slice3A_283 : vector<16x1xi1> to vector<16x1xi1>
    %broadcast_in_dim3A_286 = vector.broadcast %broadcast_in_dim3A_285 : vector<16x1xi1> to vector<16x128xi1>
    %select_n3A_287 = arith.select %broadcast_in_dim3A_286, %max3A_284, %select_n3A_267 : vector<16x128xi1>, vector<16x128xf32>
    %slice3A_288 = vector.extract_strided_slice %get3A_3 {offsets = [5, 0], sizes = [1, 3], strides = [1, 1]} : vector<16x3xf32> to vector<1x3xf32>
    %sub3A_289 = vector.broadcast %slice3A_288 : vector<1x3xf32> to vector<16x3xf32>
    %sub3A_290 = arith.subf %sub3A_289, %get3A_3 : vector<16x3xf32>
    %convert_element_type3A_291 = arith.truncf %sub3A_290 : vector<16x3xf32> to vector<16x3xbf16>
    %convert_element_type3A_292 = arith.truncf %get3A_184 : vector<3x128xf32> to vector<3x128xbf16>
    %dot_general3A_293 = arith.constant dense<0.000000e+00> : vector<16x128xf32>
    %dot_general3A_294 = tpu.matmul %convert_element_type3A_291, %convert_element_type3A_292, %dot_general3A_293 {dimension_numbers = #tpu.dot_dimension_numbers<[1], [0], [0], [1], [0, 0, 1, 1], [], []>, transpose_lhs_hint = false} : vector<16x3xbf16>, vector<3x128xbf16>, vector<16x128xf32> -> vector<16x128xf32>
    %add3A_295 = arith.addf %add3A_31, %dot_general3A_294 : vector<16x128xf32>
    %max3A_296 = arith.constant 0.000000e+00 : f32
    %max3A_297 = vector.broadcast %max3A_296 : f32 to vector<16x128xf32>
    %max3A_298 = arith.maximumf %add3A_295, %max3A_297 : vector<16x128xf32>
    %convert_element_type3A_299 = arith.truncf %max3A_298 : vector<16x128xf32> to vector<16x128xbf16>
    %convert_element_type3A_300 = arith.truncf %get3A_187 : vector<128x128xf32> to vector<128x128xbf16>
    %dot_general3A_301 = arith.constant dense<0.000000e+00> : vector<16x128xf32>
    %dot_general3A_302 = tpu.matmul %convert_element_type3A_299, %convert_element_type3A_300, %dot_general3A_301 {dimension_numbers = #tpu.dot_dimension_numbers<[1], [0], [0], [1], [0, 0, 1, 1], [], []>, transpose_lhs_hint = false} : vector<16x128xbf16>, vector<128x128xbf16>, vector<16x128xf32> -> vector<16x128xf32>
    %slice3A_303 = vector.extract_strided_slice %or3A_181 {offsets = [0, 5], sizes = [16, 1], strides = [1, 1]} : vector<16x16xi1> to vector<16x1xi1>
    %max3A_304 = arith.maximumf %select_n3A_287, %dot_general3A_302 : vector<16x128xf32>
    %broadcast_in_dim3A_305 = vector.shape_cast %slice3A_303 : vector<16x1xi1> to vector<16x1xi1>
    %broadcast_in_dim3A_306 = vector.broadcast %broadcast_in_dim3A_305 : vector<16x1xi1> to vector<16x128xi1>
    %select_n3A_307 = arith.select %broadcast_in_dim3A_306, %max3A_304, %select_n3A_287 : vector<16x128xi1>, vector<16x128xf32>
    %slice3A_308 = vector.extract_strided_slice %get3A_3 {offsets = [6, 0], sizes = [1, 3], strides = [1, 1]} : vector<16x3xf32> to vector<1x3xf32>
    %sub3A_309 = vector.broadcast %slice3A_308 : vector<1x3xf32> to vector<16x3xf32>
    %sub3A_310 = arith.subf %sub3A_309, %get3A_3 : vector<16x3xf32>
    %convert_element_type3A_311 = arith.truncf %sub3A_310 : vector<16x3xf32> to vector<16x3xbf16>
    %convert_element_type3A_312 = arith.truncf %get3A_184 : vector<3x128xf32> to vector<3x128xbf16>
    %dot_general3A_313 = arith.constant dense<0.000000e+00> : vector<16x128xf32>
    %dot_general3A_314 = tpu.matmul %convert_element_type3A_311, %convert_element_type3A_312, %dot_general3A_313 {dimension_numbers = #tpu.dot_dimension_numbers<[1], [0], [0], [1], [0, 0, 1, 1], [], []>, transpose_lhs_hint = false} : vector<16x3xbf16>, vector<3x128xbf16>, vector<16x128xf32> -> vector<16x128xf32>
    %add3A_315 = arith.addf %add3A_31, %dot_general3A_314 : vector<16x128xf32>
    %max3A_316 = arith.constant 0.000000e+00 : f32
    %max3A_317 = vector.broadcast %max3A_316 : f32 to vector<16x128xf32>
    %max3A_318 = arith.maximumf %add3A_315, %max3A_317 : vector<16x128xf32>
    %convert_element_type3A_319 = arith.truncf %max3A_318 : vector<16x128xf32> to vector<16x128xbf16>
    %convert_element_type3A_320 = arith.truncf %get3A_187 : vector<128x128xf32> to vector<128x128xbf16>
    %dot_general3A_321 = arith.constant dense<0.000000e+00> : vector<16x128xf32>
    %dot_general3A_322 = tpu.matmul %convert_element_type3A_319, %convert_element_type3A_320, %dot_general3A_321 {dimension_numbers = #tpu.dot_dimension_numbers<[1], [0], [0], [1], [0, 0, 1, 1], [], []>, transpose_lhs_hint = false} : vector<16x128xbf16>, vector<128x128xbf16>, vector<16x128xf32> -> vector<16x128xf32>
    %slice3A_323 = vector.extract_strided_slice %or3A_181 {offsets = [0, 6], sizes = [16, 1], strides = [1, 1]} : vector<16x16xi1> to vector<16x1xi1>
    %max3A_324 = arith.maximumf %select_n3A_307, %dot_general3A_322 : vector<16x128xf32>
    %broadcast_in_dim3A_325 = vector.shape_cast %slice3A_323 : vector<16x1xi1> to vector<16x1xi1>
    %broadcast_in_dim3A_326 = vector.broadcast %broadcast_in_dim3A_325 : vector<16x1xi1> to vector<16x128xi1>
    %select_n3A_327 = arith.select %broadcast_in_dim3A_326, %max3A_324, %select_n3A_307 : vector<16x128xi1>, vector<16x128xf32>
    %slice3A_328 = vector.extract_strided_slice %get3A_3 {offsets = [7, 0], sizes = [1, 3], strides = [1, 1]} : vector<16x3xf32> to vector<1x3xf32>
    %sub3A_329 = vector.broadcast %slice3A_328 : vector<1x3xf32> to vector<16x3xf32>
    %sub3A_330 = arith.subf %sub3A_329, %get3A_3 : vector<16x3xf32>
    %convert_element_type3A_331 = arith.truncf %sub3A_330 : vector<16x3xf32> to vector<16x3xbf16>
    %convert_element_type3A_332 = arith.truncf %get3A_184 : vector<3x128xf32> to vector<3x128xbf16>
    %dot_general3A_333 = arith.constant dense<0.000000e+00> : vector<16x128xf32>
    %dot_general3A_334 = tpu.matmul %convert_element_type3A_331, %convert_element_type3A_332, %dot_general3A_333 {dimension_numbers = #tpu.dot_dimension_numbers<[1], [0], [0], [1], [0, 0, 1, 1], [], []>, transpose_lhs_hint = false} : vector<16x3xbf16>, vector<3x128xbf16>, vector<16x128xf32> -> vector<16x128xf32>
    %add3A_335 = arith.addf %add3A_31, %dot_general3A_334 : vector<16x128xf32>
    %max3A_336 = arith.constant 0.000000e+00 : f32
    %max3A_337 = vector.broadcast %max3A_336 : f32 to vector<16x128xf32>
    %max3A_338 = arith.maximumf %add3A_335, %max3A_337 : vector<16x128xf32>
    %convert_element_type3A_339 = arith.truncf %max3A_338 : vector<16x128xf32> to vector<16x128xbf16>
    %convert_element_type3A_340 = arith.truncf %get3A_187 : vector<128x128xf32> to vector<128x128xbf16>
    %dot_general3A_341 = arith.constant dense<0.000000e+00> : vector<16x128xf32>
    %dot_general3A_342 = tpu.matmul %convert_element_type3A_339, %convert_element_type3A_340, %dot_general3A_341 {dimension_numbers = #tpu.dot_dimension_numbers<[1], [0], [0], [1], [0, 0, 1, 1], [], []>, transpose_lhs_hint = false} : vector<16x128xbf16>, vector<128x128xbf16>, vector<16x128xf32> -> vector<16x128xf32>
    %slice3A_343 = vector.extract_strided_slice %or3A_181 {offsets = [0, 7], sizes = [16, 1], strides = [1, 1]} : vector<16x16xi1> to vector<16x1xi1>
    %max3A_344 = arith.maximumf %select_n3A_327, %dot_general3A_342 : vector<16x128xf32>
    %broadcast_in_dim3A_345 = vector.shape_cast %slice3A_343 : vector<16x1xi1> to vector<16x1xi1>
    %broadcast_in_dim3A_346 = vector.broadcast %broadcast_in_dim3A_345 : vector<16x1xi1> to vector<16x128xi1>
    %select_n3A_347 = arith.select %broadcast_in_dim3A_346, %max3A_344, %select_n3A_327 : vector<16x128xi1>, vector<16x128xf32>
    %slice3A_348 = vector.extract_strided_slice %get3A_3 {offsets = [8, 0], sizes = [1, 3], strides = [1, 1]} : vector<16x3xf32> to vector<1x3xf32>
    %sub3A_349 = vector.broadcast %slice3A_348 : vector<1x3xf32> to vector<16x3xf32>
    %sub3A_350 = arith.subf %sub3A_349, %get3A_3 : vector<16x3xf32>
    %convert_element_type3A_351 = arith.truncf %sub3A_350 : vector<16x3xf32> to vector<16x3xbf16>
    %convert_element_type3A_352 = arith.truncf %get3A_184 : vector<3x128xf32> to vector<3x128xbf16>
    %dot_general3A_353 = arith.constant dense<0.000000e+00> : vector<16x128xf32>
    %dot_general3A_354 = tpu.matmul %convert_element_type3A_351, %convert_element_type3A_352, %dot_general3A_353 {dimension_numbers = #tpu.dot_dimension_numbers<[1], [0], [0], [1], [0, 0, 1, 1], [], []>, transpose_lhs_hint = false} : vector<16x3xbf16>, vector<3x128xbf16>, vector<16x128xf32> -> vector<16x128xf32>
    %add3A_355 = arith.addf %add3A_31, %dot_general3A_354 : vector<16x128xf32>
    %max3A_356 = arith.constant 0.000000e+00 : f32
    %max3A_357 = vector.broadcast %max3A_356 : f32 to vector<16x128xf32>
    %max3A_358 = arith.maximumf %add3A_355, %max3A_357 : vector<16x128xf32>
    %convert_element_type3A_359 = arith.truncf %max3A_358 : vector<16x128xf32> to vector<16x128xbf16>
    %convert_element_type3A_360 = arith.truncf %get3A_187 : vector<128x128xf32> to vector<128x128xbf16>
    %dot_general3A_361 = arith.constant dense<0.000000e+00> : vector<16x128xf32>
    %dot_general3A_362 = tpu.matmul %convert_element_type3A_359, %convert_element_type3A_360, %dot_general3A_361 {dimension_numbers = #tpu.dot_dimension_numbers<[1], [0], [0], [1], [0, 0, 1, 1], [], []>, transpose_lhs_hint = false} : vector<16x128xbf16>, vector<128x128xbf16>, vector<16x128xf32> -> vector<16x128xf32>
    %slice3A_363 = vector.extract_strided_slice %or3A_181 {offsets = [0, 8], sizes = [16, 1], strides = [1, 1]} : vector<16x16xi1> to vector<16x1xi1>
    %max3A_364 = arith.maximumf %select_n3A_347, %dot_general3A_362 : vector<16x128xf32>
    %broadcast_in_dim3A_365 = vector.shape_cast %slice3A_363 : vector<16x1xi1> to vector<16x1xi1>
    %broadcast_in_dim3A_366 = vector.broadcast %broadcast_in_dim3A_365 : vector<16x1xi1> to vector<16x128xi1>
    %select_n3A_367 = arith.select %broadcast_in_dim3A_366, %max3A_364, %select_n3A_347 : vector<16x128xi1>, vector<16x128xf32>
    %slice3A_368 = vector.extract_strided_slice %get3A_3 {offsets = [9, 0], sizes = [1, 3], strides = [1, 1]} : vector<16x3xf32> to vector<1x3xf32>
    %sub3A_369 = vector.broadcast %slice3A_368 : vector<1x3xf32> to vector<16x3xf32>
    %sub3A_370 = arith.subf %sub3A_369, %get3A_3 : vector<16x3xf32>
    %convert_element_type3A_371 = arith.truncf %sub3A_370 : vector<16x3xf32> to vector<16x3xbf16>
    %convert_element_type3A_372 = arith.truncf %get3A_184 : vector<3x128xf32> to vector<3x128xbf16>
    %dot_general3A_373 = arith.constant dense<0.000000e+00> : vector<16x128xf32>
    %dot_general3A_374 = tpu.matmul %convert_element_type3A_371, %convert_element_type3A_372, %dot_general3A_373 {dimension_numbers = #tpu.dot_dimension_numbers<[1], [0], [0], [1], [0, 0, 1, 1], [], []>, transpose_lhs_hint = false} : vector<16x3xbf16>, vector<3x128xbf16>, vector<16x128xf32> -> vector<16x128xf32>
    %add3A_375 = arith.addf %add3A_31, %dot_general3A_374 : vector<16x128xf32>
    %max3A_376 = arith.constant 0.000000e+00 : f32
    %max3A_377 = vector.broadcast %max3A_376 : f32 to vector<16x128xf32>
    %max3A_378 = arith.maximumf %add3A_375, %max3A_377 : vector<16x128xf32>
    %convert_element_type3A_379 = arith.truncf %max3A_378 : vector<16x128xf32> to vector<16x128xbf16>
    %convert_element_type3A_380 = arith.truncf %get3A_187 : vector<128x128xf32> to vector<128x128xbf16>
    %dot_general3A_381 = arith.constant dense<0.000000e+00> : vector<16x128xf32>
    %dot_general3A_382 = tpu.matmul %convert_element_type3A_379, %convert_element_type3A_380, %dot_general3A_381 {dimension_numbers = #tpu.dot_dimension_numbers<[1], [0], [0], [1], [0, 0, 1, 1], [], []>, transpose_lhs_hint = false} : vector<16x128xbf16>, vector<128x128xbf16>, vector<16x128xf32> -> vector<16x128xf32>
    %slice3A_383 = vector.extract_strided_slice %or3A_181 {offsets = [0, 9], sizes = [16, 1], strides = [1, 1]} : vector<16x16xi1> to vector<16x1xi1>
    %max3A_384 = arith.maximumf %select_n3A_367, %dot_general3A_382 : vector<16x128xf32>
    %broadcast_in_dim3A_385 = vector.shape_cast %slice3A_383 : vector<16x1xi1> to vector<16x1xi1>
    %broadcast_in_dim3A_386 = vector.broadcast %broadcast_in_dim3A_385 : vector<16x1xi1> to vector<16x128xi1>
    %select_n3A_387 = arith.select %broadcast_in_dim3A_386, %max3A_384, %select_n3A_367 : vector<16x128xi1>, vector<16x128xf32>
    %slice3A_388 = vector.extract_strided_slice %get3A_3 {offsets = [10, 0], sizes = [1, 3], strides = [1, 1]} : vector<16x3xf32> to vector<1x3xf32>
    %sub3A_389 = vector.broadcast %slice3A_388 : vector<1x3xf32> to vector<16x3xf32>
    %sub3A_390 = arith.subf %sub3A_389, %get3A_3 : vector<16x3xf32>
    %convert_element_type3A_391 = arith.truncf %sub3A_390 : vector<16x3xf32> to vector<16x3xbf16>
    %convert_element_type3A_392 = arith.truncf %get3A_184 : vector<3x128xf32> to vector<3x128xbf16>
    %dot_general3A_393 = arith.constant dense<0.000000e+00> : vector<16x128xf32>
    %dot_general3A_394 = tpu.matmul %convert_element_type3A_391, %convert_element_type3A_392, %dot_general3A_393 {dimension_numbers = #tpu.dot_dimension_numbers<[1], [0], [0], [1], [0, 0, 1, 1], [], []>, transpose_lhs_hint = false} : vector<16x3xbf16>, vector<3x128xbf16>, vector<16x128xf32> -> vector<16x128xf32>
    %add3A_395 = arith.addf %add3A_31, %dot_general3A_394 : vector<16x128xf32>
    %max3A_396 = arith.constant 0.000000e+00 : f32
    %max3A_397 = vector.broadcast %max3A_396 : f32 to vector<16x128xf32>
    %max3A_398 = arith.maximumf %add3A_395, %max3A_397 : vector<16x128xf32>
    %convert_element_type3A_399 = arith.truncf %max3A_398 : vector<16x128xf32> to vector<16x128xbf16>
    %convert_element_type3A_400 = arith.truncf %get3A_187 : vector<128x128xf32> to vector<128x128xbf16>
    %dot_general3A_401 = arith.constant dense<0.000000e+00> : vector<16x128xf32>
    %dot_general3A_402 = tpu.matmul %convert_element_type3A_399, %convert_element_type3A_400, %dot_general3A_401 {dimension_numbers = #tpu.dot_dimension_numbers<[1], [0], [0], [1], [0, 0, 1, 1], [], []>, transpose_lhs_hint = false} : vector<16x128xbf16>, vector<128x128xbf16>, vector<16x128xf32> -> vector<16x128xf32>
    %slice3A_403 = vector.extract_strided_slice %or3A_181 {offsets = [0, 10], sizes = [16, 1], strides = [1, 1]} : vector<16x16xi1> to vector<16x1xi1>
    %max3A_404 = arith.maximumf %select_n3A_387, %dot_general3A_402 : vector<16x128xf32>
    %broadcast_in_dim3A_405 = vector.shape_cast %slice3A_403 : vector<16x1xi1> to vector<16x1xi1>
    %broadcast_in_dim3A_406 = vector.broadcast %broadcast_in_dim3A_405 : vector<16x1xi1> to vector<16x128xi1>
    %select_n3A_407 = arith.select %broadcast_in_dim3A_406, %max3A_404, %select_n3A_387 : vector<16x128xi1>, vector<16x128xf32>
    %slice3A_408 = vector.extract_strided_slice %get3A_3 {offsets = [11, 0], sizes = [1, 3], strides = [1, 1]} : vector<16x3xf32> to vector<1x3xf32>
    %sub3A_409 = vector.broadcast %slice3A_408 : vector<1x3xf32> to vector<16x3xf32>
    %sub3A_410 = arith.subf %sub3A_409, %get3A_3 : vector<16x3xf32>
    %convert_element_type3A_411 = arith.truncf %sub3A_410 : vector<16x3xf32> to vector<16x3xbf16>
    %convert_element_type3A_412 = arith.truncf %get3A_184 : vector<3x128xf32> to vector<3x128xbf16>
    %dot_general3A_413 = arith.constant dense<0.000000e+00> : vector<16x128xf32>
    %dot_general3A_414 = tpu.matmul %convert_element_type3A_411, %convert_element_type3A_412, %dot_general3A_413 {dimension_numbers = #tpu.dot_dimension_numbers<[1], [0], [0], [1], [0, 0, 1, 1], [], []>, transpose_lhs_hint = false} : vector<16x3xbf16>, vector<3x128xbf16>, vector<16x128xf32> -> vector<16x128xf32>
    %add3A_415 = arith.addf %add3A_31, %dot_general3A_414 : vector<16x128xf32>
    %max3A_416 = arith.constant 0.000000e+00 : f32
    %max3A_417 = vector.broadcast %max3A_416 : f32 to vector<16x128xf32>
    %max3A_418 = arith.maximumf %add3A_415, %max3A_417 : vector<16x128xf32>
    %convert_element_type3A_419 = arith.truncf %max3A_418 : vector<16x128xf32> to vector<16x128xbf16>
    %convert_element_type3A_420 = arith.truncf %get3A_187 : vector<128x128xf32> to vector<128x128xbf16>
    %dot_general3A_421 = arith.constant dense<0.000000e+00> : vector<16x128xf32>
    %dot_general3A_422 = tpu.matmul %convert_element_type3A_419, %convert_element_type3A_420, %dot_general3A_421 {dimension_numbers = #tpu.dot_dimension_numbers<[1], [0], [0], [1], [0, 0, 1, 1], [], []>, transpose_lhs_hint = false} : vector<16x128xbf16>, vector<128x128xbf16>, vector<16x128xf32> -> vector<16x128xf32>
    %slice3A_423 = vector.extract_strided_slice %or3A_181 {offsets = [0, 11], sizes = [16, 1], strides = [1, 1]} : vector<16x16xi1> to vector<16x1xi1>
    %max3A_424 = arith.maximumf %select_n3A_407, %dot_general3A_422 : vector<16x128xf32>
    %broadcast_in_dim3A_425 = vector.shape_cast %slice3A_423 : vector<16x1xi1> to vector<16x1xi1>
    %broadcast_in_dim3A_426 = vector.broadcast %broadcast_in_dim3A_425 : vector<16x1xi1> to vector<16x128xi1>
    %select_n3A_427 = arith.select %broadcast_in_dim3A_426, %max3A_424, %select_n3A_407 : vector<16x128xi1>, vector<16x128xf32>
    %slice3A_428 = vector.extract_strided_slice %get3A_3 {offsets = [12, 0], sizes = [1, 3], strides = [1, 1]} : vector<16x3xf32> to vector<1x3xf32>
    %sub3A_429 = vector.broadcast %slice3A_428 : vector<1x3xf32> to vector<16x3xf32>
    %sub3A_430 = arith.subf %sub3A_429, %get3A_3 : vector<16x3xf32>
    %convert_element_type3A_431 = arith.truncf %sub3A_430 : vector<16x3xf32> to vector<16x3xbf16>
    %convert_element_type3A_432 = arith.truncf %get3A_184 : vector<3x128xf32> to vector<3x128xbf16>
    %dot_general3A_433 = arith.constant dense<0.000000e+00> : vector<16x128xf32>
    %dot_general3A_434 = tpu.matmul %convert_element_type3A_431, %convert_element_type3A_432, %dot_general3A_433 {dimension_numbers = #tpu.dot_dimension_numbers<[1], [0], [0], [1], [0, 0, 1, 1], [], []>, transpose_lhs_hint = false} : vector<16x3xbf16>, vector<3x128xbf16>, vector<16x128xf32> -> vector<16x128xf32>
    %add3A_435 = arith.addf %add3A_31, %dot_general3A_434 : vector<16x128xf32>
    %max3A_436 = arith.constant 0.000000e+00 : f32
    %max3A_437 = vector.broadcast %max3A_436 : f32 to vector<16x128xf32>
    %max3A_438 = arith.maximumf %add3A_435, %max3A_437 : vector<16x128xf32>
    %convert_element_type3A_439 = arith.truncf %max3A_438 : vector<16x128xf32> to vector<16x128xbf16>
    %convert_element_type3A_440 = arith.truncf %get3A_187 : vector<128x128xf32> to vector<128x128xbf16>
    %dot_general3A_441 = arith.constant dense<0.000000e+00> : vector<16x128xf32>
    %dot_general3A_442 = tpu.matmul %convert_element_type3A_439, %convert_element_type3A_440, %dot_general3A_441 {dimension_numbers = #tpu.dot_dimension_numbers<[1], [0], [0], [1], [0, 0, 1, 1], [], []>, transpose_lhs_hint = false} : vector<16x128xbf16>, vector<128x128xbf16>, vector<16x128xf32> -> vector<16x128xf32>
    %slice3A_443 = vector.extract_strided_slice %or3A_181 {offsets = [0, 12], sizes = [16, 1], strides = [1, 1]} : vector<16x16xi1> to vector<16x1xi1>
    %max3A_444 = arith.maximumf %select_n3A_427, %dot_general3A_442 : vector<16x128xf32>
    %broadcast_in_dim3A_445 = vector.shape_cast %slice3A_443 : vector<16x1xi1> to vector<16x1xi1>
    %broadcast_in_dim3A_446 = vector.broadcast %broadcast_in_dim3A_445 : vector<16x1xi1> to vector<16x128xi1>
    %select_n3A_447 = arith.select %broadcast_in_dim3A_446, %max3A_444, %select_n3A_427 : vector<16x128xi1>, vector<16x128xf32>
    %slice3A_448 = vector.extract_strided_slice %get3A_3 {offsets = [13, 0], sizes = [1, 3], strides = [1, 1]} : vector<16x3xf32> to vector<1x3xf32>
    %sub3A_449 = vector.broadcast %slice3A_448 : vector<1x3xf32> to vector<16x3xf32>
    %sub3A_450 = arith.subf %sub3A_449, %get3A_3 : vector<16x3xf32>
    %convert_element_type3A_451 = arith.truncf %sub3A_450 : vector<16x3xf32> to vector<16x3xbf16>
    %convert_element_type3A_452 = arith.truncf %get3A_184 : vector<3x128xf32> to vector<3x128xbf16>
    %dot_general3A_453 = arith.constant dense<0.000000e+00> : vector<16x128xf32>
    %dot_general3A_454 = tpu.matmul %convert_element_type3A_451, %convert_element_type3A_452, %dot_general3A_453 {dimension_numbers = #tpu.dot_dimension_numbers<[1], [0], [0], [1], [0, 0, 1, 1], [], []>, transpose_lhs_hint = false} : vector<16x3xbf16>, vector<3x128xbf16>, vector<16x128xf32> -> vector<16x128xf32>
    %add3A_455 = arith.addf %add3A_31, %dot_general3A_454 : vector<16x128xf32>
    %max3A_456 = arith.constant 0.000000e+00 : f32
    %max3A_457 = vector.broadcast %max3A_456 : f32 to vector<16x128xf32>
    %max3A_458 = arith.maximumf %add3A_455, %max3A_457 : vector<16x128xf32>
    %convert_element_type3A_459 = arith.truncf %max3A_458 : vector<16x128xf32> to vector<16x128xbf16>
    %convert_element_type3A_460 = arith.truncf %get3A_187 : vector<128x128xf32> to vector<128x128xbf16>
    %dot_general3A_461 = arith.constant dense<0.000000e+00> : vector<16x128xf32>
    %dot_general3A_462 = tpu.matmul %convert_element_type3A_459, %convert_element_type3A_460, %dot_general3A_461 {dimension_numbers = #tpu.dot_dimension_numbers<[1], [0], [0], [1], [0, 0, 1, 1], [], []>, transpose_lhs_hint = false} : vector<16x128xbf16>, vector<128x128xbf16>, vector<16x128xf32> -> vector<16x128xf32>
    %slice3A_463 = vector.extract_strided_slice %or3A_181 {offsets = [0, 13], sizes = [16, 1], strides = [1, 1]} : vector<16x16xi1> to vector<16x1xi1>
    %max3A_464 = arith.maximumf %select_n3A_447, %dot_general3A_462 : vector<16x128xf32>
    %broadcast_in_dim3A_465 = vector.shape_cast %slice3A_463 : vector<16x1xi1> to vector<16x1xi1>
    %broadcast_in_dim3A_466 = vector.broadcast %broadcast_in_dim3A_465 : vector<16x1xi1> to vector<16x128xi1>
    %select_n3A_467 = arith.select %broadcast_in_dim3A_466, %max3A_464, %select_n3A_447 : vector<16x128xi1>, vector<16x128xf32>
    %slice3A_468 = vector.extract_strided_slice %get3A_3 {offsets = [14, 0], sizes = [1, 3], strides = [1, 1]} : vector<16x3xf32> to vector<1x3xf32>
    %sub3A_469 = vector.broadcast %slice3A_468 : vector<1x3xf32> to vector<16x3xf32>
    %sub3A_470 = arith.subf %sub3A_469, %get3A_3 : vector<16x3xf32>
    %convert_element_type3A_471 = arith.truncf %sub3A_470 : vector<16x3xf32> to vector<16x3xbf16>
    %convert_element_type3A_472 = arith.truncf %get3A_184 : vector<3x128xf32> to vector<3x128xbf16>
    %dot_general3A_473 = arith.constant dense<0.000000e+00> : vector<16x128xf32>
    %dot_general3A_474 = tpu.matmul %convert_element_type3A_471, %convert_element_type3A_472, %dot_general3A_473 {dimension_numbers = #tpu.dot_dimension_numbers<[1], [0], [0], [1], [0, 0, 1, 1], [], []>, transpose_lhs_hint = false} : vector<16x3xbf16>, vector<3x128xbf16>, vector<16x128xf32> -> vector<16x128xf32>
    %add3A_475 = arith.addf %add3A_31, %dot_general3A_474 : vector<16x128xf32>
    %max3A_476 = arith.constant 0.000000e+00 : f32
    %max3A_477 = vector.broadcast %max3A_476 : f32 to vector<16x128xf32>
    %max3A_478 = arith.maximumf %add3A_475, %max3A_477 : vector<16x128xf32>
    %convert_element_type3A_479 = arith.truncf %max3A_478 : vector<16x128xf32> to vector<16x128xbf16>
    %convert_element_type3A_480 = arith.truncf %get3A_187 : vector<128x128xf32> to vector<128x128xbf16>
    %dot_general3A_481 = arith.constant dense<0.000000e+00> : vector<16x128xf32>
    %dot_general3A_482 = tpu.matmul %convert_element_type3A_479, %convert_element_type3A_480, %dot_general3A_481 {dimension_numbers = #tpu.dot_dimension_numbers<[1], [0], [0], [1], [0, 0, 1, 1], [], []>, transpose_lhs_hint = false} : vector<16x128xbf16>, vector<128x128xbf16>, vector<16x128xf32> -> vector<16x128xf32>
    %slice3A_483 = vector.extract_strided_slice %or3A_181 {offsets = [0, 14], sizes = [16, 1], strides = [1, 1]} : vector<16x16xi1> to vector<16x1xi1>
    %max3A_484 = arith.maximumf %select_n3A_467, %dot_general3A_482 : vector<16x128xf32>
    %broadcast_in_dim3A_485 = vector.shape_cast %slice3A_483 : vector<16x1xi1> to vector<16x1xi1>
    %broadcast_in_dim3A_486 = vector.broadcast %broadcast_in_dim3A_485 : vector<16x1xi1> to vector<16x128xi1>
    %select_n3A_487 = arith.select %broadcast_in_dim3A_486, %max3A_484, %select_n3A_467 : vector<16x128xi1>, vector<16x128xf32>
    %slice3A_488 = vector.extract_strided_slice %get3A_3 {offsets = [15, 0], sizes = [1, 3], strides = [1, 1]} : vector<16x3xf32> to vector<1x3xf32>
    %sub3A_489 = vector.broadcast %slice3A_488 : vector<1x3xf32> to vector<16x3xf32>
    %sub3A_490 = arith.subf %sub3A_489, %get3A_3 : vector<16x3xf32>
    %convert_element_type3A_491 = arith.truncf %sub3A_490 : vector<16x3xf32> to vector<16x3xbf16>
    %convert_element_type3A_492 = arith.truncf %get3A_184 : vector<3x128xf32> to vector<3x128xbf16>
    %dot_general3A_493 = arith.constant dense<0.000000e+00> : vector<16x128xf32>
    %dot_general3A_494 = tpu.matmul %convert_element_type3A_491, %convert_element_type3A_492, %dot_general3A_493 {dimension_numbers = #tpu.dot_dimension_numbers<[1], [0], [0], [1], [0, 0, 1, 1], [], []>, transpose_lhs_hint = false} : vector<16x3xbf16>, vector<3x128xbf16>, vector<16x128xf32> -> vector<16x128xf32>
    %add3A_495 = arith.addf %add3A_31, %dot_general3A_494 : vector<16x128xf32>
    %max3A_496 = arith.constant 0.000000e+00 : f32
    %max3A_497 = vector.broadcast %max3A_496 : f32 to vector<16x128xf32>
    %max3A_498 = arith.maximumf %add3A_495, %max3A_497 : vector<16x128xf32>
    %convert_element_type3A_499 = arith.truncf %max3A_498 : vector<16x128xf32> to vector<16x128xbf16>
    %convert_element_type3A_500 = arith.truncf %get3A_187 : vector<128x128xf32> to vector<128x128xbf16>
    %dot_general3A_501 = arith.constant dense<0.000000e+00> : vector<16x128xf32>
    %dot_general3A_502 = tpu.matmul %convert_element_type3A_499, %convert_element_type3A_500, %dot_general3A_501 {dimension_numbers = #tpu.dot_dimension_numbers<[1], [0], [0], [1], [0, 0, 1, 1], [], []>, transpose_lhs_hint = false} : vector<16x128xbf16>, vector<128x128xbf16>, vector<16x128xf32> -> vector<16x128xf32>
    %slice3A_503 = vector.extract_strided_slice %or3A_181 {offsets = [0, 15], sizes = [16, 1], strides = [1, 1]} : vector<16x16xi1> to vector<16x1xi1>
    %max3A_504 = arith.maximumf %select_n3A_487, %dot_general3A_502 : vector<16x128xf32>
    %broadcast_in_dim3A_505 = vector.shape_cast %slice3A_503 : vector<16x1xi1> to vector<16x1xi1>
    %broadcast_in_dim3A_506 = vector.broadcast %broadcast_in_dim3A_505 : vector<16x1xi1> to vector<16x128xi1>
    %select_n3A_507 = arith.select %broadcast_in_dim3A_506, %max3A_504, %select_n3A_487 : vector<16x128xi1>, vector<16x128xf32>
    %get3A_508 = arith.constant 0 : index
    %get3A_509 = arith.constant 0 : index
    %get3A_510 = vector.load %arg9[%get3A_508, %get3A_509] : memref<1x128xf32, #tpu.memory_space<vmem>>, vector<1x128xf32>
    %add3A_511 = vector.broadcast %get3A_510 : vector<1x128xf32> to vector<16x128xf32>
    %add3A_512 = arith.addf %select_n3A_507, %add3A_511 : vector<16x128xf32>
    %swap3A = arith.constant 0 : index
    %swap3A_513 = arith.constant 0 : index
    %swap3A_514 = arith.constant 0 : index
    %swap3A_515 = vector.load %arg14[%swap3A, %swap3A_513, %swap3A_514] : memref<1x16x128xf32, #tpu.memory_space<vmem>>, vector<1x16x128xf32>
    %swap3A_516 = vector.shape_cast %swap3A_515 : vector<1x16x128xf32> to vector<16x128xf32>
    %swap3A_517 = vector.shape_cast %add3A_512 : vector<16x128xf32> to vector<1x16x128xf32>
    tpu.vector_store %arg14[%swap3A, %swap3A_513, %swap3A_514], %swap3A_517 {strides = array<i32>} : memref<1x16x128xf32, #tpu.memory_space<vmem>>, vector<1x16x128xf32>,
    %get3A_518 = arith.constant 0 : index
    %get3A_519 = arith.constant 0 : index
    %get3A_520 = vector.load %arg10[%get3A_518, %get3A_519] : memref<128x128xf32, #tpu.memory_space<vmem>>, vector<128x128xf32>
    %convert_element_type3A_521 = arith.truncf %add3A_512 : vector<16x128xf32> to vector<16x128xbf16>
    %convert_element_type3A_522 = arith.truncf %get3A_520 : vector<128x128xf32> to vector<128x128xbf16>
    %dot_general3A_523 = arith.constant dense<0.000000e+00> : vector<16x128xf32>
    %dot_general3A_524 = tpu.matmul %convert_element_type3A_521, %convert_element_type3A_522, %dot_general3A_523 {dimension_numbers = #tpu.dot_dimension_numbers<[1], [0], [0], [1], [0, 0, 1, 1], [], []>, transpose_lhs_hint = false} : vector<16x128xbf16>, vector<128x128xbf16>, vector<16x128xf32> -> vector<16x128xf32>
    %get3A_525 = arith.constant 0 : index
    %get3A_526 = arith.constant 0 : index
    %get3A_527 = vector.load %arg11[%get3A_525, %get3A_526] : memref<1x128xf32, #tpu.memory_space<vmem>>, vector<1x128xf32>
    %add3A_528 = vector.broadcast %get3A_527 : vector<1x128xf32> to vector<16x128xf32>
    %add3A_529 = arith.addf %dot_general3A_524, %add3A_528 : vector<16x128xf32>
    %max3A_530 = arith.constant 0.000000e+00 : f32
    %max3A_531 = vector.broadcast %max3A_530 : f32 to vector<16x128xf32>
    %max3A_532 = arith.maximumf %add3A_529, %max3A_531 : vector<16x128xf32>
    %get3A_533 = arith.constant 0 : index
    %get3A_534 = arith.constant 0 : index
    %get3A_535 = vector.load %arg12[%get3A_533, %get3A_534] : memref<128x3xf32, #tpu.memory_space<vmem>>, vector<128x3xf32>
    %convert_element_type3A_536 = arith.truncf %max3A_532 : vector<16x128xf32> to vector<16x128xbf16>
    %convert_element_type3A_537 = arith.truncf %get3A_535 : vector<128x3xf32> to vector<128x3xbf16>
    %dot_general3A_538 = arith.constant dense<0.000000e+00> : vector<16x3xf32>
    %dot_general3A_539 = tpu.matmul %convert_element_type3A_536, %convert_element_type3A_537, %dot_general3A_538 {dimension_numbers = #tpu.dot_dimension_numbers<[1], [0], [0], [1], [0, 0, 1, 1], [], []>, transpose_lhs_hint = false} : vector<16x128xbf16>, vector<128x3xbf16>, vector<16x3xf32> -> vector<16x3xf32>
    %add3A_540 = arith.addf %get3A_3, %dot_general3A_539 : vector<16x3xf32>
    %get3A_541 = arith.constant 0 : index
    %get3A_542 = arith.constant 0 : index
    %get3A_543 = vector.load %arg13[%get3A_541, %get3A_542] : memref<1x3xf32, #tpu.memory_space<vmem>>, vector<1x3xf32>
    %add3A_544 = vector.broadcast %get3A_543 : vector<1x3xf32> to vector<16x3xf32>
    %add3A_545 = arith.addf %add3A_540, %add3A_544 : vector<16x3xf32>
    %swap3A_546 = arith.constant 0 : index
    %swap3A_547 = arith.constant 0 : index
    %swap3A_548 = arith.constant 0 : index
    %swap3A_549 = vector.load %arg15[%swap3A_546, %swap3A_547, %swap3A_548] : memref<1x16x3xf32, #tpu.memory_space<vmem>>, vector<1x16x3xf32>
    %swap3A_550 = vector.shape_cast %swap3A_549 : vector<1x16x3xf32> to vector<16x3xf32>
    %swap3A_551 = vector.shape_cast %add3A_545 : vector<16x3xf32> to vector<1x16x3xf32>
    tpu.vector_store %arg15[%swap3A_546, %swap3A_547, %swap3A_548], %swap3A_551 {strides = array<i32>} : memref<1x16x3xf32, #tpu.memory_space<vmem>>, vector<1x16x3xf32>,
    return
  }
  func.func @transform_0(%arg0: i32) -> (i32, i32, i32) {
    %c0_i32 = arith.constant 0 : i32
    %c0_i32_0 = arith.constant 0 : i32
    %c0_i32_1 = arith.constant 0 : i32
    return %arg0, %c0_i32, %c0_i32_0 : i32, i32, i32
  }
  func.func @transform_1(%arg0: i32) -> (i32, i32, i32) {
    %c0_i32 = arith.constant 0 : i32
    %c0_i32_0 = arith.constant 0 : i32
    %c0_i32_1 = arith.constant 0 : i32
    return %arg0, %c0_i32, %c0_i32_0 : i32, i32, i32
  }
  func.func @transform_2(%arg0: i32) -> (i32, i32, i32) {
    %c0_i32 = arith.constant 0 : i32
    %c0_i32_0 = arith.constant 0 : i32
    %c0_i32_1 = arith.constant 0 : i32
    return %arg0, %c0_i32, %c0_i32_0 : i32, i32, i32
  }
  func.func @transform_3(%arg0: i32) -> (i32, i32) {
    %c0_i32 = arith.constant 0 : i32
    %c0_i32_0 = arith.constant 0 : i32
    %c0_i32_1 = arith.constant 0 : i32
    return %c0_i32, %c0_i32_0 : i32, i32
  }
  func.func @transform_4(%arg0: i32) -> (i32, i32) {
    %c0_i32 = arith.constant 0 : i32
    %c0_i32_0 = arith.constant 0 : i32
    %c0_i32_1 = arith.constant 0 : i32
    return %c0_i32, %c0_i32_0 : i32, i32
  }
  func.func @transform_5(%arg0: i32) -> (i32, i32) {
    %c0_i32 = arith.constant 0 : i32
    %c0_i32_0 = arith.constant 0 : i32
    %c0_i32_1 = arith.constant 0 : i32
    return %c0_i32, %c0_i32_0 : i32, i32
  }
  func.func @transform_6(%arg0: i32) -> (i32, i32) {
    %c0_i32 = arith.constant 0 : i32
    %c0_i32_0 = arith.constant 0 : i32
    %c0_i32_1 = arith.constant 0 : i32
    return %c0_i32, %c0_i32_0 : i32, i32
  }
  func.func @transform_7(%arg0: i32) -> (i32, i32) {
    %c0_i32 = arith.constant 0 : i32
    %c0_i32_0 = arith.constant 0 : i32
    %c0_i32_1 = arith.constant 0 : i32
    return %c0_i32, %c0_i32_0 : i32, i32
  }
  func.func @transform_8(%arg0: i32) -> (i32, i32) {
    %c0_i32 = arith.constant 0 : i32
    %c0_i32_0 = arith.constant 0 : i32
    %c0_i32_1 = arith.constant 0 : i32
    return %c0_i32, %c0_i32_0 : i32, i32
  }
  func.func @transform_9(%arg0: i32) -> (i32, i32) {
    %c0_i32 = arith.constant 0 : i32
    %c0_i32_0 = arith.constant 0 : i32
    %c0_i32_1 = arith.constant 0 : i32
    return %c0_i32, %c0_i32_0 : i32, i32
  }
  func.func @transform_10(%arg0: i32) -> (i32, i32) {
    %c0_i32 = arith.constant 0 : i32
    %c0_i32_0 = arith.constant 0 : i32
    %c0_i32_1 = arith.constant 0 : i32
    return %c0_i32, %c0_i32_0 : i32, i32
  }
  func.func @transform_11(%arg0: i32) -> (i32, i32) {
    %c0_i32 = arith.constant 0 : i32
    %c0_i32_0 = arith.constant 0 : i32
    %c0_i32_1 = arith.constant 0 : i32
    return %c0_i32, %c0_i32_0 : i32, i32
  }
  func.func @transform_12(%arg0: i32) -> (i32, i32) {
    %c0_i32 = arith.constant 0 : i32
    %c0_i32_0 = arith.constant 0 : i32
    %c0_i32_1 = arith.constant 0 : i32
    return %c0_i32, %c0_i32_0 : i32, i32
  }
  func.func @transform_13(%arg0: i32) -> (i32, i32, i32) {
    %c0_i32 = arith.constant 0 : i32
    %c0_i32_0 = arith.constant 0 : i32
    %c0_i32_1 = arith.constant 0 : i32
    return %arg0, %c0_i32, %c0_i32_0 : i32, i32, i32
  }
  func.func @transform_14(%arg0: i32) -> (i32, i32, i32) {
    %c0_i32 = arith.constant 0 : i32
    %c0_i32_0 = arith.constant 0 : i32
    %c0_i32_1 = arith.constant 0 : i32
    return %arg0, %c0_i32, %c0_i32_0 : i32, i32, i32
  }
}

module attributes {stable_mosaic.version = 14 : i64} {
  func.func @_edge_body(%arg0: i32, %arg1: i32, %arg2: memref<1x512x128xf32, #tpu.memory_space<vmem>>, %arg3: memref<1x512x3xf32, #tpu.memory_space<vmem>>, %arg4: memref<1x8x512x256xf32, #tpu.memory_space<vmem>>, %arg5: memref<128x128xf32, #tpu.memory_space<vmem>>, %arg6: memref<3x128xf32, #tpu.memory_space<vmem>>, %arg7: memref<128x128xf32, #tpu.memory_space<vmem>>, %arg8: memref<3x128xf32, #tpu.memory_space<vmem>>, %arg9: memref<1x128xf32, #tpu.memory_space<vmem>>, %arg10: memref<128x128xf32, #tpu.memory_space<vmem>>, %arg11: memref<1x128xf32, #tpu.memory_space<vmem>>, %arg12: memref<128x128xf32, #tpu.memory_space<vmem>>, %arg13: memref<1x128xf32, #tpu.memory_space<vmem>>, %arg14: memref<128x3xf32, #tpu.memory_space<vmem>>, %arg15: memref<1x3xf32, #tpu.memory_space<vmem>>, %arg16: memref<1x512x128xf32, #tpu.memory_space<vmem>>, %arg17: memref<1x512x3xf32, #tpu.memory_space<vmem>>) attributes {dimension_semantics = [#tpu.dimension_semantics<arbitrary>, #tpu.dimension_semantics<arbitrary>], iteration_bounds = array<i64: 1, 12>, scalar_prefetch = 0 : i64, scratch_operands = 0 : i64, tpu.core_type = #tpu.core_type<tc>, window_params = [{transform_indices = @transform_0, window_bounds = array<i64: 1, 512, 128>}, {transform_indices = @transform_1, window_bounds = array<i64: 1, 512, 3>}, {transform_indices = @transform_2, window_bounds = array<i64: 1, 8, 512, 256>}, {pipeline_mode = #tpu.pipeline_mode<synchronous>, transform_indices = @transform_3, window_bounds = array<i64: 128, 128>}, {pipeline_mode = #tpu.pipeline_mode<synchronous>, transform_indices = @transform_4, window_bounds = array<i64: 3, 128>}, {pipeline_mode = #tpu.pipeline_mode<synchronous>, transform_indices = @transform_5, window_bounds = array<i64: 128, 128>}, {pipeline_mode = #tpu.pipeline_mode<synchronous>, transform_indices = @transform_6, window_bounds = array<i64: 3, 128>}, {pipeline_mode = #tpu.pipeline_mode<synchronous>, transform_indices = @transform_7, window_bounds = array<i64: 1, 128>}, {pipeline_mode = #tpu.pipeline_mode<synchronous>, transform_indices = @transform_8, window_bounds = array<i64: 128, 128>}, {pipeline_mode = #tpu.pipeline_mode<synchronous>, transform_indices = @transform_9, window_bounds = array<i64: 1, 128>}, {pipeline_mode = #tpu.pipeline_mode<synchronous>, transform_indices = @transform_10, window_bounds = array<i64: 128, 128>}, {pipeline_mode = #tpu.pipeline_mode<synchronous>, transform_indices = @transform_11, window_bounds = array<i64: 1, 128>}, {pipeline_mode = #tpu.pipeline_mode<synchronous>, transform_indices = @transform_12, window_bounds = array<i64: 128, 3>}, {pipeline_mode = #tpu.pipeline_mode<synchronous>, transform_indices = @transform_13, window_bounds = array<i64: 1, 3>}, {transform_indices = @transform_14, window_bounds = array<i64: 1, 512, 128>}, {transform_indices = @transform_15, window_bounds = array<i64: 1, 512, 3>}]} {
    %get3A = arith.constant 0 : index
    %get3A_0 = arith.constant 0 : index
    %get3A_1 = arith.constant 0 : index
    %get3A_2 = vector.load %arg2[%get3A, %get3A_0, %get3A_1] : memref<1x512x128xf32, #tpu.memory_space<vmem>>, vector<1x512x128xf32>
    %get3A_3 = vector.shape_cast %get3A_2 : vector<1x512x128xf32> to vector<512x128xf32>
    %get3A_4 = arith.constant 0 : index
    %get3A_5 = arith.constant 0 : index
    %get3A_6 = arith.constant 0 : index
    %get3A_7 = vector.load %arg3[%get3A_4, %get3A_5, %get3A_6] : memref<1x512x3xf32, #tpu.memory_space<vmem>>, vector<1x512x3xf32>
    %get3A_8 = vector.shape_cast %get3A_7 : vector<1x512x3xf32> to vector<512x3xf32>
    %get3A_9 = arith.constant 0 : index
    %get3A_10 = arith.constant 0 : index
    %get3A_11 = vector.load %arg5[%get3A_9, %get3A_10] : memref<128x128xf32, #tpu.memory_space<vmem>>, vector<128x128xf32>
    %convert_element_type3A = arith.truncf %get3A_3 : vector<512x128xf32> to vector<512x128xbf16>
    %convert_element_type3A_12 = arith.truncf %get3A_11 : vector<128x128xf32> to vector<128x128xbf16>
    %dot_general3A = arith.constant dense<0.000000e+00> : vector<512x128xf32>
    %dot_general3A_13 = tpu.matmul %convert_element_type3A, %convert_element_type3A_12, %dot_general3A {dimension_numbers = #tpu.dot_dimension_numbers<[1], [0], [0], [1], [0, 0, 1, 1], [], []>, transpose_lhs_hint = false} : vector<512x128xbf16>, vector<128x128xbf16>, vector<512x128xf32> -> vector<512x128xf32>
    %get3A_14 = arith.constant 0 : index
    %get3A_15 = arith.constant 0 : index
    %get3A_16 = vector.load %arg6[%get3A_14, %get3A_15] : memref<3x128xf32, #tpu.memory_space<vmem>>, vector<3x128xf32>
    %convert_element_type3A_17 = arith.truncf %get3A_8 : vector<512x3xf32> to vector<512x3xbf16>
    %convert_element_type3A_18 = arith.truncf %get3A_16 : vector<3x128xf32> to vector<3x128xbf16>
    %dot_general3A_19 = arith.constant dense<0.000000e+00> : vector<512x128xf32>
    %dot_general3A_20 = tpu.matmul %convert_element_type3A_17, %convert_element_type3A_18, %dot_general3A_19 {dimension_numbers = #tpu.dot_dimension_numbers<[1], [0], [0], [1], [0, 0, 1, 1], [], []>, transpose_lhs_hint = false} : vector<512x3xbf16>, vector<3x128xbf16>, vector<512x128xf32> -> vector<512x128xf32>
    %add3A = arith.addf %dot_general3A_13, %dot_general3A_20 : vector<512x128xf32>
    %get3A_21 = arith.constant 0 : index
    %get3A_22 = arith.constant 0 : index
    %get3A_23 = vector.load %arg9[%get3A_21, %get3A_22] : memref<1x128xf32, #tpu.memory_space<vmem>>, vector<1x128xf32>
    %add3A_24 = vector.broadcast %get3A_23 : vector<1x128xf32> to vector<512x128xf32>
    %add3A_25 = arith.addf %add3A, %add3A_24 : vector<512x128xf32>
    %get3A_26 = arith.constant 0 : index
    %get3A_27 = arith.constant 0 : index
    %get3A_28 = vector.load %arg7[%get3A_26, %get3A_27] : memref<128x128xf32, #tpu.memory_space<vmem>>, vector<128x128xf32>
    %get3A_29 = arith.constant 0 : index
    %get3A_30 = arith.constant 0 : index
    %get3A_31 = vector.load %arg8[%get3A_29, %get3A_30] : memref<3x128xf32, #tpu.memory_space<vmem>>, vector<3x128xf32>
    %get3A_32 = arith.constant 0 : index
    %get3A_33 = arith.constant 0 : index
    %get3A_34 = vector.load %arg10[%get3A_32, %get3A_33] : memref<128x128xf32, #tpu.memory_space<vmem>>, vector<128x128xf32>
    %broadcast_in_dim3A = arith.constant -1.000000e+30 : f32
    %broadcast_in_dim3A_35 = vector.broadcast %broadcast_in_dim3A : f32 to vector<512x128xf32>
    %get3A_36 = arith.constant 0 : index
    %get3A_37 = arith.constant 0 : index
    %get3A_38 = arith.constant 0 : index
    %get3A_39 = arith.constant 0 : index
    %get3A_40 = vector.load %arg4[%get3A_36, %get3A_37, %get3A_38, %get3A_39] : memref<1x8x512x256xf32, #tpu.memory_space<vmem>>, vector<1x1x512x256xf32>
    %get3A_41 = vector.shape_cast %get3A_40 : vector<1x1x512x256xf32> to vector<512x256xf32>
    %slice3A = vector.extract_strided_slice %get3A_41 {offsets = [0, 0], sizes = [512, 128], strides = [1, 1]} : vector<512x256xf32> to vector<512x128xf32>
    %sub3A = arith.subf %slice3A, %get3A_3 : vector<512x128xf32>
    %slice3A_42 = vector.extract_strided_slice %get3A_41 {offsets = [0, 128], sizes = [512, 3], strides = [1, 1]} : vector<512x256xf32> to vector<512x3xf32>
    %sub3A_43 = arith.subf %slice3A_42, %get3A_8 : vector<512x3xf32>
    %convert_element_type3A_44 = arith.truncf %sub3A : vector<512x128xf32> to vector<512x128xbf16>
    %convert_element_type3A_45 = arith.truncf %get3A_28 : vector<128x128xf32> to vector<128x128xbf16>
    %dot_general3A_46 = arith.constant dense<0.000000e+00> : vector<512x128xf32>
    %dot_general3A_47 = tpu.matmul %convert_element_type3A_44, %convert_element_type3A_45, %dot_general3A_46 {dimension_numbers = #tpu.dot_dimension_numbers<[1], [0], [0], [1], [0, 0, 1, 1], [], []>, transpose_lhs_hint = false} : vector<512x128xbf16>, vector<128x128xbf16>, vector<512x128xf32> -> vector<512x128xf32>
    %add3A_48 = arith.addf %add3A_25, %dot_general3A_47 : vector<512x128xf32>
    %convert_element_type3A_49 = arith.truncf %sub3A_43 : vector<512x3xf32> to vector<512x3xbf16>
    %convert_element_type3A_50 = arith.truncf %get3A_31 : vector<3x128xf32> to vector<3x128xbf16>
    %dot_general3A_51 = arith.constant dense<0.000000e+00> : vector<512x128xf32>
    %dot_general3A_52 = tpu.matmul %convert_element_type3A_49, %convert_element_type3A_50, %dot_general3A_51 {dimension_numbers = #tpu.dot_dimension_numbers<[1], [0], [0], [1], [0, 0, 1, 1], [], []>, transpose_lhs_hint = false} : vector<512x3xbf16>, vector<3x128xbf16>, vector<512x128xf32> -> vector<512x128xf32>
    %add3A_53 = arith.addf %add3A_48, %dot_general3A_52 : vector<512x128xf32>
    %max3A = arith.constant 0.000000e+00 : f32
    %max3A_54 = vector.broadcast %max3A : f32 to vector<512x128xf32>
    %max3A_55 = arith.maximumf %add3A_53, %max3A_54 : vector<512x128xf32>
    %convert_element_type3A_56 = arith.truncf %max3A_55 : vector<512x128xf32> to vector<512x128xbf16>
    %convert_element_type3A_57 = arith.truncf %get3A_34 : vector<128x128xf32> to vector<128x128xbf16>
    %dot_general3A_58 = arith.constant dense<0.000000e+00> : vector<512x128xf32>
    %dot_general3A_59 = tpu.matmul %convert_element_type3A_56, %convert_element_type3A_57, %dot_general3A_58 {dimension_numbers = #tpu.dot_dimension_numbers<[1], [0], [0], [1], [0, 0, 1, 1], [], []>, transpose_lhs_hint = false} : vector<512x128xbf16>, vector<128x128xbf16>, vector<512x128xf32> -> vector<512x128xf32>
    %max3A_60 = arith.maximumf %broadcast_in_dim3A_35, %dot_general3A_59 : vector<512x128xf32>
    %get3A_61 = arith.constant 0 : index
    %get3A_62 = arith.constant 1 : index
    %get3A_63 = arith.constant 0 : index
    %get3A_64 = arith.constant 0 : index
    %get3A_65 = vector.load %arg4[%get3A_61, %get3A_62, %get3A_63, %get3A_64] : memref<1x8x512x256xf32, #tpu.memory_space<vmem>>, vector<1x1x512x256xf32>
    %get3A_66 = vector.shape_cast %get3A_65 : vector<1x1x512x256xf32> to vector<512x256xf32>
    %slice3A_67 = vector.extract_strided_slice %get3A_66 {offsets = [0, 0], sizes = [512, 128], strides = [1, 1]} : vector<512x256xf32> to vector<512x128xf32>
    %sub3A_68 = arith.subf %slice3A_67, %get3A_3 : vector<512x128xf32>
    %slice3A_69 = vector.extract_strided_slice %get3A_66 {offsets = [0, 128], sizes = [512, 3], strides = [1, 1]} : vector<512x256xf32> to vector<512x3xf32>
    %sub3A_70 = arith.subf %slice3A_69, %get3A_8 : vector<512x3xf32>
    %convert_element_type3A_71 = arith.truncf %sub3A_68 : vector<512x128xf32> to vector<512x128xbf16>
    %convert_element_type3A_72 = arith.truncf %get3A_28 : vector<128x128xf32> to vector<128x128xbf16>
    %dot_general3A_73 = arith.constant dense<0.000000e+00> : vector<512x128xf32>
    %dot_general3A_74 = tpu.matmul %convert_element_type3A_71, %convert_element_type3A_72, %dot_general3A_73 {dimension_numbers = #tpu.dot_dimension_numbers<[1], [0], [0], [1], [0, 0, 1, 1], [], []>, transpose_lhs_hint = false} : vector<512x128xbf16>, vector<128x128xbf16>, vector<512x128xf32> -> vector<512x128xf32>
    %add3A_75 = arith.addf %add3A_25, %dot_general3A_74 : vector<512x128xf32>
    %convert_element_type3A_76 = arith.truncf %sub3A_70 : vector<512x3xf32> to vector<512x3xbf16>
    %convert_element_type3A_77 = arith.truncf %get3A_31 : vector<3x128xf32> to vector<3x128xbf16>
    %dot_general3A_78 = arith.constant dense<0.000000e+00> : vector<512x128xf32>
    %dot_general3A_79 = tpu.matmul %convert_element_type3A_76, %convert_element_type3A_77, %dot_general3A_78 {dimension_numbers = #tpu.dot_dimension_numbers<[1], [0], [0], [1], [0, 0, 1, 1], [], []>, transpose_lhs_hint = false} : vector<512x3xbf16>, vector<3x128xbf16>, vector<512x128xf32> -> vector<512x128xf32>
    %add3A_80 = arith.addf %add3A_75, %dot_general3A_79 : vector<512x128xf32>
    %max3A_81 = arith.constant 0.000000e+00 : f32
    %max3A_82 = vector.broadcast %max3A_81 : f32 to vector<512x128xf32>
    %max3A_83 = arith.maximumf %add3A_80, %max3A_82 : vector<512x128xf32>
    %convert_element_type3A_84 = arith.truncf %max3A_83 : vector<512x128xf32> to vector<512x128xbf16>
    %convert_element_type3A_85 = arith.truncf %get3A_34 : vector<128x128xf32> to vector<128x128xbf16>
    %dot_general3A_86 = arith.constant dense<0.000000e+00> : vector<512x128xf32>
    %dot_general3A_87 = tpu.matmul %convert_element_type3A_84, %convert_element_type3A_85, %dot_general3A_86 {dimension_numbers = #tpu.dot_dimension_numbers<[1], [0], [0], [1], [0, 0, 1, 1], [], []>, transpose_lhs_hint = false} : vector<512x128xbf16>, vector<128x128xbf16>, vector<512x128xf32> -> vector<512x128xf32>
    %max3A_88 = arith.maximumf %max3A_60, %dot_general3A_87 : vector<512x128xf32>
    %get3A_89 = arith.constant 0 : index
    %get3A_90 = arith.constant 2 : index
    %get3A_91 = arith.constant 0 : index
    %get3A_92 = arith.constant 0 : index
    %get3A_93 = vector.load %arg4[%get3A_89, %get3A_90, %get3A_91, %get3A_92] : memref<1x8x512x256xf32, #tpu.memory_space<vmem>>, vector<1x1x512x256xf32>
    %get3A_94 = vector.shape_cast %get3A_93 : vector<1x1x512x256xf32> to vector<512x256xf32>
    %slice3A_95 = vector.extract_strided_slice %get3A_94 {offsets = [0, 0], sizes = [512, 128], strides = [1, 1]} : vector<512x256xf32> to vector<512x128xf32>
    %sub3A_96 = arith.subf %slice3A_95, %get3A_3 : vector<512x128xf32>
    %slice3A_97 = vector.extract_strided_slice %get3A_94 {offsets = [0, 128], sizes = [512, 3], strides = [1, 1]} : vector<512x256xf32> to vector<512x3xf32>
    %sub3A_98 = arith.subf %slice3A_97, %get3A_8 : vector<512x3xf32>
    %convert_element_type3A_99 = arith.truncf %sub3A_96 : vector<512x128xf32> to vector<512x128xbf16>
    %convert_element_type3A_100 = arith.truncf %get3A_28 : vector<128x128xf32> to vector<128x128xbf16>
    %dot_general3A_101 = arith.constant dense<0.000000e+00> : vector<512x128xf32>
    %dot_general3A_102 = tpu.matmul %convert_element_type3A_99, %convert_element_type3A_100, %dot_general3A_101 {dimension_numbers = #tpu.dot_dimension_numbers<[1], [0], [0], [1], [0, 0, 1, 1], [], []>, transpose_lhs_hint = false} : vector<512x128xbf16>, vector<128x128xbf16>, vector<512x128xf32> -> vector<512x128xf32>
    %add3A_103 = arith.addf %add3A_25, %dot_general3A_102 : vector<512x128xf32>
    %convert_element_type3A_104 = arith.truncf %sub3A_98 : vector<512x3xf32> to vector<512x3xbf16>
    %convert_element_type3A_105 = arith.truncf %get3A_31 : vector<3x128xf32> to vector<3x128xbf16>
    %dot_general3A_106 = arith.constant dense<0.000000e+00> : vector<512x128xf32>
    %dot_general3A_107 = tpu.matmul %convert_element_type3A_104, %convert_element_type3A_105, %dot_general3A_106 {dimension_numbers = #tpu.dot_dimension_numbers<[1], [0], [0], [1], [0, 0, 1, 1], [], []>, transpose_lhs_hint = false} : vector<512x3xbf16>, vector<3x128xbf16>, vector<512x128xf32> -> vector<512x128xf32>
    %add3A_108 = arith.addf %add3A_103, %dot_general3A_107 : vector<512x128xf32>
    %max3A_109 = arith.constant 0.000000e+00 : f32
    %max3A_110 = vector.broadcast %max3A_109 : f32 to vector<512x128xf32>
    %max3A_111 = arith.maximumf %add3A_108, %max3A_110 : vector<512x128xf32>
    %convert_element_type3A_112 = arith.truncf %max3A_111 : vector<512x128xf32> to vector<512x128xbf16>
    %convert_element_type3A_113 = arith.truncf %get3A_34 : vector<128x128xf32> to vector<128x128xbf16>
    %dot_general3A_114 = arith.constant dense<0.000000e+00> : vector<512x128xf32>
    %dot_general3A_115 = tpu.matmul %convert_element_type3A_112, %convert_element_type3A_113, %dot_general3A_114 {dimension_numbers = #tpu.dot_dimension_numbers<[1], [0], [0], [1], [0, 0, 1, 1], [], []>, transpose_lhs_hint = false} : vector<512x128xbf16>, vector<128x128xbf16>, vector<512x128xf32> -> vector<512x128xf32>
    %max3A_116 = arith.maximumf %max3A_88, %dot_general3A_115 : vector<512x128xf32>
    %get3A_117 = arith.constant 0 : index
    %get3A_118 = arith.constant 3 : index
    %get3A_119 = arith.constant 0 : index
    %get3A_120 = arith.constant 0 : index
    %get3A_121 = vector.load %arg4[%get3A_117, %get3A_118, %get3A_119, %get3A_120] : memref<1x8x512x256xf32, #tpu.memory_space<vmem>>, vector<1x1x512x256xf32>
    %get3A_122 = vector.shape_cast %get3A_121 : vector<1x1x512x256xf32> to vector<512x256xf32>
    %slice3A_123 = vector.extract_strided_slice %get3A_122 {offsets = [0, 0], sizes = [512, 128], strides = [1, 1]} : vector<512x256xf32> to vector<512x128xf32>
    %sub3A_124 = arith.subf %slice3A_123, %get3A_3 : vector<512x128xf32>
    %slice3A_125 = vector.extract_strided_slice %get3A_122 {offsets = [0, 128], sizes = [512, 3], strides = [1, 1]} : vector<512x256xf32> to vector<512x3xf32>
    %sub3A_126 = arith.subf %slice3A_125, %get3A_8 : vector<512x3xf32>
    %convert_element_type3A_127 = arith.truncf %sub3A_124 : vector<512x128xf32> to vector<512x128xbf16>
    %convert_element_type3A_128 = arith.truncf %get3A_28 : vector<128x128xf32> to vector<128x128xbf16>
    %dot_general3A_129 = arith.constant dense<0.000000e+00> : vector<512x128xf32>
    %dot_general3A_130 = tpu.matmul %convert_element_type3A_127, %convert_element_type3A_128, %dot_general3A_129 {dimension_numbers = #tpu.dot_dimension_numbers<[1], [0], [0], [1], [0, 0, 1, 1], [], []>, transpose_lhs_hint = false} : vector<512x128xbf16>, vector<128x128xbf16>, vector<512x128xf32> -> vector<512x128xf32>
    %add3A_131 = arith.addf %add3A_25, %dot_general3A_130 : vector<512x128xf32>
    %convert_element_type3A_132 = arith.truncf %sub3A_126 : vector<512x3xf32> to vector<512x3xbf16>
    %convert_element_type3A_133 = arith.truncf %get3A_31 : vector<3x128xf32> to vector<3x128xbf16>
    %dot_general3A_134 = arith.constant dense<0.000000e+00> : vector<512x128xf32>
    %dot_general3A_135 = tpu.matmul %convert_element_type3A_132, %convert_element_type3A_133, %dot_general3A_134 {dimension_numbers = #tpu.dot_dimension_numbers<[1], [0], [0], [1], [0, 0, 1, 1], [], []>, transpose_lhs_hint = false} : vector<512x3xbf16>, vector<3x128xbf16>, vector<512x128xf32> -> vector<512x128xf32>
    %add3A_136 = arith.addf %add3A_131, %dot_general3A_135 : vector<512x128xf32>
    %max3A_137 = arith.constant 0.000000e+00 : f32
    %max3A_138 = vector.broadcast %max3A_137 : f32 to vector<512x128xf32>
    %max3A_139 = arith.maximumf %add3A_136, %max3A_138 : vector<512x128xf32>
    %convert_element_type3A_140 = arith.truncf %max3A_139 : vector<512x128xf32> to vector<512x128xbf16>
    %convert_element_type3A_141 = arith.truncf %get3A_34 : vector<128x128xf32> to vector<128x128xbf16>
    %dot_general3A_142 = arith.constant dense<0.000000e+00> : vector<512x128xf32>
    %dot_general3A_143 = tpu.matmul %convert_element_type3A_140, %convert_element_type3A_141, %dot_general3A_142 {dimension_numbers = #tpu.dot_dimension_numbers<[1], [0], [0], [1], [0, 0, 1, 1], [], []>, transpose_lhs_hint = false} : vector<512x128xbf16>, vector<128x128xbf16>, vector<512x128xf32> -> vector<512x128xf32>
    %max3A_144 = arith.maximumf %max3A_116, %dot_general3A_143 : vector<512x128xf32>
    %get3A_145 = arith.constant 0 : index
    %get3A_146 = arith.constant 4 : index
    %get3A_147 = arith.constant 0 : index
    %get3A_148 = arith.constant 0 : index
    %get3A_149 = vector.load %arg4[%get3A_145, %get3A_146, %get3A_147, %get3A_148] : memref<1x8x512x256xf32, #tpu.memory_space<vmem>>, vector<1x1x512x256xf32>
    %get3A_150 = vector.shape_cast %get3A_149 : vector<1x1x512x256xf32> to vector<512x256xf32>
    %slice3A_151 = vector.extract_strided_slice %get3A_150 {offsets = [0, 0], sizes = [512, 128], strides = [1, 1]} : vector<512x256xf32> to vector<512x128xf32>
    %sub3A_152 = arith.subf %slice3A_151, %get3A_3 : vector<512x128xf32>
    %slice3A_153 = vector.extract_strided_slice %get3A_150 {offsets = [0, 128], sizes = [512, 3], strides = [1, 1]} : vector<512x256xf32> to vector<512x3xf32>
    %sub3A_154 = arith.subf %slice3A_153, %get3A_8 : vector<512x3xf32>
    %convert_element_type3A_155 = arith.truncf %sub3A_152 : vector<512x128xf32> to vector<512x128xbf16>
    %convert_element_type3A_156 = arith.truncf %get3A_28 : vector<128x128xf32> to vector<128x128xbf16>
    %dot_general3A_157 = arith.constant dense<0.000000e+00> : vector<512x128xf32>
    %dot_general3A_158 = tpu.matmul %convert_element_type3A_155, %convert_element_type3A_156, %dot_general3A_157 {dimension_numbers = #tpu.dot_dimension_numbers<[1], [0], [0], [1], [0, 0, 1, 1], [], []>, transpose_lhs_hint = false} : vector<512x128xbf16>, vector<128x128xbf16>, vector<512x128xf32> -> vector<512x128xf32>
    %add3A_159 = arith.addf %add3A_25, %dot_general3A_158 : vector<512x128xf32>
    %convert_element_type3A_160 = arith.truncf %sub3A_154 : vector<512x3xf32> to vector<512x3xbf16>
    %convert_element_type3A_161 = arith.truncf %get3A_31 : vector<3x128xf32> to vector<3x128xbf16>
    %dot_general3A_162 = arith.constant dense<0.000000e+00> : vector<512x128xf32>
    %dot_general3A_163 = tpu.matmul %convert_element_type3A_160, %convert_element_type3A_161, %dot_general3A_162 {dimension_numbers = #tpu.dot_dimension_numbers<[1], [0], [0], [1], [0, 0, 1, 1], [], []>, transpose_lhs_hint = false} : vector<512x3xbf16>, vector<3x128xbf16>, vector<512x128xf32> -> vector<512x128xf32>
    %add3A_164 = arith.addf %add3A_159, %dot_general3A_163 : vector<512x128xf32>
    %max3A_165 = arith.constant 0.000000e+00 : f32
    %max3A_166 = vector.broadcast %max3A_165 : f32 to vector<512x128xf32>
    %max3A_167 = arith.maximumf %add3A_164, %max3A_166 : vector<512x128xf32>
    %convert_element_type3A_168 = arith.truncf %max3A_167 : vector<512x128xf32> to vector<512x128xbf16>
    %convert_element_type3A_169 = arith.truncf %get3A_34 : vector<128x128xf32> to vector<128x128xbf16>
    %dot_general3A_170 = arith.constant dense<0.000000e+00> : vector<512x128xf32>
    %dot_general3A_171 = tpu.matmul %convert_element_type3A_168, %convert_element_type3A_169, %dot_general3A_170 {dimension_numbers = #tpu.dot_dimension_numbers<[1], [0], [0], [1], [0, 0, 1, 1], [], []>, transpose_lhs_hint = false} : vector<512x128xbf16>, vector<128x128xbf16>, vector<512x128xf32> -> vector<512x128xf32>
    %max3A_172 = arith.maximumf %max3A_144, %dot_general3A_171 : vector<512x128xf32>
    %get3A_173 = arith.constant 0 : index
    %get3A_174 = arith.constant 5 : index
    %get3A_175 = arith.constant 0 : index
    %get3A_176 = arith.constant 0 : index
    %get3A_177 = vector.load %arg4[%get3A_173, %get3A_174, %get3A_175, %get3A_176] : memref<1x8x512x256xf32, #tpu.memory_space<vmem>>, vector<1x1x512x256xf32>
    %get3A_178 = vector.shape_cast %get3A_177 : vector<1x1x512x256xf32> to vector<512x256xf32>
    %slice3A_179 = vector.extract_strided_slice %get3A_178 {offsets = [0, 0], sizes = [512, 128], strides = [1, 1]} : vector<512x256xf32> to vector<512x128xf32>
    %sub3A_180 = arith.subf %slice3A_179, %get3A_3 : vector<512x128xf32>
    %slice3A_181 = vector.extract_strided_slice %get3A_178 {offsets = [0, 128], sizes = [512, 3], strides = [1, 1]} : vector<512x256xf32> to vector<512x3xf32>
    %sub3A_182 = arith.subf %slice3A_181, %get3A_8 : vector<512x3xf32>
    %convert_element_type3A_183 = arith.truncf %sub3A_180 : vector<512x128xf32> to vector<512x128xbf16>
    %convert_element_type3A_184 = arith.truncf %get3A_28 : vector<128x128xf32> to vector<128x128xbf16>
    %dot_general3A_185 = arith.constant dense<0.000000e+00> : vector<512x128xf32>
    %dot_general3A_186 = tpu.matmul %convert_element_type3A_183, %convert_element_type3A_184, %dot_general3A_185 {dimension_numbers = #tpu.dot_dimension_numbers<[1], [0], [0], [1], [0, 0, 1, 1], [], []>, transpose_lhs_hint = false} : vector<512x128xbf16>, vector<128x128xbf16>, vector<512x128xf32> -> vector<512x128xf32>
    %add3A_187 = arith.addf %add3A_25, %dot_general3A_186 : vector<512x128xf32>
    %convert_element_type3A_188 = arith.truncf %sub3A_182 : vector<512x3xf32> to vector<512x3xbf16>
    %convert_element_type3A_189 = arith.truncf %get3A_31 : vector<3x128xf32> to vector<3x128xbf16>
    %dot_general3A_190 = arith.constant dense<0.000000e+00> : vector<512x128xf32>
    %dot_general3A_191 = tpu.matmul %convert_element_type3A_188, %convert_element_type3A_189, %dot_general3A_190 {dimension_numbers = #tpu.dot_dimension_numbers<[1], [0], [0], [1], [0, 0, 1, 1], [], []>, transpose_lhs_hint = false} : vector<512x3xbf16>, vector<3x128xbf16>, vector<512x128xf32> -> vector<512x128xf32>
    %add3A_192 = arith.addf %add3A_187, %dot_general3A_191 : vector<512x128xf32>
    %max3A_193 = arith.constant 0.000000e+00 : f32
    %max3A_194 = vector.broadcast %max3A_193 : f32 to vector<512x128xf32>
    %max3A_195 = arith.maximumf %add3A_192, %max3A_194 : vector<512x128xf32>
    %convert_element_type3A_196 = arith.truncf %max3A_195 : vector<512x128xf32> to vector<512x128xbf16>
    %convert_element_type3A_197 = arith.truncf %get3A_34 : vector<128x128xf32> to vector<128x128xbf16>
    %dot_general3A_198 = arith.constant dense<0.000000e+00> : vector<512x128xf32>
    %dot_general3A_199 = tpu.matmul %convert_element_type3A_196, %convert_element_type3A_197, %dot_general3A_198 {dimension_numbers = #tpu.dot_dimension_numbers<[1], [0], [0], [1], [0, 0, 1, 1], [], []>, transpose_lhs_hint = false} : vector<512x128xbf16>, vector<128x128xbf16>, vector<512x128xf32> -> vector<512x128xf32>
    %max3A_200 = arith.maximumf %max3A_172, %dot_general3A_199 : vector<512x128xf32>
    %get3A_201 = arith.constant 0 : index
    %get3A_202 = arith.constant 6 : index
    %get3A_203 = arith.constant 0 : index
    %get3A_204 = arith.constant 0 : index
    %get3A_205 = vector.load %arg4[%get3A_201, %get3A_202, %get3A_203, %get3A_204] : memref<1x8x512x256xf32, #tpu.memory_space<vmem>>, vector<1x1x512x256xf32>
    %get3A_206 = vector.shape_cast %get3A_205 : vector<1x1x512x256xf32> to vector<512x256xf32>
    %slice3A_207 = vector.extract_strided_slice %get3A_206 {offsets = [0, 0], sizes = [512, 128], strides = [1, 1]} : vector<512x256xf32> to vector<512x128xf32>
    %sub3A_208 = arith.subf %slice3A_207, %get3A_3 : vector<512x128xf32>
    %slice3A_209 = vector.extract_strided_slice %get3A_206 {offsets = [0, 128], sizes = [512, 3], strides = [1, 1]} : vector<512x256xf32> to vector<512x3xf32>
    %sub3A_210 = arith.subf %slice3A_209, %get3A_8 : vector<512x3xf32>
    %convert_element_type3A_211 = arith.truncf %sub3A_208 : vector<512x128xf32> to vector<512x128xbf16>
    %convert_element_type3A_212 = arith.truncf %get3A_28 : vector<128x128xf32> to vector<128x128xbf16>
    %dot_general3A_213 = arith.constant dense<0.000000e+00> : vector<512x128xf32>
    %dot_general3A_214 = tpu.matmul %convert_element_type3A_211, %convert_element_type3A_212, %dot_general3A_213 {dimension_numbers = #tpu.dot_dimension_numbers<[1], [0], [0], [1], [0, 0, 1, 1], [], []>, transpose_lhs_hint = false} : vector<512x128xbf16>, vector<128x128xbf16>, vector<512x128xf32> -> vector<512x128xf32>
    %add3A_215 = arith.addf %add3A_25, %dot_general3A_214 : vector<512x128xf32>
    %convert_element_type3A_216 = arith.truncf %sub3A_210 : vector<512x3xf32> to vector<512x3xbf16>
    %convert_element_type3A_217 = arith.truncf %get3A_31 : vector<3x128xf32> to vector<3x128xbf16>
    %dot_general3A_218 = arith.constant dense<0.000000e+00> : vector<512x128xf32>
    %dot_general3A_219 = tpu.matmul %convert_element_type3A_216, %convert_element_type3A_217, %dot_general3A_218 {dimension_numbers = #tpu.dot_dimension_numbers<[1], [0], [0], [1], [0, 0, 1, 1], [], []>, transpose_lhs_hint = false} : vector<512x3xbf16>, vector<3x128xbf16>, vector<512x128xf32> -> vector<512x128xf32>
    %add3A_220 = arith.addf %add3A_215, %dot_general3A_219 : vector<512x128xf32>
    %max3A_221 = arith.constant 0.000000e+00 : f32
    %max3A_222 = vector.broadcast %max3A_221 : f32 to vector<512x128xf32>
    %max3A_223 = arith.maximumf %add3A_220, %max3A_222 : vector<512x128xf32>
    %convert_element_type3A_224 = arith.truncf %max3A_223 : vector<512x128xf32> to vector<512x128xbf16>
    %convert_element_type3A_225 = arith.truncf %get3A_34 : vector<128x128xf32> to vector<128x128xbf16>
    %dot_general3A_226 = arith.constant dense<0.000000e+00> : vector<512x128xf32>
    %dot_general3A_227 = tpu.matmul %convert_element_type3A_224, %convert_element_type3A_225, %dot_general3A_226 {dimension_numbers = #tpu.dot_dimension_numbers<[1], [0], [0], [1], [0, 0, 1, 1], [], []>, transpose_lhs_hint = false} : vector<512x128xbf16>, vector<128x128xbf16>, vector<512x128xf32> -> vector<512x128xf32>
    %max3A_228 = arith.maximumf %max3A_200, %dot_general3A_227 : vector<512x128xf32>
    %get3A_229 = arith.constant 0 : index
    %get3A_230 = arith.constant 7 : index
    %get3A_231 = arith.constant 0 : index
    %get3A_232 = arith.constant 0 : index
    %get3A_233 = vector.load %arg4[%get3A_229, %get3A_230, %get3A_231, %get3A_232] : memref<1x8x512x256xf32, #tpu.memory_space<vmem>>, vector<1x1x512x256xf32>
    %get3A_234 = vector.shape_cast %get3A_233 : vector<1x1x512x256xf32> to vector<512x256xf32>
    %slice3A_235 = vector.extract_strided_slice %get3A_234 {offsets = [0, 0], sizes = [512, 128], strides = [1, 1]} : vector<512x256xf32> to vector<512x128xf32>
    %sub3A_236 = arith.subf %slice3A_235, %get3A_3 : vector<512x128xf32>
    %slice3A_237 = vector.extract_strided_slice %get3A_234 {offsets = [0, 128], sizes = [512, 3], strides = [1, 1]} : vector<512x256xf32> to vector<512x3xf32>
    %sub3A_238 = arith.subf %slice3A_237, %get3A_8 : vector<512x3xf32>
    %convert_element_type3A_239 = arith.truncf %sub3A_236 : vector<512x128xf32> to vector<512x128xbf16>
    %convert_element_type3A_240 = arith.truncf %get3A_28 : vector<128x128xf32> to vector<128x128xbf16>
    %dot_general3A_241 = arith.constant dense<0.000000e+00> : vector<512x128xf32>
    %dot_general3A_242 = tpu.matmul %convert_element_type3A_239, %convert_element_type3A_240, %dot_general3A_241 {dimension_numbers = #tpu.dot_dimension_numbers<[1], [0], [0], [1], [0, 0, 1, 1], [], []>, transpose_lhs_hint = false} : vector<512x128xbf16>, vector<128x128xbf16>, vector<512x128xf32> -> vector<512x128xf32>
    %add3A_243 = arith.addf %add3A_25, %dot_general3A_242 : vector<512x128xf32>
    %convert_element_type3A_244 = arith.truncf %sub3A_238 : vector<512x3xf32> to vector<512x3xbf16>
    %convert_element_type3A_245 = arith.truncf %get3A_31 : vector<3x128xf32> to vector<3x128xbf16>
    %dot_general3A_246 = arith.constant dense<0.000000e+00> : vector<512x128xf32>
    %dot_general3A_247 = tpu.matmul %convert_element_type3A_244, %convert_element_type3A_245, %dot_general3A_246 {dimension_numbers = #tpu.dot_dimension_numbers<[1], [0], [0], [1], [0, 0, 1, 1], [], []>, transpose_lhs_hint = false} : vector<512x3xbf16>, vector<3x128xbf16>, vector<512x128xf32> -> vector<512x128xf32>
    %add3A_248 = arith.addf %add3A_243, %dot_general3A_247 : vector<512x128xf32>
    %max3A_249 = arith.constant 0.000000e+00 : f32
    %max3A_250 = vector.broadcast %max3A_249 : f32 to vector<512x128xf32>
    %max3A_251 = arith.maximumf %add3A_248, %max3A_250 : vector<512x128xf32>
    %convert_element_type3A_252 = arith.truncf %max3A_251 : vector<512x128xf32> to vector<512x128xbf16>
    %convert_element_type3A_253 = arith.truncf %get3A_34 : vector<128x128xf32> to vector<128x128xbf16>
    %dot_general3A_254 = arith.constant dense<0.000000e+00> : vector<512x128xf32>
    %dot_general3A_255 = tpu.matmul %convert_element_type3A_252, %convert_element_type3A_253, %dot_general3A_254 {dimension_numbers = #tpu.dot_dimension_numbers<[1], [0], [0], [1], [0, 0, 1, 1], [], []>, transpose_lhs_hint = false} : vector<512x128xbf16>, vector<128x128xbf16>, vector<512x128xf32> -> vector<512x128xf32>
    %max3A_256 = arith.maximumf %max3A_228, %dot_general3A_255 : vector<512x128xf32>
    %get3A_257 = arith.constant 0 : index
    %get3A_258 = arith.constant 0 : index
    %get3A_259 = vector.load %arg11[%get3A_257, %get3A_258] : memref<1x128xf32, #tpu.memory_space<vmem>>, vector<1x128xf32>
    %add3A_260 = vector.broadcast %get3A_259 : vector<1x128xf32> to vector<512x128xf32>
    %add3A_261 = arith.addf %max3A_256, %add3A_260 : vector<512x128xf32>
    %swap3A = arith.constant 0 : index
    %swap3A_262 = arith.constant 0 : index
    %swap3A_263 = arith.constant 0 : index
    %swap3A_264 = vector.load %arg16[%swap3A, %swap3A_262, %swap3A_263] : memref<1x512x128xf32, #tpu.memory_space<vmem>>, vector<1x512x128xf32>
    %swap3A_265 = vector.shape_cast %swap3A_264 : vector<1x512x128xf32> to vector<512x128xf32>
    %swap3A_266 = vector.shape_cast %add3A_261 : vector<512x128xf32> to vector<1x512x128xf32>
    tpu.vector_store %arg16[%swap3A, %swap3A_262, %swap3A_263], %swap3A_266 {strides = array<i32>} : memref<1x512x128xf32, #tpu.memory_space<vmem>>, vector<1x512x128xf32>,
    %get3A_267 = arith.constant 0 : index
    %get3A_268 = arith.constant 0 : index
    %get3A_269 = vector.load %arg12[%get3A_267, %get3A_268] : memref<128x128xf32, #tpu.memory_space<vmem>>, vector<128x128xf32>
    %convert_element_type3A_270 = arith.truncf %add3A_261 : vector<512x128xf32> to vector<512x128xbf16>
    %convert_element_type3A_271 = arith.truncf %get3A_269 : vector<128x128xf32> to vector<128x128xbf16>
    %dot_general3A_272 = arith.constant dense<0.000000e+00> : vector<512x128xf32>
    %dot_general3A_273 = tpu.matmul %convert_element_type3A_270, %convert_element_type3A_271, %dot_general3A_272 {dimension_numbers = #tpu.dot_dimension_numbers<[1], [0], [0], [1], [0, 0, 1, 1], [], []>, transpose_lhs_hint = false} : vector<512x128xbf16>, vector<128x128xbf16>, vector<512x128xf32> -> vector<512x128xf32>
    %get3A_274 = arith.constant 0 : index
    %get3A_275 = arith.constant 0 : index
    %get3A_276 = vector.load %arg13[%get3A_274, %get3A_275] : memref<1x128xf32, #tpu.memory_space<vmem>>, vector<1x128xf32>
    %add3A_277 = vector.broadcast %get3A_276 : vector<1x128xf32> to vector<512x128xf32>
    %add3A_278 = arith.addf %dot_general3A_273, %add3A_277 : vector<512x128xf32>
    %max3A_279 = arith.constant 0.000000e+00 : f32
    %max3A_280 = vector.broadcast %max3A_279 : f32 to vector<512x128xf32>
    %max3A_281 = arith.maximumf %add3A_278, %max3A_280 : vector<512x128xf32>
    %get3A_282 = arith.constant 0 : index
    %get3A_283 = arith.constant 0 : index
    %get3A_284 = vector.load %arg14[%get3A_282, %get3A_283] : memref<128x3xf32, #tpu.memory_space<vmem>>, vector<128x3xf32>
    %convert_element_type3A_285 = arith.truncf %max3A_281 : vector<512x128xf32> to vector<512x128xbf16>
    %convert_element_type3A_286 = arith.truncf %get3A_284 : vector<128x3xf32> to vector<128x3xbf16>
    %dot_general3A_287 = arith.constant dense<0.000000e+00> : vector<512x3xf32>
    %dot_general3A_288 = tpu.matmul %convert_element_type3A_285, %convert_element_type3A_286, %dot_general3A_287 {dimension_numbers = #tpu.dot_dimension_numbers<[1], [0], [0], [1], [0, 0, 1, 1], [], []>, transpose_lhs_hint = false} : vector<512x128xbf16>, vector<128x3xbf16>, vector<512x3xf32> -> vector<512x3xf32>
    %add3A_289 = arith.addf %get3A_8, %dot_general3A_288 : vector<512x3xf32>
    %get3A_290 = arith.constant 0 : index
    %get3A_291 = arith.constant 0 : index
    %get3A_292 = vector.load %arg15[%get3A_290, %get3A_291] : memref<1x3xf32, #tpu.memory_space<vmem>>, vector<1x3xf32>
    %add3A_293 = vector.broadcast %get3A_292 : vector<1x3xf32> to vector<512x3xf32>
    %add3A_294 = arith.addf %add3A_289, %add3A_293 : vector<512x3xf32>
    %swap3A_295 = arith.constant 0 : index
    %swap3A_296 = arith.constant 0 : index
    %swap3A_297 = arith.constant 0 : index
    %swap3A_298 = vector.load %arg17[%swap3A_295, %swap3A_296, %swap3A_297] : memref<1x512x3xf32, #tpu.memory_space<vmem>>, vector<1x512x3xf32>
    %swap3A_299 = vector.shape_cast %swap3A_298 : vector<1x512x3xf32> to vector<512x3xf32>
    %swap3A_300 = vector.shape_cast %add3A_294 : vector<512x3xf32> to vector<1x512x3xf32>
    tpu.vector_store %arg17[%swap3A_295, %swap3A_296, %swap3A_297], %swap3A_300 {strides = array<i32>} : memref<1x512x3xf32, #tpu.memory_space<vmem>>, vector<1x512x3xf32>,
    return
  }
  func.func @transform_0(%arg0: i32, %arg1: i32) -> (i32, i32, i32) {
    %c0_i32 = arith.constant 0 : i32
    %c0_i32_0 = arith.constant 0 : i32
    return %arg0, %arg1, %c0_i32 : i32, i32, i32
  }
  func.func @transform_1(%arg0: i32, %arg1: i32) -> (i32, i32, i32) {
    %c0_i32 = arith.constant 0 : i32
    %c0_i32_0 = arith.constant 0 : i32
    return %arg0, %arg1, %c0_i32 : i32, i32, i32
  }
  func.func @transform_2(%arg0: i32, %arg1: i32) -> (i32, i32, i32, i32) {
    %c0_i32 = arith.constant 0 : i32
    %c0_i32_0 = arith.constant 0 : i32
    %c0_i32_1 = arith.constant 0 : i32
    return %arg0, %c0_i32, %arg1, %c0_i32_0 : i32, i32, i32, i32
  }
  func.func @transform_3(%arg0: i32, %arg1: i32) -> (i32, i32) {
    %c0_i32 = arith.constant 0 : i32
    %c0_i32_0 = arith.constant 0 : i32
    %c0_i32_1 = arith.constant 0 : i32
    return %c0_i32, %c0_i32_0 : i32, i32
  }
  func.func @transform_4(%arg0: i32, %arg1: i32) -> (i32, i32) {
    %c0_i32 = arith.constant 0 : i32
    %c0_i32_0 = arith.constant 0 : i32
    %c0_i32_1 = arith.constant 0 : i32
    return %c0_i32, %c0_i32_0 : i32, i32
  }
  func.func @transform_5(%arg0: i32, %arg1: i32) -> (i32, i32) {
    %c0_i32 = arith.constant 0 : i32
    %c0_i32_0 = arith.constant 0 : i32
    %c0_i32_1 = arith.constant 0 : i32
    return %c0_i32, %c0_i32_0 : i32, i32
  }
  func.func @transform_6(%arg0: i32, %arg1: i32) -> (i32, i32) {
    %c0_i32 = arith.constant 0 : i32
    %c0_i32_0 = arith.constant 0 : i32
    %c0_i32_1 = arith.constant 0 : i32
    return %c0_i32, %c0_i32_0 : i32, i32
  }
  func.func @transform_7(%arg0: i32, %arg1: i32) -> (i32, i32) {
    %c0_i32 = arith.constant 0 : i32
    %c0_i32_0 = arith.constant 0 : i32
    %c0_i32_1 = arith.constant 0 : i32
    return %c0_i32, %c0_i32_0 : i32, i32
  }
  func.func @transform_8(%arg0: i32, %arg1: i32) -> (i32, i32) {
    %c0_i32 = arith.constant 0 : i32
    %c0_i32_0 = arith.constant 0 : i32
    %c0_i32_1 = arith.constant 0 : i32
    return %c0_i32, %c0_i32_0 : i32, i32
  }
  func.func @transform_9(%arg0: i32, %arg1: i32) -> (i32, i32) {
    %c0_i32 = arith.constant 0 : i32
    %c0_i32_0 = arith.constant 0 : i32
    %c0_i32_1 = arith.constant 0 : i32
    return %c0_i32, %c0_i32_0 : i32, i32
  }
  func.func @transform_10(%arg0: i32, %arg1: i32) -> (i32, i32) {
    %c0_i32 = arith.constant 0 : i32
    %c0_i32_0 = arith.constant 0 : i32
    %c0_i32_1 = arith.constant 0 : i32
    return %c0_i32, %c0_i32_0 : i32, i32
  }
  func.func @transform_11(%arg0: i32, %arg1: i32) -> (i32, i32) {
    %c0_i32 = arith.constant 0 : i32
    %c0_i32_0 = arith.constant 0 : i32
    %c0_i32_1 = arith.constant 0 : i32
    return %c0_i32, %c0_i32_0 : i32, i32
  }
  func.func @transform_12(%arg0: i32, %arg1: i32) -> (i32, i32) {
    %c0_i32 = arith.constant 0 : i32
    %c0_i32_0 = arith.constant 0 : i32
    %c0_i32_1 = arith.constant 0 : i32
    return %c0_i32, %c0_i32_0 : i32, i32
  }
  func.func @transform_13(%arg0: i32, %arg1: i32) -> (i32, i32) {
    %c0_i32 = arith.constant 0 : i32
    %c0_i32_0 = arith.constant 0 : i32
    %c0_i32_1 = arith.constant 0 : i32
    return %c0_i32, %c0_i32_0 : i32, i32
  }
  func.func @transform_14(%arg0: i32, %arg1: i32) -> (i32, i32, i32) {
    %c0_i32 = arith.constant 0 : i32
    %c0_i32_0 = arith.constant 0 : i32
    return %arg0, %arg1, %c0_i32 : i32, i32, i32
  }
  func.func @transform_15(%arg0: i32, %arg1: i32) -> (i32, i32, i32) {
    %c0_i32 = arith.constant 0 : i32
    %c0_i32_0 = arith.constant 0 : i32
    return %arg0, %arg1, %c0_i32 : i32, i32, i32
  }
}

module attributes {stable_mosaic.version = 14 : i64} {
  func.func @_knn_body(%arg0: i32, %arg1: i32, %arg2: memref<1x224x3xf32, #tpu.memory_space<vmem>>, %arg3: memref<1x3x6272xf32, #tpu.memory_space<vmem>>, %arg4: memref<1x224x8xi32, #tpu.memory_space<vmem>>) attributes {dimension_semantics = [#tpu.dimension_semantics<arbitrary>, #tpu.dimension_semantics<arbitrary>], iteration_bounds = array<i64: 1, 28>, scalar_prefetch = 0 : i64, scratch_operands = 0 : i64, tpu.core_type = #tpu.core_type<tc>, window_params = [{transform_indices = @transform_0, window_bounds = array<i64: 1, 224, 3>}, {transform_indices = @transform_1, window_bounds = array<i64: 1, 3, 6272>}, {transform_indices = @transform_2, window_bounds = array<i64: 1, 224, 8>}]} {
    %get3A = arith.constant 0 : index
    %get3A_0 = arith.constant 0 : index
    %get3A_1 = arith.constant 0 : index
    %get3A_2 = vector.load %arg2[%get3A, %get3A_0, %get3A_1] : memref<1x224x3xf32, #tpu.memory_space<vmem>>, vector<1x224x3xf32>
    %get3A_3 = vector.shape_cast %get3A_2 : vector<1x224x3xf32> to vector<224x3xf32>
    %get3A_4 = arith.constant 0 : index
    %get3A_5 = arith.constant 0 : index
    %get3A_6 = arith.constant 0 : index
    %get3A_7 = vector.load %arg3[%get3A_4, %get3A_5, %get3A_6] : memref<1x3x6272xf32, #tpu.memory_space<vmem>>, vector<1x3x6272xf32>
    %get3A_8 = vector.shape_cast %get3A_7 : vector<1x3x6272xf32> to vector<3x6272xf32>
    %mul3A = arith.mulf %get3A_3, %get3A_3 : vector<224x3xf32>
    %reduce_sum3A = arith.constant dense<0.000000e+00> : vector<224xf32>
    %reduce_sum3A_9 = vector.multi_reduction <add>, %mul3A, %reduce_sum3A [1] : vector<224x3xf32> to vector<224xf32>
    %broadcast_in_dim3A = vector.shape_cast %reduce_sum3A_9 : vector<224xf32> to vector<224x1xf32>
    %mul3A_10 = arith.mulf %get3A_8, %get3A_8 : vector<3x6272xf32>
    %reduce_sum3A_11 = arith.constant dense<0.000000e+00> : vector<6272xf32>
    %reduce_sum3A_12 = vector.multi_reduction <add>, %mul3A_10, %reduce_sum3A_11 [0] : vector<3x6272xf32> to vector<6272xf32>
    %broadcast_in_dim3A_13 = vector.shape_cast %reduce_sum3A_12 : vector<6272xf32> to vector<1x6272xf32>
    %convert_element_type3A = arith.truncf %get3A_3 : vector<224x3xf32> to vector<224x3xbf16>
    %convert_element_type3A_14 = arith.truncf %get3A_8 : vector<3x6272xf32> to vector<3x6272xbf16>
    %dot_general3A = arith.constant dense<0.000000e+00> : vector<224x6272xf32>
    %dot_general3A_15 = tpu.matmul %convert_element_type3A, %convert_element_type3A_14, %dot_general3A {dimension_numbers = #tpu.dot_dimension_numbers<[1], [0], [0], [1], [0, 0, 1, 1], [], []>, transpose_lhs_hint = false} : vector<224x3xbf16>, vector<3x6272xbf16>, vector<224x6272xf32> -> vector<224x6272xf32>
    %add3A = vector.broadcast %broadcast_in_dim3A : vector<224x1xf32> to vector<224x6272xf32>
    %add3A_16 = vector.broadcast %broadcast_in_dim3A_13 : vector<1x6272xf32> to vector<224x6272xf32>
    %add3A_17 = arith.addf %add3A, %add3A_16 : vector<224x6272xf32>
    %mul3A_18 = arith.constant 2.000000e+00 : f32
    %mul3A_19 = vector.broadcast %mul3A_18 : f32 to vector<224x6272xf32>
    %mul3A_20 = arith.mulf %mul3A_19, %dot_general3A_15 : vector<224x6272xf32>
    %sub3A = arith.subf %add3A_17, %mul3A_20 : vector<224x6272xf32>
    %iota3A = tpu.iota {dimensions = array<i32: 1>} : vector<224x6272xi32>
    %mul3A_21 = arith.constant 224 : i32
    %mul3A_22 = arith.muli %arg1, %mul3A_21 : i32
    %iota3A_23 = tpu.iota {dimensions = array<i32: 0>} : vector<224x1xi32>
    %add3A_24 = vector.broadcast %mul3A_22 : i32 to vector<224x1xi32>
    %add3A_25 = arith.addi %add3A_24, %iota3A_23 : vector<224x1xi32>
    %eq3A = vector.broadcast %add3A_25 : vector<224x1xi32> to vector<224x6272xi32>
    %eq3A_26 = arith.cmpi eq, %iota3A, %eq3A : vector<224x6272xi32>
    %jit3A = arith.constant 1.000000e+09 : f32
    %broadcast_in_dim3A_27 = vector.broadcast %jit3A : f32 to vector<224x6272xf32>
    %select_n3A = arith.select %eq3A_26, %broadcast_in_dim3A_27, %sub3A : vector<224x6272xi1>, vector<224x6272xf32>
    %reduce_min3A = arith.constant dense<0x7F800000> : vector<224xf32>
    %reduce_min3A_28 = vector.multi_reduction <minimumf>, %select_n3A, %reduce_min3A [1] : vector<224x6272xf32> to vector<224xf32>
    %broadcast_in_dim3A_29 = vector.shape_cast %reduce_min3A_28 : vector<224xf32> to vector<224x1xf32>
    %eq3A_30 = vector.broadcast %broadcast_in_dim3A_29 : vector<224x1xf32> to vector<224x6272xf32>
    %eq3A_31 = arith.cmpf oeq, %select_n3A, %eq3A_30 : vector<224x6272xf32>
    %jit3A_32 = arith.constant 6272 : i32
    %broadcast_in_dim3A_33 = vector.broadcast %jit3A_32 : i32 to vector<224x6272xi32>
    %select_n3A_34 = arith.select %eq3A_31, %iota3A, %broadcast_in_dim3A_33 : vector<224x6272xi1>, vector<224x6272xi32>
    %reduce_min3A_35 = arith.constant dense<2147483647> : vector<224xi32>
    %reduce_min3A_36 = vector.multi_reduction <minsi>, %select_n3A_34, %reduce_min3A_35 [1] : vector<224x6272xi32> to vector<224xi32>
    %broadcast_in_dim3A_37 = vector.shape_cast %reduce_min3A_36 : vector<224xi32> to vector<224x1xi32>
    %eq3A_38 = vector.broadcast %broadcast_in_dim3A_37 : vector<224x1xi32> to vector<224x6272xi32>
    %eq3A_39 = arith.cmpi eq, %iota3A, %eq3A_38 : vector<224x6272xi32>
    %jit3A_40 = arith.constant 1.000000e+09 : f32
    %broadcast_in_dim3A_41 = vector.broadcast %jit3A_40 : f32 to vector<224x6272xf32>
    %select_n3A_42 = arith.select %eq3A_39, %broadcast_in_dim3A_41, %select_n3A : vector<224x6272xi1>, vector<224x6272xf32>
    %reduce_min3A_43 = arith.constant dense<0x7F800000> : vector<224xf32>
    %reduce_min3A_44 = vector.multi_reduction <minimumf>, %select_n3A_42, %reduce_min3A_43 [1] : vector<224x6272xf32> to vector<224xf32>
    %broadcast_in_dim3A_45 = vector.shape_cast %reduce_min3A_44 : vector<224xf32> to vector<224x1xf32>
    %eq3A_46 = vector.broadcast %broadcast_in_dim3A_45 : vector<224x1xf32> to vector<224x6272xf32>
    %eq3A_47 = arith.cmpf oeq, %select_n3A_42, %eq3A_46 : vector<224x6272xf32>
    %jit3A_48 = arith.constant 6272 : i32
    %broadcast_in_dim3A_49 = vector.broadcast %jit3A_48 : i32 to vector<224x6272xi32>
    %select_n3A_50 = arith.select %eq3A_47, %iota3A, %broadcast_in_dim3A_49 : vector<224x6272xi1>, vector<224x6272xi32>
    %reduce_min3A_51 = arith.constant dense<2147483647> : vector<224xi32>
    %reduce_min3A_52 = vector.multi_reduction <minsi>, %select_n3A_50, %reduce_min3A_51 [1] : vector<224x6272xi32> to vector<224xi32>
    %broadcast_in_dim3A_53 = vector.shape_cast %reduce_min3A_52 : vector<224xi32> to vector<224x1xi32>
    %eq3A_54 = vector.broadcast %broadcast_in_dim3A_53 : vector<224x1xi32> to vector<224x6272xi32>
    %eq3A_55 = arith.cmpi eq, %iota3A, %eq3A_54 : vector<224x6272xi32>
    %jit3A_56 = arith.constant 1.000000e+09 : f32
    %broadcast_in_dim3A_57 = vector.broadcast %jit3A_56 : f32 to vector<224x6272xf32>
    %select_n3A_58 = arith.select %eq3A_55, %broadcast_in_dim3A_57, %select_n3A_42 : vector<224x6272xi1>, vector<224x6272xf32>
    %reduce_min3A_59 = arith.constant dense<0x7F800000> : vector<224xf32>
    %reduce_min3A_60 = vector.multi_reduction <minimumf>, %select_n3A_58, %reduce_min3A_59 [1] : vector<224x6272xf32> to vector<224xf32>
    %broadcast_in_dim3A_61 = vector.shape_cast %reduce_min3A_60 : vector<224xf32> to vector<224x1xf32>
    %eq3A_62 = vector.broadcast %broadcast_in_dim3A_61 : vector<224x1xf32> to vector<224x6272xf32>
    %eq3A_63 = arith.cmpf oeq, %select_n3A_58, %eq3A_62 : vector<224x6272xf32>
    %jit3A_64 = arith.constant 6272 : i32
    %broadcast_in_dim3A_65 = vector.broadcast %jit3A_64 : i32 to vector<224x6272xi32>
    %select_n3A_66 = arith.select %eq3A_63, %iota3A, %broadcast_in_dim3A_65 : vector<224x6272xi1>, vector<224x6272xi32>
    %reduce_min3A_67 = arith.constant dense<2147483647> : vector<224xi32>
    %reduce_min3A_68 = vector.multi_reduction <minsi>, %select_n3A_66, %reduce_min3A_67 [1] : vector<224x6272xi32> to vector<224xi32>
    %broadcast_in_dim3A_69 = vector.shape_cast %reduce_min3A_68 : vector<224xi32> to vector<224x1xi32>
    %eq3A_70 = vector.broadcast %broadcast_in_dim3A_69 : vector<224x1xi32> to vector<224x6272xi32>
    %eq3A_71 = arith.cmpi eq, %iota3A, %eq3A_70 : vector<224x6272xi32>
    %jit3A_72 = arith.constant 1.000000e+09 : f32
    %broadcast_in_dim3A_73 = vector.broadcast %jit3A_72 : f32 to vector<224x6272xf32>
    %select_n3A_74 = arith.select %eq3A_71, %broadcast_in_dim3A_73, %select_n3A_58 : vector<224x6272xi1>, vector<224x6272xf32>
    %reduce_min3A_75 = arith.constant dense<0x7F800000> : vector<224xf32>
    %reduce_min3A_76 = vector.multi_reduction <minimumf>, %select_n3A_74, %reduce_min3A_75 [1] : vector<224x6272xf32> to vector<224xf32>
    %broadcast_in_dim3A_77 = vector.shape_cast %reduce_min3A_76 : vector<224xf32> to vector<224x1xf32>
    %eq3A_78 = vector.broadcast %broadcast_in_dim3A_77 : vector<224x1xf32> to vector<224x6272xf32>
    %eq3A_79 = arith.cmpf oeq, %select_n3A_74, %eq3A_78 : vector<224x6272xf32>
    %jit3A_80 = arith.constant 6272 : i32
    %broadcast_in_dim3A_81 = vector.broadcast %jit3A_80 : i32 to vector<224x6272xi32>
    %select_n3A_82 = arith.select %eq3A_79, %iota3A, %broadcast_in_dim3A_81 : vector<224x6272xi1>, vector<224x6272xi32>
    %reduce_min3A_83 = arith.constant dense<2147483647> : vector<224xi32>
    %reduce_min3A_84 = vector.multi_reduction <minsi>, %select_n3A_82, %reduce_min3A_83 [1] : vector<224x6272xi32> to vector<224xi32>
    %broadcast_in_dim3A_85 = vector.shape_cast %reduce_min3A_84 : vector<224xi32> to vector<224x1xi32>
    %eq3A_86 = vector.broadcast %broadcast_in_dim3A_85 : vector<224x1xi32> to vector<224x6272xi32>
    %eq3A_87 = arith.cmpi eq, %iota3A, %eq3A_86 : vector<224x6272xi32>
    %jit3A_88 = arith.constant 1.000000e+09 : f32
    %broadcast_in_dim3A_89 = vector.broadcast %jit3A_88 : f32 to vector<224x6272xf32>
    %select_n3A_90 = arith.select %eq3A_87, %broadcast_in_dim3A_89, %select_n3A_74 : vector<224x6272xi1>, vector<224x6272xf32>
    %reduce_min3A_91 = arith.constant dense<0x7F800000> : vector<224xf32>
    %reduce_min3A_92 = vector.multi_reduction <minimumf>, %select_n3A_90, %reduce_min3A_91 [1] : vector<224x6272xf32> to vector<224xf32>
    %broadcast_in_dim3A_93 = vector.shape_cast %reduce_min3A_92 : vector<224xf32> to vector<224x1xf32>
    %eq3A_94 = vector.broadcast %broadcast_in_dim3A_93 : vector<224x1xf32> to vector<224x6272xf32>
    %eq3A_95 = arith.cmpf oeq, %select_n3A_90, %eq3A_94 : vector<224x6272xf32>
    %jit3A_96 = arith.constant 6272 : i32
    %broadcast_in_dim3A_97 = vector.broadcast %jit3A_96 : i32 to vector<224x6272xi32>
    %select_n3A_98 = arith.select %eq3A_95, %iota3A, %broadcast_in_dim3A_97 : vector<224x6272xi1>, vector<224x6272xi32>
    %reduce_min3A_99 = arith.constant dense<2147483647> : vector<224xi32>
    %reduce_min3A_100 = vector.multi_reduction <minsi>, %select_n3A_98, %reduce_min3A_99 [1] : vector<224x6272xi32> to vector<224xi32>
    %broadcast_in_dim3A_101 = vector.shape_cast %reduce_min3A_100 : vector<224xi32> to vector<224x1xi32>
    %eq3A_102 = vector.broadcast %broadcast_in_dim3A_101 : vector<224x1xi32> to vector<224x6272xi32>
    %eq3A_103 = arith.cmpi eq, %iota3A, %eq3A_102 : vector<224x6272xi32>
    %jit3A_104 = arith.constant 1.000000e+09 : f32
    %broadcast_in_dim3A_105 = vector.broadcast %jit3A_104 : f32 to vector<224x6272xf32>
    %select_n3A_106 = arith.select %eq3A_103, %broadcast_in_dim3A_105, %select_n3A_90 : vector<224x6272xi1>, vector<224x6272xf32>
    %reduce_min3A_107 = arith.constant dense<0x7F800000> : vector<224xf32>
    %reduce_min3A_108 = vector.multi_reduction <minimumf>, %select_n3A_106, %reduce_min3A_107 [1] : vector<224x6272xf32> to vector<224xf32>
    %broadcast_in_dim3A_109 = vector.shape_cast %reduce_min3A_108 : vector<224xf32> to vector<224x1xf32>
    %eq3A_110 = vector.broadcast %broadcast_in_dim3A_109 : vector<224x1xf32> to vector<224x6272xf32>
    %eq3A_111 = arith.cmpf oeq, %select_n3A_106, %eq3A_110 : vector<224x6272xf32>
    %jit3A_112 = arith.constant 6272 : i32
    %broadcast_in_dim3A_113 = vector.broadcast %jit3A_112 : i32 to vector<224x6272xi32>
    %select_n3A_114 = arith.select %eq3A_111, %iota3A, %broadcast_in_dim3A_113 : vector<224x6272xi1>, vector<224x6272xi32>
    %reduce_min3A_115 = arith.constant dense<2147483647> : vector<224xi32>
    %reduce_min3A_116 = vector.multi_reduction <minsi>, %select_n3A_114, %reduce_min3A_115 [1] : vector<224x6272xi32> to vector<224xi32>
    %broadcast_in_dim3A_117 = vector.shape_cast %reduce_min3A_116 : vector<224xi32> to vector<224x1xi32>
    %eq3A_118 = vector.broadcast %broadcast_in_dim3A_117 : vector<224x1xi32> to vector<224x6272xi32>
    %eq3A_119 = arith.cmpi eq, %iota3A, %eq3A_118 : vector<224x6272xi32>
    %jit3A_120 = arith.constant 1.000000e+09 : f32
    %broadcast_in_dim3A_121 = vector.broadcast %jit3A_120 : f32 to vector<224x6272xf32>
    %select_n3A_122 = arith.select %eq3A_119, %broadcast_in_dim3A_121, %select_n3A_106 : vector<224x6272xi1>, vector<224x6272xf32>
    %reduce_min3A_123 = arith.constant dense<0x7F800000> : vector<224xf32>
    %reduce_min3A_124 = vector.multi_reduction <minimumf>, %select_n3A_122, %reduce_min3A_123 [1] : vector<224x6272xf32> to vector<224xf32>
    %broadcast_in_dim3A_125 = vector.shape_cast %reduce_min3A_124 : vector<224xf32> to vector<224x1xf32>
    %eq3A_126 = vector.broadcast %broadcast_in_dim3A_125 : vector<224x1xf32> to vector<224x6272xf32>
    %eq3A_127 = arith.cmpf oeq, %select_n3A_122, %eq3A_126 : vector<224x6272xf32>
    %jit3A_128 = arith.constant 6272 : i32
    %broadcast_in_dim3A_129 = vector.broadcast %jit3A_128 : i32 to vector<224x6272xi32>
    %select_n3A_130 = arith.select %eq3A_127, %iota3A, %broadcast_in_dim3A_129 : vector<224x6272xi1>, vector<224x6272xi32>
    %reduce_min3A_131 = arith.constant dense<2147483647> : vector<224xi32>
    %reduce_min3A_132 = vector.multi_reduction <minsi>, %select_n3A_130, %reduce_min3A_131 [1] : vector<224x6272xi32> to vector<224xi32>
    %broadcast_in_dim3A_133 = vector.shape_cast %reduce_min3A_132 : vector<224xi32> to vector<224x1xi32>
    %eq3A_134 = vector.broadcast %broadcast_in_dim3A_133 : vector<224x1xi32> to vector<224x6272xi32>
    %eq3A_135 = arith.cmpi eq, %iota3A, %eq3A_134 : vector<224x6272xi32>
    %jit3A_136 = arith.constant 1.000000e+09 : f32
    %broadcast_in_dim3A_137 = vector.broadcast %jit3A_136 : f32 to vector<224x6272xf32>
    %select_n3A_138 = arith.select %eq3A_135, %broadcast_in_dim3A_137, %select_n3A_122 : vector<224x6272xi1>, vector<224x6272xf32>
    %reduce_min3A_139 = arith.constant dense<0x7F800000> : vector<224xf32>
    %reduce_min3A_140 = vector.multi_reduction <minimumf>, %select_n3A_138, %reduce_min3A_139 [1] : vector<224x6272xf32> to vector<224xf32>
    %broadcast_in_dim3A_141 = vector.shape_cast %reduce_min3A_140 : vector<224xf32> to vector<224x1xf32>
    %eq3A_142 = vector.broadcast %broadcast_in_dim3A_141 : vector<224x1xf32> to vector<224x6272xf32>
    %eq3A_143 = arith.cmpf oeq, %select_n3A_138, %eq3A_142 : vector<224x6272xf32>
    %jit3A_144 = arith.constant 6272 : i32
    %broadcast_in_dim3A_145 = vector.broadcast %jit3A_144 : i32 to vector<224x6272xi32>
    %select_n3A_146 = arith.select %eq3A_143, %iota3A, %broadcast_in_dim3A_145 : vector<224x6272xi1>, vector<224x6272xi32>
    %reduce_min3A_147 = arith.constant dense<2147483647> : vector<224xi32>
    %reduce_min3A_148 = vector.multi_reduction <minsi>, %select_n3A_146, %reduce_min3A_147 [1] : vector<224x6272xi32> to vector<224xi32>
    %broadcast_in_dim3A_149 = vector.shape_cast %reduce_min3A_148 : vector<224xi32> to vector<224x1xi32>
    %concatenate3A = tpu.concatenate %broadcast_in_dim3A_37, %broadcast_in_dim3A_53, %broadcast_in_dim3A_69, %broadcast_in_dim3A_85, %broadcast_in_dim3A_101, %broadcast_in_dim3A_117, %broadcast_in_dim3A_133, %broadcast_in_dim3A_149 in 1 : vector<224x1xi32>, vector<224x1xi32>, vector<224x1xi32>, vector<224x1xi32>, vector<224x1xi32>, vector<224x1xi32>, vector<224x1xi32>, vector<224x1xi32> -> vector<224x8xi32>
    %swap3A = arith.constant 0 : index
    %swap3A_150 = arith.constant 0 : index
    %swap3A_151 = arith.constant 0 : index
    %swap3A_152 = vector.load %arg4[%swap3A, %swap3A_150, %swap3A_151] : memref<1x224x8xi32, #tpu.memory_space<vmem>>, vector<1x224x8xi32>
    %swap3A_153 = vector.shape_cast %swap3A_152 : vector<1x224x8xi32> to vector<224x8xi32>
    %swap3A_154 = vector.shape_cast %concatenate3A : vector<224x8xi32> to vector<1x224x8xi32>
    tpu.vector_store %arg4[%swap3A, %swap3A_150, %swap3A_151], %swap3A_154 {strides = array<i32>} : memref<1x224x8xi32, #tpu.memory_space<vmem>>, vector<1x224x8xi32>,
    return
  }
  func.func @transform_0(%arg0: i32, %arg1: i32) -> (i32, i32, i32) {
    %c0_i32 = arith.constant 0 : i32
    %c0_i32_0 = arith.constant 0 : i32
    return %arg0, %arg1, %c0_i32 : i32, i32, i32
  }
  func.func @transform_1(%arg0: i32, %arg1: i32) -> (i32, i32, i32) {
    %c0_i32 = arith.constant 0 : i32
    %c0_i32_0 = arith.constant 0 : i32
    %c0_i32_1 = arith.constant 0 : i32
    return %arg0, %c0_i32, %c0_i32_0 : i32, i32, i32
  }
  func.func @transform_2(%arg0: i32, %arg1: i32) -> (i32, i32, i32) {
    %c0_i32 = arith.constant 0 : i32
    %c0_i32_0 = arith.constant 0 : i32
    return %arg0, %arg1, %c0_i32 : i32, i32, i32
  }
}

module attributes {stable_mosaic.version = 14 : i64} {
  func.func @_edge_body(%arg0: i32, %arg1: i32, %arg2: memref<1x448x128xf32, #tpu.memory_space<vmem>>, %arg3: memref<1x448x3xf32, #tpu.memory_space<vmem>>, %arg4: memref<1x8x448x256xf32, #tpu.memory_space<vmem>>, %arg5: memref<128x128xf32, #tpu.memory_space<vmem>>, %arg6: memref<3x128xf32, #tpu.memory_space<vmem>>, %arg7: memref<128x128xf32, #tpu.memory_space<vmem>>, %arg8: memref<3x128xf32, #tpu.memory_space<vmem>>, %arg9: memref<1x128xf32, #tpu.memory_space<vmem>>, %arg10: memref<128x128xf32, #tpu.memory_space<vmem>>, %arg11: memref<1x128xf32, #tpu.memory_space<vmem>>, %arg12: memref<128x128xf32, #tpu.memory_space<vmem>>, %arg13: memref<1x128xf32, #tpu.memory_space<vmem>>, %arg14: memref<128x3xf32, #tpu.memory_space<vmem>>, %arg15: memref<1x3xf32, #tpu.memory_space<vmem>>, %arg16: memref<1x448x128xf32, #tpu.memory_space<vmem>>, %arg17: memref<1x448x3xf32, #tpu.memory_space<vmem>>) attributes {dimension_semantics = [#tpu.dimension_semantics<arbitrary>, #tpu.dimension_semantics<arbitrary>], iteration_bounds = array<i64: 1, 14>, scalar_prefetch = 0 : i64, scratch_operands = 0 : i64, tpu.core_type = #tpu.core_type<tc>, window_params = [{transform_indices = @transform_0, window_bounds = array<i64: 1, 448, 128>}, {transform_indices = @transform_1, window_bounds = array<i64: 1, 448, 3>}, {transform_indices = @transform_2, window_bounds = array<i64: 1, 8, 448, 256>}, {pipeline_mode = #tpu.pipeline_mode<synchronous>, transform_indices = @transform_3, window_bounds = array<i64: 128, 128>}, {pipeline_mode = #tpu.pipeline_mode<synchronous>, transform_indices = @transform_4, window_bounds = array<i64: 3, 128>}, {pipeline_mode = #tpu.pipeline_mode<synchronous>, transform_indices = @transform_5, window_bounds = array<i64: 128, 128>}, {pipeline_mode = #tpu.pipeline_mode<synchronous>, transform_indices = @transform_6, window_bounds = array<i64: 3, 128>}, {pipeline_mode = #tpu.pipeline_mode<synchronous>, transform_indices = @transform_7, window_bounds = array<i64: 1, 128>}, {pipeline_mode = #tpu.pipeline_mode<synchronous>, transform_indices = @transform_8, window_bounds = array<i64: 128, 128>}, {pipeline_mode = #tpu.pipeline_mode<synchronous>, transform_indices = @transform_9, window_bounds = array<i64: 1, 128>}, {pipeline_mode = #tpu.pipeline_mode<synchronous>, transform_indices = @transform_10, window_bounds = array<i64: 128, 128>}, {pipeline_mode = #tpu.pipeline_mode<synchronous>, transform_indices = @transform_11, window_bounds = array<i64: 1, 128>}, {pipeline_mode = #tpu.pipeline_mode<synchronous>, transform_indices = @transform_12, window_bounds = array<i64: 128, 3>}, {pipeline_mode = #tpu.pipeline_mode<synchronous>, transform_indices = @transform_13, window_bounds = array<i64: 1, 3>}, {transform_indices = @transform_14, window_bounds = array<i64: 1, 448, 128>}, {transform_indices = @transform_15, window_bounds = array<i64: 1, 448, 3>}]} {
    %get3A = arith.constant 0 : index
    %get3A_0 = arith.constant 0 : index
    %get3A_1 = arith.constant 0 : index
    %get3A_2 = vector.load %arg2[%get3A, %get3A_0, %get3A_1] : memref<1x448x128xf32, #tpu.memory_space<vmem>>, vector<1x448x128xf32>
    %get3A_3 = vector.shape_cast %get3A_2 : vector<1x448x128xf32> to vector<448x128xf32>
    %get3A_4 = arith.constant 0 : index
    %get3A_5 = arith.constant 0 : index
    %get3A_6 = arith.constant 0 : index
    %get3A_7 = vector.load %arg3[%get3A_4, %get3A_5, %get3A_6] : memref<1x448x3xf32, #tpu.memory_space<vmem>>, vector<1x448x3xf32>
    %get3A_8 = vector.shape_cast %get3A_7 : vector<1x448x3xf32> to vector<448x3xf32>
    %get3A_9 = arith.constant 0 : index
    %get3A_10 = arith.constant 0 : index
    %get3A_11 = vector.load %arg5[%get3A_9, %get3A_10] : memref<128x128xf32, #tpu.memory_space<vmem>>, vector<128x128xf32>
    %convert_element_type3A = arith.truncf %get3A_3 : vector<448x128xf32> to vector<448x128xbf16>
    %convert_element_type3A_12 = arith.truncf %get3A_11 : vector<128x128xf32> to vector<128x128xbf16>
    %dot_general3A = arith.constant dense<0.000000e+00> : vector<448x128xf32>
    %dot_general3A_13 = tpu.matmul %convert_element_type3A, %convert_element_type3A_12, %dot_general3A {dimension_numbers = #tpu.dot_dimension_numbers<[1], [0], [0], [1], [0, 0, 1, 1], [], []>, transpose_lhs_hint = false} : vector<448x128xbf16>, vector<128x128xbf16>, vector<448x128xf32> -> vector<448x128xf32>
    %get3A_14 = arith.constant 0 : index
    %get3A_15 = arith.constant 0 : index
    %get3A_16 = vector.load %arg6[%get3A_14, %get3A_15] : memref<3x128xf32, #tpu.memory_space<vmem>>, vector<3x128xf32>
    %convert_element_type3A_17 = arith.truncf %get3A_8 : vector<448x3xf32> to vector<448x3xbf16>
    %convert_element_type3A_18 = arith.truncf %get3A_16 : vector<3x128xf32> to vector<3x128xbf16>
    %dot_general3A_19 = arith.constant dense<0.000000e+00> : vector<448x128xf32>
    %dot_general3A_20 = tpu.matmul %convert_element_type3A_17, %convert_element_type3A_18, %dot_general3A_19 {dimension_numbers = #tpu.dot_dimension_numbers<[1], [0], [0], [1], [0, 0, 1, 1], [], []>, transpose_lhs_hint = false} : vector<448x3xbf16>, vector<3x128xbf16>, vector<448x128xf32> -> vector<448x128xf32>
    %add3A = arith.addf %dot_general3A_13, %dot_general3A_20 : vector<448x128xf32>
    %get3A_21 = arith.constant 0 : index
    %get3A_22 = arith.constant 0 : index
    %get3A_23 = vector.load %arg9[%get3A_21, %get3A_22] : memref<1x128xf32, #tpu.memory_space<vmem>>, vector<1x128xf32>
    %add3A_24 = vector.broadcast %get3A_23 : vector<1x128xf32> to vector<448x128xf32>
    %add3A_25 = arith.addf %add3A, %add3A_24 : vector<448x128xf32>
    %get3A_26 = arith.constant 0 : index
    %get3A_27 = arith.constant 0 : index
    %get3A_28 = vector.load %arg7[%get3A_26, %get3A_27] : memref<128x128xf32, #tpu.memory_space<vmem>>, vector<128x128xf32>
    %get3A_29 = arith.constant 0 : index
    %get3A_30 = arith.constant 0 : index
    %get3A_31 = vector.load %arg8[%get3A_29, %get3A_30] : memref<3x128xf32, #tpu.memory_space<vmem>>, vector<3x128xf32>
    %get3A_32 = arith.constant 0 : index
    %get3A_33 = arith.constant 0 : index
    %get3A_34 = vector.load %arg10[%get3A_32, %get3A_33] : memref<128x128xf32, #tpu.memory_space<vmem>>, vector<128x128xf32>
    %broadcast_in_dim3A = arith.constant -1.000000e+30 : f32
    %broadcast_in_dim3A_35 = vector.broadcast %broadcast_in_dim3A : f32 to vector<448x128xf32>
    %get3A_36 = arith.constant 0 : index
    %get3A_37 = arith.constant 0 : index
    %get3A_38 = arith.constant 0 : index
    %get3A_39 = arith.constant 0 : index
    %get3A_40 = vector.load %arg4[%get3A_36, %get3A_37, %get3A_38, %get3A_39] : memref<1x8x448x256xf32, #tpu.memory_space<vmem>>, vector<1x1x448x256xf32>
    %get3A_41 = vector.shape_cast %get3A_40 : vector<1x1x448x256xf32> to vector<448x256xf32>
    %slice3A = vector.extract_strided_slice %get3A_41 {offsets = [0, 0], sizes = [448, 128], strides = [1, 1]} : vector<448x256xf32> to vector<448x128xf32>
    %sub3A = arith.subf %slice3A, %get3A_3 : vector<448x128xf32>
    %slice3A_42 = vector.extract_strided_slice %get3A_41 {offsets = [0, 128], sizes = [448, 3], strides = [1, 1]} : vector<448x256xf32> to vector<448x3xf32>
    %sub3A_43 = arith.subf %slice3A_42, %get3A_8 : vector<448x3xf32>
    %convert_element_type3A_44 = arith.truncf %sub3A : vector<448x128xf32> to vector<448x128xbf16>
    %convert_element_type3A_45 = arith.truncf %get3A_28 : vector<128x128xf32> to vector<128x128xbf16>
    %dot_general3A_46 = arith.constant dense<0.000000e+00> : vector<448x128xf32>
    %dot_general3A_47 = tpu.matmul %convert_element_type3A_44, %convert_element_type3A_45, %dot_general3A_46 {dimension_numbers = #tpu.dot_dimension_numbers<[1], [0], [0], [1], [0, 0, 1, 1], [], []>, transpose_lhs_hint = false} : vector<448x128xbf16>, vector<128x128xbf16>, vector<448x128xf32> -> vector<448x128xf32>
    %add3A_48 = arith.addf %add3A_25, %dot_general3A_47 : vector<448x128xf32>
    %convert_element_type3A_49 = arith.truncf %sub3A_43 : vector<448x3xf32> to vector<448x3xbf16>
    %convert_element_type3A_50 = arith.truncf %get3A_31 : vector<3x128xf32> to vector<3x128xbf16>
    %dot_general3A_51 = arith.constant dense<0.000000e+00> : vector<448x128xf32>
    %dot_general3A_52 = tpu.matmul %convert_element_type3A_49, %convert_element_type3A_50, %dot_general3A_51 {dimension_numbers = #tpu.dot_dimension_numbers<[1], [0], [0], [1], [0, 0, 1, 1], [], []>, transpose_lhs_hint = false} : vector<448x3xbf16>, vector<3x128xbf16>, vector<448x128xf32> -> vector<448x128xf32>
    %add3A_53 = arith.addf %add3A_48, %dot_general3A_52 : vector<448x128xf32>
    %max3A = arith.constant 0.000000e+00 : f32
    %max3A_54 = vector.broadcast %max3A : f32 to vector<448x128xf32>
    %max3A_55 = arith.maximumf %add3A_53, %max3A_54 : vector<448x128xf32>
    %convert_element_type3A_56 = arith.truncf %max3A_55 : vector<448x128xf32> to vector<448x128xbf16>
    %convert_element_type3A_57 = arith.truncf %get3A_34 : vector<128x128xf32> to vector<128x128xbf16>
    %dot_general3A_58 = arith.constant dense<0.000000e+00> : vector<448x128xf32>
    %dot_general3A_59 = tpu.matmul %convert_element_type3A_56, %convert_element_type3A_57, %dot_general3A_58 {dimension_numbers = #tpu.dot_dimension_numbers<[1], [0], [0], [1], [0, 0, 1, 1], [], []>, transpose_lhs_hint = false} : vector<448x128xbf16>, vector<128x128xbf16>, vector<448x128xf32> -> vector<448x128xf32>
    %max3A_60 = arith.maximumf %broadcast_in_dim3A_35, %dot_general3A_59 : vector<448x128xf32>
    %get3A_61 = arith.constant 0 : index
    %get3A_62 = arith.constant 1 : index
    %get3A_63 = arith.constant 0 : index
    %get3A_64 = arith.constant 0 : index
    %get3A_65 = vector.load %arg4[%get3A_61, %get3A_62, %get3A_63, %get3A_64] : memref<1x8x448x256xf32, #tpu.memory_space<vmem>>, vector<1x1x448x256xf32>
    %get3A_66 = vector.shape_cast %get3A_65 : vector<1x1x448x256xf32> to vector<448x256xf32>
    %slice3A_67 = vector.extract_strided_slice %get3A_66 {offsets = [0, 0], sizes = [448, 128], strides = [1, 1]} : vector<448x256xf32> to vector<448x128xf32>
    %sub3A_68 = arith.subf %slice3A_67, %get3A_3 : vector<448x128xf32>
    %slice3A_69 = vector.extract_strided_slice %get3A_66 {offsets = [0, 128], sizes = [448, 3], strides = [1, 1]} : vector<448x256xf32> to vector<448x3xf32>
    %sub3A_70 = arith.subf %slice3A_69, %get3A_8 : vector<448x3xf32>
    %convert_element_type3A_71 = arith.truncf %sub3A_68 : vector<448x128xf32> to vector<448x128xbf16>
    %convert_element_type3A_72 = arith.truncf %get3A_28 : vector<128x128xf32> to vector<128x128xbf16>
    %dot_general3A_73 = arith.constant dense<0.000000e+00> : vector<448x128xf32>
    %dot_general3A_74 = tpu.matmul %convert_element_type3A_71, %convert_element_type3A_72, %dot_general3A_73 {dimension_numbers = #tpu.dot_dimension_numbers<[1], [0], [0], [1], [0, 0, 1, 1], [], []>, transpose_lhs_hint = false} : vector<448x128xbf16>, vector<128x128xbf16>, vector<448x128xf32> -> vector<448x128xf32>
    %add3A_75 = arith.addf %add3A_25, %dot_general3A_74 : vector<448x128xf32>
    %convert_element_type3A_76 = arith.truncf %sub3A_70 : vector<448x3xf32> to vector<448x3xbf16>
    %convert_element_type3A_77 = arith.truncf %get3A_31 : vector<3x128xf32> to vector<3x128xbf16>
    %dot_general3A_78 = arith.constant dense<0.000000e+00> : vector<448x128xf32>
    %dot_general3A_79 = tpu.matmul %convert_element_type3A_76, %convert_element_type3A_77, %dot_general3A_78 {dimension_numbers = #tpu.dot_dimension_numbers<[1], [0], [0], [1], [0, 0, 1, 1], [], []>, transpose_lhs_hint = false} : vector<448x3xbf16>, vector<3x128xbf16>, vector<448x128xf32> -> vector<448x128xf32>
    %add3A_80 = arith.addf %add3A_75, %dot_general3A_79 : vector<448x128xf32>
    %max3A_81 = arith.constant 0.000000e+00 : f32
    %max3A_82 = vector.broadcast %max3A_81 : f32 to vector<448x128xf32>
    %max3A_83 = arith.maximumf %add3A_80, %max3A_82 : vector<448x128xf32>
    %convert_element_type3A_84 = arith.truncf %max3A_83 : vector<448x128xf32> to vector<448x128xbf16>
    %convert_element_type3A_85 = arith.truncf %get3A_34 : vector<128x128xf32> to vector<128x128xbf16>
    %dot_general3A_86 = arith.constant dense<0.000000e+00> : vector<448x128xf32>
    %dot_general3A_87 = tpu.matmul %convert_element_type3A_84, %convert_element_type3A_85, %dot_general3A_86 {dimension_numbers = #tpu.dot_dimension_numbers<[1], [0], [0], [1], [0, 0, 1, 1], [], []>, transpose_lhs_hint = false} : vector<448x128xbf16>, vector<128x128xbf16>, vector<448x128xf32> -> vector<448x128xf32>
    %max3A_88 = arith.maximumf %max3A_60, %dot_general3A_87 : vector<448x128xf32>
    %get3A_89 = arith.constant 0 : index
    %get3A_90 = arith.constant 2 : index
    %get3A_91 = arith.constant 0 : index
    %get3A_92 = arith.constant 0 : index
    %get3A_93 = vector.load %arg4[%get3A_89, %get3A_90, %get3A_91, %get3A_92] : memref<1x8x448x256xf32, #tpu.memory_space<vmem>>, vector<1x1x448x256xf32>
    %get3A_94 = vector.shape_cast %get3A_93 : vector<1x1x448x256xf32> to vector<448x256xf32>
    %slice3A_95 = vector.extract_strided_slice %get3A_94 {offsets = [0, 0], sizes = [448, 128], strides = [1, 1]} : vector<448x256xf32> to vector<448x128xf32>
    %sub3A_96 = arith.subf %slice3A_95, %get3A_3 : vector<448x128xf32>
    %slice3A_97 = vector.extract_strided_slice %get3A_94 {offsets = [0, 128], sizes = [448, 3], strides = [1, 1]} : vector<448x256xf32> to vector<448x3xf32>
    %sub3A_98 = arith.subf %slice3A_97, %get3A_8 : vector<448x3xf32>
    %convert_element_type3A_99 = arith.truncf %sub3A_96 : vector<448x128xf32> to vector<448x128xbf16>
    %convert_element_type3A_100 = arith.truncf %get3A_28 : vector<128x128xf32> to vector<128x128xbf16>
    %dot_general3A_101 = arith.constant dense<0.000000e+00> : vector<448x128xf32>
    %dot_general3A_102 = tpu.matmul %convert_element_type3A_99, %convert_element_type3A_100, %dot_general3A_101 {dimension_numbers = #tpu.dot_dimension_numbers<[1], [0], [0], [1], [0, 0, 1, 1], [], []>, transpose_lhs_hint = false} : vector<448x128xbf16>, vector<128x128xbf16>, vector<448x128xf32> -> vector<448x128xf32>
    %add3A_103 = arith.addf %add3A_25, %dot_general3A_102 : vector<448x128xf32>
    %convert_element_type3A_104 = arith.truncf %sub3A_98 : vector<448x3xf32> to vector<448x3xbf16>
    %convert_element_type3A_105 = arith.truncf %get3A_31 : vector<3x128xf32> to vector<3x128xbf16>
    %dot_general3A_106 = arith.constant dense<0.000000e+00> : vector<448x128xf32>
    %dot_general3A_107 = tpu.matmul %convert_element_type3A_104, %convert_element_type3A_105, %dot_general3A_106 {dimension_numbers = #tpu.dot_dimension_numbers<[1], [0], [0], [1], [0, 0, 1, 1], [], []>, transpose_lhs_hint = false} : vector<448x3xbf16>, vector<3x128xbf16>, vector<448x128xf32> -> vector<448x128xf32>
    %add3A_108 = arith.addf %add3A_103, %dot_general3A_107 : vector<448x128xf32>
    %max3A_109 = arith.constant 0.000000e+00 : f32
    %max3A_110 = vector.broadcast %max3A_109 : f32 to vector<448x128xf32>
    %max3A_111 = arith.maximumf %add3A_108, %max3A_110 : vector<448x128xf32>
    %convert_element_type3A_112 = arith.truncf %max3A_111 : vector<448x128xf32> to vector<448x128xbf16>
    %convert_element_type3A_113 = arith.truncf %get3A_34 : vector<128x128xf32> to vector<128x128xbf16>
    %dot_general3A_114 = arith.constant dense<0.000000e+00> : vector<448x128xf32>
    %dot_general3A_115 = tpu.matmul %convert_element_type3A_112, %convert_element_type3A_113, %dot_general3A_114 {dimension_numbers = #tpu.dot_dimension_numbers<[1], [0], [0], [1], [0, 0, 1, 1], [], []>, transpose_lhs_hint = false} : vector<448x128xbf16>, vector<128x128xbf16>, vector<448x128xf32> -> vector<448x128xf32>
    %max3A_116 = arith.maximumf %max3A_88, %dot_general3A_115 : vector<448x128xf32>
    %get3A_117 = arith.constant 0 : index
    %get3A_118 = arith.constant 3 : index
    %get3A_119 = arith.constant 0 : index
    %get3A_120 = arith.constant 0 : index
    %get3A_121 = vector.load %arg4[%get3A_117, %get3A_118, %get3A_119, %get3A_120] : memref<1x8x448x256xf32, #tpu.memory_space<vmem>>, vector<1x1x448x256xf32>
    %get3A_122 = vector.shape_cast %get3A_121 : vector<1x1x448x256xf32> to vector<448x256xf32>
    %slice3A_123 = vector.extract_strided_slice %get3A_122 {offsets = [0, 0], sizes = [448, 128], strides = [1, 1]} : vector<448x256xf32> to vector<448x128xf32>
    %sub3A_124 = arith.subf %slice3A_123, %get3A_3 : vector<448x128xf32>
    %slice3A_125 = vector.extract_strided_slice %get3A_122 {offsets = [0, 128], sizes = [448, 3], strides = [1, 1]} : vector<448x256xf32> to vector<448x3xf32>
    %sub3A_126 = arith.subf %slice3A_125, %get3A_8 : vector<448x3xf32>
    %convert_element_type3A_127 = arith.truncf %sub3A_124 : vector<448x128xf32> to vector<448x128xbf16>
    %convert_element_type3A_128 = arith.truncf %get3A_28 : vector<128x128xf32> to vector<128x128xbf16>
    %dot_general3A_129 = arith.constant dense<0.000000e+00> : vector<448x128xf32>
    %dot_general3A_130 = tpu.matmul %convert_element_type3A_127, %convert_element_type3A_128, %dot_general3A_129 {dimension_numbers = #tpu.dot_dimension_numbers<[1], [0], [0], [1], [0, 0, 1, 1], [], []>, transpose_lhs_hint = false} : vector<448x128xbf16>, vector<128x128xbf16>, vector<448x128xf32> -> vector<448x128xf32>
    %add3A_131 = arith.addf %add3A_25, %dot_general3A_130 : vector<448x128xf32>
    %convert_element_type3A_132 = arith.truncf %sub3A_126 : vector<448x3xf32> to vector<448x3xbf16>
    %convert_element_type3A_133 = arith.truncf %get3A_31 : vector<3x128xf32> to vector<3x128xbf16>
    %dot_general3A_134 = arith.constant dense<0.000000e+00> : vector<448x128xf32>
    %dot_general3A_135 = tpu.matmul %convert_element_type3A_132, %convert_element_type3A_133, %dot_general3A_134 {dimension_numbers = #tpu.dot_dimension_numbers<[1], [0], [0], [1], [0, 0, 1, 1], [], []>, transpose_lhs_hint = false} : vector<448x3xbf16>, vector<3x128xbf16>, vector<448x128xf32> -> vector<448x128xf32>
    %add3A_136 = arith.addf %add3A_131, %dot_general3A_135 : vector<448x128xf32>
    %max3A_137 = arith.constant 0.000000e+00 : f32
    %max3A_138 = vector.broadcast %max3A_137 : f32 to vector<448x128xf32>
    %max3A_139 = arith.maximumf %add3A_136, %max3A_138 : vector<448x128xf32>
    %convert_element_type3A_140 = arith.truncf %max3A_139 : vector<448x128xf32> to vector<448x128xbf16>
    %convert_element_type3A_141 = arith.truncf %get3A_34 : vector<128x128xf32> to vector<128x128xbf16>
    %dot_general3A_142 = arith.constant dense<0.000000e+00> : vector<448x128xf32>
    %dot_general3A_143 = tpu.matmul %convert_element_type3A_140, %convert_element_type3A_141, %dot_general3A_142 {dimension_numbers = #tpu.dot_dimension_numbers<[1], [0], [0], [1], [0, 0, 1, 1], [], []>, transpose_lhs_hint = false} : vector<448x128xbf16>, vector<128x128xbf16>, vector<448x128xf32> -> vector<448x128xf32>
    %max3A_144 = arith.maximumf %max3A_116, %dot_general3A_143 : vector<448x128xf32>
    %get3A_145 = arith.constant 0 : index
    %get3A_146 = arith.constant 4 : index
    %get3A_147 = arith.constant 0 : index
    %get3A_148 = arith.constant 0 : index
    %get3A_149 = vector.load %arg4[%get3A_145, %get3A_146, %get3A_147, %get3A_148] : memref<1x8x448x256xf32, #tpu.memory_space<vmem>>, vector<1x1x448x256xf32>
    %get3A_150 = vector.shape_cast %get3A_149 : vector<1x1x448x256xf32> to vector<448x256xf32>
    %slice3A_151 = vector.extract_strided_slice %get3A_150 {offsets = [0, 0], sizes = [448, 128], strides = [1, 1]} : vector<448x256xf32> to vector<448x128xf32>
    %sub3A_152 = arith.subf %slice3A_151, %get3A_3 : vector<448x128xf32>
    %slice3A_153 = vector.extract_strided_slice %get3A_150 {offsets = [0, 128], sizes = [448, 3], strides = [1, 1]} : vector<448x256xf32> to vector<448x3xf32>
    %sub3A_154 = arith.subf %slice3A_153, %get3A_8 : vector<448x3xf32>
    %convert_element_type3A_155 = arith.truncf %sub3A_152 : vector<448x128xf32> to vector<448x128xbf16>
    %convert_element_type3A_156 = arith.truncf %get3A_28 : vector<128x128xf32> to vector<128x128xbf16>
    %dot_general3A_157 = arith.constant dense<0.000000e+00> : vector<448x128xf32>
    %dot_general3A_158 = tpu.matmul %convert_element_type3A_155, %convert_element_type3A_156, %dot_general3A_157 {dimension_numbers = #tpu.dot_dimension_numbers<[1], [0], [0], [1], [0, 0, 1, 1], [], []>, transpose_lhs_hint = false} : vector<448x128xbf16>, vector<128x128xbf16>, vector<448x128xf32> -> vector<448x128xf32>
    %add3A_159 = arith.addf %add3A_25, %dot_general3A_158 : vector<448x128xf32>
    %convert_element_type3A_160 = arith.truncf %sub3A_154 : vector<448x3xf32> to vector<448x3xbf16>
    %convert_element_type3A_161 = arith.truncf %get3A_31 : vector<3x128xf32> to vector<3x128xbf16>
    %dot_general3A_162 = arith.constant dense<0.000000e+00> : vector<448x128xf32>
    %dot_general3A_163 = tpu.matmul %convert_element_type3A_160, %convert_element_type3A_161, %dot_general3A_162 {dimension_numbers = #tpu.dot_dimension_numbers<[1], [0], [0], [1], [0, 0, 1, 1], [], []>, transpose_lhs_hint = false} : vector<448x3xbf16>, vector<3x128xbf16>, vector<448x128xf32> -> vector<448x128xf32>
    %add3A_164 = arith.addf %add3A_159, %dot_general3A_163 : vector<448x128xf32>
    %max3A_165 = arith.constant 0.000000e+00 : f32
    %max3A_166 = vector.broadcast %max3A_165 : f32 to vector<448x128xf32>
    %max3A_167 = arith.maximumf %add3A_164, %max3A_166 : vector<448x128xf32>
    %convert_element_type3A_168 = arith.truncf %max3A_167 : vector<448x128xf32> to vector<448x128xbf16>
    %convert_element_type3A_169 = arith.truncf %get3A_34 : vector<128x128xf32> to vector<128x128xbf16>
    %dot_general3A_170 = arith.constant dense<0.000000e+00> : vector<448x128xf32>
    %dot_general3A_171 = tpu.matmul %convert_element_type3A_168, %convert_element_type3A_169, %dot_general3A_170 {dimension_numbers = #tpu.dot_dimension_numbers<[1], [0], [0], [1], [0, 0, 1, 1], [], []>, transpose_lhs_hint = false} : vector<448x128xbf16>, vector<128x128xbf16>, vector<448x128xf32> -> vector<448x128xf32>
    %max3A_172 = arith.maximumf %max3A_144, %dot_general3A_171 : vector<448x128xf32>
    %get3A_173 = arith.constant 0 : index
    %get3A_174 = arith.constant 5 : index
    %get3A_175 = arith.constant 0 : index
    %get3A_176 = arith.constant 0 : index
    %get3A_177 = vector.load %arg4[%get3A_173, %get3A_174, %get3A_175, %get3A_176] : memref<1x8x448x256xf32, #tpu.memory_space<vmem>>, vector<1x1x448x256xf32>
    %get3A_178 = vector.shape_cast %get3A_177 : vector<1x1x448x256xf32> to vector<448x256xf32>
    %slice3A_179 = vector.extract_strided_slice %get3A_178 {offsets = [0, 0], sizes = [448, 128], strides = [1, 1]} : vector<448x256xf32> to vector<448x128xf32>
    %sub3A_180 = arith.subf %slice3A_179, %get3A_3 : vector<448x128xf32>
    %slice3A_181 = vector.extract_strided_slice %get3A_178 {offsets = [0, 128], sizes = [448, 3], strides = [1, 1]} : vector<448x256xf32> to vector<448x3xf32>
    %sub3A_182 = arith.subf %slice3A_181, %get3A_8 : vector<448x3xf32>
    %convert_element_type3A_183 = arith.truncf %sub3A_180 : vector<448x128xf32> to vector<448x128xbf16>
    %convert_element_type3A_184 = arith.truncf %get3A_28 : vector<128x128xf32> to vector<128x128xbf16>
    %dot_general3A_185 = arith.constant dense<0.000000e+00> : vector<448x128xf32>
    %dot_general3A_186 = tpu.matmul %convert_element_type3A_183, %convert_element_type3A_184, %dot_general3A_185 {dimension_numbers = #tpu.dot_dimension_numbers<[1], [0], [0], [1], [0, 0, 1, 1], [], []>, transpose_lhs_hint = false} : vector<448x128xbf16>, vector<128x128xbf16>, vector<448x128xf32> -> vector<448x128xf32>
    %add3A_187 = arith.addf %add3A_25, %dot_general3A_186 : vector<448x128xf32>
    %convert_element_type3A_188 = arith.truncf %sub3A_182 : vector<448x3xf32> to vector<448x3xbf16>
    %convert_element_type3A_189 = arith.truncf %get3A_31 : vector<3x128xf32> to vector<3x128xbf16>
    %dot_general3A_190 = arith.constant dense<0.000000e+00> : vector<448x128xf32>
    %dot_general3A_191 = tpu.matmul %convert_element_type3A_188, %convert_element_type3A_189, %dot_general3A_190 {dimension_numbers = #tpu.dot_dimension_numbers<[1], [0], [0], [1], [0, 0, 1, 1], [], []>, transpose_lhs_hint = false} : vector<448x3xbf16>, vector<3x128xbf16>, vector<448x128xf32> -> vector<448x128xf32>
    %add3A_192 = arith.addf %add3A_187, %dot_general3A_191 : vector<448x128xf32>
    %max3A_193 = arith.constant 0.000000e+00 : f32
    %max3A_194 = vector.broadcast %max3A_193 : f32 to vector<448x128xf32>
    %max3A_195 = arith.maximumf %add3A_192, %max3A_194 : vector<448x128xf32>
    %convert_element_type3A_196 = arith.truncf %max3A_195 : vector<448x128xf32> to vector<448x128xbf16>
    %convert_element_type3A_197 = arith.truncf %get3A_34 : vector<128x128xf32> to vector<128x128xbf16>
    %dot_general3A_198 = arith.constant dense<0.000000e+00> : vector<448x128xf32>
    %dot_general3A_199 = tpu.matmul %convert_element_type3A_196, %convert_element_type3A_197, %dot_general3A_198 {dimension_numbers = #tpu.dot_dimension_numbers<[1], [0], [0], [1], [0, 0, 1, 1], [], []>, transpose_lhs_hint = false} : vector<448x128xbf16>, vector<128x128xbf16>, vector<448x128xf32> -> vector<448x128xf32>
    %max3A_200 = arith.maximumf %max3A_172, %dot_general3A_199 : vector<448x128xf32>
    %get3A_201 = arith.constant 0 : index
    %get3A_202 = arith.constant 6 : index
    %get3A_203 = arith.constant 0 : index
    %get3A_204 = arith.constant 0 : index
    %get3A_205 = vector.load %arg4[%get3A_201, %get3A_202, %get3A_203, %get3A_204] : memref<1x8x448x256xf32, #tpu.memory_space<vmem>>, vector<1x1x448x256xf32>
    %get3A_206 = vector.shape_cast %get3A_205 : vector<1x1x448x256xf32> to vector<448x256xf32>
    %slice3A_207 = vector.extract_strided_slice %get3A_206 {offsets = [0, 0], sizes = [448, 128], strides = [1, 1]} : vector<448x256xf32> to vector<448x128xf32>
    %sub3A_208 = arith.subf %slice3A_207, %get3A_3 : vector<448x128xf32>
    %slice3A_209 = vector.extract_strided_slice %get3A_206 {offsets = [0, 128], sizes = [448, 3], strides = [1, 1]} : vector<448x256xf32> to vector<448x3xf32>
    %sub3A_210 = arith.subf %slice3A_209, %get3A_8 : vector<448x3xf32>
    %convert_element_type3A_211 = arith.truncf %sub3A_208 : vector<448x128xf32> to vector<448x128xbf16>
    %convert_element_type3A_212 = arith.truncf %get3A_28 : vector<128x128xf32> to vector<128x128xbf16>
    %dot_general3A_213 = arith.constant dense<0.000000e+00> : vector<448x128xf32>
    %dot_general3A_214 = tpu.matmul %convert_element_type3A_211, %convert_element_type3A_212, %dot_general3A_213 {dimension_numbers = #tpu.dot_dimension_numbers<[1], [0], [0], [1], [0, 0, 1, 1], [], []>, transpose_lhs_hint = false} : vector<448x128xbf16>, vector<128x128xbf16>, vector<448x128xf32> -> vector<448x128xf32>
    %add3A_215 = arith.addf %add3A_25, %dot_general3A_214 : vector<448x128xf32>
    %convert_element_type3A_216 = arith.truncf %sub3A_210 : vector<448x3xf32> to vector<448x3xbf16>
    %convert_element_type3A_217 = arith.truncf %get3A_31 : vector<3x128xf32> to vector<3x128xbf16>
    %dot_general3A_218 = arith.constant dense<0.000000e+00> : vector<448x128xf32>
    %dot_general3A_219 = tpu.matmul %convert_element_type3A_216, %convert_element_type3A_217, %dot_general3A_218 {dimension_numbers = #tpu.dot_dimension_numbers<[1], [0], [0], [1], [0, 0, 1, 1], [], []>, transpose_lhs_hint = false} : vector<448x3xbf16>, vector<3x128xbf16>, vector<448x128xf32> -> vector<448x128xf32>
    %add3A_220 = arith.addf %add3A_215, %dot_general3A_219 : vector<448x128xf32>
    %max3A_221 = arith.constant 0.000000e+00 : f32
    %max3A_222 = vector.broadcast %max3A_221 : f32 to vector<448x128xf32>
    %max3A_223 = arith.maximumf %add3A_220, %max3A_222 : vector<448x128xf32>
    %convert_element_type3A_224 = arith.truncf %max3A_223 : vector<448x128xf32> to vector<448x128xbf16>
    %convert_element_type3A_225 = arith.truncf %get3A_34 : vector<128x128xf32> to vector<128x128xbf16>
    %dot_general3A_226 = arith.constant dense<0.000000e+00> : vector<448x128xf32>
    %dot_general3A_227 = tpu.matmul %convert_element_type3A_224, %convert_element_type3A_225, %dot_general3A_226 {dimension_numbers = #tpu.dot_dimension_numbers<[1], [0], [0], [1], [0, 0, 1, 1], [], []>, transpose_lhs_hint = false} : vector<448x128xbf16>, vector<128x128xbf16>, vector<448x128xf32> -> vector<448x128xf32>
    %max3A_228 = arith.maximumf %max3A_200, %dot_general3A_227 : vector<448x128xf32>
    %get3A_229 = arith.constant 0 : index
    %get3A_230 = arith.constant 7 : index
    %get3A_231 = arith.constant 0 : index
    %get3A_232 = arith.constant 0 : index
    %get3A_233 = vector.load %arg4[%get3A_229, %get3A_230, %get3A_231, %get3A_232] : memref<1x8x448x256xf32, #tpu.memory_space<vmem>>, vector<1x1x448x256xf32>
    %get3A_234 = vector.shape_cast %get3A_233 : vector<1x1x448x256xf32> to vector<448x256xf32>
    %slice3A_235 = vector.extract_strided_slice %get3A_234 {offsets = [0, 0], sizes = [448, 128], strides = [1, 1]} : vector<448x256xf32> to vector<448x128xf32>
    %sub3A_236 = arith.subf %slice3A_235, %get3A_3 : vector<448x128xf32>
    %slice3A_237 = vector.extract_strided_slice %get3A_234 {offsets = [0, 128], sizes = [448, 3], strides = [1, 1]} : vector<448x256xf32> to vector<448x3xf32>
    %sub3A_238 = arith.subf %slice3A_237, %get3A_8 : vector<448x3xf32>
    %convert_element_type3A_239 = arith.truncf %sub3A_236 : vector<448x128xf32> to vector<448x128xbf16>
    %convert_element_type3A_240 = arith.truncf %get3A_28 : vector<128x128xf32> to vector<128x128xbf16>
    %dot_general3A_241 = arith.constant dense<0.000000e+00> : vector<448x128xf32>
    %dot_general3A_242 = tpu.matmul %convert_element_type3A_239, %convert_element_type3A_240, %dot_general3A_241 {dimension_numbers = #tpu.dot_dimension_numbers<[1], [0], [0], [1], [0, 0, 1, 1], [], []>, transpose_lhs_hint = false} : vector<448x128xbf16>, vector<128x128xbf16>, vector<448x128xf32> -> vector<448x128xf32>
    %add3A_243 = arith.addf %add3A_25, %dot_general3A_242 : vector<448x128xf32>
    %convert_element_type3A_244 = arith.truncf %sub3A_238 : vector<448x3xf32> to vector<448x3xbf16>
    %convert_element_type3A_245 = arith.truncf %get3A_31 : vector<3x128xf32> to vector<3x128xbf16>
    %dot_general3A_246 = arith.constant dense<0.000000e+00> : vector<448x128xf32>
    %dot_general3A_247 = tpu.matmul %convert_element_type3A_244, %convert_element_type3A_245, %dot_general3A_246 {dimension_numbers = #tpu.dot_dimension_numbers<[1], [0], [0], [1], [0, 0, 1, 1], [], []>, transpose_lhs_hint = false} : vector<448x3xbf16>, vector<3x128xbf16>, vector<448x128xf32> -> vector<448x128xf32>
    %add3A_248 = arith.addf %add3A_243, %dot_general3A_247 : vector<448x128xf32>
    %max3A_249 = arith.constant 0.000000e+00 : f32
    %max3A_250 = vector.broadcast %max3A_249 : f32 to vector<448x128xf32>
    %max3A_251 = arith.maximumf %add3A_248, %max3A_250 : vector<448x128xf32>
    %convert_element_type3A_252 = arith.truncf %max3A_251 : vector<448x128xf32> to vector<448x128xbf16>
    %convert_element_type3A_253 = arith.truncf %get3A_34 : vector<128x128xf32> to vector<128x128xbf16>
    %dot_general3A_254 = arith.constant dense<0.000000e+00> : vector<448x128xf32>
    %dot_general3A_255 = tpu.matmul %convert_element_type3A_252, %convert_element_type3A_253, %dot_general3A_254 {dimension_numbers = #tpu.dot_dimension_numbers<[1], [0], [0], [1], [0, 0, 1, 1], [], []>, transpose_lhs_hint = false} : vector<448x128xbf16>, vector<128x128xbf16>, vector<448x128xf32> -> vector<448x128xf32>
    %max3A_256 = arith.maximumf %max3A_228, %dot_general3A_255 : vector<448x128xf32>
    %get3A_257 = arith.constant 0 : index
    %get3A_258 = arith.constant 0 : index
    %get3A_259 = vector.load %arg11[%get3A_257, %get3A_258] : memref<1x128xf32, #tpu.memory_space<vmem>>, vector<1x128xf32>
    %add3A_260 = vector.broadcast %get3A_259 : vector<1x128xf32> to vector<448x128xf32>
    %add3A_261 = arith.addf %max3A_256, %add3A_260 : vector<448x128xf32>
    %swap3A = arith.constant 0 : index
    %swap3A_262 = arith.constant 0 : index
    %swap3A_263 = arith.constant 0 : index
    %swap3A_264 = vector.load %arg16[%swap3A, %swap3A_262, %swap3A_263] : memref<1x448x128xf32, #tpu.memory_space<vmem>>, vector<1x448x128xf32>
    %swap3A_265 = vector.shape_cast %swap3A_264 : vector<1x448x128xf32> to vector<448x128xf32>
    %swap3A_266 = vector.shape_cast %add3A_261 : vector<448x128xf32> to vector<1x448x128xf32>
    tpu.vector_store %arg16[%swap3A, %swap3A_262, %swap3A_263], %swap3A_266 {strides = array<i32>} : memref<1x448x128xf32, #tpu.memory_space<vmem>>, vector<1x448x128xf32>,
    %get3A_267 = arith.constant 0 : index
    %get3A_268 = arith.constant 0 : index
    %get3A_269 = vector.load %arg12[%get3A_267, %get3A_268] : memref<128x128xf32, #tpu.memory_space<vmem>>, vector<128x128xf32>
    %convert_element_type3A_270 = arith.truncf %add3A_261 : vector<448x128xf32> to vector<448x128xbf16>
    %convert_element_type3A_271 = arith.truncf %get3A_269 : vector<128x128xf32> to vector<128x128xbf16>
    %dot_general3A_272 = arith.constant dense<0.000000e+00> : vector<448x128xf32>
    %dot_general3A_273 = tpu.matmul %convert_element_type3A_270, %convert_element_type3A_271, %dot_general3A_272 {dimension_numbers = #tpu.dot_dimension_numbers<[1], [0], [0], [1], [0, 0, 1, 1], [], []>, transpose_lhs_hint = false} : vector<448x128xbf16>, vector<128x128xbf16>, vector<448x128xf32> -> vector<448x128xf32>
    %get3A_274 = arith.constant 0 : index
    %get3A_275 = arith.constant 0 : index
    %get3A_276 = vector.load %arg13[%get3A_274, %get3A_275] : memref<1x128xf32, #tpu.memory_space<vmem>>, vector<1x128xf32>
    %add3A_277 = vector.broadcast %get3A_276 : vector<1x128xf32> to vector<448x128xf32>
    %add3A_278 = arith.addf %dot_general3A_273, %add3A_277 : vector<448x128xf32>
    %max3A_279 = arith.constant 0.000000e+00 : f32
    %max3A_280 = vector.broadcast %max3A_279 : f32 to vector<448x128xf32>
    %max3A_281 = arith.maximumf %add3A_278, %max3A_280 : vector<448x128xf32>
    %get3A_282 = arith.constant 0 : index
    %get3A_283 = arith.constant 0 : index
    %get3A_284 = vector.load %arg14[%get3A_282, %get3A_283] : memref<128x3xf32, #tpu.memory_space<vmem>>, vector<128x3xf32>
    %convert_element_type3A_285 = arith.truncf %max3A_281 : vector<448x128xf32> to vector<448x128xbf16>
    %convert_element_type3A_286 = arith.truncf %get3A_284 : vector<128x3xf32> to vector<128x3xbf16>
    %dot_general3A_287 = arith.constant dense<0.000000e+00> : vector<448x3xf32>
    %dot_general3A_288 = tpu.matmul %convert_element_type3A_285, %convert_element_type3A_286, %dot_general3A_287 {dimension_numbers = #tpu.dot_dimension_numbers<[1], [0], [0], [1], [0, 0, 1, 1], [], []>, transpose_lhs_hint = false} : vector<448x128xbf16>, vector<128x3xbf16>, vector<448x3xf32> -> vector<448x3xf32>
    %add3A_289 = arith.addf %get3A_8, %dot_general3A_288 : vector<448x3xf32>
    %get3A_290 = arith.constant 0 : index
    %get3A_291 = arith.constant 0 : index
    %get3A_292 = vector.load %arg15[%get3A_290, %get3A_291] : memref<1x3xf32, #tpu.memory_space<vmem>>, vector<1x3xf32>
    %add3A_293 = vector.broadcast %get3A_292 : vector<1x3xf32> to vector<448x3xf32>
    %add3A_294 = arith.addf %add3A_289, %add3A_293 : vector<448x3xf32>
    %swap3A_295 = arith.constant 0 : index
    %swap3A_296 = arith.constant 0 : index
    %swap3A_297 = arith.constant 0 : index
    %swap3A_298 = vector.load %arg17[%swap3A_295, %swap3A_296, %swap3A_297] : memref<1x448x3xf32, #tpu.memory_space<vmem>>, vector<1x448x3xf32>
    %swap3A_299 = vector.shape_cast %swap3A_298 : vector<1x448x3xf32> to vector<448x3xf32>
    %swap3A_300 = vector.shape_cast %add3A_294 : vector<448x3xf32> to vector<1x448x3xf32>
    tpu.vector_store %arg17[%swap3A_295, %swap3A_296, %swap3A_297], %swap3A_300 {strides = array<i32>} : memref<1x448x3xf32, #tpu.memory_space<vmem>>, vector<1x448x3xf32>,
    return
  }
  func.func @transform_0(%arg0: i32, %arg1: i32) -> (i32, i32, i32) {
    %c0_i32 = arith.constant 0 : i32
    %c0_i32_0 = arith.constant 0 : i32
    return %arg0, %arg1, %c0_i32 : i32, i32, i32
  }
  func.func @transform_1(%arg0: i32, %arg1: i32) -> (i32, i32, i32) {
    %c0_i32 = arith.constant 0 : i32
    %c0_i32_0 = arith.constant 0 : i32
    return %arg0, %arg1, %c0_i32 : i32, i32, i32
  }
  func.func @transform_2(%arg0: i32, %arg1: i32) -> (i32, i32, i32, i32) {
    %c0_i32 = arith.constant 0 : i32
    %c0_i32_0 = arith.constant 0 : i32
    %c0_i32_1 = arith.constant 0 : i32
    return %arg0, %c0_i32, %arg1, %c0_i32_0 : i32, i32, i32, i32
  }
  func.func @transform_3(%arg0: i32, %arg1: i32) -> (i32, i32) {
    %c0_i32 = arith.constant 0 : i32
    %c0_i32_0 = arith.constant 0 : i32
    %c0_i32_1 = arith.constant 0 : i32
    return %c0_i32, %c0_i32_0 : i32, i32
  }
  func.func @transform_4(%arg0: i32, %arg1: i32) -> (i32, i32) {
    %c0_i32 = arith.constant 0 : i32
    %c0_i32_0 = arith.constant 0 : i32
    %c0_i32_1 = arith.constant 0 : i32
    return %c0_i32, %c0_i32_0 : i32, i32
  }
  func.func @transform_5(%arg0: i32, %arg1: i32) -> (i32, i32) {
    %c0_i32 = arith.constant 0 : i32
    %c0_i32_0 = arith.constant 0 : i32
    %c0_i32_1 = arith.constant 0 : i32
    return %c0_i32, %c0_i32_0 : i32, i32
  }
  func.func @transform_6(%arg0: i32, %arg1: i32) -> (i32, i32) {
    %c0_i32 = arith.constant 0 : i32
    %c0_i32_0 = arith.constant 0 : i32
    %c0_i32_1 = arith.constant 0 : i32
    return %c0_i32, %c0_i32_0 : i32, i32
  }
  func.func @transform_7(%arg0: i32, %arg1: i32) -> (i32, i32) {
    %c0_i32 = arith.constant 0 : i32
    %c0_i32_0 = arith.constant 0 : i32
    %c0_i32_1 = arith.constant 0 : i32
    return %c0_i32, %c0_i32_0 : i32, i32
  }
  func.func @transform_8(%arg0: i32, %arg1: i32) -> (i32, i32) {
    %c0_i32 = arith.constant 0 : i32
    %c0_i32_0 = arith.constant 0 : i32
    %c0_i32_1 = arith.constant 0 : i32
    return %c0_i32, %c0_i32_0 : i32, i32
  }
  func.func @transform_9(%arg0: i32, %arg1: i32) -> (i32, i32) {
    %c0_i32 = arith.constant 0 : i32
    %c0_i32_0 = arith.constant 0 : i32
    %c0_i32_1 = arith.constant 0 : i32
    return %c0_i32, %c0_i32_0 : i32, i32
  }
  func.func @transform_10(%arg0: i32, %arg1: i32) -> (i32, i32) {
    %c0_i32 = arith.constant 0 : i32
    %c0_i32_0 = arith.constant 0 : i32
    %c0_i32_1 = arith.constant 0 : i32
    return %c0_i32, %c0_i32_0 : i32, i32
  }
  func.func @transform_11(%arg0: i32, %arg1: i32) -> (i32, i32) {
    %c0_i32 = arith.constant 0 : i32
    %c0_i32_0 = arith.constant 0 : i32
    %c0_i32_1 = arith.constant 0 : i32
    return %c0_i32, %c0_i32_0 : i32, i32
  }
  func.func @transform_12(%arg0: i32, %arg1: i32) -> (i32, i32) {
    %c0_i32 = arith.constant 0 : i32
    %c0_i32_0 = arith.constant 0 : i32
    %c0_i32_1 = arith.constant 0 : i32
    return %c0_i32, %c0_i32_0 : i32, i32
  }
  func.func @transform_13(%arg0: i32, %arg1: i32) -> (i32, i32) {
    %c0_i32 = arith.constant 0 : i32
    %c0_i32_0 = arith.constant 0 : i32
    %c0_i32_1 = arith.constant 0 : i32
    return %c0_i32, %c0_i32_0 : i32, i32
  }
  func.func @transform_14(%arg0: i32, %arg1: i32) -> (i32, i32, i32) {
    %c0_i32 = arith.constant 0 : i32
    %c0_i32_0 = arith.constant 0 : i32
    return %arg0, %arg1, %c0_i32 : i32, i32, i32
  }
  func.func @transform_15(%arg0: i32, %arg1: i32) -> (i32, i32, i32) {
    %c0_i32 = arith.constant 0 : i32
    %c0_i32_0 = arith.constant 0 : i32
    return %arg0, %arg1, %c0_i32 : i32, i32, i32
  }
}

</mosaic_0001>

<sc_bundles>
// kernel: kernel.18.cloned.1.call-start
scs
__scs_entry_jumppad:
0x0: {  	(pc) =	sbr.rel $0x88, $3  }
0x1: {  	(tag) =	ssettag $0x0;
	lr =	simm.s32 $0x1  }
0x2: {  	[smem:$0x3F8C] =	sst lr;
	_ =	strace $0xD0000000  }
0x3: {  	_ = 	snop  }
0x4: {  	_ = 	snop  }
0x5: {  	_ = 	snop  }
0x6: {  	_ = 	snop  }
0x7: {  	_ = 	snop  }
__scs_overlays_trampoline_lowered:
0x8: {  	[smem:$0x3F9B] =	sst s0  }
0x9: {  	[smem:$0x3F9C] =	sst s1  }
0xa: {  	[smem:$0x3F9D] =	sst s2  }
0xb: {  	[smem:$0x3F9E] =	sst s3  }
0xc: {  	[smem:$0x3F9F] =	sst s4  }
0xd: {  	[smem:$0x3FA0] =	sst s5  }
0xe: {  	[smem:$0x3FA1] =	sst s6  }
0xf: {  	[smem:$0x3FA2] =	sst s7  }
0x10: {  	[smem:$0x3FA3] =	sst s8  }
0x11: {  	[smem:$0x3FA4] =	sst s9;
	s0 =	simm.s32 @!p0 $0x0  }
0x12: {  	s1 =	sld [smem:$0x3F8A];
	s0 =	simm.s32 @p0 $0x1  }
0x13: {  	[smem:$0x3FA5] =	sst s0;
	s0 =	simm.s32 @!p1 $0x0  }
0x14: {  	s2 =	sld [smem:$0x3F89];
	s0 =	simm.s32 @p1 $0x1  }
0x15: {  	[smem:$0x3FA6] =	sst s0;
	s0 =	simm.s32 @!p2 $0x0  }
0x16: {  	s3 =	sld [smem:$0x3FDB];
	s0 =	simm.s32 @p2 $0x1  }
0x17: {  	s4 =	simm.s32 $0x1BF5;
	[smem:$0x3FA8] =	sst s0  }
0x18: {  	s0 =	sld [smem:$0x3F8B];
	_ =	swait.ge [sflag:s4], $0x0  }
0x19: {  	s7 =	sld [smem:$0x3F8C]  }
0x1a: {  	s8 =	sadd.s32 $0xFFFFE003, lr  }
0x1b: {  	s9 =	sadd.s32 $0xFFFFFEF7, lr;
	s5 =	simm.s32 $0xFFFFFFFF;
	p2 =	slt.u32 s8, $0xFFFFF086  }
0x1c: {  	p1 =	slt.u32 s9, $0xF7A;
	s5 =	simm.s32 @!p2 $0x0  }
0x1d: {  	s5 =	simm.s32 @p1 $0x1;
	p0 =	seq.s32 s7, s2  }
0x1e: {  	s7 =	smul.u32 @!p0 $0xF7A, s2;
	p2 =	seq.s32 @!p0 s5, $0x0  }
0x1f: {  	s9 =	smul.u32 $0xF7A, s1;
	s8 =	simm.s32 @!p0 $0x1BF5;
	p2 =	por !p2, p0  }
0x20: {  	[sflag:s8] =	ssyncset.s32 @!p0 $0xFFFFF086;
	s6 =	sadd.s32 @!p0 s3, s7;
	s7 =	simm.s32 @!p0 $0x108  }
0x21: {  	s3 =	sadd.s32 s3, s9;
	s6 =	sadd.s32 @!p0 $0x88, s6;
	s7 =	simm.s32 @p2 $0x1082  }
0x22: {  	[simem:s7], [sflag:s8] =	dma.local @!p0 [hbm:s6], $0xF7A  }
0x23: {  	s9 =	sor.u32 $0xD0000000, s2;
	s6 =	simm.s32 $0x108;
	_ =	swait.ge @!p0 [sflag:s8], $0x0  }
0x24: {  	s3 =	sadd.s32 $0x88, s3;
	s6 =	simm.s32 @!p1 $0x1082;
	[sflag:s4] =	ssyncset.s32 $0xFFFFF086  }
0x25: {  	[simem:s6], [sflag:s4] =	dma.local [hbm:s3], $0xF7A  }
0x26: {  	[smem:$0x3F8C] =	sst s1;
	(tag) =	ssettag s2;
	_ =	strace s9  }
0x27: {  	s1 =	sld [smem:$0x3F9C]  }
0x28: {  	s2 =	sld [smem:$0x3F9D]  }
0x29: {  	s4 =	sld [smem:$0x3F9F]  }
0x2a: {  	p0 =	seq.s32 s5, $0x0;
	s5 =	sld [smem:$0x3FA0]  }
0x2b: {  	s6 =	sld [smem:$0x3FA1]  }
0x2c: {  	s7 =	sld [smem:$0x3FA2]  }
0x2d: {  	s3 =	simm.s32 $0x108;
	s8 =	sld [smem:$0x3FA3]  }
0x2e: {  	s3 =	simm.s32 @!p0 $0x1082;
	s9 =	sld [smem:$0x3FA4]  }
0x2f: {  	lr =	sadd.s32 s0, s3;
	s0 =	sld [smem:$0x3F9B]  }
0x30: {  	s3 =	sld [smem:$0x3F9E]  }
0x31: {  	[smem:$0x3FA7] =	sst s10  }
0x32: {  	s10 =	sld [smem:$0x3FA5];
	_ =	sdelay $0x3  }
0x33: {  	p0 =	seq.s32 s10, $0x1;
	s10 =	sld [smem:$0x3FA7];
	_ =	sdelay $0x3  }
0x34: {  	[smem:$0x3FA7] =	sst s10  }
0x35: {  	s10 =	sld [smem:$0x3FA6];
	_ =	sdelay $0x3  }
0x36: {  	p1 =	seq.s32 s10, $0x1;
	s10 =	sld [smem:$0x3FA7];
	_ =	sdelay $0x3  }
0x37: {  	[smem:$0x3FA7] =	sst s10  }
0x38: {  	s10 =	sld [smem:$0x3FA8]  }
0x39: {  	_ = 	snop;
	(pc) =	sbr.ind lr, $3  }
0x3a: {  	_ = 	snop  }
0x3b: {  	_ = 	snop  }
0x3c: {  	p2 =	seq.s32 s10, $0x1;
	s10 =	sld [smem:$0x3FA7]  }
0x3d: {  	_ =	shalt  }
0x3e: {  	_ =	shalt  }
0x3f: {  	_ =	shalt  }
0x40: {  	_ =	shalt  }
0x41: {  	_ =	shalt  }
0x42: {  	_ =	shalt  }
0x43: {  	_ =	shalt  }
0x44: {  	_ =	shalt  }
0x45: {  	_ =	shalt  }
0x46: {  	_ =	shalt  }
0x47: {  	_ =	shalt  }
0x48: {  	_ =	shalt  }
0x49: {  	_ =	shalt  }
0x4a: {  	_ =	shalt  }
0x4b: {  	_ =	shalt  }
0x4c: {  	_ =	shalt  }
0x4d: {  	_ =	shalt  }
0x4e: {  	_ =	shalt  }
0x4f: {  	_ =	shalt  }
0x50: {  	_ =	shalt  }
0x51: {  	_ =	shalt  }
0x52: {  	_ =	shalt  }
0x53: {  	_ =	shalt  }
0x54: {  	_ =	shalt  }
0x55: {  	_ =	shalt  }
0x56: {  	_ =	shalt  }
0x57: {  	_ =	shalt  }
0x58: {  	_ =	shalt  }
0x59: {  	_ =	shalt  }
0x5a: {  	_ =	shalt  }
0x5b: {  	_ =	shalt  }
0x5c: {  	_ =	shalt  }
0x5d: {  	_ =	shalt  }
0x5e: {  	_ =	shalt  }
0x5f: {  	_ =	shalt  }
0x60: {  	_ =	shalt  }
0x61: {  	_ =	shalt  }
0x62: {  	_ =	shalt  }
0x63: {  	_ =	shalt  }
0x64: {  	_ =	shalt  }
0x65: {  	_ =	shalt  }
0x66: {  	_ =	shalt  }
0x67: {  	_ =	shalt  }
0x68: {  	_ =	shalt  }
0x69: {  	_ =	shalt  }
0x6a: {  	_ =	shalt  }
0x6b: {  	_ =	shalt  }
0x6c: {  	_ =	shalt  }
0x6d: {  	_ =	shalt  }
0x6e: {  	_ =	shalt  }
0x6f: {  	_ =	shalt  }
0x70: {  	_ =	shalt  }
0x71: {  	_ =	shalt  }
0x72: {  	_ =	shalt  }
0x73: {  	_ =	shalt  }
0x74: {  	_ =	shalt  }
0x75: {  	_ =	shalt  }
0x76: {  	_ =	shalt  }
0x77: {  	_ =	shalt  }
0x78: {  	_ =	shalt  }
0x79: {  	_ =	shalt  }
0x7a: {  	_ =	shalt  }
0x7b: {  	_ =	shalt  }
0x7c: {  	_ =	shalt  }
0x7d: {  	_ =	shalt  }
0x7e: {  	_ =	shalt  }
0x7f: {  	_ =	shalt  }
0x80: {  	_ =	shalt  }
0x81: {  	_ =	shalt  }
0x82: {  	_ =	shalt  }
0x83: {  	_ =	shalt  }
0x84: {  	_ =	shalt  }
0x85: {  	_ =	shalt  }
0x86: {  	_ =	shalt  }
0x87: {  	_ =	shalt  }
.Lfunc_end0:
.L_simem_size_0:
called_computation_lowered:
.L_overlay_start_0:
0x88: {  	s2 =	sld [smem:$0x3FD9]  }
0x89: {  	s3 =	sld [smem:$0x3FFE];
	_ =	sdelay $0x1  }
0x8a: {  	s1 =	srdreg.scid  }
0x8b: {  	s0 =	sand.u32 $0x1, s1  }
0x8c: {  	s17 =	sshll.u32 s0, $0xA;
	s2 =	sadd.s32 s3, s2  }
0x8d: {  	s2 =	sadd.s32 s2, s17  }
0x8e: {  	[smem:$0x3FB3] =	sst s2  }
0x8f: {  	_ = 	snop  }
0x90: {  	(tm) =	ssettm $0x1  }
0x91: {  	s18 =	sld [smem:$0x3FFB];
	_ =	sdelay $0x3  }
0x92: {  	_ =	strace s18  }
0x93: {  	s2 =	sld [smem:$0x3FFC];
	_ =	sdelay $0x3  }
0x94: {  	_ =	strace s2  }
0x95: {  	s2 =	sld [smem:$0x3FFD];
	_ =	sdelay $0x3  }
0x96: {  	_ =	strace s2  }
0x97: {  	_ =	strace $0x8FFFFFFF  }
0x98: {  	s19 =	sld [smem:$0x3FDB];
	_ =	sdelay $0x1  }
0x99: {  	s20 =	simm.s32 $_scs_section_size  }
0x9a: {  	s4 =	simm.s32 $_size__tile_overlayer_lowered;
	s5 =	simm.s32 $_tile_overlayer_lowered  }
0x9b: {  	s6 =	simm.s32 $0x1BFF;
	s21 =	sshll.u32 s5, $0x1;
	s3 =	sadd.s32 s20, s19  }
0x9c: {  	s22 =	simm.s32 $0x0;
	s4 =	sshll.u32 s4, $0x1;
	s5 =	sadd.s32 s21, s3  }
0x9d: {  	[timem:s22], [sflag:s6] =	dma.local [hbm:s5], s4  }
0x9e: {  	_ =	swait.ge [sflag:s6], s4  }
0x9f: {  	s4 =	ssub.s32 $0x0, s4;
	[sflag:s6] =	ssyncset.done $0x0  }
0xa0: {  	[sflag:s6] =	ssyncadd.s32 s4;
	_ =	sdelay $0x1  }
0xa1: {  	s23 =	simm.s32 $0x1B8B  }
0xa2: {  	_ =	swait.ge [sflag:s23], $0x1  }
0xa3: {  	[sflag:s23] =	ssyncset.done $0x0  }
0xa4: {  	[sflag:s23] =	ssyncadd.s32 $0xFFFFFFFF  }
0xa5: {  	s4 =	sld [smem:$0x0]  }
0xa6: {  	s5 =	sand.u32 $0xFFFFFFFE, s1  }
0xa7: {  	p0 =	sne.s32 s1, s5  }
0xa8: {  	s5 =	sshll.u32 @p0 s5, $0xE  }
0xa9: {  	s5 =	sadd.s32 @p0 $0x11B8D, s5;
	s6 =	sshll.u32 @p0 s4, $0x11  }
0xaa: {  	s5 =	sor.u32 @p0 s6, s5  }
0xab: {  	[sflag:s5] =	ssyncadd.remote.s32 @p0 $0x1;
	_ =	sdelay $0x1  }
0xac: {  	s5 =	simm.s32 @p0 $0x1B8D  }
0xad: {  	_ =	swait.eq @p0 [sflag:s5], $0x1  }
0xae: {  	[sflag:s5] =	ssyncadd.s32 @p0 $0xFFFFFFFF  }
0xaf: {  	s6 =	sshll.u32 @!p0 s1, $0xE  }
0xb0: {  	s6 =	sor.u32 @!p0 $0x4000, s6;
	s5 =	simm.s32 @!p0 $0x1B8D  }
0xb1: {  	s4 =	sshll.u32 @!p0 s4, $0x11;
	s6 =	sadd.s32 @!p0 $0x11B8D, s6;
	_ =	swait.eq @!p0 [sflag:s5], $0x1  }
0xb2: {  	s4 =	sor.u32 @!p0 s4, s6;
	[sflag:s5] =	ssyncadd.s32 @!p0 $0xFFFFFFFF  }
0xb3: {  	s25 =	simm.s32 $0x1B8E;
	s24 =	sld [smem:$0x3FFE];
	[sflag:s4] =	ssyncadd.remote.s32 @!p0 $0x1  }
0xb4: {  	s26 =	simm.s32 $execute0_lowered;
	[smem:$0x3FD2] =	sst s25  }
0xb5: {  	s5 =	sshll.u32 s26, $0x1;
	_ =	strace $0x80000049;
	[dreg:$0x1] =	wrdreg $0xFFFFFFFF  }
0xb6: {  	s28 =	simm.s32 $_size_execute0_lowered;
	s3 =	sadd.s32 s3, s5;
	[dreg:$0x0] =	wrdreg $0x0  }
0xb7: {  	s5 =	sshll.u32 s28, $0x1;
	[dreg:$0x2] =	wrdreg s3  }
0xb8: {  	[dreg:$0x3] =	wrdreg s5  }
0xb9: {  	[dreg:$0x4] =	wrdreg $0xC0  }
0xba: {  	_ =	task [dreg:s22], $0x5FFFF  }
0xbb: {  	[dreg:$0x1] =	wrdreg $0xFFFFFFFF  }
0xbc: {  	[dreg:$0x0] =	wrdreg $0x60  }
0xbd: {  	[dreg:$0x2] =	wrdreg s24  }
0xbe: {  	[dreg:$0x3] =	wrdreg $0x9  }
0xbf: {  	_ =	task.clear_ibuf [dreg:s22], $0x4FFFF;
	_ =	strace $0x90000049  }
0xc0: {  	s29 =	simm.s32 $0x9;
	_ =	strace $0x8000004B  }
0xc1: {  	_ =	swait.ge [sflag:s29], $0x1  }
0xc2: {  	[sflag:s29] =	ssyncadd.s32 $0xFFFFFFFF  }
0xc3: {  	_ =	strace $0x9000004B  }
0xc4: {  	_ =	sfence  }
0xc5: {  	s30 =	sld [smem:$0x0];
	_ =	sdelay $0x2  }
0xc6: {  	s31 =	sshll.u32 s1, $0xD;
	s1 =	sshrl.u32 s1, $0x2  }
0xc7: {  	s4 =	sand.u32 $0x4000, s31;
	s1 =	sadd.s32 s1, s30  }
0xc8: {  	s0 =	sor.u32 s4, s0;
	s1 =	sshll.u32 s1, $0x11  }
0xc9: {  	s0 =	sor.u32 s1, s0  }
0xca: {  	s0 =	sadd.s32 $0x8F2B, s0  }
0xcb: {  	[sflag:s0] =	ssyncadd.remote.s32 $0x1  }
0xcc: {  	_ =	sfence.sel $0xFFFF  }
0xcd: {  	[dreg:$0x0] =	wrdreg $0xFFFFFFFF;
	(pc) =	sbr.abs _section_cstart, $3  }
0xce: {  	[dreg:$0x1] =	wrdreg $0xFFFFFFFF  }
0xcf: {  	_ =	task.clear_ibuf [dreg:s22], $0x2FFFF;
	_ =	strace $0x9FFFFFFF  }
0xd0: {  	(tm) =	ssettm $0x7FFFFFFF  }
0xd1: {  	_ =	shalt  }
tec
execute0_lowered:
.L_overlay_start_1:
0x0: {  	(tag) =	ssettag $0x1  }
0x1: {  	s0 =	stileid.u32;
	s1 =	srdreg.scid  }
0x2: {  	s4 =	sand.u32 $0x1, s1;
	s11 =	smul.u32 $0xC00, s0  }
0x3: {  	s2 =	smul.u32 $0x600, s4;
	_ =	sdelay $0x1  }
0x4: {  	s5 =	rddreg [dreg:$0x0];
	s3 =	sadd.s32 s2, s11;
	s2 =	simm.s32 $0x0  }
0x5: {  	s12 =	simm.s32 $0x80;
	[smem:$0x7FF] =	sst s2  }
0x6: {  	s13 =	simm.s32 $0x900;
	_ =	strace $0x8000004A;
	[dreg:$0x4] =	wrdreg s12  }
0x7: {  	s14 =	simm.s32 $0x1100;
	s15 =	simm.s32 $0x1900;
	[dreg:$0x5] =	wrdreg s13  }
0x8: {  	s17 =	simm.s32 $0x2100;
	s18 =	simm.s32 $0x2900;
	[dreg:$0x6] =	wrdreg s14  }
0x9: {  	s19 =	simm.s32 $0x3100;
	s21 =	simm.s32 $0x3900;
	[dreg:$0x7] =	wrdreg s15  }
0xa: {  	s22 =	simm.s32 $0x4100;
	s23 =	simm.s32 $0x4900;
	[dreg:$0x8] =	wrdreg s17  }
0xb: {  	s25 =	simm.s32 $0x5100;
	s26 =	simm.s32 $0x5900;
	[dreg:$0x9] =	wrdreg s18  }
0xc: {  	s30 =	simm.s32 $0x6100;
	s31 =	simm.s32 $0x6900;
	[dreg:$0xa] =	wrdreg s19  }
0xd: {  	s9 =	simm.s32 $0x7900;
	s10 =	simm.s32 $0x8100;
	[dreg:$0xb] =	wrdreg s21  }
0xe: {  	s28 =	simm.s32 $0x2;
	s29 =	simm.s32 $0x0;
	[dreg:$0xc] =	wrdreg s22  }
0xf: {  	s7 =	sadd.s32 $0x7C00, s5;
	s16 =	smul.u32 $0x18000, s0;
	[dreg:$0xd] =	wrdreg s23  }
0x10: {  	s20 =	ssub.s32 $0x2, s4;
	s24 =	smul.u32 $0xC000, s4;
	[dreg:$0xe] =	wrdreg s25  }
0x11: {  	s8 =	sshrl.u32 s20, $0x1;
	s11 =	simm.s32 $0x8900;
	[dreg:$0xf] =	wrdreg s26  }
0x12: {  	s6 =	sor.u32 $0x80, s3;
	s3 =	sshrl.u32 s3, $0x3;
	[dreg:$0x10] =	wrdreg s30  }
0x13: {  	s6 =	sshrl.u32 s6, $0x3;
	s3 =	sadd.s32 s3, s7;
	[dreg:$0x11] =	wrdreg s31  }
0x14: {  	s12 =	simm.s32 $0x9100;
	s13 =	simm.s32 $0x9900;
	s14 =	simm.s32 $0xA100  }
0x15: {  	s15 =	simm.s32 $0xA900;
	s17 =	simm.s32 $0xB900;
	s18 =	simm.s32 $0xC100  }
0x16: {  	s19 =	simm.s32 $0xC900;
	s21 =	simm.s32 $0xD900;
	s22 =	simm.s32 $0xE100  }
0x17: {  	s23 =	simm.s32 $0xE900;
	s25 =	simm.s32 $0xF900;
	s26 =	simm.s32 $0x1  }
0x18: {  	s6 =	sadd.s32 s6, s7;
	[dreg:$0x3] =	wrdreg s3;
	s3 =	sadd.s32 $0x6FC00, s5  }
0x19: {  	s5 =	sadd.s32 s16, s5;
	s7 =	ssub.s32 s20, s8;
	s8 =	simm.s32 $0x7100  }
0x1a: {  	v2 =	vlaneseq.u32;
	s16 =	simm.s32 $0xB100;
	s20 =	simm.s32 $0xD100;
	[dreg:$0x2] =	wrdreg s6  }
0x1b: {  	vm0 =	vmmov $0xffff;
	v1 =	vshrl.u32 v2, $0x3;
	s4 =	smax.u32 s7, $0x1;
	s5 =	sadd.s32 s24, s5;
	s6 =	simm.s32 $0x3  }
0x1c: {  	v0 =	vand.u32 $0x7, v2;
	v2 =	vor.u32 $0x8, v2;
	v1 =	vmul.u32 $0x8, v1;
	s7 =	simm.s32 $0x100;
	s24 =	simm.s32 $0xF100;
	s5 =	sadd.s32 $0x220C00, s5  }
.LBB2_1:
0x1d: {  	s30 =	smov.u32 s5;
	s31 =	simm.s32 $0x0  }
.LBB2_2:
0x1e: {  	s1 =	rddreg [dreg:$0x3]  }
0x1f: {  	s1 =	sadd.s32 s31, s1  }
0x20: {  	[tilespmem:s2], [sflag:$0x3] =	stream.linear.gather [hbm4b:s1+s2], $0x80, $0x38;
	[tilespmem:$0x10100] =	vst v63  }
0x21: {  	_ =	swait.ge [sflag:s6], $0x80  }
0x22: {  	s1 =	rddreg [dreg:$0x2];
	[sflag:s6] =	ssyncset.done $0x0  }
0x23: {  	s0 =	rddreg [dreg:$0x4];
	[sflag:s6] =	ssyncadd.s32 $0xFFFFFF80;
	s1 =	sadd.s32 s31, s1  }
0x24: {  	[tilespmem:s0], [sflag:$0x3] =	stream.linear.gather [hbm4b:s1+s2], $0x80, $0x38;
	[tilespmem:$0x10100] =	vst v63  }
0x25: {  	_ =	swait.ge [sflag:s6], $0x80  }
0x26: {  	[sflag:s6] =	ssyncset.done $0x0  }
0x27: {  	[sflag:s6] =	ssyncadd.s32 $0xFFFFFF80  }
0x28: {  	v3 =	vld [tilespmem:$0x0];
	_ =	sdelay $0x4  }
0x29: {  	v4 =	vshll.u32 v3, $0x1  }
0x2a: {  	v3 =	vand.u32 $0x7, v3;
	v4 =	vand.u32 $0xFFFFFFF0, v4  }
0x2b: {  	v3 =	vor.u32 v3, v4  }
0x2c: {  	v4 =	vperm.xlane v3, v0;
	_ =	sdelay $0x1  }
0x2d: {  	v3 =	vperm.xlane v3, v2;
	v4 =	vadd.s32 v1, v4;
	_ =	sdelay $0x1  }
0x2e: {  	v3 =	vadd.s32 v1, v3;
	_ =	sdelay $0x2  }
0x2f: {  	[tilespmem:s7], [sflag:$0x1] =	stream.indirect_vreg.gather [hbm4b:s3+s2], $0x80, v4, vm0, $0xb8;
	[tilespmem:$0x10100] =	vst v63  }
0x30: {  	s1 =	rddreg [dreg:$0x5]  }
0x31: {  	[tilespmem:s1], [sflag:$0x1] =	stream.indirect_vreg.gather [hbm4b:s3+s2], $0x80, v3, vm0, $0xb8;
	[tilespmem:$0x10100] =	vst v63  }
0x32: {  	v3 =	vld [tilespmem:$0x10];
	_ =	sdelay $0x4  }
0x33: {  	v49 =	vshll.u32 v3, $0x1  }
0x34: {  	v3 =	vand.u32 $0x7, v3;
	v4 =	vand.u32 $0xFFFFFFF0, v49  }
0x35: {  	v3 =	vor.u32 v3, v4  }
0x36: {  	v4 =	vperm.xlane v3, v0;
	_ =	sdelay $0x1  }
0x37: {  	v3 =	vperm.xlane v3, v2;
	v4 =	vadd.s32 v1, v4;
	_ =	sdelay $0x1  }
0x38: {  	v3 =	vadd.s32 v1, v3;
	_ =	sdelay $0x1  }
0x39: {  	s0 =	rddreg [dreg:$0x6]  }
0x3a: {  	[tilespmem:s0], [sflag:$0x1] =	stream.indirect_vreg.gather [hbm4b:s3+s2], $0x80, v4, vm0, $0xb8;
	[tilespmem:$0x10100] =	vst v63  }
0x3b: {  	s1 =	rddreg [dreg:$0x7]  }
0x3c: {  	[tilespmem:s1], [sflag:$0x1] =	stream.indirect_vreg.gather [hbm4b:s3+s2], $0x80, v3, vm0, $0xb8;
	[tilespmem:$0x10100] =	vst v63  }
0x3d: {  	v3 =	vld [tilespmem:$0x20];
	_ =	sdelay $0x4  }
0x3e: {  	v50 =	vshll.u32 v3, $0x1  }
0x3f: {  	v3 =	vand.u32 $0x7, v3;
	v4 =	vand.u32 $0xFFFFFFF0, v50  }
0x40: {  	v3 =	vor.u32 v3, v4  }
0x41: {  	v4 =	vperm.xlane v3, v0;
	_ =	sdelay $0x1  }
0x42: {  	v3 =	vperm.xlane v3, v2;
	v4 =	vadd.s32 v1, v4;
	_ =	sdelay $0x1  }
0x43: {  	v3 =	vadd.s32 v1, v3;
	_ =	sdelay $0x1  }
0x44: {  	s0 =	rddreg [dreg:$0x8]  }
0x45: {  	[tilespmem:s0], [sflag:$0x1] =	stream.indirect_vreg.gather [hbm4b:s3+s2], $0x80, v4, vm0, $0xb8;
	[tilespmem:$0x10100] =	vst v63  }
0x46: {  	s1 =	rddreg [dreg:$0x9]  }
0x47: {  	[tilespmem:s1], [sflag:$0x1] =	stream.indirect_vreg.gather [hbm4b:s3+s2], $0x80, v3, vm0, $0xb8;
	[tilespmem:$0x10100] =	vst v63  }
0x48: {  	v3 =	vld [tilespmem:$0x30];
	_ =	sdelay $0x4  }
0x49: {  	v51 =	vshll.u32 v3, $0x1  }
0x4a: {  	v3 =	vand.u32 $0x7, v3;
	v4 =	vand.u32 $0xFFFFFFF0, v51  }
0x4b: {  	v3 =	vor.u32 v3, v4  }
0x4c: {  	v4 =	vperm.xlane v3, v0;
	_ =	sdelay $0x1  }
0x4d: {  	v3 =	vperm.xlane v3, v2;
	v4 =	vadd.s32 v1, v4;
	_ =	sdelay $0x1  }
0x4e: {  	v3 =	vadd.s32 v1, v3;
	_ =	sdelay $0x1  }
0x4f: {  	s0 =	rddreg [dreg:$0xa]  }
0x50: {  	[tilespmem:s0], [sflag:$0x1] =	stream.indirect_vreg.gather [hbm4b:s3+s2], $0x80, v4, vm0, $0xb8;
	[tilespmem:$0x10100] =	vst v63  }
0x51: {  	s1 =	rddreg [dreg:$0xb]  }
0x52: {  	[tilespmem:s1], [sflag:$0x1] =	stream.indirect_vreg.gather [hbm4b:s3+s2], $0x80, v3, vm0, $0xb8;
	[tilespmem:$0x10100] =	vst v63  }
0x53: {  	v3 =	vld [tilespmem:$0x40];
	_ =	sdelay $0x4  }
0x54: {  	v52 =	vshll.u32 v3, $0x1  }
0x55: {  	v3 =	vand.u32 $0x7, v3;
	v4 =	vand.u32 $0xFFFFFFF0, v52  }
0x56: {  	v3 =	vor.u32 v3, v4  }
0x57: {  	v4 =	vperm.xlane v3, v0;
	_ =	sdelay $0x1  }
0x58: {  	v3 =	vperm.xlane v3, v2;
	v4 =	vadd.s32 v1, v4;
	_ =	sdelay $0x1  }
0x59: {  	v3 =	vadd.s32 v1, v3;
	_ =	sdelay $0x1  }
0x5a: {  	s0 =	rddreg [dreg:$0xc]  }
0x5b: {  	[tilespmem:s0], [sflag:$0x1] =	stream.indirect_vreg.gather [hbm4b:s3+s2], $0x80, v4, vm0, $0xb8;
	[tilespmem:$0x10100] =	vst v63  }
0x5c: {  	s1 =	rddreg [dreg:$0xd]  }
0x5d: {  	[tilespmem:s1], [sflag:$0x1] =	stream.indirect_vreg.gather [hbm4b:s3+s2], $0x80, v3, vm0, $0xb8;
	[tilespmem:$0x10100] =	vst v63  }
0x5e: {  	v3 =	vld [tilespmem:$0x50];
	_ =	sdelay $0x4  }
0x5f: {  	v53 =	vshll.u32 v3, $0x1  }
0x60: {  	v3 =	vand.u32 $0x7, v3;
	v4 =	vand.u32 $0xFFFFFFF0, v53  }
0x61: {  	v3 =	vor.u32 v3, v4  }
0x62: {  	v4 =	vperm.xlane v3, v0;
	_ =	sdelay $0x1  }
0x63: {  	v3 =	vperm.xlane v3, v2;
	v4 =	vadd.s32 v1, v4;
	_ =	sdelay $0x1  }
0x64: {  	v3 =	vadd.s32 v1, v3;
	_ =	sdelay $0x1  }
0x65: {  	s0 =	rddreg [dreg:$0xe]  }
0x66: {  	[tilespmem:s0], [sflag:$0x1] =	stream.indirect_vreg.gather [hbm4b:s3+s2], $0x80, v4, vm0, $0xb8;
	[tilespmem:$0x10100] =	vst v63  }
0x67: {  	s1 =	rddreg [dreg:$0xf]  }
0x68: {  	[tilespmem:s1], [sflag:$0x1] =	stream.indirect_vreg.gather [hbm4b:s3+s2], $0x80, v3, vm0, $0xb8;
	[tilespmem:$0x10100] =	vst v63  }
0x69: {  	v3 =	vld [tilespmem:$0x60];
	_ =	sdelay $0x4  }
0x6a: {  	v54 =	vshll.u32 v3, $0x1  }
0x6b: {  	v3 =	vand.u32 $0x7, v3;
	v4 =	vand.u32 $0xFFFFFFF0, v54  }
0x6c: {  	v3 =	vor.u32 v3, v4  }
0x6d: {  	v4 =	vperm.xlane v3, v0;
	_ =	sdelay $0x1  }
0x6e: {  	v3 =	vperm.xlane v3, v2;
	v4 =	vadd.s32 v1, v4;
	_ =	sdelay $0x1  }
0x6f: {  	v3 =	vadd.s32 v1, v3;
	_ =	sdelay $0x1  }
0x70: {  	s0 =	rddreg [dreg:$0x10]  }
0x71: {  	[tilespmem:s0], [sflag:$0x1] =	stream.indirect_vreg.gather [hbm4b:s3+s2], $0x80, v4, vm0, $0xb8;
	[tilespmem:$0x10100] =	vst v63  }
0x72: {  	s1 =	rddreg [dreg:$0x11]  }
0x73: {  	[tilespmem:s1], [sflag:$0x1] =	stream.indirect_vreg.gather [hbm4b:s3+s2], $0x80, v3, vm0, $0xb8;
	[tilespmem:$0x10100] =	vst v63  }
0x74: {  	v3 =	vld [tilespmem:$0x70];
	_ =	sdelay $0x4  }
0x75: {  	v55 =	vshll.u32 v3, $0x1  }
0x76: {  	v3 =	vand.u32 $0x7, v3;
	v4 =	vand.u32 $0xFFFFFFF0, v55  }
0x77: {  	v3 =	vor.u32 v3, v4  }
0x78: {  	v4 =	vperm.xlane v3, v0;
	_ =	sdelay $0x1  }
0x79: {  	v3 =	vperm.xlane v3, v2;
	v4 =	vadd.s32 v1, v4;
	_ =	sdelay $0x1  }
0x7a: {  	v3 =	vadd.s32 v1, v3;
	_ =	sdelay $0x2  }
0x7b: {  	[tilespmem:s8], [sflag:$0x1] =	stream.indirect_vreg.gather [hbm4b:s3+s2], $0x80, v4, vm0, $0xb8;
	[tilespmem:$0x10100] =	vst v63  }
0x7c: {  	_ = 	snop  }
0x7d: {  	[tilespmem:s9], [sflag:$0x1] =	stream.indirect_vreg.gather [hbm4b:s3+s2], $0x80, v3, vm0, $0xb8;
	[tilespmem:$0x10100] =	vst v63  }
0x7e: {  	v3 =	vld [tilespmem:$0x80];
	_ =	sdelay $0x4  }
0x7f: {  	v56 =	vshll.u32 v3, $0x1  }
0x80: {  	v3 =	vand.u32 $0x7, v3;
	v4 =	vand.u32 $0xFFFFFFF0, v56  }
0x81: {  	v3 =	vor.u32 v3, v4  }
0x82: {  	v4 =	vperm.xlane v3, v0;
	_ =	sdelay $0x1  }
0x83: {  	v3 =	vperm.xlane v3, v2;
	v4 =	vadd.s32 v1, v4;
	_ =	sdelay $0x1  }
0x84: {  	v3 =	vadd.s32 v1, v3;
	_ =	sdelay $0x2  }
0x85: {  	[tilespmem:s10], [sflag:$0x2] =	stream.indirect_vreg.gather [hbm4b:s3+s2], $0x80, v4, vm0, $0xb8;
	[tilespmem:$0x10100] =	vst v63  }
0x86: {  	_ = 	snop  }
0x87: {  	[tilespmem:s11], [sflag:$0x2] =	stream.indirect_vreg.gather [hbm4b:s3+s2], $0x80, v3, vm0, $0xb8;
	[tilespmem:$0x10100] =	vst v63  }
0x88: {  	v3 =	vld [tilespmem:$0x90];
	_ =	sdelay $0x4  }
0x89: {  	v57 =	vshll.u32 v3, $0x1  }
0x8a: {  	v3 =	vand.u32 $0x7, v3;
	v4 =	vand.u32 $0xFFFFFFF0, v57  }
0x8b: {  	v3 =	vor.u32 v3, v4  }
0x8c: {  	v4 =	vperm.xlane v3, v0;
	_ =	sdelay $0x1  }
0x8d: {  	v3 =	vperm.xlane v3, v2;
	v4 =	vadd.s32 v1, v4;
	_ =	sdelay $0x1  }
0x8e: {  	v3 =	vadd.s32 v1, v3;
	_ =	sdelay $0x2  }
0x8f: {  	[tilespmem:s12], [sflag:$0x2] =	stream.indirect_vreg.gather [hbm4b:s3+s2], $0x80, v4, vm0, $0xb8;
	[tilespmem:$0x10100] =	vst v63  }
0x90: {  	_ = 	snop  }
0x91: {  	[tilespmem:s13], [sflag:$0x2] =	stream.indirect_vreg.gather [hbm4b:s3+s2], $0x80, v3, vm0, $0xb8;
	[tilespmem:$0x10100] =	vst v63  }
0x92: {  	v3 =	vld [tilespmem:$0xA0];
	_ =	sdelay $0x4  }
0x93: {  	v58 =	vshll.u32 v3, $0x1  }
0x94: {  	v3 =	vand.u32 $0x7, v3;
	v4 =	vand.u32 $0xFFFFFFF0, v58  }
0x95: {  	v3 =	vor.u32 v3, v4  }
0x96: {  	v4 =	vperm.xlane v3, v0;
	_ =	sdelay $0x1  }
0x97: {  	v3 =	vperm.xlane v3, v2;
	v4 =	vadd.s32 v1, v4;
	_ =	sdelay $0x1  }
0x98: {  	v3 =	vadd.s32 v1, v3;
	_ =	sdelay $0x2  }
0x99: {  	[tilespmem:s14], [sflag:$0x2] =	stream.indirect_vreg.gather [hbm4b:s3+s2], $0x80, v4, vm0, $0xb8;
	[tilespmem:$0x10100] =	vst v63  }
0x9a: {  	_ = 	snop  }
0x9b: {  	[tilespmem:s15], [sflag:$0x2] =	stream.indirect_vreg.gather [hbm4b:s3+s2], $0x80, v3, vm0, $0xb8;
	[tilespmem:$0x10100] =	vst v63  }
0x9c: {  	v3 =	vld [tilespmem:$0xB0];
	_ =	sdelay $0x4  }
0x9d: {  	v59 =	vshll.u32 v3, $0x1  }
0x9e: {  	v3 =	vand.u32 $0x7, v3;
	v4 =	vand.u32 $0xFFFFFFF0, v59  }
0x9f: {  	v3 =	vor.u32 v3, v4  }
0xa0: {  	v4 =	vperm.xlane v3, v0;
	_ =	sdelay $0x1  }
0xa1: {  	v3 =	vperm.xlane v3, v2;
	v4 =	vadd.s32 v1, v4;
	_ =	sdelay $0x1  }
0xa2: {  	v3 =	vadd.s32 v1, v3;
	_ =	sdelay $0x2  }
0xa3: {  	[tilespmem:s16], [sflag:$0x2] =	stream.indirect_vreg.gather [hbm4b:s3+s2], $0x80, v4, vm0, $0xb8;
	[tilespmem:$0x10100] =	vst v63  }
0xa4: {  	_ = 	snop  }
0xa5: {  	[tilespmem:s17], [sflag:$0x2] =	stream.indirect_vreg.gather [hbm4b:s3+s2], $0x80, v3, vm0, $0xb8;
	[tilespmem:$0x10100] =	vst v63  }
0xa6: {  	v3 =	vld [tilespmem:$0xC0];
	_ =	sdelay $0x4  }
0xa7: {  	v60 =	vshll.u32 v3, $0x1  }
0xa8: {  	v3 =	vand.u32 $0x7, v3;
	v4 =	vand.u32 $0xFFFFFFF0, v60  }
0xa9: {  	v3 =	vor.u32 v3, v4  }
0xaa: {  	v4 =	vperm.xlane v3, v0;
	_ =	sdelay $0x1  }
0xab: {  	v3 =	vperm.xlane v3, v2;
	v4 =	vadd.s32 v1, v4;
	_ =	sdelay $0x1  }
0xac: {  	v3 =	vadd.s32 v1, v3;
	_ =	sdelay $0x2  }
0xad: {  	[tilespmem:s18], [sflag:$0x2] =	stream.indirect_vreg.gather [hbm4b:s3+s2], $0x80, v4, vm0, $0xb8;
	[tilespmem:$0x10100] =	vst v63  }
0xae: {  	_ = 	snop  }
0xaf: {  	[tilespmem:s19], [sflag:$0x2] =	stream.indirect_vreg.gather [hbm4b:s3+s2], $0x80, v3, vm0, $0xb8;
	[tilespmem:$0x10100] =	vst v63  }
0xb0: {  	v3 =	vld [tilespmem:$0xD0];
	_ =	sdelay $0x4  }
0xb1: {  	v61 =	vshll.u32 v3, $0x1  }
0xb2: {  	v3 =	vand.u32 $0x7, v3;
	v4 =	vand.u32 $0xFFFFFFF0, v61  }
0xb3: {  	v3 =	vor.u32 v3, v4  }
0xb4: {  	v4 =	vperm.xlane v3, v0;
	_ =	sdelay $0x1  }
0xb5: {  	v3 =	vperm.xlane v3, v2;
	v4 =	vadd.s32 v1, v4;
	_ =	sdelay $0x1  }
0xb6: {  	v3 =	vadd.s32 v1, v3;
	_ =	sdelay $0x2  }
0xb7: {  	[tilespmem:s20], [sflag:$0x2] =	stream.indirect_vreg.gather [hbm4b:s3+s2], $0x80, v4, vm0, $0xb8;
	[tilespmem:$0x10100] =	vst v63  }
0xb8: {  	_ = 	snop  }
0xb9: {  	[tilespmem:s21], [sflag:$0x2] =	stream.indirect_vreg.gather [hbm4b:s3+s2], $0x80, v3, vm0, $0xb8;
	[tilespmem:$0x10100] =	vst v63  }
0xba: {  	v3 =	vld [tilespmem:$0xE0];
	_ =	sdelay $0x4  }
0xbb: {  	v62 =	vshll.u32 v3, $0x1  }
0xbc: {  	v3 =	vand.u32 $0x7, v3;
	v4 =	vand.u32 $0xFFFFFFF0, v62  }
0xbd: {  	v3 =	vor.u32 v3, v4  }
0xbe: {  	v4 =	vperm.xlane v3, v0;
	_ =	sdelay $0x1  }
0xbf: {  	v3 =	vperm.xlane v3, v2;
	v4 =	vadd.s32 v1, v4;
	_ =	sdelay $0x1  }
0xc0: {  	v3 =	vadd.s32 v1, v3;
	_ =	sdelay $0x2  }
0xc1: {  	[tilespmem:s22], [sflag:$0x2] =	stream.indirect_vreg.gather [hbm4b:s3+s2], $0x80, v4, vm0, $0xb8;
	[tilespmem:$0x10100] =	vst v63  }
0xc2: {  	_ = 	snop  }
0xc3: {  	[tilespmem:s23], [sflag:$0x2] =	stream.indirect_vreg.gather [hbm4b:s3+s2], $0x80, v3, vm0, $0xb8;
	[tilespmem:$0x10100] =	vst v63  }
0xc4: {  	v3 =	vld [tilespmem:$0xF0];
	_ =	sdelay $0x4  }
0xc5: {  	v63 =	vshll.u32 v3, $0x1  }
0xc6: {  	v3 =	vand.u32 $0x7, v3;
	v4 =	vand.u32 $0xFFFFFFF0, v63  }
0xc7: {  	v3 =	vor.u32 v3, v4  }
0xc8: {  	v4 =	vperm.xlane v3, v0;
	_ =	sdelay $0x1  }
0xc9: {  	v3 =	vperm.xlane v3, v2;
	v4 =	vadd.s32 v1, v4;
	_ =	sdelay $0x1  }
0xca: {  	v3 =	vadd.s32 v1, v3;
	_ =	sdelay $0x2  }
0xcb: {  	[tilespmem:s24], [sflag:$0x2] =	stream.indirect_vreg.gather [hbm4b:s3+s2], $0x80, v4, vm0, $0xb8;
	[tilespmem:$0x10100] =	vst v63  }
0xcc: {  	_ = 	snop  }
0xcd: {  	[tilespmem:s25], [sflag:$0x2] =	stream.indirect_vreg.gather [hbm4b:s3+s2], $0x80, v3, vm0, $0xb8;
	[tilespmem:$0x10100] =	vst v63  }
0xce: {  	_ =	swait.ge [sflag:s26], $0x8000  }
0xcf: {  	[sflag:s26] =	ssyncset.done $0x0  }
0xd0: {  	s1 =	sadd.s32 $0xFFFFF000, s30;
	[sflag:s26] =	ssyncadd.s32 $0xFFFF8000  }
0xd1: {  	[hbm4b:s1+s2] =	stream.linear.scatter [tilespmem:s7], [sflag:$0x3], $0x8000, $0x38;
	[tilespmem:$0x10100] =	vst v63  }
0xd2: {  	_ =	swait.ge [sflag:s6], $0x8000  }
0xd3: {  	[sflag:s6] =	ssyncset.done $0x0  }
0xd4: {  	[sflag:s6] =	ssyncadd.s32 $0xFFFF8000  }
0xd5: {  	_ =	swait.ge [sflag:s28], $0x8000  }
0xd6: {  	p0 =	sne.s32 s31, $0xA0;
	[sflag:s28] =	ssyncset.done $0x0  }
.Ltmp0:
0xd7: {  	[sflag:s28] =	ssyncadd.s32 $0xFFFF8000;
	(pc) =	sbr.rel @p0 .LBB2_2-.Ltmp0, $4  }
0xd8: {  	[hbm4b:s30+s2] =	stream.linear.scatter [tilespmem:s10], [sflag:$0x3], $0x8000, $0x38;
	[tilespmem:$0x10100] =	vst v63  }
0xd9: {  	_ =	swait.ge [sflag:s6], $0x8000  }
0xda: {  	[sflag:s6] =	ssyncset.done $0x0  }
0xdb: {  	s31 =	sadd.s32 $0x20, s31;
	s30 =	sadd.s32 $0x2000, s30;
	[sflag:s6] =	ssyncadd.s32 $0xFFFF8000  }
0xdc: {  	s29 =	sadd.s32 $0x1, s29  }
0xdd: {  	p0 =	sne.s32 s29, s4  }
.Ltmp1:
0xde: {  	_ = 	snop;
	(pc) =	sbr.rel @p0 .LBB2_1-.Ltmp1, $1  }
0xdf: {  	_ =	sdelay $0x3  }
0xe0: {  	_ =	sfence.sel $0x180000  }
0xe1: {  	[bflag:$0x0] =	sbarrier.arrive $0xFFFF  }
0xe2: {  	_ =	strace $0x9000004A  }
0xe3: {  	s0 =	stileid.u32;
	[bflag:$0x2] =	sbarrier.arrive $0xFFFF  }
0xe4: {  	p0 =	sne.s32 s0, $0x0;
	s0 =	rddreg [dreg:$0x1]  }
0xe5: {  	s0 =	sadd.s32 @!p0 $0x100000, s0  }
0xe6: {  	[sflag:s0] =	ssyncadd.tile.s32 @!p0 $0x1;
	_ =	shalt  }
.Lfunc_end2:
_tile_overlayer_lowered:
.L_overlay_start_2:
0xe7: {  	(tag) =	ssettag $0x2  }
0xe8: {  	s0 =	rddreg [dreg:$0x0];
	s2 =	stileid.u32  }
0xe9: {  	s1 =	rddreg [dreg:$0x1];
	p0 =	sne.s32 s2, $0x0  }
0xea: {  	s3 =	rddreg [dreg:$0x2];
	[bflag:$0x3] =	sbarrier.arrive $0xFFFF;
	s2 =	simm.s32 @!p0 $0x1C03  }
0xeb: {  	[timem:s3], [sflag:s2] =	dma.local @!p0 [hbm:s0], s1  }
0xec: {  	s0 =	simm.s32 @!p0 $0x3  }
0xed: {  	_ =	swait.ge @!p0 [sflag:s0], s1  }
0xee: {  	s1 =	ssub.s32 @!p0 $0x0, s1;
	[sflag:s0] =	ssyncset.done @!p0 $0x0  }
0xef: {  	[sflag:s0] =	ssyncadd.s32 @!p0 s1  }
0xf0: {  	[bflag:$0x3] =	sbarrier.arrive $0xFFFF  }
0xf1: {  	_ =	shalt  }

// kernel: kernel.21.cloned.1.call-start
scs
__scs_entry_jumppad:
0x0: {  	(pc) =	sbr.rel $0x88, $3  }
0x1: {  	(tag) =	ssettag $0x0;
	lr =	simm.s32 $0x1  }
0x2: {  	[smem:$0x3F8C] =	sst lr;
	_ =	strace $0xD0000000  }
0x3: {  	_ = 	snop  }
0x4: {  	_ = 	snop  }
0x5: {  	_ = 	snop  }
0x6: {  	_ = 	snop  }
0x7: {  	_ = 	snop  }
__scs_overlays_trampoline_lowered:
0x8: {  	[smem:$0x3F9B] =	sst s0  }
0x9: {  	[smem:$0x3F9C] =	sst s1  }
0xa: {  	[smem:$0x3F9D] =	sst s2  }
0xb: {  	[smem:$0x3F9E] =	sst s3  }
0xc: {  	[smem:$0x3F9F] =	sst s4  }
0xd: {  	[smem:$0x3FA0] =	sst s5  }
0xe: {  	[smem:$0x3FA1] =	sst s6  }
0xf: {  	[smem:$0x3FA2] =	sst s7  }
0x10: {  	[smem:$0x3FA3] =	sst s8  }
0x11: {  	[smem:$0x3FA4] =	sst s9;
	s0 =	simm.s32 @!p0 $0x0  }
0x12: {  	s1 =	sld [smem:$0x3F8A];
	s0 =	simm.s32 @p0 $0x1  }
0x13: {  	[smem:$0x3FA5] =	sst s0;
	s0 =	simm.s32 @!p1 $0x0  }
0x14: {  	s2 =	sld [smem:$0x3F89];
	s0 =	simm.s32 @p1 $0x1  }
0x15: {  	[smem:$0x3FA6] =	sst s0;
	s0 =	simm.s32 @!p2 $0x0  }
0x16: {  	s3 =	sld [smem:$0x3FDB];
	s0 =	simm.s32 @p2 $0x1  }
0x17: {  	s4 =	simm.s32 $0x1BF5;
	[smem:$0x3FA8] =	sst s0  }
0x18: {  	s0 =	sld [smem:$0x3F8B];
	_ =	swait.ge [sflag:s4], $0x0  }
0x19: {  	s7 =	sld [smem:$0x3F8C]  }
0x1a: {  	s8 =	sadd.s32 $0xFFFFE003, lr  }
0x1b: {  	s9 =	sadd.s32 $0xFFFFFEF7, lr;
	s5 =	simm.s32 $0xFFFFFFFF;
	p2 =	slt.u32 s8, $0xFFFFF086  }
0x1c: {  	p1 =	slt.u32 s9, $0xF7A;
	s5 =	simm.s32 @!p2 $0x0  }
0x1d: {  	s5 =	simm.s32 @p1 $0x1;
	p0 =	seq.s32 s7, s2  }
0x1e: {  	s7 =	smul.u32 @!p0 $0xF7A, s2;
	p2 =	seq.s32 @!p0 s5, $0x0  }
0x1f: {  	s9 =	smul.u32 $0xF7A, s1;
	s8 =	simm.s32 @!p0 $0x1BF5;
	p2 =	por !p2, p0  }
0x20: {  	[sflag:s8] =	ssyncset.s32 @!p0 $0xFFFFF086;
	s6 =	sadd.s32 @!p0 s3, s7;
	s7 =	simm.s32 @!p0 $0x108  }
0x21: {  	s3 =	sadd.s32 s3, s9;
	s6 =	sadd.s32 @!p0 $0x88, s6;
	s7 =	simm.s32 @p2 $0x1082  }
0x22: {  	[simem:s7], [sflag:s8] =	dma.local @!p0 [hbm:s6], $0xF7A  }
0x23: {  	s9 =	sor.u32 $0xD0000000, s2;
	s6 =	simm.s32 $0x108;
	_ =	swait.ge @!p0 [sflag:s8], $0x0  }
0x24: {  	s3 =	sadd.s32 $0x88, s3;
	s6 =	simm.s32 @!p1 $0x1082;
	[sflag:s4] =	ssyncset.s32 $0xFFFFF086  }
0x25: {  	[simem:s6], [sflag:s4] =	dma.local [hbm:s3], $0xF7A  }
0x26: {  	[smem:$0x3F8C] =	sst s1;
	(tag) =	ssettag s2;
	_ =	strace s9  }
0x27: {  	s1 =	sld [smem:$0x3F9C]  }
0x28: {  	s2 =	sld [smem:$0x3F9D]  }
0x29: {  	s4 =	sld [smem:$0x3F9F]  }
0x2a: {  	p0 =	seq.s32 s5, $0x0;
	s5 =	sld [smem:$0x3FA0]  }
0x2b: {  	s6 =	sld [smem:$0x3FA1]  }
0x2c: {  	s7 =	sld [smem:$0x3FA2]  }
0x2d: {  	s3 =	simm.s32 $0x108;
	s8 =	sld [smem:$0x3FA3]  }
0x2e: {  	s3 =	simm.s32 @!p0 $0x1082;
	s9 =	sld [smem:$0x3FA4]  }
0x2f: {  	lr =	sadd.s32 s0, s3;
	s0 =	sld [smem:$0x3F9B]  }
0x30: {  	s3 =	sld [smem:$0x3F9E]  }
0x31: {  	[smem:$0x3FA7] =	sst s10  }
0x32: {  	s10 =	sld [smem:$0x3FA5];
	_ =	sdelay $0x3  }
0x33: {  	p0 =	seq.s32 s10, $0x1;
	s10 =	sld [smem:$0x3FA7];
	_ =	sdelay $0x3  }
0x34: {  	[smem:$0x3FA7] =	sst s10  }
0x35: {  	s10 =	sld [smem:$0x3FA6];
	_ =	sdelay $0x3  }
0x36: {  	p1 =	seq.s32 s10, $0x1;
	s10 =	sld [smem:$0x3FA7];
	_ =	sdelay $0x3  }
0x37: {  	[smem:$0x3FA7] =	sst s10  }
0x38: {  	s10 =	sld [smem:$0x3FA8]  }
0x39: {  	_ = 	snop;
	(pc) =	sbr.ind lr, $3  }
0x3a: {  	_ = 	snop  }
0x3b: {  	_ = 	snop  }
0x3c: {  	p2 =	seq.s32 s10, $0x1;
	s10 =	sld [smem:$0x3FA7]  }
0x3d: {  	_ =	shalt  }
0x3e: {  	_ =	shalt  }
0x3f: {  	_ =	shalt  }
0x40: {  	_ =	shalt  }
0x41: {  	_ =	shalt  }
0x42: {  	_ =	shalt  }
0x43: {  	_ =	shalt  }
0x44: {  	_ =	shalt  }
0x45: {  	_ =	shalt  }
0x46: {  	_ =	shalt  }
0x47: {  	_ =	shalt  }
0x48: {  	_ =	shalt  }
0x49: {  	_ =	shalt  }
0x4a: {  	_ =	shalt  }
0x4b: {  	_ =	shalt  }
0x4c: {  	_ =	shalt  }
0x4d: {  	_ =	shalt  }
0x4e: {  	_ =	shalt  }
0x4f: {  	_ =	shalt  }
0x50: {  	_ =	shalt  }
0x51: {  	_ =	shalt  }
0x52: {  	_ =	shalt  }
0x53: {  	_ =	shalt  }
0x54: {  	_ =	shalt  }
0x55: {  	_ =	shalt  }
0x56: {  	_ =	shalt  }
0x57: {  	_ =	shalt  }
0x58: {  	_ =	shalt  }
0x59: {  	_ =	shalt  }
0x5a: {  	_ =	shalt  }
0x5b: {  	_ =	shalt  }
0x5c: {  	_ =	shalt  }
0x5d: {  	_ =	shalt  }
0x5e: {  	_ =	shalt  }
0x5f: {  	_ =	shalt  }
0x60: {  	_ =	shalt  }
0x61: {  	_ =	shalt  }
0x62: {  	_ =	shalt  }
0x63: {  	_ =	shalt  }
0x64: {  	_ =	shalt  }
0x65: {  	_ =	shalt  }
0x66: {  	_ =	shalt  }
0x67: {  	_ =	shalt  }
0x68: {  	_ =	shalt  }
0x69: {  	_ =	shalt  }
0x6a: {  	_ =	shalt  }
0x6b: {  	_ =	shalt  }
0x6c: {  	_ =	shalt  }
0x6d: {  	_ =	shalt  }
0x6e: {  	_ =	shalt  }
0x6f: {  	_ =	shalt  }
0x70: {  	_ =	shalt  }
0x71: {  	_ =	shalt  }
0x72: {  	_ =	shalt  }
0x73: {  	_ =	shalt  }
0x74: {  	_ =	shalt  }
0x75: {  	_ =	shalt  }
0x76: {  	_ =	shalt  }
0x77: {  	_ =	shalt  }
0x78: {  	_ =	shalt  }
0x79: {  	_ =	shalt  }
0x7a: {  	_ =	shalt  }
0x7b: {  	_ =	shalt  }
0x7c: {  	_ =	shalt  }
0x7d: {  	_ =	shalt  }
0x7e: {  	_ =	shalt  }
0x7f: {  	_ =	shalt  }
0x80: {  	_ =	shalt  }
0x81: {  	_ =	shalt  }
0x82: {  	_ =	shalt  }
0x83: {  	_ =	shalt  }
0x84: {  	_ =	shalt  }
0x85: {  	_ =	shalt  }
0x86: {  	_ =	shalt  }
0x87: {  	_ =	shalt  }
.Lfunc_end0:
.L_simem_size_0:
called_computation.1_lowered:
.L_overlay_start_0:
0x88: {  	s2 =	sld [smem:$0x3FD9]  }
0x89: {  	s3 =	sld [smem:$0x3FFE];
	_ =	sdelay $0x1  }
0x8a: {  	s1 =	srdreg.scid  }
0x8b: {  	s0 =	sand.u32 $0x1, s1  }
0x8c: {  	s16 =	sshll.u32 s0, $0xA;
	s2 =	sadd.s32 s3, s2  }
0x8d: {  	s2 =	sadd.s32 s2, s16  }
0x8e: {  	[smem:$0x3FB3] =	sst s2  }
0x8f: {  	_ = 	snop  }
0x90: {  	(tm) =	ssettm $0x1  }
0x91: {  	s17 =	sld [smem:$0x3FFB];
	_ =	sdelay $0x3  }
0x92: {  	_ =	strace s17  }
0x93: {  	s2 =	sld [smem:$0x3FFC];
	_ =	sdelay $0x3  }
0x94: {  	_ =	strace s2  }
0x95: {  	s2 =	sld [smem:$0x3FFD];
	_ =	sdelay $0x3  }
0x96: {  	_ =	strace s2  }
0x97: {  	_ =	strace $0x8FFFFFFF  }
0x98: {  	s18 =	sld [smem:$0x3FDB];
	_ =	sdelay $0x1  }
0x99: {  	s19 =	simm.s32 $_scs_section_size  }
0x9a: {  	s4 =	simm.s32 $_size__tile_overlayer_lowered;
	s5 =	simm.s32 $_tile_overlayer_lowered  }
0x9b: {  	s22 =	simm.s32 $0x1BFF;
	s21 =	sshll.u32 s5, $0x1;
	s2 =	sadd.s32 s19, s18  }
0x9c: {  	s6 =	simm.s32 $0x0;
	s20 =	sshll.u32 s4, $0x1;
	s4 =	sadd.s32 s21, s2  }
0x9d: {  	[timem:s6], [sflag:s22] =	dma.local [hbm:s4], s20  }
0x9e: {  	_ =	swait.ge [sflag:s22], s20  }
0x9f: {  	s3 =	ssub.s32 $0x0, s20;
	[sflag:s22] =	ssyncset.done $0x0  }
0xa0: {  	[sflag:s22] =	ssyncadd.s32 s3;
	_ =	sdelay $0x1  }
0xa1: {  	s23 =	simm.s32 $0x1B8B  }
0xa2: {  	_ =	swait.ge [sflag:s23], $0x1  }
0xa3: {  	[sflag:s23] =	ssyncset.done $0x0  }
0xa4: {  	s25 =	simm.s32 $0x1B8E;
	s24 =	sld [smem:$0x3FFE];
	[sflag:s23] =	ssyncadd.s32 $0xFFFFFFFF  }
0xa5: {  	s26 =	simm.s32 $execute0_lowered;
	[smem:$0x3FD2] =	sst s25  }
0xa6: {  	s4 =	sshll.u32 s26, $0x1;
	_ =	strace $0x80000046;
	[dreg:$0x1] =	wrdreg $0xFFFFFFFF  }
0xa7: {  	s28 =	simm.s32 $_size_execute0_lowered;
	s2 =	sadd.s32 s2, s4;
	[dreg:$0x0] =	wrdreg $0x0  }
0xa8: {  	s4 =	sshll.u32 s28, $0x1;
	[dreg:$0x2] =	wrdreg s2  }
0xa9: {  	[dreg:$0x3] =	wrdreg s4  }
0xaa: {  	[dreg:$0x4] =	wrdreg $0xC0  }
0xab: {  	_ =	task [dreg:s6], $0x5FFFF  }
0xac: {  	[dreg:$0x1] =	wrdreg $0xFFFFFFFF  }
0xad: {  	[dreg:$0x0] =	wrdreg $0x60  }
0xae: {  	[dreg:$0x2] =	wrdreg s24  }
0xaf: {  	[dreg:$0x3] =	wrdreg $0xA  }
0xb0: {  	_ =	task.clear_ibuf [dreg:s6], $0x4FFFF;
	_ =	strace $0x90000046  }
0xb1: {  	s29 =	simm.s32 $0xA;
	_ =	strace $0x80000048  }
0xb2: {  	_ =	swait.ge [sflag:s29], $0x1  }
0xb3: {  	[sflag:s29] =	ssyncadd.s32 $0xFFFFFFFF  }
0xb4: {  	_ =	strace $0x90000048  }
0xb5: {  	_ =	sfence  }
0xb6: {  	s30 =	sld [smem:$0x0];
	_ =	sdelay $0x2  }
0xb7: {  	s31 =	sshll.u32 s1, $0xD;
	s1 =	sshrl.u32 s1, $0x2  }
0xb8: {  	s3 =	sand.u32 $0x4000, s31;
	s1 =	sadd.s32 s1, s30  }
0xb9: {  	s0 =	sor.u32 s3, s0;
	s1 =	sshll.u32 s1, $0x11  }
0xba: {  	s0 =	sor.u32 s1, s0  }
0xbb: {  	s0 =	sadd.s32 $0x8F2B, s0  }
0xbc: {  	[sflag:s0] =	ssyncadd.remote.s32 $0x1  }
0xbd: {  	_ =	sfence.sel $0xFFFF  }
0xbe: {  	[dreg:$0x0] =	wrdreg $0xFFFFFFFF;
	(pc) =	sbr.abs _section_cstart, $3  }
0xbf: {  	[dreg:$0x1] =	wrdreg $0xFFFFFFFF  }
0xc0: {  	_ =	task.clear_ibuf [dreg:s6], $0x2FFFF;
	_ =	strace $0x9FFFFFFF  }
0xc1: {  	(tm) =	ssettm $0x7FFFFFFF  }
tec
execute0_lowered:
.L_overlay_start_1:
0x0: {  	(tag) =	ssettag $0x1  }
0x1: {  	s0 =	stileid.u32;
	s1 =	srdreg.scid  }
0x2: {  	s4 =	sand.u32 $0x1, s1;
	s11 =	smul.u32 $0xC00, s0  }
0x3: {  	s2 =	smul.u32 $0x600, s4;
	_ =	sdelay $0x1  }
0x4: {  	s5 =	rddreg [dreg:$0x0];
	s3 =	sadd.s32 s2, s11;
	s2 =	simm.s32 $0x0  }
0x5: {  	s12 =	simm.s32 $0x80;
	[smem:$0x7FF] =	sst s2  }
0x6: {  	s13 =	simm.s32 $0x900;
	_ =	strace $0x80000047;
	[dreg:$0x4] =	wrdreg s12  }
0x7: {  	s14 =	simm.s32 $0x1100;
	s15 =	simm.s32 $0x1900;
	[dreg:$0x5] =	wrdreg s13  }
0x8: {  	s17 =	simm.s32 $0x2100;
	s18 =	simm.s32 $0x2900;
	[dreg:$0x6] =	wrdreg s14  }
0x9: {  	s19 =	simm.s32 $0x3100;
	s21 =	simm.s32 $0x3900;
	[dreg:$0x7] =	wrdreg s15  }
0xa: {  	s22 =	simm.s32 $0x4100;
	s23 =	simm.s32 $0x4900;
	[dreg:$0x8] =	wrdreg s17  }
0xb: {  	s25 =	simm.s32 $0x5100;
	s26 =	simm.s32 $0x5900;
	[dreg:$0x9] =	wrdreg s18  }
0xc: {  	s30 =	simm.s32 $0x6100;
	s31 =	simm.s32 $0x6900;
	[dreg:$0xa] =	wrdreg s19  }
0xd: {  	s9 =	simm.s32 $0x7900;
	s10 =	simm.s32 $0x8100;
	[dreg:$0xb] =	wrdreg s21  }
0xe: {  	s28 =	simm.s32 $0x2;
	s29 =	simm.s32 $0x0;
	[dreg:$0xc] =	wrdreg s22  }
0xf: {  	s7 =	sadd.s32 $0xBE00, s5;
	s16 =	smul.u32 $0x18000, s0;
	[dreg:$0xd] =	wrdreg s23  }
0x10: {  	s20 =	ssub.s32 $0x2, s4;
	s24 =	smul.u32 $0xC000, s4;
	[dreg:$0xe] =	wrdreg s25  }
0x11: {  	s8 =	sshrl.u32 s20, $0x1;
	s11 =	simm.s32 $0x8900;
	[dreg:$0xf] =	wrdreg s26  }
0x12: {  	s6 =	sor.u32 $0x80, s3;
	s3 =	sshrl.u32 s3, $0x3;
	[dreg:$0x10] =	wrdreg s30  }
0x13: {  	s6 =	sshrl.u32 s6, $0x3;
	s3 =	sadd.s32 s3, s7;
	[dreg:$0x11] =	wrdreg s31  }
0x14: {  	s12 =	simm.s32 $0x9100;
	s13 =	simm.s32 $0x9900;
	s14 =	simm.s32 $0xA100  }
0x15: {  	s15 =	simm.s32 $0xA900;
	s17 =	simm.s32 $0xB900;
	s18 =	simm.s32 $0xC100  }
0x16: {  	s19 =	simm.s32 $0xC900;
	s21 =	simm.s32 $0xD900;
	s22 =	simm.s32 $0xE100  }
0x17: {  	s23 =	simm.s32 $0xE900;
	s25 =	simm.s32 $0xF900;
	s26 =	simm.s32 $0x1  }
0x18: {  	s6 =	sadd.s32 s6, s7;
	[dreg:$0x3] =	wrdreg s3;
	s3 =	sadd.s32 $0x3FC00, s5  }
0x19: {  	s5 =	sadd.s32 s16, s5;
	s7 =	ssub.s32 s20, s8;
	s8 =	simm.s32 $0x7100  }
0x1a: {  	v2 =	vlaneseq.u32;
	s16 =	simm.s32 $0xB100;
	s20 =	simm.s32 $0xD100;
	[dreg:$0x2] =	wrdreg s6  }
0x1b: {  	vm0 =	vmmov $0xffff;
	v1 =	vshrl.u32 v2, $0x3;
	s4 =	smax.u32 s7, $0x1;
	s5 =	sadd.s32 s24, s5;
	s6 =	simm.s32 $0x3  }
0x1c: {  	v0 =	vand.u32 $0x7, v2;
	v2 =	vor.u32 $0x8, v2;
	v1 =	vmul.u32 $0x8, v1;
	s7 =	simm.s32 $0x100;
	s24 =	simm.s32 $0xF100;
	s5 =	sadd.s32 $0xA0C00, s5  }
.LBB2_1:
0x1d: {  	s30 =	smov.u32 s5;
	s31 =	simm.s32 $0x0  }
.LBB2_2:
0x1e: {  	s1 =	rddreg [dreg:$0x3]  }
0x1f: {  	s1 =	sadd.s32 s31, s1  }
0x20: {  	[tilespmem:s2], [sflag:$0x3] =	stream.linear.gather [hbm4b:s1+s2], $0x80, $0x38;
	[tilespmem:$0x10100] =	vst v63  }
0x21: {  	_ =	swait.ge [sflag:s6], $0x80  }
0x22: {  	s1 =	rddreg [dreg:$0x2];
	[sflag:s6] =	ssyncset.done $0x0  }
0x23: {  	s0 =	rddreg [dreg:$0x4];
	[sflag:s6] =	ssyncadd.s32 $0xFFFFFF80;
	s1 =	sadd.s32 s31, s1  }
0x24: {  	[tilespmem:s0], [sflag:$0x3] =	stream.linear.gather [hbm4b:s1+s2], $0x80, $0x38;
	[tilespmem:$0x10100] =	vst v63  }
0x25: {  	_ =	swait.ge [sflag:s6], $0x80  }
0x26: {  	[sflag:s6] =	ssyncset.done $0x0  }
0x27: {  	[sflag:s6] =	ssyncadd.s32 $0xFFFFFF80  }
0x28: {  	v3 =	vld [tilespmem:$0x0];
	_ =	sdelay $0x4  }
0x29: {  	v4 =	vshll.u32 v3, $0x1  }
0x2a: {  	v3 =	vand.u32 $0x7, v3;
	v4 =	vand.u32 $0xFFFFFFF0, v4  }
0x2b: {  	v3 =	vor.u32 v3, v4  }
0x2c: {  	v4 =	vperm.xlane v3, v0;
	_ =	sdelay $0x1  }
0x2d: {  	v3 =	vperm.xlane v3, v2;
	v4 =	vadd.s32 v1, v4;
	_ =	sdelay $0x1  }
0x2e: {  	v3 =	vadd.s32 v1, v3;
	_ =	sdelay $0x2  }
0x2f: {  	[tilespmem:s7], [sflag:$0x1] =	stream.indirect_vreg.gather [hbm4b:s3+s2], $0x80, v4, vm0, $0xb8;
	[tilespmem:$0x10100] =	vst v63  }
0x30: {  	s1 =	rddreg [dreg:$0x5]  }
0x31: {  	[tilespmem:s1], [sflag:$0x1] =	stream.indirect_vreg.gather [hbm4b:s3+s2], $0x80, v3, vm0, $0xb8;
	[tilespmem:$0x10100] =	vst v63  }
0x32: {  	v3 =	vld [tilespmem:$0x10];
	_ =	sdelay $0x4  }
0x33: {  	v49 =	vshll.u32 v3, $0x1  }
0x34: {  	v3 =	vand.u32 $0x7, v3;
	v4 =	vand.u32 $0xFFFFFFF0, v49  }
0x35: {  	v3 =	vor.u32 v3, v4  }
0x36: {  	v4 =	vperm.xlane v3, v0;
	_ =	sdelay $0x1  }
0x37: {  	v3 =	vperm.xlane v3, v2;
	v4 =	vadd.s32 v1, v4;
	_ =	sdelay $0x1  }
0x38: {  	v3 =	vadd.s32 v1, v3;
	_ =	sdelay $0x1  }
0x39: {  	s0 =	rddreg [dreg:$0x6]  }
0x3a: {  	[tilespmem:s0], [sflag:$0x1] =	stream.indirect_vreg.gather [hbm4b:s3+s2], $0x80, v4, vm0, $0xb8;
	[tilespmem:$0x10100] =	vst v63  }
0x3b: {  	s1 =	rddreg [dreg:$0x7]  }
0x3c: {  	[tilespmem:s1], [sflag:$0x1] =	stream.indirect_vreg.gather [hbm4b:s3+s2], $0x80, v3, vm0, $0xb8;
	[tilespmem:$0x10100] =	vst v63  }
0x3d: {  	v3 =	vld [tilespmem:$0x20];
	_ =	sdelay $0x4  }
0x3e: {  	v50 =	vshll.u32 v3, $0x1  }
0x3f: {  	v3 =	vand.u32 $0x7, v3;
	v4 =	vand.u32 $0xFFFFFFF0, v50  }
0x40: {  	v3 =	vor.u32 v3, v4  }
0x41: {  	v4 =	vperm.xlane v3, v0;
	_ =	sdelay $0x1  }
0x42: {  	v3 =	vperm.xlane v3, v2;
	v4 =	vadd.s32 v1, v4;
	_ =	sdelay $0x1  }
0x43: {  	v3 =	vadd.s32 v1, v3;
	_ =	sdelay $0x1  }
0x44: {  	s0 =	rddreg [dreg:$0x8]  }
0x45: {  	[tilespmem:s0], [sflag:$0x1] =	stream.indirect_vreg.gather [hbm4b:s3+s2], $0x80, v4, vm0, $0xb8;
	[tilespmem:$0x10100] =	vst v63  }
0x46: {  	s1 =	rddreg [dreg:$0x9]  }
0x47: {  	[tilespmem:s1], [sflag:$0x1] =	stream.indirect_vreg.gather [hbm4b:s3+s2], $0x80, v3, vm0, $0xb8;
	[tilespmem:$0x10100] =	vst v63  }
0x48: {  	v3 =	vld [tilespmem:$0x30];
	_ =	sdelay $0x4  }
0x49: {  	v51 =	vshll.u32 v3, $0x1  }
0x4a: {  	v3 =	vand.u32 $0x7, v3;
	v4 =	vand.u32 $0xFFFFFFF0, v51  }
0x4b: {  	v3 =	vor.u32 v3, v4  }
0x4c: {  	v4 =	vperm.xlane v3, v0;
	_ =	sdelay $0x1  }
0x4d: {  	v3 =	vperm.xlane v3, v2;
	v4 =	vadd.s32 v1, v4;
	_ =	sdelay $0x1  }
0x4e: {  	v3 =	vadd.s32 v1, v3;
	_ =	sdelay $0x1  }
0x4f: {  	s0 =	rddreg [dreg:$0xa]  }
0x50: {  	[tilespmem:s0], [sflag:$0x1] =	stream.indirect_vreg.gather [hbm4b:s3+s2], $0x80, v4, vm0, $0xb8;
	[tilespmem:$0x10100] =	vst v63  }
0x51: {  	s1 =	rddreg [dreg:$0xb]  }
0x52: {  	[tilespmem:s1], [sflag:$0x1] =	stream.indirect_vreg.gather [hbm4b:s3+s2], $0x80, v3, vm0, $0xb8;
	[tilespmem:$0x10100] =	vst v63  }
0x53: {  	v3 =	vld [tilespmem:$0x40];
	_ =	sdelay $0x4  }
0x54: {  	v52 =	vshll.u32 v3, $0x1  }
0x55: {  	v3 =	vand.u32 $0x7, v3;
	v4 =	vand.u32 $0xFFFFFFF0, v52  }
0x56: {  	v3 =	vor.u32 v3, v4  }
0x57: {  	v4 =	vperm.xlane v3, v0;
	_ =	sdelay $0x1  }
0x58: {  	v3 =	vperm.xlane v3, v2;
	v4 =	vadd.s32 v1, v4;
	_ =	sdelay $0x1  }
0x59: {  	v3 =	vadd.s32 v1, v3;
	_ =	sdelay $0x1  }
0x5a: {  	s0 =	rddreg [dreg:$0xc]  }
0x5b: {  	[tilespmem:s0], [sflag:$0x1] =	stream.indirect_vreg.gather [hbm4b:s3+s2], $0x80, v4, vm0, $0xb8;
	[tilespmem:$0x10100] =	vst v63  }
0x5c: {  	s1 =	rddreg [dreg:$0xd]  }
0x5d: {  	[tilespmem:s1], [sflag:$0x1] =	stream.indirect_vreg.gather [hbm4b:s3+s2], $0x80, v3, vm0, $0xb8;
	[tilespmem:$0x10100] =	vst v63  }
0x5e: {  	v3 =	vld [tilespmem:$0x50];
	_ =	sdelay $0x4  }
0x5f: {  	v53 =	vshll.u32 v3, $0x1  }
0x60: {  	v3 =	vand.u32 $0x7, v3;
	v4 =	vand.u32 $0xFFFFFFF0, v53  }
0x61: {  	v3 =	vor.u32 v3, v4  }
0x62: {  	v4 =	vperm.xlane v3, v0;
	_ =	sdelay $0x1  }
0x63: {  	v3 =	vperm.xlane v3, v2;
	v4 =	vadd.s32 v1, v4;
	_ =	sdelay $0x1  }
0x64: {  	v3 =	vadd.s32 v1, v3;
	_ =	sdelay $0x1  }
0x65: {  	s0 =	rddreg [dreg:$0xe]  }
0x66: {  	[tilespmem:s0], [sflag:$0x1] =	stream.indirect_vreg.gather [hbm4b:s3+s2], $0x80, v4, vm0, $0xb8;
	[tilespmem:$0x10100] =	vst v63  }
0x67: {  	s1 =	rddreg [dreg:$0xf]  }
0x68: {  	[tilespmem:s1], [sflag:$0x1] =	stream.indirect_vreg.gather [hbm4b:s3+s2], $0x80, v3, vm0, $0xb8;
	[tilespmem:$0x10100] =	vst v63  }
0x69: {  	v3 =	vld [tilespmem:$0x60];
	_ =	sdelay $0x4  }
0x6a: {  	v54 =	vshll.u32 v3, $0x1  }
0x6b: {  	v3 =	vand.u32 $0x7, v3;
	v4 =	vand.u32 $0xFFFFFFF0, v54  }
0x6c: {  	v3 =	vor.u32 v3, v4  }
0x6d: {  	v4 =	vperm.xlane v3, v0;
	_ =	sdelay $0x1  }
0x6e: {  	v3 =	vperm.xlane v3, v2;
	v4 =	vadd.s32 v1, v4;
	_ =	sdelay $0x1  }
0x6f: {  	v3 =	vadd.s32 v1, v3;
	_ =	sdelay $0x1  }
0x70: {  	s0 =	rddreg [dreg:$0x10]  }
0x71: {  	[tilespmem:s0], [sflag:$0x1] =	stream.indirect_vreg.gather [hbm4b:s3+s2], $0x80, v4, vm0, $0xb8;
	[tilespmem:$0x10100] =	vst v63  }
0x72: {  	s1 =	rddreg [dreg:$0x11]  }
0x73: {  	[tilespmem:s1], [sflag:$0x1] =	stream.indirect_vreg.gather [hbm4b:s3+s2], $0x80, v3, vm0, $0xb8;
	[tilespmem:$0x10100] =	vst v63  }
0x74: {  	v3 =	vld [tilespmem:$0x70];
	_ =	sdelay $0x4  }
0x75: {  	v55 =	vshll.u32 v3, $0x1  }
0x76: {  	v3 =	vand.u32 $0x7, v3;
	v4 =	vand.u32 $0xFFFFFFF0, v55  }
0x77: {  	v3 =	vor.u32 v3, v4  }
0x78: {  	v4 =	vperm.xlane v3, v0;
	_ =	sdelay $0x1  }
0x79: {  	v3 =	vperm.xlane v3, v2;
	v4 =	vadd.s32 v1, v4;
	_ =	sdelay $0x1  }
0x7a: {  	v3 =	vadd.s32 v1, v3;
	_ =	sdelay $0x2  }
0x7b: {  	[tilespmem:s8], [sflag:$0x1] =	stream.indirect_vreg.gather [hbm4b:s3+s2], $0x80, v4, vm0, $0xb8;
	[tilespmem:$0x10100] =	vst v63  }
0x7c: {  	_ = 	snop  }
0x7d: {  	[tilespmem:s9], [sflag:$0x1] =	stream.indirect_vreg.gather [hbm4b:s3+s2], $0x80, v3, vm0, $0xb8;
	[tilespmem:$0x10100] =	vst v63  }
0x7e: {  	v3 =	vld [tilespmem:$0x80];
	_ =	sdelay $0x4  }
0x7f: {  	v56 =	vshll.u32 v3, $0x1  }
0x80: {  	v3 =	vand.u32 $0x7, v3;
	v4 =	vand.u32 $0xFFFFFFF0, v56  }
0x81: {  	v3 =	vor.u32 v3, v4  }
0x82: {  	v4 =	vperm.xlane v3, v0;
	_ =	sdelay $0x1  }
0x83: {  	v3 =	vperm.xlane v3, v2;
	v4 =	vadd.s32 v1, v4;
	_ =	sdelay $0x1  }
0x84: {  	v3 =	vadd.s32 v1, v3;
	_ =	sdelay $0x2  }
0x85: {  	[tilespmem:s10], [sflag:$0x2] =	stream.indirect_vreg.gather [hbm4b:s3+s2], $0x80, v4, vm0, $0xb8;
	[tilespmem:$0x10100] =	vst v63  }
0x86: {  	_ = 	snop  }
0x87: {  	[tilespmem:s11], [sflag:$0x2] =	stream.indirect_vreg.gather [hbm4b:s3+s2], $0x80, v3, vm0, $0xb8;
	[tilespmem:$0x10100] =	vst v63  }
0x88: {  	v3 =	vld [tilespmem:$0x90];
	_ =	sdelay $0x4  }
0x89: {  	v57 =	vshll.u32 v3, $0x1  }
0x8a: {  	v3 =	vand.u32 $0x7, v3;
	v4 =	vand.u32 $0xFFFFFFF0, v57  }
0x8b: {  	v3 =	vor.u32 v3, v4  }
0x8c: {  	v4 =	vperm.xlane v3, v0;
	_ =	sdelay $0x1  }
0x8d: {  	v3 =	vperm.xlane v3, v2;
	v4 =	vadd.s32 v1, v4;
	_ =	sdelay $0x1  }
0x8e: {  	v3 =	vadd.s32 v1, v3;
	_ =	sdelay $0x2  }
0x8f: {  	[tilespmem:s12], [sflag:$0x2] =	stream.indirect_vreg.gather [hbm4b:s3+s2], $0x80, v4, vm0, $0xb8;
	[tilespmem:$0x10100] =	vst v63  }
0x90: {  	_ = 	snop  }
0x91: {  	[tilespmem:s13], [sflag:$0x2] =	stream.indirect_vreg.gather [hbm4b:s3+s2], $0x80, v3, vm0, $0xb8;
	[tilespmem:$0x10100] =	vst v63  }
0x92: {  	v3 =	vld [tilespmem:$0xA0];
	_ =	sdelay $0x4  }
0x93: {  	v58 =	vshll.u32 v3, $0x1  }
0x94: {  	v3 =	vand.u32 $0x7, v3;
	v4 =	vand.u32 $0xFFFFFFF0, v58  }
0x95: {  	v3 =	vor.u32 v3, v4  }
0x96: {  	v4 =	vperm.xlane v3, v0;
	_ =	sdelay $0x1  }
0x97: {  	v3 =	vperm.xlane v3, v2;
	v4 =	vadd.s32 v1, v4;
	_ =	sdelay $0x1  }
0x98: {  	v3 =	vadd.s32 v1, v3;
	_ =	sdelay $0x2  }
0x99: {  	[tilespmem:s14], [sflag:$0x2] =	stream.indirect_vreg.gather [hbm4b:s3+s2], $0x80, v4, vm0, $0xb8;
	[tilespmem:$0x10100] =	vst v63  }
0x9a: {  	_ = 	snop  }
0x9b: {  	[tilespmem:s15], [sflag:$0x2] =	stream.indirect_vreg.gather [hbm4b:s3+s2], $0x80, v3, vm0, $0xb8;
	[tilespmem:$0x10100] =	vst v63  }
0x9c: {  	v3 =	vld [tilespmem:$0xB0];
	_ =	sdelay $0x4  }
0x9d: {  	v59 =	vshll.u32 v3, $0x1  }
0x9e: {  	v3 =	vand.u32 $0x7, v3;
	v4 =	vand.u32 $0xFFFFFFF0, v59  }
0x9f: {  	v3 =	vor.u32 v3, v4  }
0xa0: {  	v4 =	vperm.xlane v3, v0;
	_ =	sdelay $0x1  }
0xa1: {  	v3 =	vperm.xlane v3, v2;
	v4 =	vadd.s32 v1, v4;
	_ =	sdelay $0x1  }
0xa2: {  	v3 =	vadd.s32 v1, v3;
	_ =	sdelay $0x2  }
0xa3: {  	[tilespmem:s16], [sflag:$0x2] =	stream.indirect_vreg.gather [hbm4b:s3+s2], $0x80, v4, vm0, $0xb8;
	[tilespmem:$0x10100] =	vst v63  }
0xa4: {  	_ = 	snop  }
0xa5: {  	[tilespmem:s17], [sflag:$0x2] =	stream.indirect_vreg.gather [hbm4b:s3+s2], $0x80, v3, vm0, $0xb8;
	[tilespmem:$0x10100] =	vst v63  }
0xa6: {  	v3 =	vld [tilespmem:$0xC0];
	_ =	sdelay $0x4  }
0xa7: {  	v60 =	vshll.u32 v3, $0x1  }
0xa8: {  	v3 =	vand.u32 $0x7, v3;
	v4 =	vand.u32 $0xFFFFFFF0, v60  }
0xa9: {  	v3 =	vor.u32 v3, v4  }
0xaa: {  	v4 =	vperm.xlane v3, v0;
	_ =	sdelay $0x1  }
0xab: {  	v3 =	vperm.xlane v3, v2;
	v4 =	vadd.s32 v1, v4;
	_ =	sdelay $0x1  }
0xac: {  	v3 =	vadd.s32 v1, v3;
	_ =	sdelay $0x2  }
0xad: {  	[tilespmem:s18], [sflag:$0x2] =	stream.indirect_vreg.gather [hbm4b:s3+s2], $0x80, v4, vm0, $0xb8;
	[tilespmem:$0x10100] =	vst v63  }
0xae: {  	_ = 	snop  }
0xaf: {  	[tilespmem:s19], [sflag:$0x2] =	stream.indirect_vreg.gather [hbm4b:s3+s2], $0x80, v3, vm0, $0xb8;
	[tilespmem:$0x10100] =	vst v63  }
0xb0: {  	v3 =	vld [tilespmem:$0xD0];
	_ =	sdelay $0x4  }
0xb1: {  	v61 =	vshll.u32 v3, $0x1  }
0xb2: {  	v3 =	vand.u32 $0x7, v3;
	v4 =	vand.u32 $0xFFFFFFF0, v61  }
0xb3: {  	v3 =	vor.u32 v3, v4  }
0xb4: {  	v4 =	vperm.xlane v3, v0;
	_ =	sdelay $0x1  }
0xb5: {  	v3 =	vperm.xlane v3, v2;
	v4 =	vadd.s32 v1, v4;
	_ =	sdelay $0x1  }
0xb6: {  	v3 =	vadd.s32 v1, v3;
	_ =	sdelay $0x2  }
0xb7: {  	[tilespmem:s20], [sflag:$0x2] =	stream.indirect_vreg.gather [hbm4b:s3+s2], $0x80, v4, vm0, $0xb8;
	[tilespmem:$0x10100] =	vst v63  }
0xb8: {  	_ = 	snop  }
0xb9: {  	[tilespmem:s21], [sflag:$0x2] =	stream.indirect_vreg.gather [hbm4b:s3+s2], $0x80, v3, vm0, $0xb8;
	[tilespmem:$0x10100] =	vst v63  }
0xba: {  	v3 =	vld [tilespmem:$0xE0];
	_ =	sdelay $0x4  }
0xbb: {  	v62 =	vshll.u32 v3, $0x1  }
0xbc: {  	v3 =	vand.u32 $0x7, v3;
	v4 =	vand.u32 $0xFFFFFFF0, v62  }
0xbd: {  	v3 =	vor.u32 v3, v4  }
0xbe: {  	v4 =	vperm.xlane v3, v0;
	_ =	sdelay $0x1  }
0xbf: {  	v3 =	vperm.xlane v3, v2;
	v4 =	vadd.s32 v1, v4;
	_ =	sdelay $0x1  }
0xc0: {  	v3 =	vadd.s32 v1, v3;
	_ =	sdelay $0x2  }
0xc1: {  	[tilespmem:s22], [sflag:$0x2] =	stream.indirect_vreg.gather [hbm4b:s3+s2], $0x80, v4, vm0, $0xb8;
	[tilespmem:$0x10100] =	vst v63  }
0xc2: {  	_ = 	snop  }
0xc3: {  	[tilespmem:s23], [sflag:$0x2] =	stream.indirect_vreg.gather [hbm4b:s3+s2], $0x80, v3, vm0, $0xb8;
	[tilespmem:$0x10100] =	vst v63  }
0xc4: {  	v3 =	vld [tilespmem:$0xF0];
	_ =	sdelay $0x4  }
0xc5: {  	v63 =	vshll.u32 v3, $0x1  }
0xc6: {  	v3 =	vand.u32 $0x7, v3;
	v4 =	vand.u32 $0xFFFFFFF0, v63  }
0xc7: {  	v3 =	vor.u32 v3, v4  }
0xc8: {  	v4 =	vperm.xlane v3, v0;
	_ =	sdelay $0x1  }
0xc9: {  	v3 =	vperm.xlane v3, v2;
	v4 =	vadd.s32 v1, v4;
	_ =	sdelay $0x1  }
0xca: {  	v3 =	vadd.s32 v1, v3;
	_ =	sdelay $0x2  }
0xcb: {  	[tilespmem:s24], [sflag:$0x2] =	stream.indirect_vreg.gather [hbm4b:s3+s2], $0x80, v4, vm0, $0xb8;
	[tilespmem:$0x10100] =	vst v63  }
0xcc: {  	_ = 	snop  }
0xcd: {  	[tilespmem:s25], [sflag:$0x2] =	stream.indirect_vreg.gather [hbm4b:s3+s2], $0x80, v3, vm0, $0xb8;
	[tilespmem:$0x10100] =	vst v63  }
0xce: {  	_ =	swait.ge [sflag:s26], $0x8000  }
0xcf: {  	[sflag:s26] =	ssyncset.done $0x0  }
0xd0: {  	s1 =	sadd.s32 $0xFFFFF000, s30;
	[sflag:s26] =	ssyncadd.s32 $0xFFFF8000  }
0xd1: {  	[hbm4b:s1+s2] =	stream.linear.scatter [tilespmem:s7], [sflag:$0x3], $0x8000, $0x38;
	[tilespmem:$0x10100] =	vst v63  }
0xd2: {  	_ =	swait.ge [sflag:s6], $0x8000  }
0xd3: {  	[sflag:s6] =	ssyncset.done $0x0  }
0xd4: {  	[sflag:s6] =	ssyncadd.s32 $0xFFFF8000  }
0xd5: {  	_ =	swait.ge [sflag:s28], $0x8000  }
0xd6: {  	p0 =	sne.s32 s31, $0xA0;
	[sflag:s28] =	ssyncset.done $0x0  }
.Ltmp0:
0xd7: {  	[sflag:s28] =	ssyncadd.s32 $0xFFFF8000;
	(pc) =	sbr.rel @p0 .LBB2_2-.Ltmp0, $4  }
0xd8: {  	[hbm4b:s30+s2] =	stream.linear.scatter [tilespmem:s10], [sflag:$0x3], $0x8000, $0x38;
	[tilespmem:$0x10100] =	vst v63  }
0xd9: {  	_ =	swait.ge [sflag:s6], $0x8000  }
0xda: {  	[sflag:s6] =	ssyncset.done $0x0  }
0xdb: {  	s31 =	sadd.s32 $0x20, s31;
	s30 =	sadd.s32 $0x2000, s30;
	[sflag:s6] =	ssyncadd.s32 $0xFFFF8000  }
0xdc: {  	s29 =	sadd.s32 $0x1, s29  }
0xdd: {  	p0 =	sne.s32 s29, s4  }
.Ltmp1:
0xde: {  	_ = 	snop;
	(pc) =	sbr.rel @p0 .LBB2_1-.Ltmp1, $1  }
0xdf: {  	_ =	sdelay $0x3  }
0xe0: {  	_ =	sfence.sel $0x180000  }
0xe1: {  	[bflag:$0x0] =	sbarrier.arrive $0xFFFF  }
0xe2: {  	_ =	strace $0x90000047  }
0xe3: {  	s0 =	stileid.u32;
	[bflag:$0x2] =	sbarrier.arrive $0xFFFF  }
0xe4: {  	p0 =	sne.s32 s0, $0x0;
	s0 =	rddreg [dreg:$0x1]  }
0xe5: {  	s0 =	sadd.s32 @!p0 $0x100000, s0  }
0xe6: {  	[sflag:s0] =	ssyncadd.tile.s32 @!p0 $0x1;
	_ =	shalt  }
.Lfunc_end2:
_tile_overlayer_lowered:
.L_overlay_start_2:
0xe7: {  	(tag) =	ssettag $0x2  }
0xe8: {  	s0 =	rddreg [dreg:$0x0];
	s2 =	stileid.u32  }
0xe9: {  	s1 =	rddreg [dreg:$0x1];
	p0 =	sne.s32 s2, $0x0  }
0xea: {  	s3 =	rddreg [dreg:$0x2];
	[bflag:$0x3] =	sbarrier.arrive $0xFFFF;
	s2 =	simm.s32 @!p0 $0x1C03  }
0xeb: {  	[timem:s3], [sflag:s2] =	dma.local @!p0 [hbm:s0], s1  }
0xec: {  	s0 =	simm.s32 @!p0 $0x3  }
0xed: {  	_ =	swait.ge @!p0 [sflag:s0], s1  }
0xee: {  	s1 =	ssub.s32 @!p0 $0x0, s1;
	[sflag:s0] =	ssyncset.done @!p0 $0x0  }
0xef: {  	[sflag:s0] =	ssyncadd.s32 @!p0 s1  }
0xf0: {  	[bflag:$0x3] =	sbarrier.arrive $0xFFFF  }
0xf1: {  	_ =	shalt  }

// kernel: kernel.24.cloned.1.call-start
scs
__scs_entry_jumppad:
0x0: {  	(pc) =	sbr.rel $0x88, $3  }
0x1: {  	(tag) =	ssettag $0x0;
	lr =	simm.s32 $0x1  }
0x2: {  	[smem:$0x3F8C] =	sst lr;
	_ =	strace $0xD0000000  }
0x3: {  	_ = 	snop  }
0x4: {  	_ = 	snop  }
0x5: {  	_ = 	snop  }
0x6: {  	_ = 	snop  }
0x7: {  	_ = 	snop  }
__scs_overlays_trampoline_lowered:
0x8: {  	[smem:$0x3F9B] =	sst s0  }
0x9: {  	[smem:$0x3F9C] =	sst s1  }
0xa: {  	[smem:$0x3F9D] =	sst s2  }
0xb: {  	[smem:$0x3F9E] =	sst s3  }
0xc: {  	[smem:$0x3F9F] =	sst s4  }
0xd: {  	[smem:$0x3FA0] =	sst s5  }
0xe: {  	[smem:$0x3FA1] =	sst s6  }
0xf: {  	[smem:$0x3FA2] =	sst s7  }
0x10: {  	[smem:$0x3FA3] =	sst s8  }
0x11: {  	[smem:$0x3FA4] =	sst s9;
	s0 =	simm.s32 @!p0 $0x0  }
0x12: {  	s1 =	sld [smem:$0x3F8A];
	s0 =	simm.s32 @p0 $0x1  }
0x13: {  	[smem:$0x3FA5] =	sst s0;
	s0 =	simm.s32 @!p1 $0x0  }
0x14: {  	s2 =	sld [smem:$0x3F89];
	s0 =	simm.s32 @p1 $0x1  }
0x15: {  	[smem:$0x3FA6] =	sst s0;
	s0 =	simm.s32 @!p2 $0x0  }
0x16: {  	s3 =	sld [smem:$0x3FDB];
	s0 =	simm.s32 @p2 $0x1  }
0x17: {  	s4 =	simm.s32 $0x1BF5;
	[smem:$0x3FA8] =	sst s0  }
0x18: {  	s0 =	sld [smem:$0x3F8B];
	_ =	swait.ge [sflag:s4], $0x0  }
0x19: {  	s7 =	sld [smem:$0x3F8C]  }
0x1a: {  	s8 =	sadd.s32 $0xFFFFE003, lr  }
0x1b: {  	s9 =	sadd.s32 $0xFFFFFEF7, lr;
	s5 =	simm.s32 $0xFFFFFFFF;
	p2 =	slt.u32 s8, $0xFFFFF086  }
0x1c: {  	p1 =	slt.u32 s9, $0xF7A;
	s5 =	simm.s32 @!p2 $0x0  }
0x1d: {  	s5 =	simm.s32 @p1 $0x1;
	p0 =	seq.s32 s7, s2  }
0x1e: {  	s7 =	smul.u32 @!p0 $0xF7A, s2;
	p2 =	seq.s32 @!p0 s5, $0x0  }
0x1f: {  	s9 =	smul.u32 $0xF7A, s1;
	s8 =	simm.s32 @!p0 $0x1BF5;
	p2 =	por !p2, p0  }
0x20: {  	[sflag:s8] =	ssyncset.s32 @!p0 $0xFFFFF086;
	s6 =	sadd.s32 @!p0 s3, s7;
	s7 =	simm.s32 @!p0 $0x108  }
0x21: {  	s3 =	sadd.s32 s3, s9;
	s6 =	sadd.s32 @!p0 $0x88, s6;
	s7 =	simm.s32 @p2 $0x1082  }
0x22: {  	[simem:s7], [sflag:s8] =	dma.local @!p0 [hbm:s6], $0xF7A  }
0x23: {  	s9 =	sor.u32 $0xD0000000, s2;
	s6 =	simm.s32 $0x108;
	_ =	swait.ge @!p0 [sflag:s8], $0x0  }
0x24: {  	s3 =	sadd.s32 $0x88, s3;
	s6 =	simm.s32 @!p1 $0x1082;
	[sflag:s4] =	ssyncset.s32 $0xFFFFF086  }
0x25: {  	[simem:s6], [sflag:s4] =	dma.local [hbm:s3], $0xF7A  }
0x26: {  	[smem:$0x3F8C] =	sst s1;
	(tag) =	ssettag s2;
	_ =	strace s9  }
0x27: {  	s1 =	sld [smem:$0x3F9C]  }
0x28: {  	s2 =	sld [smem:$0x3F9D]  }
0x29: {  	s4 =	sld [smem:$0x3F9F]  }
0x2a: {  	p0 =	seq.s32 s5, $0x0;
	s5 =	sld [smem:$0x3FA0]  }
0x2b: {  	s6 =	sld [smem:$0x3FA1]  }
0x2c: {  	s7 =	sld [smem:$0x3FA2]  }
0x2d: {  	s3 =	simm.s32 $0x108;
	s8 =	sld [smem:$0x3FA3]  }
0x2e: {  	s3 =	simm.s32 @!p0 $0x1082;
	s9 =	sld [smem:$0x3FA4]  }
0x2f: {  	lr =	sadd.s32 s0, s3;
	s0 =	sld [smem:$0x3F9B]  }
0x30: {  	s3 =	sld [smem:$0x3F9E]  }
0x31: {  	[smem:$0x3FA7] =	sst s10  }
0x32: {  	s10 =	sld [smem:$0x3FA5];
	_ =	sdelay $0x3  }
0x33: {  	p0 =	seq.s32 s10, $0x1;
	s10 =	sld [smem:$0x3FA7];
	_ =	sdelay $0x3  }
0x34: {  	[smem:$0x3FA7] =	sst s10  }
0x35: {  	s10 =	sld [smem:$0x3FA6];
	_ =	sdelay $0x3  }
0x36: {  	p1 =	seq.s32 s10, $0x1;
	s10 =	sld [smem:$0x3FA7];
	_ =	sdelay $0x3  }
0x37: {  	[smem:$0x3FA7] =	sst s10  }
0x38: {  	s10 =	sld [smem:$0x3FA8]  }
0x39: {  	_ = 	snop;
	(pc) =	sbr.ind lr, $3  }
0x3a: {  	_ = 	snop  }
0x3b: {  	_ = 	snop  }
0x3c: {  	p2 =	seq.s32 s10, $0x1;
	s10 =	sld [smem:$0x3FA7]  }
0x3d: {  	_ =	shalt  }
0x3e: {  	_ =	shalt  }
0x3f: {  	_ =	shalt  }
0x40: {  	_ =	shalt  }
0x41: {  	_ =	shalt  }
0x42: {  	_ =	shalt  }
0x43: {  	_ =	shalt  }
0x44: {  	_ =	shalt  }
0x45: {  	_ =	shalt  }
0x46: {  	_ =	shalt  }
0x47: {  	_ =	shalt  }
0x48: {  	_ =	shalt  }
0x49: {  	_ =	shalt  }
0x4a: {  	_ =	shalt  }
0x4b: {  	_ =	shalt  }
0x4c: {  	_ =	shalt  }
0x4d: {  	_ =	shalt  }
0x4e: {  	_ =	shalt  }
0x4f: {  	_ =	shalt  }
0x50: {  	_ =	shalt  }
0x51: {  	_ =	shalt  }
0x52: {  	_ =	shalt  }
0x53: {  	_ =	shalt  }
0x54: {  	_ =	shalt  }
0x55: {  	_ =	shalt  }
0x56: {  	_ =	shalt  }
0x57: {  	_ =	shalt  }
0x58: {  	_ =	shalt  }
0x59: {  	_ =	shalt  }
0x5a: {  	_ =	shalt  }
0x5b: {  	_ =	shalt  }
0x5c: {  	_ =	shalt  }
0x5d: {  	_ =	shalt  }
0x5e: {  	_ =	shalt  }
0x5f: {  	_ =	shalt  }
0x60: {  	_ =	shalt  }
0x61: {  	_ =	shalt  }
0x62: {  	_ =	shalt  }
0x63: {  	_ =	shalt  }
0x64: {  	_ =	shalt  }
0x65: {  	_ =	shalt  }
0x66: {  	_ =	shalt  }
0x67: {  	_ =	shalt  }
0x68: {  	_ =	shalt  }
0x69: {  	_ =	shalt  }
0x6a: {  	_ =	shalt  }
0x6b: {  	_ =	shalt  }
0x6c: {  	_ =	shalt  }
0x6d: {  	_ =	shalt  }
0x6e: {  	_ =	shalt  }
0x6f: {  	_ =	shalt  }
0x70: {  	_ =	shalt  }
0x71: {  	_ =	shalt  }
0x72: {  	_ =	shalt  }
0x73: {  	_ =	shalt  }
0x74: {  	_ =	shalt  }
0x75: {  	_ =	shalt  }
0x76: {  	_ =	shalt  }
0x77: {  	_ =	shalt  }
0x78: {  	_ =	shalt  }
0x79: {  	_ =	shalt  }
0x7a: {  	_ =	shalt  }
0x7b: {  	_ =	shalt  }
0x7c: {  	_ =	shalt  }
0x7d: {  	_ =	shalt  }
0x7e: {  	_ =	shalt  }
0x7f: {  	_ =	shalt  }
0x80: {  	_ =	shalt  }
0x81: {  	_ =	shalt  }
0x82: {  	_ =	shalt  }
0x83: {  	_ =	shalt  }
0x84: {  	_ =	shalt  }
0x85: {  	_ =	shalt  }
0x86: {  	_ =	shalt  }
0x87: {  	_ =	shalt  }
.Lfunc_end0:
.L_simem_size_0:
called_computation.2_lowered:
.L_overlay_start_0:
0x88: {  	s2 =	sld [smem:$0x3FD9]  }
0x89: {  	s3 =	sld [smem:$0x3FFE];
	_ =	sdelay $0x1  }
0x8a: {  	s1 =	srdreg.scid  }
0x8b: {  	s0 =	sand.u32 $0x1, s1  }
0x8c: {  	s17 =	sshll.u32 s0, $0xA;
	s2 =	sadd.s32 s3, s2  }
0x8d: {  	s2 =	sadd.s32 s2, s17  }
0x8e: {  	[smem:$0x3FB3] =	sst s2  }
0x8f: {  	_ = 	snop  }
0x90: {  	(tm) =	ssettm $0x1  }
0x91: {  	s18 =	sld [smem:$0x3FFB];
	_ =	sdelay $0x3  }
0x92: {  	_ =	strace s18  }
0x93: {  	s2 =	sld [smem:$0x3FFC];
	_ =	sdelay $0x3  }
0x94: {  	_ =	strace s2  }
0x95: {  	s2 =	sld [smem:$0x3FFD];
	_ =	sdelay $0x3  }
0x96: {  	_ =	strace s2  }
0x97: {  	_ =	strace $0x8FFFFFFF  }
0x98: {  	s19 =	sld [smem:$0x3FDB];
	_ =	sdelay $0x1  }
0x99: {  	s20 =	simm.s32 $_scs_section_size  }
0x9a: {  	s4 =	simm.s32 $_size__tile_overlayer_lowered;
	s5 =	simm.s32 $_tile_overlayer_lowered  }
0x9b: {  	s6 =	simm.s32 $0x1BFF;
	s21 =	sshll.u32 s5, $0x1;
	s3 =	sadd.s32 s20, s19  }
0x9c: {  	s22 =	simm.s32 $0x0;
	s4 =	sshll.u32 s4, $0x1;
	s5 =	sadd.s32 s21, s3  }
0x9d: {  	[timem:s22], [sflag:s6] =	dma.local [hbm:s5], s4  }
0x9e: {  	_ =	swait.ge [sflag:s6], s4  }
0x9f: {  	s4 =	ssub.s32 $0x0, s4;
	[sflag:s6] =	ssyncset.done $0x0  }
0xa0: {  	[sflag:s6] =	ssyncadd.s32 s4;
	_ =	sdelay $0x1  }
0xa1: {  	s23 =	simm.s32 $0x1B8B  }
0xa2: {  	_ =	swait.ge [sflag:s23], $0x1  }
0xa3: {  	[sflag:s23] =	ssyncset.done $0x0  }
0xa4: {  	[sflag:s23] =	ssyncadd.s32 $0xFFFFFFFF  }
0xa5: {  	s4 =	sld [smem:$0x0]  }
0xa6: {  	s5 =	sand.u32 $0xFFFFFFFE, s1  }
0xa7: {  	p0 =	sne.s32 s1, s5  }
0xa8: {  	s5 =	sshll.u32 @p0 s5, $0xE  }
0xa9: {  	s5 =	sadd.s32 @p0 $0x11B8D, s5;
	s6 =	sshll.u32 @p0 s4, $0x11  }
0xaa: {  	s5 =	sor.u32 @p0 s6, s5  }
0xab: {  	[sflag:s5] =	ssyncadd.remote.s32 @p0 $0x1;
	_ =	sdelay $0x1  }
0xac: {  	s5 =	simm.s32 @p0 $0x1B8D  }
0xad: {  	_ =	swait.eq @p0 [sflag:s5], $0x1  }
0xae: {  	[sflag:s5] =	ssyncadd.s32 @p0 $0xFFFFFFFF  }
0xaf: {  	s6 =	sshll.u32 @!p0 s1, $0xE  }
0xb0: {  	s6 =	sor.u32 @!p0 $0x4000, s6;
	s5 =	simm.s32 @!p0 $0x1B8D  }
0xb1: {  	s4 =	sshll.u32 @!p0 s4, $0x11;
	s6 =	sadd.s32 @!p0 $0x11B8D, s6;
	_ =	swait.eq @!p0 [sflag:s5], $0x1  }
0xb2: {  	s4 =	sor.u32 @!p0 s4, s6;
	[sflag:s5] =	ssyncadd.s32 @!p0 $0xFFFFFFFF  }
0xb3: {  	s25 =	simm.s32 $0x1B8E;
	s24 =	sld [smem:$0x3FFE];
	[sflag:s4] =	ssyncadd.remote.s32 @!p0 $0x1  }
0xb4: {  	s26 =	simm.s32 $execute0_lowered;
	[smem:$0x3FD2] =	sst s25  }
0xb5: {  	s5 =	sshll.u32 s26, $0x1;
	_ =	strace $0x8000004F;
	[dreg:$0x1] =	wrdreg $0xFFFFFFFF  }
0xb6: {  	s28 =	simm.s32 $_size_execute0_lowered;
	s3 =	sadd.s32 s3, s5;
	[dreg:$0x0] =	wrdreg $0x0  }
0xb7: {  	s5 =	sshll.u32 s28, $0x1;
	[dreg:$0x2] =	wrdreg s3  }
0xb8: {  	[dreg:$0x3] =	wrdreg s5  }
0xb9: {  	[dreg:$0x4] =	wrdreg $0xC0  }
0xba: {  	_ =	task [dreg:s22], $0x5FFFF  }
0xbb: {  	[dreg:$0x1] =	wrdreg $0xFFFFFFFF  }
0xbc: {  	[dreg:$0x0] =	wrdreg $0x60  }
0xbd: {  	[dreg:$0x2] =	wrdreg s24  }
0xbe: {  	[dreg:$0x3] =	wrdreg $0x9  }
0xbf: {  	_ =	task.clear_ibuf [dreg:s22], $0x4FFFF;
	_ =	strace $0x9000004F  }
0xc0: {  	s29 =	simm.s32 $0x9;
	_ =	strace $0x80000051  }
0xc1: {  	_ =	swait.ge [sflag:s29], $0x1  }
0xc2: {  	[sflag:s29] =	ssyncadd.s32 $0xFFFFFFFF  }
0xc3: {  	_ =	strace $0x90000051  }
0xc4: {  	_ =	sfence  }
0xc5: {  	s30 =	sld [smem:$0x0];
	_ =	sdelay $0x2  }
0xc6: {  	s31 =	sshll.u32 s1, $0xD;
	s1 =	sshrl.u32 s1, $0x2  }
0xc7: {  	s4 =	sand.u32 $0x4000, s31;
	s1 =	sadd.s32 s1, s30  }
0xc8: {  	s0 =	sor.u32 s4, s0;
	s1 =	sshll.u32 s1, $0x11  }
0xc9: {  	s0 =	sor.u32 s1, s0  }
0xca: {  	s0 =	sadd.s32 $0x8F2B, s0  }
0xcb: {  	[sflag:s0] =	ssyncadd.remote.s32 $0x1  }
0xcc: {  	_ =	sfence.sel $0xFFFF  }
0xcd: {  	[dreg:$0x0] =	wrdreg $0xFFFFFFFF;
	(pc) =	sbr.abs _section_cstart, $3  }
0xce: {  	[dreg:$0x1] =	wrdreg $0xFFFFFFFF  }
0xcf: {  	_ =	task.clear_ibuf [dreg:s22], $0x2FFFF;
	_ =	strace $0x9FFFFFFF  }
0xd0: {  	(tm) =	ssettm $0x7FFFFFFF  }
0xd1: {  	_ =	shalt  }
tec
execute0_lowered:
.L_overlay_start_1:
0x0: {  	(tag) =	ssettag $0x1  }
0x1: {  	s0 =	stileid.u32;
	s1 =	srdreg.scid  }
0x2: {  	s5 =	rddreg [dreg:$0x0];
	s17 =	simm.s32 $0x80;
	s18 =	simm.s32 $0x900  }
0x3: {  	s19 =	simm.s32 $0x1100;
	s4 =	sand.u32 $0x1, s1;
	s15 =	smul.u32 $0xC40, s0  }
0x4: {  	s21 =	simm.s32 $0x1900;
	s22 =	simm.s32 $0x2100;
	s2 =	smul.u32 $0x620, s4  }
0x5: {  	s23 =	simm.s32 $0x2900;
	s25 =	simm.s32 $0x3100;
	s26 =	simm.s32 $0x3900  }
0x6: {  	s30 =	simm.s32 $0x4100;
	s3 =	sadd.s32 s2, s15;
	s2 =	simm.s32 $0x0  }
0x7: {  	s31 =	simm.s32 $0x4900;
	s9 =	simm.s32 $0x5900;
	[smem:$0x7FF] =	sst s2  }
0x8: {  	s10 =	simm.s32 $0x6100;
	_ =	strace $0x80000050;
	[dreg:$0x4] =	wrdreg s17  }
0x9: {  	s11 =	simm.s32 $0x6900;
	s12 =	simm.s32 $0x7100;
	[dreg:$0x5] =	wrdreg s18  }
0xa: {  	s13 =	simm.s32 $0x7900;
	s14 =	simm.s32 $0x8100;
	[dreg:$0x6] =	wrdreg s19  }
0xb: {  	s28 =	simm.s32 $0x2;
	s29 =	simm.s32 $0x0;
	[dreg:$0x7] =	wrdreg s21  }
0xc: {  	s7 =	sadd.s32 $0xBA00, s5;
	s16 =	smul.u32 $0x18800, s0;
	[dreg:$0x8] =	wrdreg s22  }
0xd: {  	s20 =	ssub.s32 $0x2, s4;
	s24 =	smul.u32 $0xC400, s4;
	[dreg:$0x9] =	wrdreg s23  }
0xe: {  	s8 =	sshrl.u32 s20, $0x1;
	s15 =	simm.s32 $0x8900;
	[dreg:$0xa] =	wrdreg s25  }
0xf: {  	s6 =	sadd.s32 $0x70, s3;
	s3 =	sshrl.u32 s3, $0x3;
	[dreg:$0xb] =	wrdreg s26  }
0x10: {  	s6 =	sshrl.u32 s6, $0x3;
	s3 =	sadd.s32 s3, s7;
	[dreg:$0xc] =	wrdreg s30  }
0x11: {  	[dreg:$0xd] =	wrdreg s31;
	s17 =	simm.s32 $0x9900;
	s18 =	simm.s32 $0xA100  }
0x12: {  	s19 =	simm.s32 $0xA900;
	s21 =	simm.s32 $0xB900;
	s22 =	simm.s32 $0xC100  }
0x13: {  	s23 =	simm.s32 $0xC900;
	s25 =	simm.s32 $0xD900;
	s26 =	simm.s32 $0x1  }
0x14: {  	s6 =	sadd.s32 s6, s7;
	[dreg:$0x3] =	wrdreg s3;
	s3 =	sadd.s32 $0x6DE00, s5  }
0x15: {  	s5 =	sadd.s32 s16, s5;
	s7 =	ssub.s32 s20, s8;
	s8 =	simm.s32 $0x5100  }
0x16: {  	v2 =	vlaneseq.u32;
	s16 =	simm.s32 $0x9100;
	s20 =	simm.s32 $0xB100;
	[dreg:$0x2] =	wrdreg s6  }
0x17: {  	vm0 =	vmmov $0xffff;
	v1 =	vshrl.u32 v2, $0x3;
	s4 =	smax.u32 s7, $0x1;
	s5 =	sadd.s32 s24, s5;
	s6 =	simm.s32 $0x3  }
0x18: {  	v0 =	vand.u32 $0x7, v2;
	v2 =	vor.u32 $0x8, v2;
	v1 =	vmul.u32 $0x8, v1;
	s7 =	simm.s32 $0x100;
	s24 =	simm.s32 $0xD100;
	s5 =	sadd.s32 $0x227C00, s5  }
.LBB2_1:
0x19: {  	s30 =	smov.u32 s5;
	s31 =	simm.s32 $0x0  }
.LBB2_2:
0x1a: {  	s1 =	rddreg [dreg:$0x3]  }
0x1b: {  	s1 =	sadd.s32 s31, s1  }
0x1c: {  	[tilespmem:s2], [sflag:$0x3] =	stream.linear.gather [hbm4b:s1+s2], $0x70, $0x38;
	[tilespmem:$0xE100] =	vst v63  }
0x1d: {  	_ =	swait.ge [sflag:s6], $0x70  }
0x1e: {  	s1 =	rddreg [dreg:$0x2];
	[sflag:s6] =	ssyncset.done $0x0  }
0x1f: {  	s0 =	rddreg [dreg:$0x4];
	[sflag:s6] =	ssyncadd.s32 $0xFFFFFF90;
	s1 =	sadd.s32 s31, s1  }
0x20: {  	[tilespmem:s0], [sflag:$0x3] =	stream.linear.gather [hbm4b:s1+s2], $0x70, $0x38;
	[tilespmem:$0xE100] =	vst v63  }
0x21: {  	_ =	swait.ge [sflag:s6], $0x70  }
0x22: {  	[sflag:s6] =	ssyncset.done $0x0  }
0x23: {  	[sflag:s6] =	ssyncadd.s32 $0xFFFFFF90  }
0x24: {  	v3 =	vld [tilespmem:$0x0];
	_ =	sdelay $0x4  }
0x25: {  	v4 =	vshll.u32 v3, $0x1  }
0x26: {  	v3 =	vand.u32 $0x7, v3;
	v4 =	vand.u32 $0xFFFFFFF0, v4  }
0x27: {  	v3 =	vor.u32 v3, v4  }
0x28: {  	v4 =	vperm.xlane v3, v0;
	_ =	sdelay $0x1  }
0x29: {  	v3 =	vperm.xlane v3, v2;
	v4 =	vadd.s32 v1, v4;
	_ =	sdelay $0x1  }
0x2a: {  	v3 =	vadd.s32 v1, v3;
	_ =	sdelay $0x2  }
0x2b: {  	[tilespmem:s7], [sflag:$0x1] =	stream.indirect_vreg.gather [hbm4b:s3+s2], $0x80, v4, vm0, $0xb8;
	[tilespmem:$0xE100] =	vst v63  }
0x2c: {  	s1 =	rddreg [dreg:$0x5]  }
0x2d: {  	[tilespmem:s1], [sflag:$0x1] =	stream.indirect_vreg.gather [hbm4b:s3+s2], $0x80, v3, vm0, $0xb8;
	[tilespmem:$0xE100] =	vst v63  }
0x2e: {  	v3 =	vld [tilespmem:$0x10];
	_ =	sdelay $0x4  }
0x2f: {  	v51 =	vshll.u32 v3, $0x1  }
0x30: {  	v3 =	vand.u32 $0x7, v3;
	v4 =	vand.u32 $0xFFFFFFF0, v51  }
0x31: {  	v3 =	vor.u32 v3, v4  }
0x32: {  	v4 =	vperm.xlane v3, v0;
	_ =	sdelay $0x1  }
0x33: {  	v3 =	vperm.xlane v3, v2;
	v4 =	vadd.s32 v1, v4;
	_ =	sdelay $0x1  }
0x34: {  	v3 =	vadd.s32 v1, v3;
	_ =	sdelay $0x1  }
0x35: {  	s0 =	rddreg [dreg:$0x6]  }
0x36: {  	[tilespmem:s0], [sflag:$0x1] =	stream.indirect_vreg.gather [hbm4b:s3+s2], $0x80, v4, vm0, $0xb8;
	[tilespmem:$0xE100] =	vst v63  }
0x37: {  	s1 =	rddreg [dreg:$0x7]  }
0x38: {  	[tilespmem:s1], [sflag:$0x1] =	stream.indirect_vreg.gather [hbm4b:s3+s2], $0x80, v3, vm0, $0xb8;
	[tilespmem:$0xE100] =	vst v63  }
0x39: {  	v3 =	vld [tilespmem:$0x20];
	_ =	sdelay $0x4  }
0x3a: {  	v52 =	vshll.u32 v3, $0x1  }
0x3b: {  	v3 =	vand.u32 $0x7, v3;
	v4 =	vand.u32 $0xFFFFFFF0, v52  }
0x3c: {  	v3 =	vor.u32 v3, v4  }
0x3d: {  	v4 =	vperm.xlane v3, v0;
	_ =	sdelay $0x1  }
0x3e: {  	v3 =	vperm.xlane v3, v2;
	v4 =	vadd.s32 v1, v4;
	_ =	sdelay $0x1  }
0x3f: {  	v3 =	vadd.s32 v1, v3;
	_ =	sdelay $0x1  }
0x40: {  	s0 =	rddreg [dreg:$0x8]  }
0x41: {  	[tilespmem:s0], [sflag:$0x1] =	stream.indirect_vreg.gather [hbm4b:s3+s2], $0x80, v4, vm0, $0xb8;
	[tilespmem:$0xE100] =	vst v63  }
0x42: {  	s1 =	rddreg [dreg:$0x9]  }
0x43: {  	[tilespmem:s1], [sflag:$0x1] =	stream.indirect_vreg.gather [hbm4b:s3+s2], $0x80, v3, vm0, $0xb8;
	[tilespmem:$0xE100] =	vst v63  }
0x44: {  	v3 =	vld [tilespmem:$0x30];
	_ =	sdelay $0x4  }
0x45: {  	v53 =	vshll.u32 v3, $0x1  }
0x46: {  	v3 =	vand.u32 $0x7, v3;
	v4 =	vand.u32 $0xFFFFFFF0, v53  }
0x47: {  	v3 =	vor.u32 v3, v4  }
0x48: {  	v4 =	vperm.xlane v3, v0;
	_ =	sdelay $0x1  }
0x49: {  	v3 =	vperm.xlane v3, v2;
	v4 =	vadd.s32 v1, v4;
	_ =	sdelay $0x1  }
0x4a: {  	v3 =	vadd.s32 v1, v3;
	_ =	sdelay $0x1  }
0x4b: {  	s0 =	rddreg [dreg:$0xa]  }
0x4c: {  	[tilespmem:s0], [sflag:$0x1] =	stream.indirect_vreg.gather [hbm4b:s3+s2], $0x80, v4, vm0, $0xb8;
	[tilespmem:$0xE100] =	vst v63  }
0x4d: {  	s1 =	rddreg [dreg:$0xb]  }
0x4e: {  	[tilespmem:s1], [sflag:$0x1] =	stream.indirect_vreg.gather [hbm4b:s3+s2], $0x80, v3, vm0, $0xb8;
	[tilespmem:$0xE100] =	vst v63  }
0x4f: {  	v3 =	vld [tilespmem:$0x40];
	_ =	sdelay $0x4  }
0x50: {  	v54 =	vshll.u32 v3, $0x1  }
0x51: {  	v3 =	vand.u32 $0x7, v3;
	v4 =	vand.u32 $0xFFFFFFF0, v54  }
0x52: {  	v3 =	vor.u32 v3, v4  }
0x53: {  	v4 =	vperm.xlane v3, v0;
	_ =	sdelay $0x1  }
0x54: {  	v3 =	vperm.xlane v3, v2;
	v4 =	vadd.s32 v1, v4;
	_ =	sdelay $0x1  }
0x55: {  	v3 =	vadd.s32 v1, v3;
	_ =	sdelay $0x1  }
0x56: {  	s0 =	rddreg [dreg:$0xc]  }
0x57: {  	[tilespmem:s0], [sflag:$0x1] =	stream.indirect_vreg.gather [hbm4b:s3+s2], $0x80, v4, vm0, $0xb8;
	[tilespmem:$0xE100] =	vst v63  }
0x58: {  	s1 =	rddreg [dreg:$0xd]  }
0x59: {  	[tilespmem:s1], [sflag:$0x1] =	stream.indirect_vreg.gather [hbm4b:s3+s2], $0x80, v3, vm0, $0xb8;
	[tilespmem:$0xE100] =	vst v63  }
0x5a: {  	v3 =	vld [tilespmem:$0x50];
	_ =	sdelay $0x4  }
0x5b: {  	v55 =	vshll.u32 v3, $0x1  }
0x5c: {  	v3 =	vand.u32 $0x7, v3;
	v4 =	vand.u32 $0xFFFFFFF0, v55  }
0x5d: {  	v3 =	vor.u32 v3, v4  }
0x5e: {  	v4 =	vperm.xlane v3, v0;
	_ =	sdelay $0x1  }
0x5f: {  	v3 =	vperm.xlane v3, v2;
	v4 =	vadd.s32 v1, v4;
	_ =	sdelay $0x1  }
0x60: {  	v3 =	vadd.s32 v1, v3;
	_ =	sdelay $0x2  }
0x61: {  	[tilespmem:s8], [sflag:$0x1] =	stream.indirect_vreg.gather [hbm4b:s3+s2], $0x80, v4, vm0, $0xb8;
	[tilespmem:$0xE100] =	vst v63  }
0x62: {  	_ = 	snop  }
0x63: {  	[tilespmem:s9], [sflag:$0x1] =	stream.indirect_vreg.gather [hbm4b:s3+s2], $0x80, v3, vm0, $0xb8;
	[tilespmem:$0xE100] =	vst v63  }
0x64: {  	v3 =	vld [tilespmem:$0x60];
	_ =	sdelay $0x4  }
0x65: {  	v56 =	vshll.u32 v3, $0x1  }
0x66: {  	v3 =	vand.u32 $0x7, v3;
	v4 =	vand.u32 $0xFFFFFFF0, v56  }
0x67: {  	v3 =	vor.u32 v3, v4  }
0x68: {  	v4 =	vperm.xlane v3, v0;
	_ =	sdelay $0x1  }
0x69: {  	v3 =	vperm.xlane v3, v2;
	v4 =	vadd.s32 v1, v4;
	_ =	sdelay $0x1  }
0x6a: {  	v3 =	vadd.s32 v1, v3;
	_ =	sdelay $0x2  }
0x6b: {  	[tilespmem:s10], [sflag:$0x1] =	stream.indirect_vreg.gather [hbm4b:s3+s2], $0x80, v4, vm0, $0xb8;
	[tilespmem:$0xE100] =	vst v63  }
0x6c: {  	_ = 	snop  }
0x6d: {  	[tilespmem:s11], [sflag:$0x1] =	stream.indirect_vreg.gather [hbm4b:s3+s2], $0x80, v3, vm0, $0xb8;
	[tilespmem:$0xE100] =	vst v63  }
0x6e: {  	v3 =	vld [tilespmem:$0x80];
	_ =	sdelay $0x4  }
0x6f: {  	v57 =	vshll.u32 v3, $0x1  }
0x70: {  	v3 =	vand.u32 $0x7, v3;
	v4 =	vand.u32 $0xFFFFFFF0, v57  }
0x71: {  	v3 =	vor.u32 v3, v4  }
0x72: {  	v4 =	vperm.xlane v3, v0;
	_ =	sdelay $0x1  }
0x73: {  	v3 =	vperm.xlane v3, v2;
	v4 =	vadd.s32 v1, v4;
	_ =	sdelay $0x1  }
0x74: {  	v3 =	vadd.s32 v1, v3;
	_ =	sdelay $0x2  }
0x75: {  	[tilespmem:s12], [sflag:$0x2] =	stream.indirect_vreg.gather [hbm4b:s3+s2], $0x80, v4, vm0, $0xb8;
	[tilespmem:$0xE100] =	vst v63  }
0x76: {  	_ = 	snop  }
0x77: {  	[tilespmem:s13], [sflag:$0x2] =	stream.indirect_vreg.gather [hbm4b:s3+s2], $0x80, v3, vm0, $0xb8;
	[tilespmem:$0xE100] =	vst v63  }
0x78: {  	v3 =	vld [tilespmem:$0x90];
	_ =	sdelay $0x4  }
0x79: {  	v58 =	vshll.u32 v3, $0x1  }
0x7a: {  	v3 =	vand.u32 $0x7, v3;
	v4 =	vand.u32 $0xFFFFFFF0, v58  }
0x7b: {  	v3 =	vor.u32 v3, v4  }
0x7c: {  	v4 =	vperm.xlane v3, v0;
	_ =	sdelay $0x1  }
0x7d: {  	v3 =	vperm.xlane v3, v2;
	v4 =	vadd.s32 v1, v4;
	_ =	sdelay $0x1  }
0x7e: {  	v3 =	vadd.s32 v1, v3;
	_ =	sdelay $0x2  }
0x7f: {  	[tilespmem:s14], [sflag:$0x2] =	stream.indirect_vreg.gather [hbm4b:s3+s2], $0x80, v4, vm0, $0xb8;
	[tilespmem:$0xE100] =	vst v63  }
0x80: {  	_ = 	snop  }
0x81: {  	[tilespmem:s15], [sflag:$0x2] =	stream.indirect_vreg.gather [hbm4b:s3+s2], $0x80, v3, vm0, $0xb8;
	[tilespmem:$0xE100] =	vst v63  }
0x82: {  	v3 =	vld [tilespmem:$0xA0];
	_ =	sdelay $0x4  }
0x83: {  	v59 =	vshll.u32 v3, $0x1  }
0x84: {  	v3 =	vand.u32 $0x7, v3;
	v4 =	vand.u32 $0xFFFFFFF0, v59  }
0x85: {  	v3 =	vor.u32 v3, v4  }
0x86: {  	v4 =	vperm.xlane v3, v0;
	_ =	sdelay $0x1  }
0x87: {  	v3 =	vperm.xlane v3, v2;
	v4 =	vadd.s32 v1, v4;
	_ =	sdelay $0x1  }
0x88: {  	v3 =	vadd.s32 v1, v3;
	_ =	sdelay $0x2  }
0x89: {  	[tilespmem:s16], [sflag:$0x2] =	stream.indirect_vreg.gather [hbm4b:s3+s2], $0x80, v4, vm0, $0xb8;
	[tilespmem:$0xE100] =	vst v63  }
0x8a: {  	_ = 	snop  }
0x8b: {  	[tilespmem:s17], [sflag:$0x2] =	stream.indirect_vreg.gather [hbm4b:s3+s2], $0x80, v3, vm0, $0xb8;
	[tilespmem:$0xE100] =	vst v63  }
0x8c: {  	v3 =	vld [tilespmem:$0xB0];
	_ =	sdelay $0x4  }
0x8d: {  	v60 =	vshll.u32 v3, $0x1  }
0x8e: {  	v3 =	vand.u32 $0x7, v3;
	v4 =	vand.u32 $0xFFFFFFF0, v60  }
0x8f: {  	v3 =	vor.u32 v3, v4  }
0x90: {  	v4 =	vperm.xlane v3, v0;
	_ =	sdelay $0x1  }
0x91: {  	v3 =	vperm.xlane v3, v2;
	v4 =	vadd.s32 v1, v4;
	_ =	sdelay $0x1  }
0x92: {  	v3 =	vadd.s32 v1, v3;
	_ =	sdelay $0x2  }
0x93: {  	[tilespmem:s18], [sflag:$0x2] =	stream.indirect_vreg.gather [hbm4b:s3+s2], $0x80, v4, vm0, $0xb8;
	[tilespmem:$0xE100] =	vst v63  }
0x94: {  	_ = 	snop  }
0x95: {  	[tilespmem:s19], [sflag:$0x2] =	stream.indirect_vreg.gather [hbm4b:s3+s2], $0x80, v3, vm0, $0xb8;
	[tilespmem:$0xE100] =	vst v63  }
0x96: {  	v3 =	vld [tilespmem:$0xC0];
	_ =	sdelay $0x4  }
0x97: {  	v61 =	vshll.u32 v3, $0x1  }
0x98: {  	v3 =	vand.u32 $0x7, v3;
	v4 =	vand.u32 $0xFFFFFFF0, v61  }
0x99: {  	v3 =	vor.u32 v3, v4  }
0x9a: {  	v4 =	vperm.xlane v3, v0;
	_ =	sdelay $0x1  }
0x9b: {  	v3 =	vperm.xlane v3, v2;
	v4 =	vadd.s32 v1, v4;
	_ =	sdelay $0x1  }
0x9c: {  	v3 =	vadd.s32 v1, v3;
	_ =	sdelay $0x2  }
0x9d: {  	[tilespmem:s20], [sflag:$0x2] =	stream.indirect_vreg.gather [hbm4b:s3+s2], $0x80, v4, vm0, $0xb8;
	[tilespmem:$0xE100] =	vst v63  }
0x9e: {  	_ = 	snop  }
0x9f: {  	[tilespmem:s21], [sflag:$0x2] =	stream.indirect_vreg.gather [hbm4b:s3+s2], $0x80, v3, vm0, $0xb8;
	[tilespmem:$0xE100] =	vst v63  }
0xa0: {  	v3 =	vld [tilespmem:$0xD0];
	_ =	sdelay $0x4  }
0xa1: {  	v62 =	vshll.u32 v3, $0x1  }
0xa2: {  	v3 =	vand.u32 $0x7, v3;
	v4 =	vand.u32 $0xFFFFFFF0, v62  }
0xa3: {  	v3 =	vor.u32 v3, v4  }
0xa4: {  	v4 =	vperm.xlane v3, v0;
	_ =	sdelay $0x1  }
0xa5: {  	v3 =	vperm.xlane v3, v2;
	v4 =	vadd.s32 v1, v4;
	_ =	sdelay $0x1  }
0xa6: {  	v3 =	vadd.s32 v1, v3;
	_ =	sdelay $0x2  }
0xa7: {  	[tilespmem:s22], [sflag:$0x2] =	stream.indirect_vreg.gather [hbm4b:s3+s2], $0x80, v4, vm0, $0xb8;
	[tilespmem:$0xE100] =	vst v63  }
0xa8: {  	_ = 	snop  }
0xa9: {  	[tilespmem:s23], [sflag:$0x2] =	stream.indirect_vreg.gather [hbm4b:s3+s2], $0x80, v3, vm0, $0xb8;
	[tilespmem:$0xE100] =	vst v63  }
0xaa: {  	v3 =	vld [tilespmem:$0xE0];
	_ =	sdelay $0x4  }
0xab: {  	v63 =	vshll.u32 v3, $0x1  }
0xac: {  	v3 =	vand.u32 $0x7, v3;
	v4 =	vand.u32 $0xFFFFFFF0, v63  }
0xad: {  	v3 =	vor.u32 v3, v4  }
0xae: {  	v4 =	vperm.xlane v3, v0;
	_ =	sdelay $0x1  }
0xaf: {  	v3 =	vperm.xlane v3, v2;
	v4 =	vadd.s32 v1, v4;
	_ =	sdelay $0x1  }
0xb0: {  	v3 =	vadd.s32 v1, v3;
	_ =	sdelay $0x2  }
0xb1: {  	[tilespmem:s24], [sflag:$0x2] =	stream.indirect_vreg.gather [hbm4b:s3+s2], $0x80, v4, vm0, $0xb8;
	[tilespmem:$0xE100] =	vst v63  }
0xb2: {  	_ = 	snop  }
0xb3: {  	[tilespmem:s25], [sflag:$0x2] =	stream.indirect_vreg.gather [hbm4b:s3+s2], $0x80, v3, vm0, $0xb8;
	[tilespmem:$0xE100] =	vst v63  }
0xb4: {  	_ =	swait.ge [sflag:s26], $0x7000  }
0xb5: {  	[sflag:s26] =	ssyncset.done $0x0  }
0xb6: {  	s1 =	sadd.s32 $0xFFFFF200, s30;
	[sflag:s26] =	ssyncadd.s32 $0xFFFF9000  }
0xb7: {  	[hbm4b:s1+s2] =	stream.linear.scatter [tilespmem:s7], [sflag:$0x3], $0x7000, $0x38;
	[tilespmem:$0xE100] =	vst v63  }
0xb8: {  	_ =	swait.ge [sflag:s6], $0x7000  }
0xb9: {  	[sflag:s6] =	ssyncset.done $0x0  }
0xba: {  	[sflag:s6] =	ssyncadd.s32 $0xFFFF9000  }
0xbb: {  	_ =	swait.ge [sflag:s28], $0x7000  }
0xbc: {  	p0 =	sne.s32 s31, $0xA8;
	[sflag:s28] =	ssyncset.done $0x0  }
.Ltmp0:
0xbd: {  	[sflag:s28] =	ssyncadd.s32 $0xFFFF9000;
	(pc) =	sbr.rel @p0 .LBB2_2-.Ltmp0, $4  }
0xbe: {  	[hbm4b:s30+s2] =	stream.linear.scatter [tilespmem:s12], [sflag:$0x3], $0x7000, $0x38;
	[tilespmem:$0xE100] =	vst v63  }
0xbf: {  	_ =	swait.ge [sflag:s6], $0x7000  }
0xc0: {  	[sflag:s6] =	ssyncset.done $0x0  }
0xc1: {  	s31 =	sadd.s32 $0x1C, s31;
	s30 =	sadd.s32 $0x1C00, s30;
	[sflag:s6] =	ssyncadd.s32 $0xFFFF9000  }
0xc2: {  	s29 =	sadd.s32 $0x1, s29  }
0xc3: {  	p0 =	sne.s32 s29, s4  }
.Ltmp1:
0xc4: {  	_ = 	snop;
	(pc) =	sbr.rel @p0 .LBB2_1-.Ltmp1, $1  }
0xc5: {  	_ =	sdelay $0x3  }
0xc6: {  	_ =	sfence.sel $0x180000  }
0xc7: {  	[bflag:$0x0] =	sbarrier.arrive $0xFFFF  }
0xc8: {  	_ =	strace $0x90000050  }
0xc9: {  	s0 =	stileid.u32;
	[bflag:$0x2] =	sbarrier.arrive $0xFFFF  }
0xca: {  	p0 =	sne.s32 s0, $0x0;
	s0 =	rddreg [dreg:$0x1]  }
0xcb: {  	s0 =	sadd.s32 @!p0 $0x100000, s0  }
0xcc: {  	[sflag:s0] =	ssyncadd.tile.s32 @!p0 $0x1;
	_ =	shalt  }
.Lfunc_end2:
_tile_overlayer_lowered:
.L_overlay_start_2:
0xcd: {  	(tag) =	ssettag $0x2  }
0xce: {  	s0 =	rddreg [dreg:$0x0];
	s2 =	stileid.u32  }
0xcf: {  	s1 =	rddreg [dreg:$0x1];
	p0 =	sne.s32 s2, $0x0  }
0xd0: {  	s3 =	rddreg [dreg:$0x2];
	[bflag:$0x3] =	sbarrier.arrive $0xFFFF;
	s2 =	simm.s32 @!p0 $0x1C03  }
0xd1: {  	[timem:s3], [sflag:s2] =	dma.local @!p0 [hbm:s0], s1  }
0xd2: {  	s0 =	simm.s32 @!p0 $0x3  }
0xd3: {  	_ =	swait.ge @!p0 [sflag:s0], s1  }
0xd4: {  	s1 =	ssub.s32 @!p0 $0x0, s1;
	[sflag:s0] =	ssyncset.done @!p0 $0x0  }
0xd5: {  	[sflag:s0] =	ssyncadd.s32 @!p0 s1  }
0xd6: {  	[bflag:$0x3] =	sbarrier.arrive $0xFFFF  }
0xd7: {  	_ =	shalt  }

// kernel: kernel.27.cloned.1.call-start
scs
__scs_entry_jumppad:
0x0: {  	(pc) =	sbr.rel $0x88, $3  }
0x1: {  	(tag) =	ssettag $0x0;
	lr =	simm.s32 $0x1  }
0x2: {  	[smem:$0x3F8C] =	sst lr;
	_ =	strace $0xD0000000  }
0x3: {  	_ = 	snop  }
0x4: {  	_ = 	snop  }
0x5: {  	_ = 	snop  }
0x6: {  	_ = 	snop  }
0x7: {  	_ = 	snop  }
__scs_overlays_trampoline_lowered:
0x8: {  	[smem:$0x3F9B] =	sst s0  }
0x9: {  	[smem:$0x3F9C] =	sst s1  }
0xa: {  	[smem:$0x3F9D] =	sst s2  }
0xb: {  	[smem:$0x3F9E] =	sst s3  }
0xc: {  	[smem:$0x3F9F] =	sst s4  }
0xd: {  	[smem:$0x3FA0] =	sst s5  }
0xe: {  	[smem:$0x3FA1] =	sst s6  }
0xf: {  	[smem:$0x3FA2] =	sst s7  }
0x10: {  	[smem:$0x3FA3] =	sst s8  }
0x11: {  	[smem:$0x3FA4] =	sst s9;
	s0 =	simm.s32 @!p0 $0x0  }
0x12: {  	s1 =	sld [smem:$0x3F8A];
	s0 =	simm.s32 @p0 $0x1  }
0x13: {  	[smem:$0x3FA5] =	sst s0;
	s0 =	simm.s32 @!p1 $0x0  }
0x14: {  	s2 =	sld [smem:$0x3F89];
	s0 =	simm.s32 @p1 $0x1  }
0x15: {  	[smem:$0x3FA6] =	sst s0;
	s0 =	simm.s32 @!p2 $0x0  }
0x16: {  	s3 =	sld [smem:$0x3FDB];
	s0 =	simm.s32 @p2 $0x1  }
0x17: {  	s4 =	simm.s32 $0x1BF5;
	[smem:$0x3FA8] =	sst s0  }
0x18: {  	s0 =	sld [smem:$0x3F8B];
	_ =	swait.ge [sflag:s4], $0x0  }
0x19: {  	s7 =	sld [smem:$0x3F8C]  }
0x1a: {  	s8 =	sadd.s32 $0xFFFFE003, lr  }
0x1b: {  	s9 =	sadd.s32 $0xFFFFFEF7, lr;
	s5 =	simm.s32 $0xFFFFFFFF;
	p2 =	slt.u32 s8, $0xFFFFF086  }
0x1c: {  	p1 =	slt.u32 s9, $0xF7A;
	s5 =	simm.s32 @!p2 $0x0  }
0x1d: {  	s5 =	simm.s32 @p1 $0x1;
	p0 =	seq.s32 s7, s2  }
0x1e: {  	s7 =	smul.u32 @!p0 $0xF7A, s2;
	p2 =	seq.s32 @!p0 s5, $0x0  }
0x1f: {  	s9 =	smul.u32 $0xF7A, s1;
	s8 =	simm.s32 @!p0 $0x1BF5;
	p2 =	por !p2, p0  }
0x20: {  	[sflag:s8] =	ssyncset.s32 @!p0 $0xFFFFF086;
	s6 =	sadd.s32 @!p0 s3, s7;
	s7 =	simm.s32 @!p0 $0x108  }
0x21: {  	s3 =	sadd.s32 s3, s9;
	s6 =	sadd.s32 @!p0 $0x88, s6;
	s7 =	simm.s32 @p2 $0x1082  }
0x22: {  	[simem:s7], [sflag:s8] =	dma.local @!p0 [hbm:s6], $0xF7A  }
0x23: {  	s9 =	sor.u32 $0xD0000000, s2;
	s6 =	simm.s32 $0x108;
	_ =	swait.ge @!p0 [sflag:s8], $0x0  }
0x24: {  	s3 =	sadd.s32 $0x88, s3;
	s6 =	simm.s32 @!p1 $0x1082;
	[sflag:s4] =	ssyncset.s32 $0xFFFFF086  }
0x25: {  	[simem:s6], [sflag:s4] =	dma.local [hbm:s3], $0xF7A  }
0x26: {  	[smem:$0x3F8C] =	sst s1;
	(tag) =	ssettag s2;
	_ =	strace s9  }
0x27: {  	s1 =	sld [smem:$0x3F9C]  }
0x28: {  	s2 =	sld [smem:$0x3F9D]  }
0x29: {  	s4 =	sld [smem:$0x3F9F]  }
0x2a: {  	p0 =	seq.s32 s5, $0x0;
	s5 =	sld [smem:$0x3FA0]  }
0x2b: {  	s6 =	sld [smem:$0x3FA1]  }
0x2c: {  	s7 =	sld [smem:$0x3FA2]  }
0x2d: {  	s3 =	simm.s32 $0x108;
	s8 =	sld [smem:$0x3FA3]  }
0x2e: {  	s3 =	simm.s32 @!p0 $0x1082;
	s9 =	sld [smem:$0x3FA4]  }
0x2f: {  	lr =	sadd.s32 s0, s3;
	s0 =	sld [smem:$0x3F9B]  }
0x30: {  	s3 =	sld [smem:$0x3F9E]  }
0x31: {  	[smem:$0x3FA7] =	sst s10  }
0x32: {  	s10 =	sld [smem:$0x3FA5];
	_ =	sdelay $0x3  }
0x33: {  	p0 =	seq.s32 s10, $0x1;
	s10 =	sld [smem:$0x3FA7];
	_ =	sdelay $0x3  }
0x34: {  	[smem:$0x3FA7] =	sst s10  }
0x35: {  	s10 =	sld [smem:$0x3FA6];
	_ =	sdelay $0x3  }
0x36: {  	p1 =	seq.s32 s10, $0x1;
	s10 =	sld [smem:$0x3FA7];
	_ =	sdelay $0x3  }
0x37: {  	[smem:$0x3FA7] =	sst s10  }
0x38: {  	s10 =	sld [smem:$0x3FA8]  }
0x39: {  	_ = 	snop;
	(pc) =	sbr.ind lr, $3  }
0x3a: {  	_ = 	snop  }
0x3b: {  	_ = 	snop  }
0x3c: {  	p2 =	seq.s32 s10, $0x1;
	s10 =	sld [smem:$0x3FA7]  }
0x3d: {  	_ =	shalt  }
0x3e: {  	_ =	shalt  }
0x3f: {  	_ =	shalt  }
0x40: {  	_ =	shalt  }
0x41: {  	_ =	shalt  }
0x42: {  	_ =	shalt  }
0x43: {  	_ =	shalt  }
0x44: {  	_ =	shalt  }
0x45: {  	_ =	shalt  }
0x46: {  	_ =	shalt  }
0x47: {  	_ =	shalt  }
0x48: {  	_ =	shalt  }
0x49: {  	_ =	shalt  }
0x4a: {  	_ =	shalt  }
0x4b: {  	_ =	shalt  }
0x4c: {  	_ =	shalt  }
0x4d: {  	_ =	shalt  }
0x4e: {  	_ =	shalt  }
0x4f: {  	_ =	shalt  }
0x50: {  	_ =	shalt  }
0x51: {  	_ =	shalt  }
0x52: {  	_ =	shalt  }
0x53: {  	_ =	shalt  }
0x54: {  	_ =	shalt  }
0x55: {  	_ =	shalt  }
0x56: {  	_ =	shalt  }
0x57: {  	_ =	shalt  }
0x58: {  	_ =	shalt  }
0x59: {  	_ =	shalt  }
0x5a: {  	_ =	shalt  }
0x5b: {  	_ =	shalt  }
0x5c: {  	_ =	shalt  }
0x5d: {  	_ =	shalt  }
0x5e: {  	_ =	shalt  }
0x5f: {  	_ =	shalt  }
0x60: {  	_ =	shalt  }
0x61: {  	_ =	shalt  }
0x62: {  	_ =	shalt  }
0x63: {  	_ =	shalt  }
0x64: {  	_ =	shalt  }
0x65: {  	_ =	shalt  }
0x66: {  	_ =	shalt  }
0x67: {  	_ =	shalt  }
0x68: {  	_ =	shalt  }
0x69: {  	_ =	shalt  }
0x6a: {  	_ =	shalt  }
0x6b: {  	_ =	shalt  }
0x6c: {  	_ =	shalt  }
0x6d: {  	_ =	shalt  }
0x6e: {  	_ =	shalt  }
0x6f: {  	_ =	shalt  }
0x70: {  	_ =	shalt  }
0x71: {  	_ =	shalt  }
0x72: {  	_ =	shalt  }
0x73: {  	_ =	shalt  }
0x74: {  	_ =	shalt  }
0x75: {  	_ =	shalt  }
0x76: {  	_ =	shalt  }
0x77: {  	_ =	shalt  }
0x78: {  	_ =	shalt  }
0x79: {  	_ =	shalt  }
0x7a: {  	_ =	shalt  }
0x7b: {  	_ =	shalt  }
0x7c: {  	_ =	shalt  }
0x7d: {  	_ =	shalt  }
0x7e: {  	_ =	shalt  }
0x7f: {  	_ =	shalt  }
0x80: {  	_ =	shalt  }
0x81: {  	_ =	shalt  }
0x82: {  	_ =	shalt  }
0x83: {  	_ =	shalt  }
0x84: {  	_ =	shalt  }
0x85: {  	_ =	shalt  }
0x86: {  	_ =	shalt  }
0x87: {  	_ =	shalt  }
.Lfunc_end0:
.L_simem_size_0:
called_computation.3_lowered:
.L_overlay_start_0:
0x88: {  	s2 =	sld [smem:$0x3FD9]  }
0x89: {  	s3 =	sld [smem:$0x3FFE];
	_ =	sdelay $0x1  }
0x8a: {  	s1 =	srdreg.scid  }
0x8b: {  	s0 =	sand.u32 $0x1, s1  }
0x8c: {  	s16 =	sshll.u32 s0, $0xA;
	s2 =	sadd.s32 s3, s2  }
0x8d: {  	s2 =	sadd.s32 s2, s16  }
0x8e: {  	[smem:$0x3FB3] =	sst s2  }
0x8f: {  	_ = 	snop  }
0x90: {  	(tm) =	ssettm $0x1  }
0x91: {  	s17 =	sld [smem:$0x3FFB];
	_ =	sdelay $0x3  }
0x92: {  	_ =	strace s17  }
0x93: {  	s2 =	sld [smem:$0x3FFC];
	_ =	sdelay $0x3  }
0x94: {  	_ =	strace s2  }
0x95: {  	s2 =	sld [smem:$0x3FFD];
	_ =	sdelay $0x3  }
0x96: {  	_ =	strace s2  }
0x97: {  	_ =	strace $0x8FFFFFFF  }
0x98: {  	s18 =	sld [smem:$0x3FDB];
	_ =	sdelay $0x1  }
0x99: {  	s19 =	simm.s32 $_scs_section_size  }
0x9a: {  	s4 =	simm.s32 $_size__tile_overlayer_lowered;
	s5 =	simm.s32 $_tile_overlayer_lowered  }
0x9b: {  	s22 =	simm.s32 $0x1BFF;
	s21 =	sshll.u32 s5, $0x1;
	s2 =	sadd.s32 s19, s18  }
0x9c: {  	s6 =	simm.s32 $0x0;
	s20 =	sshll.u32 s4, $0x1;
	s4 =	sadd.s32 s21, s2  }
0x9d: {  	[timem:s6], [sflag:s22] =	dma.local [hbm:s4], s20  }
0x9e: {  	_ =	swait.ge [sflag:s22], s20  }
0x9f: {  	s3 =	ssub.s32 $0x0, s20;
	[sflag:s22] =	ssyncset.done $0x0  }
0xa0: {  	[sflag:s22] =	ssyncadd.s32 s3;
	_ =	sdelay $0x1  }
0xa1: {  	s23 =	simm.s32 $0x1B8B  }
0xa2: {  	_ =	swait.ge [sflag:s23], $0x1  }
0xa3: {  	[sflag:s23] =	ssyncset.done $0x0  }
0xa4: {  	s25 =	simm.s32 $0x1B8E;
	s24 =	sld [smem:$0x3FFE];
	[sflag:s23] =	ssyncadd.s32 $0xFFFFFFFF  }
0xa5: {  	s26 =	simm.s32 $execute0_lowered;
	[smem:$0x3FD2] =	sst s25  }
0xa6: {  	s4 =	sshll.u32 s26, $0x1;
	_ =	strace $0x8000004C;
	[dreg:$0x1] =	wrdreg $0xFFFFFFFF  }
0xa7: {  	s28 =	simm.s32 $_size_execute0_lowered;
	s2 =	sadd.s32 s2, s4;
	[dreg:$0x0] =	wrdreg $0x0  }
0xa8: {  	s4 =	sshll.u32 s28, $0x1;
	[dreg:$0x2] =	wrdreg s2  }
0xa9: {  	[dreg:$0x3] =	wrdreg s4  }
0xaa: {  	[dreg:$0x4] =	wrdreg $0xC0  }
0xab: {  	_ =	task [dreg:s6], $0x5FFFF  }
0xac: {  	[dreg:$0x1] =	wrdreg $0xFFFFFFFF  }
0xad: {  	[dreg:$0x0] =	wrdreg $0x60  }
0xae: {  	[dreg:$0x2] =	wrdreg s24  }
0xaf: {  	[dreg:$0x3] =	wrdreg $0xA  }
0xb0: {  	_ =	task.clear_ibuf [dreg:s6], $0x4FFFF;
	_ =	strace $0x9000004C  }
0xb1: {  	s29 =	simm.s32 $0xA;
	_ =	strace $0x8000004E  }
0xb2: {  	_ =	swait.ge [sflag:s29], $0x1  }
0xb3: {  	[sflag:s29] =	ssyncadd.s32 $0xFFFFFFFF  }
0xb4: {  	_ =	strace $0x9000004E  }
0xb5: {  	_ =	sfence  }
0xb6: {  	s30 =	sld [smem:$0x0];
	_ =	sdelay $0x2  }
0xb7: {  	s31 =	sshll.u32 s1, $0xD;
	s1 =	sshrl.u32 s1, $0x2  }
0xb8: {  	s3 =	sand.u32 $0x4000, s31;
	s1 =	sadd.s32 s1, s30  }
0xb9: {  	s0 =	sor.u32 s3, s0;
	s1 =	sshll.u32 s1, $0x11  }
0xba: {  	s0 =	sor.u32 s1, s0  }
0xbb: {  	s0 =	sadd.s32 $0x8F2B, s0  }
0xbc: {  	[sflag:s0] =	ssyncadd.remote.s32 $0x1  }
0xbd: {  	_ =	sfence.sel $0xFFFF  }
0xbe: {  	[dreg:$0x0] =	wrdreg $0xFFFFFFFF;
	(pc) =	sbr.abs _section_cstart, $3  }
0xbf: {  	[dreg:$0x1] =	wrdreg $0xFFFFFFFF  }
0xc0: {  	_ =	task.clear_ibuf [dreg:s6], $0x2FFFF;
	_ =	strace $0x9FFFFFFF  }
0xc1: {  	(tm) =	ssettm $0x7FFFFFFF  }
tec
execute0_lowered:
.L_overlay_start_1:
0x0: {  	(tag) =	ssettag $0x1  }
0x1: {  	s0 =	stileid.u32;
	s1 =	srdreg.scid  }
0x2: {  	s5 =	rddreg [dreg:$0x0];
	s17 =	simm.s32 $0x80;
	s18 =	simm.s32 $0x900  }
0x3: {  	s19 =	simm.s32 $0x1100;
	s4 =	sand.u32 $0x1, s1;
	s15 =	smul.u32 $0xC40, s0  }
0x4: {  	s21 =	simm.s32 $0x1900;
	s22 =	simm.s32 $0x2100;
	s2 =	smul.u32 $0x620, s4  }
0x5: {  	s23 =	simm.s32 $0x2900;
	s25 =	simm.s32 $0x3100;
	s26 =	simm.s32 $0x3900  }
0x6: {  	s30 =	simm.s32 $0x4100;
	s3 =	sadd.s32 s2, s15;
	s2 =	simm.s32 $0x0  }
0x7: {  	s31 =	simm.s32 $0x4900;
	s9 =	simm.s32 $0x5900;
	[smem:$0x7FF] =	sst s2  }
0x8: {  	s10 =	simm.s32 $0x6100;
	_ =	strace $0x8000004D;
	[dreg:$0x4] =	wrdreg s17  }
0x9: {  	s11 =	simm.s32 $0x6900;
	s12 =	simm.s32 $0x7100;
	[dreg:$0x5] =	wrdreg s18  }
0xa: {  	s13 =	simm.s32 $0x7900;
	s14 =	simm.s32 $0x8100;
	[dreg:$0x6] =	wrdreg s19  }
0xb: {  	s28 =	simm.s32 $0x2;
	s29 =	simm.s32 $0x0;
	[dreg:$0x7] =	wrdreg s21  }
0xc: {  	s7 =	sadd.s32 $0xA000, s5;
	s16 =	smul.u32 $0x18800, s0;
	[dreg:$0x8] =	wrdreg s22  }
0xd: {  	s20 =	ssub.s32 $0x2, s4;
	s24 =	smul.u32 $0xC400, s4;
	[dreg:$0x9] =	wrdreg s23  }
0xe: {  	s8 =	sshrl.u32 s20, $0x1;
	s15 =	simm.s32 $0x8900;
	[dreg:$0xa] =	wrdreg s25  }
0xf: {  	s6 =	sadd.s32 $0x70, s3;
	s3 =	sshrl.u32 s3, $0x3;
	[dreg:$0xb] =	wrdreg s26  }
0x10: {  	s6 =	sshrl.u32 s6, $0x3;
	s3 =	sadd.s32 s3, s7;
	[dreg:$0xc] =	wrdreg s30  }
0x11: {  	[dreg:$0xd] =	wrdreg s31;
	s17 =	simm.s32 $0x9900;
	s18 =	simm.s32 $0xA100  }
0x12: {  	s19 =	simm.s32 $0xA900;
	s21 =	simm.s32 $0xB900;
	s22 =	simm.s32 $0xC100  }
0x13: {  	s23 =	simm.s32 $0xC900;
	s25 =	simm.s32 $0xD900;
	s26 =	simm.s32 $0x1  }
0x14: {  	s6 =	sadd.s32 s6, s7;
	[dreg:$0x3] =	wrdreg s3;
	s3 =	sadd.s32 $0x3CE00, s5  }
0x15: {  	s5 =	sadd.s32 s16, s5;
	s7 =	ssub.s32 s20, s8;
	s8 =	simm.s32 $0x5100  }
0x16: {  	v2 =	vlaneseq.u32;
	s16 =	simm.s32 $0x9100;
	s20 =	simm.s32 $0xB100;
	[dreg:$0x2] =	wrdreg s6  }
0x17: {  	vm0 =	vmmov $0xffff;
	v1 =	vshrl.u32 v2, $0x3;
	s4 =	smax.u32 s7, $0x1;
	s5 =	sadd.s32 s24, s5;
	s6 =	simm.s32 $0x3  }
0x18: {  	v0 =	vand.u32 $0x7, v2;
	v2 =	vor.u32 $0x8, v2;
	v1 =	vmul.u32 $0x8, v1;
	s7 =	simm.s32 $0x100;
	s24 =	simm.s32 $0xD100;
	s5 =	sadd.s32 $0x9FC00, s5  }
.LBB2_1:
0x19: {  	s30 =	smov.u32 s5;
	s31 =	simm.s32 $0x0  }
.LBB2_2:
0x1a: {  	s1 =	rddreg [dreg:$0x3]  }
0x1b: {  	s1 =	sadd.s32 s31, s1  }
0x1c: {  	[tilespmem:s2], [sflag:$0x3] =	stream.linear.gather [hbm4b:s1+s2], $0x70, $0x38;
	[tilespmem:$0xE100] =	vst v63  }
0x1d: {  	_ =	swait.ge [sflag:s6], $0x70  }
0x1e: {  	s1 =	rddreg [dreg:$0x2];
	[sflag:s6] =	ssyncset.done $0x0  }
0x1f: {  	s0 =	rddreg [dreg:$0x4];
	[sflag:s6] =	ssyncadd.s32 $0xFFFFFF90;
	s1 =	sadd.s32 s31, s1  }
0x20: {  	[tilespmem:s0], [sflag:$0x3] =	stream.linear.gather [hbm4b:s1+s2], $0x70, $0x38;
	[tilespmem:$0xE100] =	vst v63  }
0x21: {  	_ =	swait.ge [sflag:s6], $0x70  }
0x22: {  	[sflag:s6] =	ssyncset.done $0x0  }
0x23: {  	[sflag:s6] =	ssyncadd.s32 $0xFFFFFF90  }
0x24: {  	v3 =	vld [tilespmem:$0x0];
	_ =	sdelay $0x4  }
0x25: {  	v4 =	vshll.u32 v3, $0x1  }
0x26: {  	v3 =	vand.u32 $0x7, v3;
	v4 =	vand.u32 $0xFFFFFFF0, v4  }
0x27: {  	v3 =	vor.u32 v3, v4  }
0x28: {  	v4 =	vperm.xlane v3, v0;
	_ =	sdelay $0x1  }
0x29: {  	v3 =	vperm.xlane v3, v2;
	v4 =	vadd.s32 v1, v4;
	_ =	sdelay $0x1  }
0x2a: {  	v3 =	vadd.s32 v1, v3;
	_ =	sdelay $0x2  }
0x2b: {  	[tilespmem:s7], [sflag:$0x1] =	stream.indirect_vreg.gather [hbm4b:s3+s2], $0x80, v4, vm0, $0xb8;
	[tilespmem:$0xE100] =	vst v63  }
0x2c: {  	s1 =	rddreg [dreg:$0x5]  }
0x2d: {  	[tilespmem:s1], [sflag:$0x1] =	stream.indirect_vreg.gather [hbm4b:s3+s2], $0x80, v3, vm0, $0xb8;
	[tilespmem:$0xE100] =	vst v63  }
0x2e: {  	v3 =	vld [tilespmem:$0x10];
	_ =	sdelay $0x4  }
0x2f: {  	v51 =	vshll.u32 v3, $0x1  }
0x30: {  	v3 =	vand.u32 $0x7, v3;
	v4 =	vand.u32 $0xFFFFFFF0, v51  }
0x31: {  	v3 =	vor.u32 v3, v4  }
0x32: {  	v4 =	vperm.xlane v3, v0;
	_ =	sdelay $0x1  }
0x33: {  	v3 =	vperm.xlane v3, v2;
	v4 =	vadd.s32 v1, v4;
	_ =	sdelay $0x1  }
0x34: {  	v3 =	vadd.s32 v1, v3;
	_ =	sdelay $0x1  }
0x35: {  	s0 =	rddreg [dreg:$0x6]  }
0x36: {  	[tilespmem:s0], [sflag:$0x1] =	stream.indirect_vreg.gather [hbm4b:s3+s2], $0x80, v4, vm0, $0xb8;
	[tilespmem:$0xE100] =	vst v63  }
0x37: {  	s1 =	rddreg [dreg:$0x7]  }
0x38: {  	[tilespmem:s1], [sflag:$0x1] =	stream.indirect_vreg.gather [hbm4b:s3+s2], $0x80, v3, vm0, $0xb8;
	[tilespmem:$0xE100] =	vst v63  }
0x39: {  	v3 =	vld [tilespmem:$0x20];
	_ =	sdelay $0x4  }
0x3a: {  	v52 =	vshll.u32 v3, $0x1  }
0x3b: {  	v3 =	vand.u32 $0x7, v3;
	v4 =	vand.u32 $0xFFFFFFF0, v52  }
0x3c: {  	v3 =	vor.u32 v3, v4  }
0x3d: {  	v4 =	vperm.xlane v3, v0;
	_ =	sdelay $0x1  }
0x3e: {  	v3 =	vperm.xlane v3, v2;
	v4 =	vadd.s32 v1, v4;
	_ =	sdelay $0x1  }
0x3f: {  	v3 =	vadd.s32 v1, v3;
	_ =	sdelay $0x1  }
0x40: {  	s0 =	rddreg [dreg:$0x8]  }
0x41: {  	[tilespmem:s0], [sflag:$0x1] =	stream.indirect_vreg.gather [hbm4b:s3+s2], $0x80, v4, vm0, $0xb8;
	[tilespmem:$0xE100] =	vst v63  }
0x42: {  	s1 =	rddreg [dreg:$0x9]  }
0x43: {  	[tilespmem:s1], [sflag:$0x1] =	stream.indirect_vreg.gather [hbm4b:s3+s2], $0x80, v3, vm0, $0xb8;
	[tilespmem:$0xE100] =	vst v63  }
0x44: {  	v3 =	vld [tilespmem:$0x30];
	_ =	sdelay $0x4  }
0x45: {  	v53 =	vshll.u32 v3, $0x1  }
0x46: {  	v3 =	vand.u32 $0x7, v3;
	v4 =	vand.u32 $0xFFFFFFF0, v53  }
0x47: {  	v3 =	vor.u32 v3, v4  }
0x48: {  	v4 =	vperm.xlane v3, v0;
	_ =	sdelay $0x1  }
0x49: {  	v3 =	vperm.xlane v3, v2;
	v4 =	vadd.s32 v1, v4;
	_ =	sdelay $0x1  }
0x4a: {  	v3 =	vadd.s32 v1, v3;
	_ =	sdelay $0x1  }
0x4b: {  	s0 =	rddreg [dreg:$0xa]  }
0x4c: {  	[tilespmem:s0], [sflag:$0x1] =	stream.indirect_vreg.gather [hbm4b:s3+s2], $0x80, v4, vm0, $0xb8;
	[tilespmem:$0xE100] =	vst v63  }
0x4d: {  	s1 =	rddreg [dreg:$0xb]  }
0x4e: {  	[tilespmem:s1], [sflag:$0x1] =	stream.indirect_vreg.gather [hbm4b:s3+s2], $0x80, v3, vm0, $0xb8;
	[tilespmem:$0xE100] =	vst v63  }
0x4f: {  	v3 =	vld [tilespmem:$0x40];
	_ =	sdelay $0x4  }
0x50: {  	v54 =	vshll.u32 v3, $0x1  }
0x51: {  	v3 =	vand.u32 $0x7, v3;
	v4 =	vand.u32 $0xFFFFFFF0, v54  }
0x52: {  	v3 =	vor.u32 v3, v4  }
0x53: {  	v4 =	vperm.xlane v3, v0;
	_ =	sdelay $0x1  }
0x54: {  	v3 =	vperm.xlane v3, v2;
	v4 =	vadd.s32 v1, v4;
	_ =	sdelay $0x1  }
0x55: {  	v3 =	vadd.s32 v1, v3;
	_ =	sdelay $0x1  }
0x56: {  	s0 =	rddreg [dreg:$0xc]  }
0x57: {  	[tilespmem:s0], [sflag:$0x1] =	stream.indirect_vreg.gather [hbm4b:s3+s2], $0x80, v4, vm0, $0xb8;
	[tilespmem:$0xE100] =	vst v63  }
0x58: {  	s1 =	rddreg [dreg:$0xd]  }
0x59: {  	[tilespmem:s1], [sflag:$0x1] =	stream.indirect_vreg.gather [hbm4b:s3+s2], $0x80, v3, vm0, $0xb8;
	[tilespmem:$0xE100] =	vst v63  }
0x5a: {  	v3 =	vld [tilespmem:$0x50];
	_ =	sdelay $0x4  }
0x5b: {  	v55 =	vshll.u32 v3, $0x1  }
0x5c: {  	v3 =	vand.u32 $0x7, v3;
	v4 =	vand.u32 $0xFFFFFFF0, v55  }
0x5d: {  	v3 =	vor.u32 v3, v4  }
0x5e: {  	v4 =	vperm.xlane v3, v0;
	_ =	sdelay $0x1  }
0x5f: {  	v3 =	vperm.xlane v3, v2;
	v4 =	vadd.s32 v1, v4;
	_ =	sdelay $0x1  }
0x60: {  	v3 =	vadd.s32 v1, v3;
	_ =	sdelay $0x2  }
0x61: {  	[tilespmem:s8], [sflag:$0x1] =	stream.indirect_vreg.gather [hbm4b:s3+s2], $0x80, v4, vm0, $0xb8;
	[tilespmem:$0xE100] =	vst v63  }
0x62: {  	_ = 	snop  }
0x63: {  	[tilespmem:s9], [sflag:$0x1] =	stream.indirect_vreg.gather [hbm4b:s3+s2], $0x80, v3, vm0, $0xb8;
	[tilespmem:$0xE100] =	vst v63  }
0x64: {  	v3 =	vld [tilespmem:$0x60];
	_ =	sdelay $0x4  }
0x65: {  	v56 =	vshll.u32 v3, $0x1  }
0x66: {  	v3 =	vand.u32 $0x7, v3;
	v4 =	vand.u32 $0xFFFFFFF0, v56  }
0x67: {  	v3 =	vor.u32 v3, v4  }
0x68: {  	v4 =	vperm.xlane v3, v0;
	_ =	sdelay $0x1  }
0x69: {  	v3 =	vperm.xlane v3, v2;
	v4 =	vadd.s32 v1, v4;
	_ =	sdelay $0x1  }
0x6a: {  	v3 =	vadd.s32 v1, v3;
	_ =	sdelay $0x2  }
0x6b: {  	[tilespmem:s10], [sflag:$0x1] =	stream.indirect_vreg.gather [hbm4b:s3+s2], $0x80, v4, vm0, $0xb8;
	[tilespmem:$0xE100] =	vst v63  }
0x6c: {  	_ = 	snop  }
0x6d: {  	[tilespmem:s11], [sflag:$0x1] =	stream.indirect_vreg.gather [hbm4b:s3+s2], $0x80, v3, vm0, $0xb8;
	[tilespmem:$0xE100] =	vst v63  }
0x6e: {  	v3 =	vld [tilespmem:$0x80];
	_ =	sdelay $0x4  }
0x6f: {  	v57 =	vshll.u32 v3, $0x1  }
0x70: {  	v3 =	vand.u32 $0x7, v3;
	v4 =	vand.u32 $0xFFFFFFF0, v57  }
0x71: {  	v3 =	vor.u32 v3, v4  }
0x72: {  	v4 =	vperm.xlane v3, v0;
	_ =	sdelay $0x1  }
0x73: {  	v3 =	vperm.xlane v3, v2;
	v4 =	vadd.s32 v1, v4;
	_ =	sdelay $0x1  }
0x74: {  	v3 =	vadd.s32 v1, v3;
	_ =	sdelay $0x2  }
0x75: {  	[tilespmem:s12], [sflag:$0x2] =	stream.indirect_vreg.gather [hbm4b:s3+s2], $0x80, v4, vm0, $0xb8;
	[tilespmem:$0xE100] =	vst v63  }
0x76: {  	_ = 	snop  }
0x77: {  	[tilespmem:s13], [sflag:$0x2] =	stream.indirect_vreg.gather [hbm4b:s3+s2], $0x80, v3, vm0, $0xb8;
	[tilespmem:$0xE100] =	vst v63  }
0x78: {  	v3 =	vld [tilespmem:$0x90];
	_ =	sdelay $0x4  }
0x79: {  	v58 =	vshll.u32 v3, $0x1  }
0x7a: {  	v3 =	vand.u32 $0x7, v3;
	v4 =	vand.u32 $0xFFFFFFF0, v58  }
0x7b: {  	v3 =	vor.u32 v3, v4  }
0x7c: {  	v4 =	vperm.xlane v3, v0;
	_ =	sdelay $0x1  }
0x7d: {  	v3 =	vperm.xlane v3, v2;
	v4 =	vadd.s32 v1, v4;
	_ =	sdelay $0x1  }
0x7e: {  	v3 =	vadd.s32 v1, v3;
	_ =	sdelay $0x2  }
0x7f: {  	[tilespmem:s14], [sflag:$0x2] =	stream.indirect_vreg.gather [hbm4b:s3+s2], $0x80, v4, vm0, $0xb8;
	[tilespmem:$0xE100] =	vst v63  }
0x80: {  	_ = 	snop  }
0x81: {  	[tilespmem:s15], [sflag:$0x2] =	stream.indirect_vreg.gather [hbm4b:s3+s2], $0x80, v3, vm0, $0xb8;
	[tilespmem:$0xE100] =	vst v63  }
0x82: {  	v3 =	vld [tilespmem:$0xA0];
	_ =	sdelay $0x4  }
0x83: {  	v59 =	vshll.u32 v3, $0x1  }
0x84: {  	v3 =	vand.u32 $0x7, v3;
	v4 =	vand.u32 $0xFFFFFFF0, v59  }
0x85: {  	v3 =	vor.u32 v3, v4  }
0x86: {  	v4 =	vperm.xlane v3, v0;
	_ =	sdelay $0x1  }
0x87: {  	v3 =	vperm.xlane v3, v2;
	v4 =	vadd.s32 v1, v4;
	_ =	sdelay $0x1  }
0x88: {  	v3 =	vadd.s32 v1, v3;
	_ =	sdelay $0x2  }
0x89: {  	[tilespmem:s16], [sflag:$0x2] =	stream.indirect_vreg.gather [hbm4b:s3+s2], $0x80, v4, vm0, $0xb8;
	[tilespmem:$0xE100] =	vst v63  }
0x8a: {  	_ = 	snop  }
0x8b: {  	[tilespmem:s17], [sflag:$0x2] =	stream.indirect_vreg.gather [hbm4b:s3+s2], $0x80, v3, vm0, $0xb8;
	[tilespmem:$0xE100] =	vst v63  }
0x8c: {  	v3 =	vld [tilespmem:$0xB0];
	_ =	sdelay $0x4  }
0x8d: {  	v60 =	vshll.u32 v3, $0x1  }
0x8e: {  	v3 =	vand.u32 $0x7, v3;
	v4 =	vand.u32 $0xFFFFFFF0, v60  }
0x8f: {  	v3 =	vor.u32 v3, v4  }
0x90: {  	v4 =	vperm.xlane v3, v0;
	_ =	sdelay $0x1  }
0x91: {  	v3 =	vperm.xlane v3, v2;
	v4 =	vadd.s32 v1, v4;
	_ =	sdelay $0x1  }
0x92: {  	v3 =	vadd.s32 v1, v3;
	_ =	sdelay $0x2  }
0x93: {  	[tilespmem:s18], [sflag:$0x2] =	stream.indirect_vreg.gather [hbm4b:s3+s2], $0x80, v4, vm0, $0xb8;
	[tilespmem:$0xE100] =	vst v63  }
0x94: {  	_ = 	snop  }
0x95: {  	[tilespmem:s19], [sflag:$0x2] =	stream.indirect_vreg.gather [hbm4b:s3+s2], $0x80, v3, vm0, $0xb8;
	[tilespmem:$0xE100] =	vst v63  }
0x96: {  	v3 =	vld [tilespmem:$0xC0];
	_ =	sdelay $0x4  }
0x97: {  	v61 =	vshll.u32 v3, $0x1  }
0x98: {  	v3 =	vand.u32 $0x7, v3;
	v4 =	vand.u32 $0xFFFFFFF0, v61  }
0x99: {  	v3 =	vor.u32 v3, v4  }
0x9a: {  	v4 =	vperm.xlane v3, v0;
	_ =	sdelay $0x1  }
0x9b: {  	v3 =	vperm.xlane v3, v2;
	v4 =	vadd.s32 v1, v4;
	_ =	sdelay $0x1  }
0x9c: {  	v3 =	vadd.s32 v1, v3;
	_ =	sdelay $0x2  }
0x9d: {  	[tilespmem:s20], [sflag:$0x2] =	stream.indirect_vreg.gather [hbm4b:s3+s2], $0x80, v4, vm0, $0xb8;
	[tilespmem:$0xE100] =	vst v63  }
0x9e: {  	_ = 	snop  }
0x9f: {  	[tilespmem:s21], [sflag:$0x2] =	stream.indirect_vreg.gather [hbm4b:s3+s2], $0x80, v3, vm0, $0xb8;
	[tilespmem:$0xE100] =	vst v63  }
0xa0: {  	v3 =	vld [tilespmem:$0xD0];
	_ =	sdelay $0x4  }
0xa1: {  	v62 =	vshll.u32 v3, $0x1  }
0xa2: {  	v3 =	vand.u32 $0x7, v3;
	v4 =	vand.u32 $0xFFFFFFF0, v62  }
0xa3: {  	v3 =	vor.u32 v3, v4  }
0xa4: {  	v4 =	vperm.xlane v3, v0;
	_ =	sdelay $0x1  }
0xa5: {  	v3 =	vperm.xlane v3, v2;
	v4 =	vadd.s32 v1, v4;
	_ =	sdelay $0x1  }
0xa6: {  	v3 =	vadd.s32 v1, v3;
	_ =	sdelay $0x2  }
0xa7: {  	[tilespmem:s22], [sflag:$0x2] =	stream.indirect_vreg.gather [hbm4b:s3+s2], $0x80, v4, vm0, $0xb8;
	[tilespmem:$0xE100] =	vst v63  }
0xa8: {  	_ = 	snop  }
0xa9: {  	[tilespmem:s23], [sflag:$0x2] =	stream.indirect_vreg.gather [hbm4b:s3+s2], $0x80, v3, vm0, $0xb8;
	[tilespmem:$0xE100] =	vst v63  }
0xaa: {  	v3 =	vld [tilespmem:$0xE0];
	_ =	sdelay $0x4  }
0xab: {  	v63 =	vshll.u32 v3, $0x1  }
0xac: {  	v3 =	vand.u32 $0x7, v3;
	v4 =	vand.u32 $0xFFFFFFF0, v63  }
0xad: {  	v3 =	vor.u32 v3, v4  }
0xae: {  	v4 =	vperm.xlane v3, v0;
	_ =	sdelay $0x1  }
0xaf: {  	v3 =	vperm.xlane v3, v2;
	v4 =	vadd.s32 v1, v4;
	_ =	sdelay $0x1  }
0xb0: {  	v3 =	vadd.s32 v1, v3;
	_ =	sdelay $0x2  }
0xb1: {  	[tilespmem:s24], [sflag:$0x2] =	stream.indirect_vreg.gather [hbm4b:s3+s2], $0x80, v4, vm0, $0xb8;
	[tilespmem:$0xE100] =	vst v63  }
0xb2: {  	_ = 	snop  }
0xb3: {  	[tilespmem:s25], [sflag:$0x2] =	stream.indirect_vreg.gather [hbm4b:s3+s2], $0x80, v3, vm0, $0xb8;
	[tilespmem:$0xE100] =	vst v63  }
0xb4: {  	_ =	swait.ge [sflag:s26], $0x7000  }
0xb5: {  	[sflag:s26] =	ssyncset.done $0x0  }
0xb6: {  	s1 =	sadd.s32 $0xFFFFF200, s30;
	[sflag:s26] =	ssyncadd.s32 $0xFFFF9000  }
0xb7: {  	[hbm4b:s1+s2] =	stream.linear.scatter [tilespmem:s7], [sflag:$0x3], $0x7000, $0x38;
	[tilespmem:$0xE100] =	vst v63  }
0xb8: {  	_ =	swait.ge [sflag:s6], $0x7000  }
0xb9: {  	[sflag:s6] =	ssyncset.done $0x0  }
0xba: {  	[sflag:s6] =	ssyncadd.s32 $0xFFFF9000  }
0xbb: {  	_ =	swait.ge [sflag:s28], $0x7000  }
0xbc: {  	p0 =	sne.s32 s31, $0xA8;
	[sflag:s28] =	ssyncset.done $0x0  }
.Ltmp0:
0xbd: {  	[sflag:s28] =	ssyncadd.s32 $0xFFFF9000;
	(pc) =	sbr.rel @p0 .LBB2_2-.Ltmp0, $4  }
0xbe: {  	[hbm4b:s30+s2] =	stream.linear.scatter [tilespmem:s12], [sflag:$0x3], $0x7000, $0x38;
	[tilespmem:$0xE100] =	vst v63  }
0xbf: {  	_ =	swait.ge [sflag:s6], $0x7000  }
0xc0: {  	[sflag:s6] =	ssyncset.done $0x0  }
0xc1: {  	s31 =	sadd.s32 $0x1C, s31;
	s30 =	sadd.s32 $0x1C00, s30;
	[sflag:s6] =	ssyncadd.s32 $0xFFFF9000  }
0xc2: {  	s29 =	sadd.s32 $0x1, s29  }
0xc3: {  	p0 =	sne.s32 s29, s4  }
.Ltmp1:
0xc4: {  	_ = 	snop;
	(pc) =	sbr.rel @p0 .LBB2_1-.Ltmp1, $1  }
0xc5: {  	_ =	sdelay $0x3  }
0xc6: {  	_ =	sfence.sel $0x180000  }
0xc7: {  	[bflag:$0x0] =	sbarrier.arrive $0xFFFF  }
0xc8: {  	_ =	strace $0x9000004D  }
0xc9: {  	s0 =	stileid.u32;
	[bflag:$0x2] =	sbarrier.arrive $0xFFFF  }
0xca: {  	p0 =	sne.s32 s0, $0x0;
	s0 =	rddreg [dreg:$0x1]  }
0xcb: {  	s0 =	sadd.s32 @!p0 $0x100000, s0  }
0xcc: {  	[sflag:s0] =	ssyncadd.tile.s32 @!p0 $0x1;
	_ =	shalt  }
.Lfunc_end2:
_tile_overlayer_lowered:
.L_overlay_start_2:
0xcd: {  	(tag) =	ssettag $0x2  }
0xce: {  	s0 =	rddreg [dreg:$0x0];
	s2 =	stileid.u32  }
0xcf: {  	s1 =	rddreg [dreg:$0x1];
	p0 =	sne.s32 s2, $0x0  }
0xd0: {  	s3 =	rddreg [dreg:$0x2];
	[bflag:$0x3] =	sbarrier.arrive $0xFFFF;
	s2 =	simm.s32 @!p0 $0x1C03  }
0xd1: {  	[timem:s3], [sflag:s2] =	dma.local @!p0 [hbm:s0], s1  }
0xd2: {  	s0 =	simm.s32 @!p0 $0x3  }
0xd3: {  	_ =	swait.ge @!p0 [sflag:s0], s1  }
0xd4: {  	s1 =	ssub.s32 @!p0 $0x0, s1;
	[sflag:s0] =	ssyncset.done @!p0 $0x0  }
0xd5: {  	[sflag:s0] =	ssyncadd.s32 @!p0 s1  }
0xd6: {  	[bflag:$0x3] =	sbarrier.arrive $0xFFFF  }
0xd7: {  	_ =	shalt  }

</sc_bundles>
